<compile_context>
chip_gen: v7x
topology: tpu7x:2x2x1
jax: 0.10.2.dev20260603
libtpu: 0.0.44.dev20260713+nightly
codegen_flags: <defaults>
</compile_context>

<pallas_src>
import functools

import jax
import jax.numpy as jnp
from jax import lax
from jax.experimental import pallas as pl
from jax.experimental.pallas import tpu as pltpu
from jax.experimental.pallas import tpu_sc as plsc

N = 50000
E = 800000
H = 64
HH = 32
BLK = 1000
NC = 2
NS = 16
LANES = 128
EF_ROWS = 6656
EF = EF_ROWS * LANES
TROWS = EF_ROWS // NS
SUPER = 16
NSUPER = TROWS // SUPER
XT_ROWS = 6272
XTT = XT_ROWS // (NC * NS)
NPAD = 50048
NSLICE = NPAD // NS

_mesh = plsc.VectorSubcoreMesh(core_axis_name="c", subcore_axis_name="s")



def _relu(v):
    return jnp.maximum(v, 0.0)


def _edge_alpha_body(ea_ref, v_ref, o_ref, s_ref, m_ref):
    i = pl.program_id(0)
    a3 = ea_ref[...] @ v_ref[...]

    @pl.when(i == 0)
    def _():
        s_ref[...] = jnp.zeros_like(s_ref)
        m_ref[...] = jnp.full_like(m_ref, -1e30)

    o_ref[...] = a3
    s_ref[...] = s_ref[...] + jnp.sum(a3, axis=0, keepdims=True)
    m_ref[...] = jnp.maximum(m_ref[...], jnp.max(a3, axis=0, keepdims=True))


def _edge_alpha(ea, vw):
    grid = (E // BLK,)
    return pl.pallas_call(
        _edge_alpha_body,
        grid=grid,
        in_specs=[
            pl.BlockSpec((BLK, 2), lambda i: (i, 0)),
            pl.BlockSpec((2, 4), lambda i: (0, 0)),
        ],
        out_specs=[
            pl.BlockSpec((BLK, 4), lambda i: (i, 0)),
            pl.BlockSpec((1, 4), lambda i: (0, 0)),
            pl.BlockSpec((1, 4), lambda i: (0, 0)),
        ],
        out_shape=[
            jax.ShapeDtypeStruct((E, 4), jnp.float32),
            jax.ShapeDtypeStruct((1, 4), jnp.float32),
            jax.ShapeDtypeStruct((1, 4), jnp.float32),
        ],
    )(ea, vw)


def _proj_tail(h, as_ref, ad_ref, hl_ref, hr_ref, a_ref, d_ref, ms_ref, md_ref, i):
    hl_ref[...] = h[:, :HH]
    hr_ref[...] = h[:, HH:]
    als = h @ as_ref[...]
    ald = h @ ad_ref[...]
    a_ref[...] = als
    d_ref[...] = ald

    @pl.when(i == 0)
    def _():
        ms_ref[...] = jnp.full_like(ms_ref, -1e30)
        md_ref[...] = jnp.full_like(md_ref, -1e30)

    ms_ref[...] = jnp.maximum(ms_ref[...], jnp.max(als, axis=0, keepdims=True))
    md_ref[...] = jnp.maximum(md_ref[...], jnp.max(ald, axis=0, keepdims=True))


def _proj0_body(x_ref, w_ref, as_ref, ad_ref,
                hl_ref, hr_ref, a_ref, d_ref, ms_ref, md_ref):
    h = x_ref[...] @ w_ref[...]
    _proj_tail(h, as_ref, ad_ref, hl_ref, hr_ref, a_ref, d_ref, ms_ref, md_ref,
               pl.program_id(0))


def _proj_mid_body(al_ref, ar_ref, dn_ref, b_ref, w_ref, as_ref, ad_ref,
                   hl_ref, hr_ref, a_ref, d_ref, ms_ref, md_ref):
    invd = 1.0 / (dn_ref[...] + 1e-16)
    xl = _relu(al_ref[...] * invd + b_ref[:, :HH])
    xr = _relu(ar_ref[...] * invd + b_ref[:, HH:])
    h = xl @ w_ref[:HH, :] + xr @ w_ref[HH:, :]
    _proj_tail(h, as_ref, ad_ref, hl_ref, hr_ref, a_ref, d_ref, ms_ref, md_ref,
               pl.program_id(0))


def _proj_outs():
    return (
        [
            pl.BlockSpec((BLK, HH), lambda i: (i, 0)),
            pl.BlockSpec((BLK, HH), lambda i: (i, 0)),
            pl.BlockSpec((BLK, 1), lambda i: (i, 0)),
            pl.BlockSpec((BLK, 1), lambda i: (i, 0)),
            pl.BlockSpec((1, 1), lambda i: (0, 0)),
            pl.BlockSpec((1, 1), lambda i: (0, 0)),
        ],
        [
            jax.ShapeDtypeStruct((N, HH), jnp.float32),
            jax.ShapeDtypeStruct((N, HH), jnp.float32),
            jax.ShapeDtypeStruct((N, 1), jnp.float32),
            jax.ShapeDtypeStruct((N, 1), jnp.float32),
            jax.ShapeDtypeStruct((1, 1), jnp.float32),
            jax.ShapeDtypeStruct((1, 1), jnp.float32),
        ],
    )


def _proj0(x, w, a_s, a_d):
    grid = (N // BLK,)
    outs, shapes = _proj_outs()
    return pl.pallas_call(
        _proj0_body,
        grid=grid,
        in_specs=[
            pl.BlockSpec((BLK, 4), lambda i: (i, 0)),
            pl.BlockSpec((4, H), lambda i: (0, 0)),
            pl.BlockSpec((H, 1), lambda i: (0, 0)),
            pl.BlockSpec((H, 1), lambda i: (0, 0)),
        ],
        out_specs=outs,
        out_shape=shapes,
    )(x, w, a_s, a_d)


def _proj_mid(accl, accr, den, b, w, a_s, a_d):
    grid = (N // BLK,)
    outs, shapes = _proj_outs()
    return pl.pallas_call(
        _proj_mid_body,
        grid=grid,
        in_specs=[
            pl.BlockSpec((BLK, HH), lambda i: (i, 0)),
            pl.BlockSpec((BLK, HH), lambda i: (i, 0)),
            pl.BlockSpec((BLK, 1), lambda i: (i, 0)),
            pl.BlockSpec((1, H), lambda i: (0, 0)),
            pl.BlockSpec((H, H), lambda i: (0, 0)),
            pl.BlockSpec((H, 1), lambda i: (0, 0)),
            pl.BlockSpec((H, 1), lambda i: (0, 0)),
        ],
        out_specs=outs,
        out_shape=shapes,
    )(accl, accr, den, b, w, a_s, a_d)


def _final_body(al_ref, ar_ref, dn_ref, b_ref,
                iw1_ref, ib1_ref, iw2_ref, ib2_ref,
                tw1_ref, tb1_ref, tw2_ref, tb2_ref,
                cwp_ref, cwq_ref, cb1_ref,
                imp_ref, tm_ref, p_ref, q_ref):
    invd = 1.0 / (dn_ref[...] + 1e-16)
    hl = al_ref[...] * invd + b_ref[:, :HH]
    hr = ar_ref[...] * invd + b_ref[:, HH:]
    h = jnp.concatenate([hl, hr], axis=1)
    imp_ref[...] = _relu(h @ iw1_ref[...] + ib1_ref[...]) @ iw2_ref[...] + ib2_ref[...]
    tm_ref[...] = _relu(h @ tw1_ref[...] + tb1_ref[...]) @ tw2_ref[...] + tb2_ref[...]
    p_ref[...] = h @ cwp_ref[...] + cb1_ref[...]
    q_ref[...] = h @ cwq_ref[...]


def _final(accl, accr, den, b, iw1, ib1, iw2, ib2, tw1, tb1, tw2, tb2,
           cwp, cwq, cb1):
    grid = (N // BLK,)
    h2 = H // 2
    return pl.pallas_call(
        _final_body,
        grid=grid,
        in_specs=[
            pl.BlockSpec((BLK, HH), lambda i: (i, 0)),
            pl.BlockSpec((BLK, HH), lambda i: (i, 0)),
            pl.BlockSpec((BLK, 1), lambda i: (i, 0)),
            pl.BlockSpec((1, H), lambda i: (0, 0)),
            pl.BlockSpec((H, h2), lambda i: (0, 0)),
            pl.BlockSpec((1, h2), lambda i: (0, 0)),
            pl.BlockSpec((h2, 1), lambda i: (0, 0)),
            pl.BlockSpec((1, 1), lambda i: (0, 0)),
            pl.BlockSpec((H, h2), lambda i: (0, 0)),
            pl.BlockSpec((1, h2), lambda i: (0, 0)),
            pl.BlockSpec((h2, 1), lambda i: (0, 0)),
            pl.BlockSpec((1, 1), lambda i: (0, 0)),
            pl.BlockSpec((H, H), lambda i: (0, 0)),
            pl.BlockSpec((H, H), lambda i: (0, 0)),
            pl.BlockSpec((1, H), lambda i: (0, 0)),
        ],
        out_specs=[
            pl.BlockSpec((BLK, 1), lambda i: (i, 0)),
            pl.BlockSpec((BLK, 1), lambda i: (i, 0)),
            pl.BlockSpec((BLK, H), lambda i: (i, 0)),
            pl.BlockSpec((BLK, H), lambda i: (i, 0)),
        ],
        out_shape=[
            jax.ShapeDtypeStruct((N, 1), jnp.float32),
            jax.ShapeDtypeStruct((N, 1), jnp.float32),
            jax.ShapeDtypeStruct((N, H), jnp.float32),
            jax.ShapeDtypeStruct((N, H), jnp.float32),
        ],
    )(accl, accr, den, b, iw1, ib1, iw2, ib2, tw1, tb1, tw2, tb2, cwp, cwq, cb1)



def _edge_sc_body(as_h, ad_h, ae_h, src_h, dst_h, m_h, hl_h, hr_h, za_h, zd_h,
                  acc_o, den_o,
                  src2, dst2, ae2, av1, dv1, ex1, rowb, mv, acc_s, den_s):
    cid = lax.axis_index("c")
    sid = lax.axis_index("s")

    pltpu.sync_copy(m_h, mv)
    zsl = pl.ds(sid * NSLICE, NSLICE)
    pltpu.sync_copy(za_h, acc_s.at[zsl])

    @pl.when(sid == 0)
    def _():
        pltpu.sync_copy(zd_h, den_s)

    plsc.subcore_barrier()

    mvv = mv[...]
    base_row = sid * TROWS

    def superchunk(ci, carry):
        e0 = (base_row + ci * SUPER) * LANES
        pltpu.sync_copy(src_h.at[pl.ds(e0, SUPER * LANES)], src2)
        pltpu.sync_copy(dst_h.at[pl.ds(e0, SUPER * LANES)], dst2)
        pltpu.sync_copy(ae_h.at[pl.ds(e0, SUPER * LANES)], ae2)
        pltpu.sync_copy(as_h.at[src2], av1)
        pltpu.sync_copy(ad_h.at[dst2], dv1)

        def edge_row(k, c2):
            ksl = pl.ds(k * LANES, LANES)
            @pl.when(cid == 0)
            def _():
                pltpu.sync_copy(hl_h.at[src2.at[ksl]], rowb)

            @pl.when(cid == 1)
            def _():
                pltpu.sync_copy(hr_h.at[src2.at[ksl]], rowb)

            def grp(g, c3):
                sl = pl.ds(k * LANES + g * 16, 16)
                s = av1[sl] + dv1[sl] + ae2[sl]
                a = jnp.maximum(s, 0.2 * s)
                ex1[pl.ds(g * 16, 16)] = jnp.exp(a - mvv)
                return c3

            lax.fori_loop(0, LANES // 16, grp, 0)

            def scale(g, c3):
                lo = pl.ds(0, 16)
                hi = pl.ds(16, 16)
                for r in range(16):
                    j = g * 16 + r
                    sc = plsc.load_gather(ex1, [jnp.full((16,), j, jnp.int32)])
                    rowb[j, lo] = rowb[j, lo] * sc
                    rowb[j, hi] = rowb[j, hi] * sc
                return c3

            lax.fori_loop(0, LANES // 16, scale, 0)

            pltpu.sync_copy(rowb, acc_s.at[dst2.at[ksl]], add=True)

            @pl.when(cid == 0)
            def _():
                pltpu.sync_copy(ex1, den_s.at[dst2.at[ksl]], add=True)
            return c2

        lax.fori_loop(0, SUPER, edge_row, 0)
        return carry

    lax.fori_loop(0, NSUPER, superchunk, 0)
    plsc.subcore_barrier()

    @pl.when(cid == 0)
    def _():
        pltpu.sync_copy(acc_s.at[zsl], acc_o.at[0].at[zsl])

    @pl.when(cid == 1)
    def _():
        pltpu.sync_copy(acc_s.at[zsl], acc_o.at[1].at[zsl])

    @pl.when(jnp.logical_and(cid == 0, sid == 0))
    def _():
        pltpu.sync_copy(den_s, den_o)


_edge_sc = functools.partial(
    pl.kernel,
    _edge_sc_body,
    mesh=_mesh,
    compiler_params=pltpu.CompilerParams(
        needs_layout_passes=False, use_tc_tiling_on_sc=False),
    out_type=[
        jax.ShapeDtypeStruct((2, NPAD, HH), jnp.float32),
        jax.ShapeDtypeStruct((NPAD,), jnp.float32),
    ],
    scratch_types=[
        pltpu.VMEM((SUPER * LANES,), jnp.int32),
        pltpu.VMEM((SUPER * LANES,), jnp.int32),
        pltpu.VMEM((SUPER * LANES,), jnp.float32),
        pltpu.VMEM((SUPER * LANES,), jnp.float32),
        pltpu.VMEM((SUPER * LANES,), jnp.float32),
        pltpu.VMEM((LANES,), jnp.float32),
        pltpu.VMEM((LANES, HH), jnp.float32),
        pltpu.VMEM((16,), jnp.float32),
        pltpu.VMEM_SHARED((NPAD, HH), jnp.float32),
        pltpu.VMEM_SHARED((NPAD,), jnp.float32),
    ],
)


def _xt_sc_body(p_h, q_h, src_h, dst_h, w2_h, b2_h,
                ct_o, wexp, b2v, srcb, dstb, bufp, bufq, outb):
    cid = lax.axis_index("c")
    sid = lax.axis_index("s")
    wid = sid * NC + cid
    base = wid * XTT

    pltpu.sync_copy(w2_h, wexp)
    pltpu.sync_copy(b2_h, b2v)
    b2vec = b2v[...]

    def row(r, carry):
        rr = base + r
        pltpu.sync_copy(src_h.at[pl.ds(rr, 1), :], srcb)
        pltpu.sync_copy(dst_h.at[pl.ds(rr, 1), :], dstb)
        pltpu.sync_copy(p_h.at[srcb.at[0]], bufp)
        pltpu.sync_copy(q_h.at[dstb.at[0]], bufq)
        for g in range(LANES // 16):
            rows16 = lax.iota(jnp.int32, 16) + g * 16

            def fbody(f, acc):
                fi = jnp.full((16,), f, jnp.int32)
                pf = plsc.load_gather(bufp, [rows16, fi])
                qf = plsc.load_gather(bufq, [rows16, fi])
                t = jnp.maximum(pf + qf, 0.0)
                return acc + t * wexp[f, pl.ds(0, 16)]

            acc = lax.fori_loop(0, H, fbody, jnp.zeros((16,), jnp.float32))
            outb[pl.ds(g * 16, 16)] = acc + b2vec
        pltpu.sync_copy(outb, ct_o.at[rr])
        return carry

    lax.fori_loop(0, XTT, row, 0)


_xt_sc = functools.partial(
    pl.kernel,
    _xt_sc_body,
    mesh=_mesh,
    compiler_params=pltpu.CompilerParams(
        needs_layout_passes=False, use_tc_tiling_on_sc=False),
    out_type=jax.ShapeDtypeStruct((XT_ROWS, LANES), jnp.float32),
    scratch_types=[
        pltpu.VMEM((H, 16), jnp.float32),
        pltpu.VMEM((16,), jnp.float32),
        pltpu.VMEM((1, LANES), jnp.int32),
        pltpu.VMEM((1, LANES), jnp.int32),
        pltpu.VMEM((LANES, H), jnp.float32),
        pltpu.VMEM((LANES, H), jnp.float32),
        pltpu.VMEM((LANES,), jnp.float32),
    ],
)



def kernel(x, edge_index, edge_attr, W0, as0, ad0, We0, ae0, b0,
           W1, as1, ad1, We1, ae1, b1, W2, as2, ad2, We2, ae2, b2,
           imp_W1, imp_b1, imp_W2, imp_b2, ct_W1, ct_b1, ct_W2, ct_b2,
           tm_W1, tm_b1, tm_W2, tm_b2):
    src = edge_index[0].astype(jnp.int32)
    dst = edge_index[1].astype(jnp.int32)
    loop = jnp.arange(N, dtype=jnp.int32)
    padi = jnp.zeros((EF - E - N,), jnp.int32)
    srcf = jnp.concatenate([src, loop, padi])
    dstf = jnp.concatenate([dst, loop, padi])

    vw = jnp.stack([We0 @ ae0, We1 @ ae1, We2 @ ae2, jnp.zeros(2)], axis=1)
    ae3, s3, m3 = _edge_alpha(edge_attr, vw.astype(jnp.float32))
    cmean = s3[0] / float(E)

    za = jnp.zeros((NSLICE, HH), jnp.float32)
    zd = jnp.zeros((NPAD,), jnp.float32)
    neg = jnp.full((EF - E - N,), -1e30, jnp.float32)

    def run_layer(proj_out, lidx):
        hl, hr, a_s, a_d, ms, md = proj_out
        mshift = jnp.maximum(0.0, ms[0, 0] + md[0, 0] + m3[0, lidx])
        aef = jnp.concatenate(
            [ae3[:, lidx], jnp.full((N,), cmean[lidx], jnp.float32), neg]
        )
        m16 = jnp.broadcast_to(mshift, (16,)).astype(jnp.float32)
        acc, den = _edge_sc()(a_s.reshape(N), a_d.reshape(N), aef, srcf, dstf,
                              m16, hl, hr, za, zd)
        return acc[:, :N, :], den[:N].reshape(N, 1)

    acc, den = run_layer(_proj0(x, W0, as0.reshape(H, 1), ad0.reshape(H, 1)), 0)
    acc, den = run_layer(
        _proj_mid(acc[0], acc[1], den, b0.reshape(1, H), W1,
                  as1.reshape(H, 1), ad1.reshape(H, 1)), 1)
    acc, den = run_layer(
        _proj_mid(acc[0], acc[1], den, b1.reshape(1, H), W2,
                  as2.reshape(H, 1), ad2.reshape(H, 1)), 2)

    h2 = H // 2
    imp, tm, pp, qq = _final(
        acc[0], acc[1], den, b2.reshape(1, H),
        imp_W1, imp_b1.reshape(1, h2), imp_W2, imp_b2.reshape(1, 1),
        tm_W1, tm_b1.reshape(1, h2), tm_W2, tm_b2.reshape(1, 1),
        ct_W1[:H, :], ct_W1[H:, :], ct_b1.reshape(1, H))

    padx = jnp.zeros((XT_ROWS * LANES - E,), jnp.int32)
    srcx = jnp.concatenate([src, padx]).reshape(XT_ROWS, LANES)
    dstx = jnp.concatenate([dst, padx]).reshape(XT_ROWS, LANES)
    b2c = jnp.broadcast_to(ct_b2.reshape(()), (16,)).astype(jnp.float32)
    w2x = jnp.broadcast_to(ct_W2.reshape(H, 1), (H, 16)).astype(jnp.float32)
    ct = _xt_sc()(pp, qq, srcx, dstx, w2x, b2c)
    crosstalk = ct.reshape(-1)[:E]

    return (imp, crosstalk, tm)

# --- scband reference (transcript-rebuilt; emitter-appended) ---
"""Pipeline reference for scband-signal-integrity-gnn-15625091023316 (READ-ONLY COPY).

The authoritative reference and input builder live on the scoring server;
editing this copy changes nothing except your own understanding.
"""

import jax, jax.numpy as jnp
import numpy as np

N = 50000
E = 800000
ND = 4
ED = 2
H = 64


def _gat_conv(x, src, dst, edge_attr, W, a_s, a_d, We, a_e, b):
    n = x.shape[0]
    h = x @ W
    alpha_src = h @ a_s
    alpha_dst = h @ a_d
    loop = jnp.arange(n)
    src_f = jnp.concatenate([src, loop])
    dst_f = jnp.concatenate([dst, loop])
    ea_loop = jnp.broadcast_to(edge_attr.mean(axis=0), (n, edge_attr.shape[1]))
    ea_f = jnp.concatenate([edge_attr, ea_loop], axis=0)
    alpha_e = (ea_f @ We) @ a_e
    alpha = alpha_src[src_f] + alpha_dst[dst_f] + alpha_e
    alpha = jax.nn.leaky_relu(alpha, 0.2)
    amax = jax.ops.segment_max(alpha, dst_f, num_segments=n)
    ex = jnp.exp(alpha - amax[dst_f])
    denom = jax.ops.segment_sum(ex, dst_f, num_segments=n)
    coef = ex / (denom[dst_f] + 1e-16)
    out = jax.ops.segment_sum(h[src_f] * coef[:, None], dst_f, num_segments=n)
    return out + b


def setup_inputs(seed: int = 0):
    key = jax.random.key(seed)
    ks = jax.random.split(key, 64)
    inp = {}
    inp['x'] = jax.random.normal(ks[0], (N, ND), dtype=jnp.float32)
    inp['edge_index'] = jax.random.randint(ks[1], (2, E), 0, N)
    inp['edge_attr'] = jax.random.uniform(ks[2], (E, ED), dtype=jnp.float32)
    dims = [ND, H, H]
    j = 3
    for i in range(3):
        din = dims[i]
        inp['W%d' % i] = jax.random.normal(ks[j], (din, H), dtype=jnp.float32) / np.sqrt(din); j += 1
        inp['as%d' % i] = jax.random.normal(ks[j], (H,), dtype=jnp.float32) * 0.1; j += 1
        inp['ad%d' % i] = jax.random.normal(ks[j], (H,), dtype=jnp.float32) * 0.1; j += 1
        inp['We%d' % i] = jax.random.normal(ks[j], (ED, H), dtype=jnp.float32) / np.sqrt(ED); j += 1
        inp['ae%d' % i] = jax.random.normal(ks[j], (H,), dtype=jnp.float32) * 0.1; j += 1
        inp['b%d' % i] = jnp.zeros((H,), dtype=jnp.float32)
    H2 = H // 2
    inp['imp_W1'] = jax.random.normal(ks[j], (H, H2), dtype=jnp.float32) / np.sqrt(H); j += 1
    inp['imp_b1'] = jnp.zeros((H2,), dtype=jnp.float32)
    inp['imp_W2'] = jax.random.normal(ks[j], (H2, 1), dtype=jnp.float32) / np.sqrt(H2); j += 1
    inp['imp_b2'] = jnp.zeros((1,), dtype=jnp.float32)
    inp['ct_W1'] = jax.random.normal(ks[j], (2 * H, H), dtype=jnp.float32) / np.sqrt(2 * H); j += 1
    inp['ct_b1'] = jnp.zeros((H,), dtype=jnp.float32)
    inp['ct_W2'] = jax.random.normal(ks[j], (H, 1), dtype=jnp.float32) / np.sqrt(H); j += 1
    inp['ct_b2'] = jnp.zeros((1,), dtype=jnp.float32)
    inp['tm_W1'] = jax.random.normal(ks[j], (H, H2), dtype=jnp.float32) / np.sqrt(H); j += 1
    inp['tm_b1'] = jnp.zeros((H2,), dtype=jnp.float32)
    inp['tm_W2'] = jax.random.normal(ks[j], (H2, 1), dtype=jnp.float32) / np.sqrt(H2); j += 1
    inp['tm_b2'] = jnp.zeros((1,), dtype=jnp.float32)
    return inp


def reference(x, edge_index, edge_attr, W0, as0, ad0, We0, ae0, b0, W1, as1, ad1, We1, ae1, b1, W2, as2, ad2, We2, ae2, b2, imp_W1, imp_b1, imp_W2, imp_b2, ct_W1, ct_b1, ct_W2, ct_b2, tm_W1, tm_b1, tm_W2, tm_b2):
    src = edge_index[0]
    dst = edge_index[1]
    h = _gat_conv(x, src, dst, edge_attr, W0, as0, ad0, We0, ae0, b0)
    h = jax.nn.relu(h)
    h = _gat_conv(h, src, dst, edge_attr, W1, as1, ad1, We1, ae1, b1)
    h = jax.nn.relu(h)
    h = _gat_conv(h, src, dst, edge_attr, W2, as2, ad2, We2, ae2, b2)
    impedance = jax.nn.relu(h @ imp_W1 + imp_b1) @ imp_W2 + imp_b2
    pair = jnp.concatenate([h[src], h[dst]], axis=-1)
    crosstalk = (jax.nn.relu(pair @ ct_W1 + ct_b1) @ ct_W2 + ct_b2)[:, 0]
    timing = jax.nn.relu(h @ tm_W1 + tm_b1) @ tm_W2 + tm_b2
    return (impedance, crosstalk, timing)

if __name__ == "__main__":
    import jax
    _d = setup_inputs()
    print(jax.jit(kernel)(*tuple(_d.values())))

</pallas_src>

<mosaic_0001>
#map = affine_map<(d0, d1) -> (0)>
#map1 = affine_map<(d0, d1) -> (0, 0)>
#map2 = affine_map<(d0, d1) -> (0, 0, 0)>
module attributes {stable_mosaic.version = 14 : i64} {
  func.func @_edge_sc_body(%arg0: i32, %arg1: i32, %arg2: memref<50000xf32, #tpu.memory_space<hbm>>, %arg3: memref<50000xf32, #tpu.memory_space<hbm>>, %arg4: memref<851968xf32, #tpu.memory_space<hbm>>, %arg5: memref<851968xi32, #tpu.memory_space<hbm>>, %arg6: memref<851968xi32, #tpu.memory_space<hbm>>, %arg7: memref<16xf32, #tpu.memory_space<hbm>>, %arg8: memref<50000x32xf32, #tpu.memory_space<hbm>>, %arg9: memref<50000x32xf32, #tpu.memory_space<hbm>>, %arg10: memref<3128x32xf32, #tpu.memory_space<hbm>>, %arg11: memref<50048xf32, #tpu.memory_space<hbm>>, %arg12: memref<2x50048x32xf32, #tpu.memory_space<hbm>>, %arg13: memref<50048xf32, #tpu.memory_space<hbm>>, %arg14: memref<2048xi32, #tpu.memory_space<vmem>>, %arg15: memref<2048xi32, #tpu.memory_space<vmem>>, %arg16: memref<2048xf32, #tpu.memory_space<vmem>>, %arg17: memref<2048xf32, #tpu.memory_space<vmem>>, %arg18: memref<2048xf32, #tpu.memory_space<vmem>>, %arg19: memref<128xf32, #tpu.memory_space<vmem>>, %arg20: memref<128x32xf32, #tpu.memory_space<vmem>>, %arg21: memref<16xf32, #tpu.memory_space<vmem>>, %arg22: memref<50048x32xf32, #tpu.memory_space<vmem_shared>>, %arg23: memref<50048xf32, #tpu.memory_space<vmem_shared>>) attributes {dimension_semantics = [#tpu.dimension_semantics<core_parallel>, #tpu.dimension_semantics<subcore_parallel>], iteration_bounds = array<i64: 2, 16>, scalar_prefetch = 0 : i64, scratch_operands = 10 : i64, tpu.core_type = #tpu.core_type<sc_vector_subcore>, window_params = [{transform_indices = #map}, {transform_indices = #map}, {transform_indices = #map}, {transform_indices = #map}, {transform_indices = #map}, {transform_indices = #map}, {transform_indices = #map1}, {transform_indices = #map1}, {transform_indices = #map1}, {transform_indices = #map}, {transform_indices = #map2}, {transform_indices = #map}]} {
    "tpu.region"() ({
      %run_scoped3A = tpu.sem_alloc : memref<!tpu.dma_semaphore, #tpu.memory_space<semaphore_mem>>
      tpu.enqueue_dma source(%arg7 : memref<16xf32, #tpu.memory_space<hbm>>) target(%arg21 : memref<16xf32, #tpu.memory_space<vmem>>) target_semaphore(%run_scoped3A : memref<!tpu.dma_semaphore, #tpu.memory_space<semaphore_mem>>)
      tpu.wait_dma2 semaphore(%run_scoped3A : memref<!tpu.dma_semaphore, #tpu.memory_space<semaphore_mem>>) src(%arg7 : memref<16xf32, #tpu.memory_space<hbm>>) dst(%arg21 : memref<16xf32, #tpu.memory_space<vmem>>)
      tpu.yield
    }) : () -> ()
    %mul3A = arith.constant 3128 : i32
    %mul3A_0 = arith.muli %arg1, %mul3A : i32
    "tpu.region"() ({
      %run_scoped3A = tpu.sem_alloc : memref<!tpu.dma_semaphore, #tpu.memory_space<semaphore_mem>>
      %dma_start3A = arith.constant 0 : i32
      %dma_start3A_29 = tpu.memref_slice %arg22[%mul3A_0, %dma_start3A] : memref<50048x32xf32, #tpu.memory_space<vmem_shared>> -> memref<3128x32xf32, #tpu.memory_space<vmem_shared>>
      tpu.enqueue_dma source(%arg10 : memref<3128x32xf32, #tpu.memory_space<hbm>>) target(%dma_start3A_29 : memref<3128x32xf32, #tpu.memory_space<vmem_shared>>) target_semaphore(%run_scoped3A : memref<!tpu.dma_semaphore, #tpu.memory_space<semaphore_mem>>)
      %dma_wait3A = arith.constant 0 : i32
      %dma_wait3A_30 = tpu.memref_slice %arg22[%mul3A_0, %dma_wait3A] : memref<50048x32xf32, #tpu.memory_space<vmem_shared>> -> memref<3128x32xf32, #tpu.memory_space<vmem_shared>>
      tpu.wait_dma2 semaphore(%run_scoped3A : memref<!tpu.dma_semaphore, #tpu.memory_space<semaphore_mem>>) src(%arg10 : memref<3128x32xf32, #tpu.memory_space<hbm>>) dst(%dma_wait3A_30 : memref<3128x32xf32, #tpu.memory_space<vmem_shared>>)
      tpu.yield
    }) : () -> ()
    %eq3A = arith.constant 0 : i32
    %eq3A_1 = arith.cmpi eq, %arg1, %eq3A : i32
    %convert_element_type3A = arith.extui %eq3A_1 : i1 to i32
    %cond3A = arith.constant 0 : i32
    %cond3A_2 = arith.cmpi ne, %convert_element_type3A, %cond3A : i32
    scf.if %cond3A_2 {
      "tpu.region"() ({
        %run_scoped3A = tpu.sem_alloc : memref<!tpu.dma_semaphore, #tpu.memory_space<semaphore_mem>>
        tpu.enqueue_dma source(%arg11 : memref<50048xf32, #tpu.memory_space<hbm>>) target(%arg23 : memref<50048xf32, #tpu.memory_space<vmem_shared>>) target_semaphore(%run_scoped3A : memref<!tpu.dma_semaphore, #tpu.memory_space<semaphore_mem>>)
        tpu.wait_dma2 semaphore(%run_scoped3A : memref<!tpu.dma_semaphore, #tpu.memory_space<semaphore_mem>>) src(%arg11 : memref<50048xf32, #tpu.memory_space<hbm>>) dst(%arg23 : memref<50048xf32, #tpu.memory_space<vmem_shared>>)
        tpu.yield
      }) : () -> ()
    } else {
    }
    %barrier3A = arith.constant 0 : index
    tpu.barrier barrier_id(%barrier3A)
    %get3A = arith.constant 0 : index
    %get3A_3 = tpu.vector_load %arg21[%get3A] {strides = array<i32>} : memref<16xf32, #tpu.memory_space<vmem>>, vector<16xf32>,
    %mul3A_4 = arith.constant 416 : i32
    %mul3A_5 = arith.muli %arg1, %mul3A_4 : i32
    %scan3A = arith.constant 0 : i32
    %scan3A_6 = arith.constant 0 : i32
    %scan3A_7 = arith.constant 26 : i32
    %scan3A_8 = arith.addi %scan3A_6, %scan3A_7 : i32
    %scan3A_9 = arith.constant 1 : i32
    scf.for %scan3A_29 = %scan3A_6 to %scan3A_8 step %scan3A_9  : i32 {
      %mul3A_30 = arith.constant 16 : i32
      %mul3A_31 = arith.muli %scan3A_29, %mul3A_30 : i32
      %add3A = arith.addi %mul3A_5, %mul3A_31 : i32
      %mul3A_32 = arith.constant 128 : i32
      %mul3A_33 = arith.muli %add3A, %mul3A_32 : i32
      "tpu.region"() ({
        %run_scoped3A = tpu.sem_alloc : memref<!tpu.dma_semaphore, #tpu.memory_space<semaphore_mem>>
        %dma_start3A = tpu.memref_slice %arg5[%mul3A_33] : memref<851968xi32, #tpu.memory_space<hbm>> -> memref<2048xi32, #tpu.memory_space<hbm>>
        %dma_start3A_40 = tpu.memref_slice %arg5[%mul3A_33] : memref<851968xi32, #tpu.memory_space<hbm>> -> memref<2048xi32, #tpu.memory_space<hbm>>
        tpu.enqueue_dma source(%dma_start3A_40 : memref<2048xi32, #tpu.memory_space<hbm>>) target(%arg14 : memref<2048xi32, #tpu.memory_space<vmem>>) target_semaphore(%run_scoped3A : memref<!tpu.dma_semaphore, #tpu.memory_space<semaphore_mem>>)
        %dma_wait3A = tpu.memref_slice %arg5[%mul3A_33] : memref<851968xi32, #tpu.memory_space<hbm>> -> memref<2048xi32, #tpu.memory_space<hbm>>
        %dma_wait3A_41 = tpu.memref_slice %arg5[%mul3A_33] : memref<851968xi32, #tpu.memory_space<hbm>> -> memref<2048xi32, #tpu.memory_space<hbm>>
        tpu.wait_dma2 semaphore(%run_scoped3A : memref<!tpu.dma_semaphore, #tpu.memory_space<semaphore_mem>>) src(%dma_wait3A_41 : memref<2048xi32, #tpu.memory_space<hbm>>) dst(%arg14 : memref<2048xi32, #tpu.memory_space<vmem>>)
        tpu.yield
      }) : () -> ()
      "tpu.region"() ({
        %run_scoped3A = tpu.sem_alloc : memref<!tpu.dma_semaphore, #tpu.memory_space<semaphore_mem>>
        %dma_start3A = tpu.memref_slice %arg6[%mul3A_33] : memref<851968xi32, #tpu.memory_space<hbm>> -> memref<2048xi32, #tpu.memory_space<hbm>>
        %dma_start3A_40 = tpu.memref_slice %arg6[%mul3A_33] : memref<851968xi32, #tpu.memory_space<hbm>> -> memref<2048xi32, #tpu.memory_space<hbm>>
        tpu.enqueue_dma source(%dma_start3A_40 : memref<2048xi32, #tpu.memory_space<hbm>>) target(%arg15 : memref<2048xi32, #tpu.memory_space<vmem>>) target_semaphore(%run_scoped3A : memref<!tpu.dma_semaphore, #tpu.memory_space<semaphore_mem>>)
        %dma_wait3A = tpu.memref_slice %arg6[%mul3A_33] : memref<851968xi32, #tpu.memory_space<hbm>> -> memref<2048xi32, #tpu.memory_space<hbm>>
        %dma_wait3A_41 = tpu.memref_slice %arg6[%mul3A_33] : memref<851968xi32, #tpu.memory_space<hbm>> -> memref<2048xi32, #tpu.memory_space<hbm>>
        tpu.wait_dma2 semaphore(%run_scoped3A : memref<!tpu.dma_semaphore, #tpu.memory_space<semaphore_mem>>) src(%dma_wait3A_41 : memref<2048xi32, #tpu.memory_space<hbm>>) dst(%arg15 : memref<2048xi32, #tpu.memory_space<vmem>>)
        tpu.yield
      }) : () -> ()
      "tpu.region"() ({
        %run_scoped3A = tpu.sem_alloc : memref<!tpu.dma_semaphore, #tpu.memory_space<semaphore_mem>>
        %dma_start3A = tpu.memref_slice %arg4[%mul3A_33] : memref<851968xf32, #tpu.memory_space<hbm>> -> memref<2048xf32, #tpu.memory_space<hbm>>
        %dma_start3A_40 = tpu.memref_slice %arg4[%mul3A_33] : memref<851968xf32, #tpu.memory_space<hbm>> -> memref<2048xf32, #tpu.memory_space<hbm>>
        tpu.enqueue_dma source(%dma_start3A_40 : memref<2048xf32, #tpu.memory_space<hbm>>) target(%arg16 : memref<2048xf32, #tpu.memory_space<vmem>>) target_semaphore(%run_scoped3A : memref<!tpu.dma_semaphore, #tpu.memory_space<semaphore_mem>>)
        %dma_wait3A = tpu.memref_slice %arg4[%mul3A_33] : memref<851968xf32, #tpu.memory_space<hbm>> -> memref<2048xf32, #tpu.memory_space<hbm>>
        %dma_wait3A_41 = tpu.memref_slice %arg4[%mul3A_33] : memref<851968xf32, #tpu.memory_space<hbm>> -> memref<2048xf32, #tpu.memory_space<hbm>>
        tpu.wait_dma2 semaphore(%run_scoped3A : memref<!tpu.dma_semaphore, #tpu.memory_space<semaphore_mem>>) src(%dma_wait3A_41 : memref<2048xf32, #tpu.memory_space<hbm>>) dst(%arg16 : memref<2048xf32, #tpu.memory_space<vmem>>)
        tpu.yield
      }) : () -> ()
      "tpu.region"() ({
        %run_scoped3A = tpu.sem_alloc : memref<!tpu.dma_semaphore, #tpu.memory_space<semaphore_mem>>
        %dma_start3A = arith.constant 0 : i32
        %dma_start3A_40 = tpu.memref_slice %arg2[%dma_start3A] : memref<50000xf32, #tpu.memory_space<hbm>> -> memref<50000xf32, #tpu.memory_space<hbm>>
        tpu.enqueue_indirect_dma source(%dma_start3A_40 : memref<50000xf32, #tpu.memory_space<hbm>>) target(%arg17 : memref<2048xf32, #tpu.memory_space<vmem>>) offsets(%arg14 : memref<2048xi32, #tpu.memory_space<vmem>>) semaphore(%run_scoped3A : memref<!tpu.dma_semaphore, #tpu.memory_space<semaphore_mem>>)
        %dma_wait3A = arith.constant 0 : i32
        %dma_wait3A_41 = tpu.memref_slice %arg2[%dma_wait3A] : memref<50000xf32, #tpu.memory_space<hbm>> -> memref<50000xf32, #tpu.memory_space<hbm>>
        tpu.wait_indirect_dma semaphore(%run_scoped3A : memref<!tpu.dma_semaphore, #tpu.memory_space<semaphore_mem>>) src(%dma_wait3A_41 : memref<50000xf32, #tpu.memory_space<hbm>>) dst(%arg17 : memref<2048xf32, #tpu.memory_space<vmem>>)
        tpu.yield
      }) : () -> ()
      "tpu.region"() ({
        %run_scoped3A = tpu.sem_alloc : memref<!tpu.dma_semaphore, #tpu.memory_space<semaphore_mem>>
        %dma_start3A = arith.constant 0 : i32
        %dma_start3A_40 = tpu.memref_slice %arg3[%dma_start3A] : memref<50000xf32, #tpu.memory_space<hbm>> -> memref<50000xf32, #tpu.memory_space<hbm>>
        tpu.enqueue_indirect_dma source(%dma_start3A_40 : memref<50000xf32, #tpu.memory_space<hbm>>) target(%arg18 : memref<2048xf32, #tpu.memory_space<vmem>>) offsets(%arg15 : memref<2048xi32, #tpu.memory_space<vmem>>) semaphore(%run_scoped3A : memref<!tpu.dma_semaphore, #tpu.memory_space<semaphore_mem>>)
        %dma_wait3A = arith.constant 0 : i32
        %dma_wait3A_41 = tpu.memref_slice %arg3[%dma_wait3A] : memref<50000xf32, #tpu.memory_space<hbm>> -> memref<50000xf32, #tpu.memory_space<hbm>>
        tpu.wait_indirect_dma semaphore(%run_scoped3A : memref<!tpu.dma_semaphore, #tpu.memory_space<semaphore_mem>>) src(%dma_wait3A_41 : memref<50000xf32, #tpu.memory_space<hbm>>) dst(%arg18 : memref<2048xf32, #tpu.memory_space<vmem>>)
        tpu.yield
      }) : () -> ()
      %scan3A_34 = arith.constant 0 : i32
      %scan3A_35 = arith.constant 0 : i32
      %scan3A_36 = arith.constant 16 : i32
      %scan3A_37 = arith.addi %scan3A_35, %scan3A_36 : i32
      %scan3A_38 = arith.constant 1 : i32
      scf.for %scan3A_40 = %scan3A_35 to %scan3A_37 step %scan3A_38  : i32 {
        %mul3A_41 = arith.constant 128 : i32
        %mul3A_42 = arith.muli %scan3A_40, %mul3A_41 : i32
        %eq3A_43 = arith.constant 0 : i32
        %eq3A_44 = arith.cmpi eq, %arg0, %eq3A_43 : i32
        %convert_element_type3A_45 = arith.extui %eq3A_44 : i1 to i32
        %cond3A_46 = arith.constant 0 : i32
        %cond3A_47 = arith.cmpi ne, %convert_element_type3A_45, %cond3A_46 : i32
        scf.if %cond3A_47 {
          "tpu.region"() ({
            %run_scoped3A = tpu.sem_alloc : memref<!tpu.dma_semaphore, #tpu.memory_space<semaphore_mem>>
            %dma_start3A = tpu.memref_slice %arg14[%mul3A_42] : memref<2048xi32, #tpu.memory_space<vmem>> -> memref<128xi32, #tpu.memory_space<vmem>>
            %dma_start3A_70 = arith.constant 0 : i32
            %dma_start3A_71 = arith.constant 0 : i32
            %dma_start3A_72 = tpu.memref_slice %arg8[%dma_start3A_70, %dma_start3A_71] : memref<50000x32xf32, #tpu.memory_space<hbm>> -> memref<50000x32xf32, #tpu.memory_space<hbm>>
            tpu.enqueue_indirect_dma source(%dma_start3A_72 : memref<50000x32xf32, #tpu.memory_space<hbm>>) target(%arg20 : memref<128x32xf32, #tpu.memory_space<vmem>>) offsets(%dma_start3A : memref<128xi32, #tpu.memory_space<vmem>>) semaphore(%run_scoped3A : memref<!tpu.dma_semaphore, #tpu.memory_space<semaphore_mem>>)
            %dma_wait3A = tpu.memref_slice %arg14[%mul3A_42] : memref<2048xi32, #tpu.memory_space<vmem>> -> memref<128xi32, #tpu.memory_space<vmem>>
            %dma_wait3A_73 = arith.constant 0 : i32
            %dma_wait3A_74 = arith.constant 0 : i32
            %dma_wait3A_75 = tpu.memref_slice %arg8[%dma_wait3A_73, %dma_wait3A_74] : memref<50000x32xf32, #tpu.memory_space<hbm>> -> memref<50000x32xf32, #tpu.memory_space<hbm>>
            tpu.wait_indirect_dma semaphore(%run_scoped3A : memref<!tpu.dma_semaphore, #tpu.memory_space<semaphore_mem>>) src(%dma_wait3A_75 : memref<50000x32xf32, #tpu.memory_space<hbm>>) dst(%arg20 : memref<128x32xf32, #tpu.memory_space<vmem>>)
            tpu.yield
          }) : () -> ()
        } else {
        }
        %eq3A_48 = arith.constant 1 : i32
        %eq3A_49 = arith.cmpi eq, %arg0, %eq3A_48 : i32
        %convert_element_type3A_50 = arith.extui %eq3A_49 : i1 to i32
        %cond3A_51 = arith.constant 0 : i32
        %cond3A_52 = arith.cmpi ne, %convert_element_type3A_50, %cond3A_51 : i32
        scf.if %cond3A_52 {
          "tpu.region"() ({
            %run_scoped3A = tpu.sem_alloc : memref<!tpu.dma_semaphore, #tpu.memory_space<semaphore_mem>>
            %dma_start3A = tpu.memref_slice %arg14[%mul3A_42] : memref<2048xi32, #tpu.memory_space<vmem>> -> memref<128xi32, #tpu.memory_space<vmem>>
            %dma_start3A_70 = arith.constant 0 : i32
            %dma_start3A_71 = arith.constant 0 : i32
            %dma_start3A_72 = tpu.memref_slice %arg9[%dma_start3A_70, %dma_start3A_71] : memref<50000x32xf32, #tpu.memory_space<hbm>> -> memref<50000x32xf32, #tpu.memory_space<hbm>>
            tpu.enqueue_indirect_dma source(%dma_start3A_72 : memref<50000x32xf32, #tpu.memory_space<hbm>>) target(%arg20 : memref<128x32xf32, #tpu.memory_space<vmem>>) offsets(%dma_start3A : memref<128xi32, #tpu.memory_space<vmem>>) semaphore(%run_scoped3A : memref<!tpu.dma_semaphore, #tpu.memory_space<semaphore_mem>>)
            %dma_wait3A = tpu.memref_slice %arg14[%mul3A_42] : memref<2048xi32, #tpu.memory_space<vmem>> -> memref<128xi32, #tpu.memory_space<vmem>>
            %dma_wait3A_73 = arith.constant 0 : i32
            %dma_wait3A_74 = arith.constant 0 : i32
            %dma_wait3A_75 = tpu.memref_slice %arg9[%dma_wait3A_73, %dma_wait3A_74] : memref<50000x32xf32, #tpu.memory_space<hbm>> -> memref<50000x32xf32, #tpu.memory_space<hbm>>
            tpu.wait_indirect_dma semaphore(%run_scoped3A : memref<!tpu.dma_semaphore, #tpu.memory_space<semaphore_mem>>) src(%dma_wait3A_75 : memref<50000x32xf32, #tpu.memory_space<hbm>>) dst(%arg20 : memref<128x32xf32, #tpu.memory_space<vmem>>)
            tpu.yield
          }) : () -> ()
        } else {
        }
        %scan3A_53 = arith.constant 0 : i32
        %scan3A_54 = arith.constant 0 : i32
        %scan3A_55 = arith.constant 8 : i32
        %scan3A_56 = arith.addi %scan3A_54, %scan3A_55 : i32
        %scan3A_57 = arith.constant 1 : i32
        scf.for %scan3A_70 = %scan3A_54 to %scan3A_56 step %scan3A_57  : i32 {
          %mul3A_71 = arith.constant 128 : i32
          %mul3A_72 = arith.muli %scan3A_40, %mul3A_71 : i32
          %mul3A_73 = arith.constant 16 : i32
          %mul3A_74 = arith.muli %scan3A_70, %mul3A_73 : i32
          %add3A_75 = arith.addi %mul3A_72, %mul3A_74 : i32
          %get3A_76 = arith.index_cast %add3A_75 : i32 to index
          %get3A_77 = tpu.vector_load %arg17[%get3A_76] {strides = array<i32>} : memref<2048xf32, #tpu.memory_space<vmem>>, vector<16xf32>,
          %get3A_78 = arith.index_cast %add3A_75 : i32 to index
          %get3A_79 = tpu.vector_load %arg18[%get3A_78] {strides = array<i32>} : memref<2048xf32, #tpu.memory_space<vmem>>, vector<16xf32>,
          %add3A_80 = arith.addf %get3A_77, %get3A_79 : vector<16xf32>
          %get3A_81 = arith.index_cast %add3A_75 : i32 to index
          %get3A_82 = tpu.vector_load %arg16[%get3A_81] {strides = array<i32>} : memref<2048xf32, #tpu.memory_space<vmem>>, vector<16xf32>,
          %add3A_83 = arith.addf %add3A_80, %get3A_82 : vector<16xf32>
          %mul3A_84 = arith.constant 2.000000e-01 : f32
          %mul3A_85 = vector.broadcast %mul3A_84 : f32 to vector<16xf32>
          %mul3A_86 = arith.mulf %mul3A_85, %add3A_83 : vector<16xf32>
          %max3A = arith.maximumf %add3A_83, %mul3A_86 : vector<16xf32>
          %sub3A = arith.subf %max3A, %get3A_3 : vector<16xf32>
          %exp3A = math.exp %sub3A : vector<16xf32>
          %mul3A_87 = arith.constant 16 : i32
          %mul3A_88 = arith.muli %scan3A_70, %mul3A_87 : i32
          %swap3A = arith.index_cast %mul3A_88 : i32 to index
          %swap3A_89 = tpu.vector_load %arg19[%swap3A] {strides = array<i32>} : memref<128xf32, #tpu.memory_space<vmem>>, vector<16xf32>,
          tpu.vector_store %arg19[%swap3A], %exp3A {strides = array<i32>} : memref<128xf32, #tpu.memory_space<vmem>>, vector<16xf32>,
        }
        %scan3A_58 = arith.constant 8 : i32
        %scan3A_59 = arith.constant 0 : i32
        %scan3A_60 = arith.constant 0 : i32
        %scan3A_61 = arith.constant 8 : i32
        %scan3A_62 = arith.addi %scan3A_60, %scan3A_61 : i32
        %scan3A_63 = arith.constant 1 : i32
        scf.for %scan3A_70 = %scan3A_60 to %scan3A_62 step %scan3A_63  : i32 {
          %mul3A_71 = arith.constant 16 : i32
          %mul3A_72 = arith.muli %scan3A_70, %mul3A_71 : i32
          %add3A_73 = arith.constant 0 : i32
          %add3A_74 = arith.addi %mul3A_72, %add3A_73 : i32
          %broadcast_in_dim3A = vector.broadcast %add3A_74 : i32 to vector<16xi32>
          %gather3A = tpu.vector_load_idx %arg19[%broadcast_in_dim3A] : memref<128xf32, #tpu.memory_space<vmem>>[vector<16xi32>], vector<16xf32>,
          %get3A_75 = arith.index_cast %add3A_74 : i32 to index
          %get3A_76 = arith.constant 0 : index
          %get3A_77 = tpu.vector_load %arg20[%get3A_75, %get3A_76] {strides = array<i32>} : memref<128x32xf32, #tpu.memory_space<vmem>>, vector<16xf32>,
          %mul3A_78 = arith.mulf %get3A_77, %gather3A : vector<16xf32>
          %swap3A = arith.index_cast %add3A_74 : i32 to index
          %swap3A_79 = arith.constant 0 : index
          %swap3A_80 = tpu.vector_load %arg20[%swap3A, %swap3A_79] {strides = array<i32>} : memref<128x32xf32, #tpu.memory_space<vmem>>, vector<16xf32>,
          tpu.vector_store %arg20[%swap3A, %swap3A_79], %mul3A_78 {strides = array<i32>} : memref<128x32xf32, #tpu.memory_space<vmem>>, vector<16xf32>,
          %get3A_81 = arith.index_cast %add3A_74 : i32 to index
          %get3A_82 = arith.constant 16 : index
          %get3A_83 = tpu.vector_load %arg20[%get3A_81, %get3A_82] {strides = array<i32>} : memref<128x32xf32, #tpu.memory_space<vmem>>, vector<16xf32>,
          %mul3A_84 = arith.mulf %get3A_83, %gather3A : vector<16xf32>
          %swap3A_85 = arith.index_cast %add3A_74 : i32 to index
          %swap3A_86 = arith.constant 16 : index
          %swap3A_87 = tpu.vector_load %arg20[%swap3A_85, %swap3A_86] {strides = array<i32>} : memref<128x32xf32, #tpu.memory_space<vmem>>, vector<16xf32>,
          tpu.vector_store %arg20[%swap3A_85, %swap3A_86], %mul3A_84 {strides = array<i32>} : memref<128x32xf32, #tpu.memory_space<vmem>>, vector<16xf32>,
          %mul3A_88 = arith.constant 16 : i32
          %mul3A_89 = arith.muli %scan3A_70, %mul3A_88 : i32
          %add3A_90 = arith.constant 1 : i32
          %add3A_91 = arith.addi %mul3A_89, %add3A_90 : i32
          %broadcast_in_dim3A_92 = vector.broadcast %add3A_91 : i32 to vector<16xi32>
          %gather3A_93 = tpu.vector_load_idx %arg19[%broadcast_in_dim3A_92] : memref<128xf32, #tpu.memory_space<vmem>>[vector<16xi32>], vector<16xf32>,
          %get3A_94 = arith.index_cast %add3A_91 : i32 to index
          %get3A_95 = arith.constant 0 : index
          %get3A_96 = tpu.vector_load %arg20[%get3A_94, %get3A_95] {strides = array<i32>} : memref<128x32xf32, #tpu.memory_space<vmem>>, vector<16xf32>,
          %mul3A_97 = arith.mulf %get3A_96, %gather3A_93 : vector<16xf32>
          %swap3A_98 = arith.index_cast %add3A_91 : i32 to index
          %swap3A_99 = arith.constant 0 : index
          %swap3A_100 = tpu.vector_load %arg20[%swap3A_98, %swap3A_99] {strides = array<i32>} : memref<128x32xf32, #tpu.memory_space<vmem>>, vector<16xf32>,
          tpu.vector_store %arg20[%swap3A_98, %swap3A_99], %mul3A_97 {strides = array<i32>} : memref<128x32xf32, #tpu.memory_space<vmem>>, vector<16xf32>,
          %get3A_101 = arith.index_cast %add3A_91 : i32 to index
          %get3A_102 = arith.constant 16 : index
          %get3A_103 = tpu.vector_load %arg20[%get3A_101, %get3A_102] {strides = array<i32>} : memref<128x32xf32, #tpu.memory_space<vmem>>, vector<16xf32>,
          %mul3A_104 = arith.mulf %get3A_103, %gather3A_93 : vector<16xf32>
          %swap3A_105 = arith.index_cast %add3A_91 : i32 to index
          %swap3A_106 = arith.constant 16 : index
          %swap3A_107 = tpu.vector_load %arg20[%swap3A_105, %swap3A_106] {strides = array<i32>} : memref<128x32xf32, #tpu.memory_space<vmem>>, vector<16xf32>,
          tpu.vector_store %arg20[%swap3A_105, %swap3A_106], %mul3A_104 {strides = array<i32>} : memref<128x32xf32, #tpu.memory_space<vmem>>, vector<16xf32>,
          %mul3A_108 = arith.constant 16 : i32
          %mul3A_109 = arith.muli %scan3A_70, %mul3A_108 : i32
          %add3A_110 = arith.constant 2 : i32
          %add3A_111 = arith.addi %mul3A_109, %add3A_110 : i32
          %broadcast_in_dim3A_112 = vector.broadcast %add3A_111 : i32 to vector<16xi32>
          %gather3A_113 = tpu.vector_load_idx %arg19[%broadcast_in_dim3A_112] : memref<128xf32, #tpu.memory_space<vmem>>[vector<16xi32>], vector<16xf32>,
          %get3A_114 = arith.index_cast %add3A_111 : i32 to index
          %get3A_115 = arith.constant 0 : index
          %get3A_116 = tpu.vector_load %arg20[%get3A_114, %get3A_115] {strides = array<i32>} : memref<128x32xf32, #tpu.memory_space<vmem>>, vector<16xf32>,
          %mul3A_117 = arith.mulf %get3A_116, %gather3A_113 : vector<16xf32>
          %swap3A_118 = arith.index_cast %add3A_111 : i32 to index
          %swap3A_119 = arith.constant 0 : index
          %swap3A_120 = tpu.vector_load %arg20[%swap3A_118, %swap3A_119] {strides = array<i32>} : memref<128x32xf32, #tpu.memory_space<vmem>>, vector<16xf32>,
          tpu.vector_store %arg20[%swap3A_118, %swap3A_119], %mul3A_117 {strides = array<i32>} : memref<128x32xf32, #tpu.memory_space<vmem>>, vector<16xf32>,
          %get3A_121 = arith.index_cast %add3A_111 : i32 to index
          %get3A_122 = arith.constant 16 : index
          %get3A_123 = tpu.vector_load %arg20[%get3A_121, %get3A_122] {strides = array<i32>} : memref<128x32xf32, #tpu.memory_space<vmem>>, vector<16xf32>,
          %mul3A_124 = arith.mulf %get3A_123, %gather3A_113 : vector<16xf32>
          %swap3A_125 = arith.index_cast %add3A_111 : i32 to index
          %swap3A_126 = arith.constant 16 : index
          %swap3A_127 = tpu.vector_load %arg20[%swap3A_125, %swap3A_126] {strides = array<i32>} : memref<128x32xf32, #tpu.memory_space<vmem>>, vector<16xf32>,
          tpu.vector_store %arg20[%swap3A_125, %swap3A_126], %mul3A_124 {strides = array<i32>} : memref<128x32xf32, #tpu.memory_space<vmem>>, vector<16xf32>,
          %mul3A_128 = arith.constant 16 : i32
          %mul3A_129 = arith.muli %scan3A_70, %mul3A_128 : i32
          %add3A_130 = arith.constant 3 : i32
          %add3A_131 = arith.addi %mul3A_129, %add3A_130 : i32
          %broadcast_in_dim3A_132 = vector.broadcast %add3A_131 : i32 to vector<16xi32>
          %gather3A_133 = tpu.vector_load_idx %arg19[%broadcast_in_dim3A_132] : memref<128xf32, #tpu.memory_space<vmem>>[vector<16xi32>], vector<16xf32>,
          %get3A_134 = arith.index_cast %add3A_131 : i32 to index
          %get3A_135 = arith.constant 0 : index
          %get3A_136 = tpu.vector_load %arg20[%get3A_134, %get3A_135] {strides = array<i32>} : memref<128x32xf32, #tpu.memory_space<vmem>>, vector<16xf32>,
          %mul3A_137 = arith.mulf %get3A_136, %gather3A_133 : vector<16xf32>
          %swap3A_138 = arith.index_cast %add3A_131 : i32 to index
          %swap3A_139 = arith.constant 0 : index
          %swap3A_140 = tpu.vector_load %arg20[%swap3A_138, %swap3A_139] {strides = array<i32>} : memref<128x32xf32, #tpu.memory_space<vmem>>, vector<16xf32>,
          tpu.vector_store %arg20[%swap3A_138, %swap3A_139], %mul3A_137 {strides = array<i32>} : memref<128x32xf32, #tpu.memory_space<vmem>>, vector<16xf32>,
          %get3A_141 = arith.index_cast %add3A_131 : i32 to index
          %get3A_142 = arith.constant 16 : index
          %get3A_143 = tpu.vector_load %arg20[%get3A_141, %get3A_142] {strides = array<i32>} : memref<128x32xf32, #tpu.memory_space<vmem>>, vector<16xf32>,
          %mul3A_144 = arith.mulf %get3A_143, %gather3A_133 : vector<16xf32>
          %swap3A_145 = arith.index_cast %add3A_131 : i32 to index
          %swap3A_146 = arith.constant 16 : index
          %swap3A_147 = tpu.vector_load %arg20[%swap3A_145, %swap3A_146] {strides = array<i32>} : memref<128x32xf32, #tpu.memory_space<vmem>>, vector<16xf32>,
          tpu.vector_store %arg20[%swap3A_145, %swap3A_146], %mul3A_144 {strides = array<i32>} : memref<128x32xf32, #tpu.memory_space<vmem>>, vector<16xf32>,
          %mul3A_148 = arith.constant 16 : i32
          %mul3A_149 = arith.muli %scan3A_70, %mul3A_148 : i32
          %add3A_150 = arith.constant 4 : i32
          %add3A_151 = arith.addi %mul3A_149, %add3A_150 : i32
          %broadcast_in_dim3A_152 = vector.broadcast %add3A_151 : i32 to vector<16xi32>
          %gather3A_153 = tpu.vector_load_idx %arg19[%broadcast_in_dim3A_152] : memref<128xf32, #tpu.memory_space<vmem>>[vector<16xi32>], vector<16xf32>,
          %get3A_154 = arith.index_cast %add3A_151 : i32 to index
          %get3A_155 = arith.constant 0 : index
          %get3A_156 = tpu.vector_load %arg20[%get3A_154, %get3A_155] {strides = array<i32>} : memref<128x32xf32, #tpu.memory_space<vmem>>, vector<16xf32>,
          %mul3A_157 = arith.mulf %get3A_156, %gather3A_153 : vector<16xf32>
          %swap3A_158 = arith.index_cast %add3A_151 : i32 to index
          %swap3A_159 = arith.constant 0 : index
          %swap3A_160 = tpu.vector_load %arg20[%swap3A_158, %swap3A_159] {strides = array<i32>} : memref<128x32xf32, #tpu.memory_space<vmem>>, vector<16xf32>,
          tpu.vector_store %arg20[%swap3A_158, %swap3A_159], %mul3A_157 {strides = array<i32>} : memref<128x32xf32, #tpu.memory_space<vmem>>, vector<16xf32>,
          %get3A_161 = arith.index_cast %add3A_151 : i32 to index
          %get3A_162 = arith.constant 16 : index
          %get3A_163 = tpu.vector_load %arg20[%get3A_161, %get3A_162] {strides = array<i32>} : memref<128x32xf32, #tpu.memory_space<vmem>>, vector<16xf32>,
          %mul3A_164 = arith.mulf %get3A_163, %gather3A_153 : vector<16xf32>
          %swap3A_165 = arith.index_cast %add3A_151 : i32 to index
          %swap3A_166 = arith.constant 16 : index
          %swap3A_167 = tpu.vector_load %arg20[%swap3A_165, %swap3A_166] {strides = array<i32>} : memref<128x32xf32, #tpu.memory_space<vmem>>, vector<16xf32>,
          tpu.vector_store %arg20[%swap3A_165, %swap3A_166], %mul3A_164 {strides = array<i32>} : memref<128x32xf32, #tpu.memory_space<vmem>>, vector<16xf32>,
          %mul3A_168 = arith.constant 16 : i32
          %mul3A_169 = arith.muli %scan3A_70, %mul3A_168 : i32
          %add3A_170 = arith.constant 5 : i32
          %add3A_171 = arith.addi %mul3A_169, %add3A_170 : i32
          %broadcast_in_dim3A_172 = vector.broadcast %add3A_171 : i32 to vector<16xi32>
          %gather3A_173 = tpu.vector_load_idx %arg19[%broadcast_in_dim3A_172] : memref<128xf32, #tpu.memory_space<vmem>>[vector<16xi32>], vector<16xf32>,
          %get3A_174 = arith.index_cast %add3A_171 : i32 to index
          %get3A_175 = arith.constant 0 : index
          %get3A_176 = tpu.vector_load %arg20[%get3A_174, %get3A_175] {strides = array<i32>} : memref<128x32xf32, #tpu.memory_space<vmem>>, vector<16xf32>,
          %mul3A_177 = arith.mulf %get3A_176, %gather3A_173 : vector<16xf32>
          %swap3A_178 = arith.index_cast %add3A_171 : i32 to index
          %swap3A_179 = arith.constant 0 : index
          %swap3A_180 = tpu.vector_load %arg20[%swap3A_178, %swap3A_179] {strides = array<i32>} : memref<128x32xf32, #tpu.memory_space<vmem>>, vector<16xf32>,
          tpu.vector_store %arg20[%swap3A_178, %swap3A_179], %mul3A_177 {strides = array<i32>} : memref<128x32xf32, #tpu.memory_space<vmem>>, vector<16xf32>,
          %get3A_181 = arith.index_cast %add3A_171 : i32 to index
          %get3A_182 = arith.constant 16 : index
          %get3A_183 = tpu.vector_load %arg20[%get3A_181, %get3A_182] {strides = array<i32>} : memref<128x32xf32, #tpu.memory_space<vmem>>, vector<16xf32>,
          %mul3A_184 = arith.mulf %get3A_183, %gather3A_173 : vector<16xf32>
          %swap3A_185 = arith.index_cast %add3A_171 : i32 to index
          %swap3A_186 = arith.constant 16 : index
          %swap3A_187 = tpu.vector_load %arg20[%swap3A_185, %swap3A_186] {strides = array<i32>} : memref<128x32xf32, #tpu.memory_space<vmem>>, vector<16xf32>,
          tpu.vector_store %arg20[%swap3A_185, %swap3A_186], %mul3A_184 {strides = array<i32>} : memref<128x32xf32, #tpu.memory_space<vmem>>, vector<16xf32>,
          %mul3A_188 = arith.constant 16 : i32
          %mul3A_189 = arith.muli %scan3A_70, %mul3A_188 : i32
          %add3A_190 = arith.constant 6 : i32
          %add3A_191 = arith.addi %mul3A_189, %add3A_190 : i32
          %broadcast_in_dim3A_192 = vector.broadcast %add3A_191 : i32 to vector<16xi32>
          %gather3A_193 = tpu.vector_load_idx %arg19[%broadcast_in_dim3A_192] : memref<128xf32, #tpu.memory_space<vmem>>[vector<16xi32>], vector<16xf32>,
          %get3A_194 = arith.index_cast %add3A_191 : i32 to index
          %get3A_195 = arith.constant 0 : index
          %get3A_196 = tpu.vector_load %arg20[%get3A_194, %get3A_195] {strides = array<i32>} : memref<128x32xf32, #tpu.memory_space<vmem>>, vector<16xf32>,
          %mul3A_197 = arith.mulf %get3A_196, %gather3A_193 : vector<16xf32>
          %swap3A_198 = arith.index_cast %add3A_191 : i32 to index
          %swap3A_199 = arith.constant 0 : index
          %swap3A_200 = tpu.vector_load %arg20[%swap3A_198, %swap3A_199] {strides = array<i32>} : memref<128x32xf32, #tpu.memory_space<vmem>>, vector<16xf32>,
          tpu.vector_store %arg20[%swap3A_198, %swap3A_199], %mul3A_197 {strides = array<i32>} : memref<128x32xf32, #tpu.memory_space<vmem>>, vector<16xf32>,
          %get3A_201 = arith.index_cast %add3A_191 : i32 to index
          %get3A_202 = arith.constant 16 : index
          %get3A_203 = tpu.vector_load %arg20[%get3A_201, %get3A_202] {strides = array<i32>} : memref<128x32xf32, #tpu.memory_space<vmem>>, vector<16xf32>,
          %mul3A_204 = arith.mulf %get3A_203, %gather3A_193 : vector<16xf32>
          %swap3A_205 = arith.index_cast %add3A_191 : i32 to index
          %swap3A_206 = arith.constant 16 : index
          %swap3A_207 = tpu.vector_load %arg20[%swap3A_205, %swap3A_206] {strides = array<i32>} : memref<128x32xf32, #tpu.memory_space<vmem>>, vector<16xf32>,
          tpu.vector_store %arg20[%swap3A_205, %swap3A_206], %mul3A_204 {strides = array<i32>} : memref<128x32xf32, #tpu.memory_space<vmem>>, vector<16xf32>,
          %mul3A_208 = arith.constant 16 : i32
          %mul3A_209 = arith.muli %scan3A_70, %mul3A_208 : i32
          %add3A_210 = arith.constant 7 : i32
          %add3A_211 = arith.addi %mul3A_209, %add3A_210 : i32
          %broadcast_in_dim3A_212 = vector.broadcast %add3A_211 : i32 to vector<16xi32>
          %gather3A_213 = tpu.vector_load_idx %arg19[%broadcast_in_dim3A_212] : memref<128xf32, #tpu.memory_space<vmem>>[vector<16xi32>], vector<16xf32>,
          %get3A_214 = arith.index_cast %add3A_211 : i32 to index
          %get3A_215 = arith.constant 0 : index
          %get3A_216 = tpu.vector_load %arg20[%get3A_214, %get3A_215] {strides = array<i32>} : memref<128x32xf32, #tpu.memory_space<vmem>>, vector<16xf32>,
          %mul3A_217 = arith.mulf %get3A_216, %gather3A_213 : vector<16xf32>
          %swap3A_218 = arith.index_cast %add3A_211 : i32 to index
          %swap3A_219 = arith.constant 0 : index
          %swap3A_220 = tpu.vector_load %arg20[%swap3A_218, %swap3A_219] {strides = array<i32>} : memref<128x32xf32, #tpu.memory_space<vmem>>, vector<16xf32>,
          tpu.vector_store %arg20[%swap3A_218, %swap3A_219], %mul3A_217 {strides = array<i32>} : memref<128x32xf32, #tpu.memory_space<vmem>>, vector<16xf32>,
          %get3A_221 = arith.index_cast %add3A_211 : i32 to index
          %get3A_222 = arith.constant 16 : index
          %get3A_223 = tpu.vector_load %arg20[%get3A_221, %get3A_222] {strides = array<i32>} : memref<128x32xf32, #tpu.memory_space<vmem>>, vector<16xf32>,
          %mul3A_224 = arith.mulf %get3A_223, %gather3A_213 : vector<16xf32>
          %swap3A_225 = arith.index_cast %add3A_211 : i32 to index
          %swap3A_226 = arith.constant 16 : index
          %swap3A_227 = tpu.vector_load %arg20[%swap3A_225, %swap3A_226] {strides = array<i32>} : memref<128x32xf32, #tpu.memory_space<vmem>>, vector<16xf32>,
          tpu.vector_store %arg20[%swap3A_225, %swap3A_226], %mul3A_224 {strides = array<i32>} : memref<128x32xf32, #tpu.memory_space<vmem>>, vector<16xf32>,
          %mul3A_228 = arith.constant 16 : i32
          %mul3A_229 = arith.muli %scan3A_70, %mul3A_228 : i32
          %add3A_230 = arith.constant 8 : i32
          %add3A_231 = arith.addi %mul3A_229, %add3A_230 : i32
          %broadcast_in_dim3A_232 = vector.broadcast %add3A_231 : i32 to vector<16xi32>
          %gather3A_233 = tpu.vector_load_idx %arg19[%broadcast_in_dim3A_232] : memref<128xf32, #tpu.memory_space<vmem>>[vector<16xi32>], vector<16xf32>,
          %get3A_234 = arith.index_cast %add3A_231 : i32 to index
          %get3A_235 = arith.constant 0 : index
          %get3A_236 = tpu.vector_load %arg20[%get3A_234, %get3A_235] {strides = array<i32>} : memref<128x32xf32, #tpu.memory_space<vmem>>, vector<16xf32>,
          %mul3A_237 = arith.mulf %get3A_236, %gather3A_233 : vector<16xf32>
          %swap3A_238 = arith.index_cast %add3A_231 : i32 to index
          %swap3A_239 = arith.constant 0 : index
          %swap3A_240 = tpu.vector_load %arg20[%swap3A_238, %swap3A_239] {strides = array<i32>} : memref<128x32xf32, #tpu.memory_space<vmem>>, vector<16xf32>,
          tpu.vector_store %arg20[%swap3A_238, %swap3A_239], %mul3A_237 {strides = array<i32>} : memref<128x32xf32, #tpu.memory_space<vmem>>, vector<16xf32>,
          %get3A_241 = arith.index_cast %add3A_231 : i32 to index
          %get3A_242 = arith.constant 16 : index
          %get3A_243 = tpu.vector_load %arg20[%get3A_241, %get3A_242] {strides = array<i32>} : memref<128x32xf32, #tpu.memory_space<vmem>>, vector<16xf32>,
          %mul3A_244 = arith.mulf %get3A_243, %gather3A_233 : vector<16xf32>
          %swap3A_245 = arith.index_cast %add3A_231 : i32 to index
          %swap3A_246 = arith.constant 16 : index
          %swap3A_247 = tpu.vector_load %arg20[%swap3A_245, %swap3A_246] {strides = array<i32>} : memref<128x32xf32, #tpu.memory_space<vmem>>, vector<16xf32>,
          tpu.vector_store %arg20[%swap3A_245, %swap3A_246], %mul3A_244 {strides = array<i32>} : memref<128x32xf32, #tpu.memory_space<vmem>>, vector<16xf32>,
          %mul3A_248 = arith.constant 16 : i32
          %mul3A_249 = arith.muli %scan3A_70, %mul3A_248 : i32
          %add3A_250 = arith.constant 9 : i32
          %add3A_251 = arith.addi %mul3A_249, %add3A_250 : i32
          %broadcast_in_dim3A_252 = vector.broadcast %add3A_251 : i32 to vector<16xi32>
          %gather3A_253 = tpu.vector_load_idx %arg19[%broadcast_in_dim3A_252] : memref<128xf32, #tpu.memory_space<vmem>>[vector<16xi32>], vector<16xf32>,
          %get3A_254 = arith.index_cast %add3A_251 : i32 to index
          %get3A_255 = arith.constant 0 : index
          %get3A_256 = tpu.vector_load %arg20[%get3A_254, %get3A_255] {strides = array<i32>} : memref<128x32xf32, #tpu.memory_space<vmem>>, vector<16xf32>,
          %mul3A_257 = arith.mulf %get3A_256, %gather3A_253 : vector<16xf32>
          %swap3A_258 = arith.index_cast %add3A_251 : i32 to index
          %swap3A_259 = arith.constant 0 : index
          %swap3A_260 = tpu.vector_load %arg20[%swap3A_258, %swap3A_259] {strides = array<i32>} : memref<128x32xf32, #tpu.memory_space<vmem>>, vector<16xf32>,
          tpu.vector_store %arg20[%swap3A_258, %swap3A_259], %mul3A_257 {strides = array<i32>} : memref<128x32xf32, #tpu.memory_space<vmem>>, vector<16xf32>,
          %get3A_261 = arith.index_cast %add3A_251 : i32 to index
          %get3A_262 = arith.constant 16 : index
          %get3A_263 = tpu.vector_load %arg20[%get3A_261, %get3A_262] {strides = array<i32>} : memref<128x32xf32, #tpu.memory_space<vmem>>, vector<16xf32>,
          %mul3A_264 = arith.mulf %get3A_263, %gather3A_253 : vector<16xf32>
          %swap3A_265 = arith.index_cast %add3A_251 : i32 to index
          %swap3A_266 = arith.constant 16 : index
          %swap3A_267 = tpu.vector_load %arg20[%swap3A_265, %swap3A_266] {strides = array<i32>} : memref<128x32xf32, #tpu.memory_space<vmem>>, vector<16xf32>,
          tpu.vector_store %arg20[%swap3A_265, %swap3A_266], %mul3A_264 {strides = array<i32>} : memref<128x32xf32, #tpu.memory_space<vmem>>, vector<16xf32>,
          %mul3A_268 = arith.constant 16 : i32
          %mul3A_269 = arith.muli %scan3A_70, %mul3A_268 : i32
          %add3A_270 = arith.constant 10 : i32
          %add3A_271 = arith.addi %mul3A_269, %add3A_270 : i32
          %broadcast_in_dim3A_272 = vector.broadcast %add3A_271 : i32 to vector<16xi32>
          %gather3A_273 = tpu.vector_load_idx %arg19[%broadcast_in_dim3A_272] : memref<128xf32, #tpu.memory_space<vmem>>[vector<16xi32>], vector<16xf32>,
          %get3A_274 = arith.index_cast %add3A_271 : i32 to index
          %get3A_275 = arith.constant 0 : index
          %get3A_276 = tpu.vector_load %arg20[%get3A_274, %get3A_275] {strides = array<i32>} : memref<128x32xf32, #tpu.memory_space<vmem>>, vector<16xf32>,
          %mul3A_277 = arith.mulf %get3A_276, %gather3A_273 : vector<16xf32>
          %swap3A_278 = arith.index_cast %add3A_271 : i32 to index
          %swap3A_279 = arith.constant 0 : index
          %swap3A_280 = tpu.vector_load %arg20[%swap3A_278, %swap3A_279] {strides = array<i32>} : memref<128x32xf32, #tpu.memory_space<vmem>>, vector<16xf32>,
          tpu.vector_store %arg20[%swap3A_278, %swap3A_279], %mul3A_277 {strides = array<i32>} : memref<128x32xf32, #tpu.memory_space<vmem>>, vector<16xf32>,
          %get3A_281 = arith.index_cast %add3A_271 : i32 to index
          %get3A_282 = arith.constant 16 : index
          %get3A_283 = tpu.vector_load %arg20[%get3A_281, %get3A_282] {strides = array<i32>} : memref<128x32xf32, #tpu.memory_space<vmem>>, vector<16xf32>,
          %mul3A_284 = arith.mulf %get3A_283, %gather3A_273 : vector<16xf32>
          %swap3A_285 = arith.index_cast %add3A_271 : i32 to index
          %swap3A_286 = arith.constant 16 : index
          %swap3A_287 = tpu.vector_load %arg20[%swap3A_285, %swap3A_286] {strides = array<i32>} : memref<128x32xf32, #tpu.memory_space<vmem>>, vector<16xf32>,
          tpu.vector_store %arg20[%swap3A_285, %swap3A_286], %mul3A_284 {strides = array<i32>} : memref<128x32xf32, #tpu.memory_space<vmem>>, vector<16xf32>,
          %mul3A_288 = arith.constant 16 : i32
          %mul3A_289 = arith.muli %scan3A_70, %mul3A_288 : i32
          %add3A_290 = arith.constant 11 : i32
          %add3A_291 = arith.addi %mul3A_289, %add3A_290 : i32
          %broadcast_in_dim3A_292 = vector.broadcast %add3A_291 : i32 to vector<16xi32>
          %gather3A_293 = tpu.vector_load_idx %arg19[%broadcast_in_dim3A_292] : memref<128xf32, #tpu.memory_space<vmem>>[vector<16xi32>], vector<16xf32>,
          %get3A_294 = arith.index_cast %add3A_291 : i32 to index
          %get3A_295 = arith.constant 0 : index
          %get3A_296 = tpu.vector_load %arg20[%get3A_294, %get3A_295] {strides = array<i32>} : memref<128x32xf32, #tpu.memory_space<vmem>>, vector<16xf32>,
          %mul3A_297 = arith.mulf %get3A_296, %gather3A_293 : vector<16xf32>
          %swap3A_298 = arith.index_cast %add3A_291 : i32 to index
          %swap3A_299 = arith.constant 0 : index
          %swap3A_300 = tpu.vector_load %arg20[%swap3A_298, %swap3A_299] {strides = array<i32>} : memref<128x32xf32, #tpu.memory_space<vmem>>, vector<16xf32>,
          tpu.vector_store %arg20[%swap3A_298, %swap3A_299], %mul3A_297 {strides = array<i32>} : memref<128x32xf32, #tpu.memory_space<vmem>>, vector<16xf32>,
          %get3A_301 = arith.index_cast %add3A_291 : i32 to index
          %get3A_302 = arith.constant 16 : index
          %get3A_303 = tpu.vector_load %arg20[%get3A_301, %get3A_302] {strides = array<i32>} : memref<128x32xf32, #tpu.memory_space<vmem>>, vector<16xf32>,
          %mul3A_304 = arith.mulf %get3A_303, %gather3A_293 : vector<16xf32>
          %swap3A_305 = arith.index_cast %add3A_291 : i32 to index
          %swap3A_306 = arith.constant 16 : index
          %swap3A_307 = tpu.vector_load %arg20[%swap3A_305, %swap3A_306] {strides = array<i32>} : memref<128x32xf32, #tpu.memory_space<vmem>>, vector<16xf32>,
          tpu.vector_store %arg20[%swap3A_305, %swap3A_306], %mul3A_304 {strides = array<i32>} : memref<128x32xf32, #tpu.memory_space<vmem>>, vector<16xf32>,
          %mul3A_308 = arith.constant 16 : i32
          %mul3A_309 = arith.muli %scan3A_70, %mul3A_308 : i32
          %add3A_310 = arith.constant 12 : i32
          %add3A_311 = arith.addi %mul3A_309, %add3A_310 : i32
          %broadcast_in_dim3A_312 = vector.broadcast %add3A_311 : i32 to vector<16xi32>
          %gather3A_313 = tpu.vector_load_idx %arg19[%broadcast_in_dim3A_312] : memref<128xf32, #tpu.memory_space<vmem>>[vector<16xi32>], vector<16xf32>,
          %get3A_314 = arith.index_cast %add3A_311 : i32 to index
          %get3A_315 = arith.constant 0 : index
          %get3A_316 = tpu.vector_load %arg20[%get3A_314, %get3A_315] {strides = array<i32>} : memref<128x32xf32, #tpu.memory_space<vmem>>, vector<16xf32>,
          %mul3A_317 = arith.mulf %get3A_316, %gather3A_313 : vector<16xf32>
          %swap3A_318 = arith.index_cast %add3A_311 : i32 to index
          %swap3A_319 = arith.constant 0 : index
          %swap3A_320 = tpu.vector_load %arg20[%swap3A_318, %swap3A_319] {strides = array<i32>} : memref<128x32xf32, #tpu.memory_space<vmem>>, vector<16xf32>,
          tpu.vector_store %arg20[%swap3A_318, %swap3A_319], %mul3A_317 {strides = array<i32>} : memref<128x32xf32, #tpu.memory_space<vmem>>, vector<16xf32>,
          %get3A_321 = arith.index_cast %add3A_311 : i32 to index
          %get3A_322 = arith.constant 16 : index
          %get3A_323 = tpu.vector_load %arg20[%get3A_321, %get3A_322] {strides = array<i32>} : memref<128x32xf32, #tpu.memory_space<vmem>>, vector<16xf32>,
          %mul3A_324 = arith.mulf %get3A_323, %gather3A_313 : vector<16xf32>
          %swap3A_325 = arith.index_cast %add3A_311 : i32 to index
          %swap3A_326 = arith.constant 16 : index
          %swap3A_327 = tpu.vector_load %arg20[%swap3A_325, %swap3A_326] {strides = array<i32>} : memref<128x32xf32, #tpu.memory_space<vmem>>, vector<16xf32>,
          tpu.vector_store %arg20[%swap3A_325, %swap3A_326], %mul3A_324 {strides = array<i32>} : memref<128x32xf32, #tpu.memory_space<vmem>>, vector<16xf32>,
          %mul3A_328 = arith.constant 16 : i32
          %mul3A_329 = arith.muli %scan3A_70, %mul3A_328 : i32
          %add3A_330 = arith.constant 13 : i32
          %add3A_331 = arith.addi %mul3A_329, %add3A_330 : i32
          %broadcast_in_dim3A_332 = vector.broadcast %add3A_331 : i32 to vector<16xi32>
          %gather3A_333 = tpu.vector_load_idx %arg19[%broadcast_in_dim3A_332] : memref<128xf32, #tpu.memory_space<vmem>>[vector<16xi32>], vector<16xf32>,
          %get3A_334 = arith.index_cast %add3A_331 : i32 to index
          %get3A_335 = arith.constant 0 : index
          %get3A_336 = tpu.vector_load %arg20[%get3A_334, %get3A_335] {strides = array<i32>} : memref<128x32xf32, #tpu.memory_space<vmem>>, vector<16xf32>,
          %mul3A_337 = arith.mulf %get3A_336, %gather3A_333 : vector<16xf32>
          %swap3A_338 = arith.index_cast %add3A_331 : i32 to index
          %swap3A_339 = arith.constant 0 : index
          %swap3A_340 = tpu.vector_load %arg20[%swap3A_338, %swap3A_339] {strides = array<i32>} : memref<128x32xf32, #tpu.memory_space<vmem>>, vector<16xf32>,
          tpu.vector_store %arg20[%swap3A_338, %swap3A_339], %mul3A_337 {strides = array<i32>} : memref<128x32xf32, #tpu.memory_space<vmem>>, vector<16xf32>,
          %get3A_341 = arith.index_cast %add3A_331 : i32 to index
          %get3A_342 = arith.constant 16 : index
          %get3A_343 = tpu.vector_load %arg20[%get3A_341, %get3A_342] {strides = array<i32>} : memref<128x32xf32, #tpu.memory_space<vmem>>, vector<16xf32>,
          %mul3A_344 = arith.mulf %get3A_343, %gather3A_333 : vector<16xf32>
          %swap3A_345 = arith.index_cast %add3A_331 : i32 to index
          %swap3A_346 = arith.constant 16 : index
          %swap3A_347 = tpu.vector_load %arg20[%swap3A_345, %swap3A_346] {strides = array<i32>} : memref<128x32xf32, #tpu.memory_space<vmem>>, vector<16xf32>,
          tpu.vector_store %arg20[%swap3A_345, %swap3A_346], %mul3A_344 {strides = array<i32>} : memref<128x32xf32, #tpu.memory_space<vmem>>, vector<16xf32>,
          %mul3A_348 = arith.constant 16 : i32
          %mul3A_349 = arith.muli %scan3A_70, %mul3A_348 : i32
          %add3A_350 = arith.constant 14 : i32
          %add3A_351 = arith.addi %mul3A_349, %add3A_350 : i32
          %broadcast_in_dim3A_352 = vector.broadcast %add3A_351 : i32 to vector<16xi32>
          %gather3A_353 = tpu.vector_load_idx %arg19[%broadcast_in_dim3A_352] : memref<128xf32, #tpu.memory_space<vmem>>[vector<16xi32>], vector<16xf32>,
          %get3A_354 = arith.index_cast %add3A_351 : i32 to index
          %get3A_355 = arith.constant 0 : index
          %get3A_356 = tpu.vector_load %arg20[%get3A_354, %get3A_355] {strides = array<i32>} : memref<128x32xf32, #tpu.memory_space<vmem>>, vector<16xf32>,
          %mul3A_357 = arith.mulf %get3A_356, %gather3A_353 : vector<16xf32>
          %swap3A_358 = arith.index_cast %add3A_351 : i32 to index
          %swap3A_359 = arith.constant 0 : index
          %swap3A_360 = tpu.vector_load %arg20[%swap3A_358, %swap3A_359] {strides = array<i32>} : memref<128x32xf32, #tpu.memory_space<vmem>>, vector<16xf32>,
          tpu.vector_store %arg20[%swap3A_358, %swap3A_359], %mul3A_357 {strides = array<i32>} : memref<128x32xf32, #tpu.memory_space<vmem>>, vector<16xf32>,
          %get3A_361 = arith.index_cast %add3A_351 : i32 to index
          %get3A_362 = arith.constant 16 : index
          %get3A_363 = tpu.vector_load %arg20[%get3A_361, %get3A_362] {strides = array<i32>} : memref<128x32xf32, #tpu.memory_space<vmem>>, vector<16xf32>,
          %mul3A_364 = arith.mulf %get3A_363, %gather3A_353 : vector<16xf32>
          %swap3A_365 = arith.index_cast %add3A_351 : i32 to index
          %swap3A_366 = arith.constant 16 : index
          %swap3A_367 = tpu.vector_load %arg20[%swap3A_365, %swap3A_366] {strides = array<i32>} : memref<128x32xf32, #tpu.memory_space<vmem>>, vector<16xf32>,
          tpu.vector_store %arg20[%swap3A_365, %swap3A_366], %mul3A_364 {strides = array<i32>} : memref<128x32xf32, #tpu.memory_space<vmem>>, vector<16xf32>,
          %mul3A_368 = arith.constant 16 : i32
          %mul3A_369 = arith.muli %scan3A_70, %mul3A_368 : i32
          %add3A_370 = arith.constant 15 : i32
          %add3A_371 = arith.addi %mul3A_369, %add3A_370 : i32
          %broadcast_in_dim3A_372 = vector.broadcast %add3A_371 : i32 to vector<16xi32>
          %gather3A_373 = tpu.vector_load_idx %arg19[%broadcast_in_dim3A_372] : memref<128xf32, #tpu.memory_space<vmem>>[vector<16xi32>], vector<16xf32>,
          %get3A_374 = arith.index_cast %add3A_371 : i32 to index
          %get3A_375 = arith.constant 0 : index
          %get3A_376 = tpu.vector_load %arg20[%get3A_374, %get3A_375] {strides = array<i32>} : memref<128x32xf32, #tpu.memory_space<vmem>>, vector<16xf32>,
          %mul3A_377 = arith.mulf %get3A_376, %gather3A_373 : vector<16xf32>
          %swap3A_378 = arith.index_cast %add3A_371 : i32 to index
          %swap3A_379 = arith.constant 0 : index
          %swap3A_380 = tpu.vector_load %arg20[%swap3A_378, %swap3A_379] {strides = array<i32>} : memref<128x32xf32, #tpu.memory_space<vmem>>, vector<16xf32>,
          tpu.vector_store %arg20[%swap3A_378, %swap3A_379], %mul3A_377 {strides = array<i32>} : memref<128x32xf32, #tpu.memory_space<vmem>>, vector<16xf32>,
          %get3A_381 = arith.index_cast %add3A_371 : i32 to index
          %get3A_382 = arith.constant 16 : index
          %get3A_383 = tpu.vector_load %arg20[%get3A_381, %get3A_382] {strides = array<i32>} : memref<128x32xf32, #tpu.memory_space<vmem>>, vector<16xf32>,
          %mul3A_384 = arith.mulf %get3A_383, %gather3A_373 : vector<16xf32>
          %swap3A_385 = arith.index_cast %add3A_371 : i32 to index
          %swap3A_386 = arith.constant 16 : index
          %swap3A_387 = tpu.vector_load %arg20[%swap3A_385, %swap3A_386] {strides = array<i32>} : memref<128x32xf32, #tpu.memory_space<vmem>>, vector<16xf32>,
          tpu.vector_store %arg20[%swap3A_385, %swap3A_386], %mul3A_384 {strides = array<i32>} : memref<128x32xf32, #tpu.memory_space<vmem>>, vector<16xf32>,
        }
        %scan3A_64 = arith.constant 8 : i32
        "tpu.region"() ({
          %run_scoped3A = tpu.sem_alloc : memref<!tpu.dma_semaphore, #tpu.memory_space<semaphore_mem>>
          %dma_start3A = tpu.memref_slice %arg15[%mul3A_42] : memref<2048xi32, #tpu.memory_space<vmem>> -> memref<128xi32, #tpu.memory_space<vmem>>
          %dma_start3A_70 = arith.constant 0 : i32
          %dma_start3A_71 = arith.constant 0 : i32
          %dma_start3A_72 = tpu.memref_slice %arg22[%dma_start3A_70, %dma_start3A_71] : memref<50048x32xf32, #tpu.memory_space<vmem_shared>> -> memref<50048x32xf32, #tpu.memory_space<vmem_shared>>
          tpu.enqueue_indirect_dma source(%arg20 : memref<128x32xf32, #tpu.memory_space<vmem>>) target(%dma_start3A_72 : memref<50048x32xf32, #tpu.memory_space<vmem_shared>>) offsets(%dma_start3A : memref<128xi32, #tpu.memory_space<vmem>>) semaphore(%run_scoped3A : memref<!tpu.dma_semaphore, #tpu.memory_space<semaphore_mem>>) {add = true}
          %dma_wait3A = tpu.memref_slice %arg15[%mul3A_42] : memref<2048xi32, #tpu.memory_space<vmem>> -> memref<128xi32, #tpu.memory_space<vmem>>
          %dma_wait3A_73 = arith.constant 0 : i32
          %dma_wait3A_74 = arith.constant 0 : i32
          %dma_wait3A_75 = tpu.memref_slice %arg22[%dma_wait3A_73, %dma_wait3A_74] : memref<50048x32xf32, #tpu.memory_space<vmem_shared>> -> memref<50048x32xf32, #tpu.memory_space<vmem_shared>>
          tpu.wait_indirect_dma semaphore(%run_scoped3A : memref<!tpu.dma_semaphore, #tpu.memory_space<semaphore_mem>>) src(%arg20 : memref<128x32xf32, #tpu.memory_space<vmem>>) dst(%dma_wait3A_75 : memref<50048x32xf32, #tpu.memory_space<vmem_shared>>)
          tpu.yield
        }) : () -> ()
        %eq3A_65 = arith.constant 0 : i32
        %eq3A_66 = arith.cmpi eq, %arg0, %eq3A_65 : i32
        %convert_element_type3A_67 = arith.extui %eq3A_66 : i1 to i32
        %cond3A_68 = arith.constant 0 : i32
        %cond3A_69 = arith.cmpi ne, %convert_element_type3A_67, %cond3A_68 : i32
        scf.if %cond3A_69 {
          "tpu.region"() ({
            %run_scoped3A = tpu.sem_alloc : memref<!tpu.dma_semaphore, #tpu.memory_space<semaphore_mem>>
            %dma_start3A = tpu.memref_slice %arg15[%mul3A_42] : memref<2048xi32, #tpu.memory_space<vmem>> -> memref<128xi32, #tpu.memory_space<vmem>>
            %dma_start3A_70 = arith.constant 0 : i32
            %dma_start3A_71 = tpu.memref_slice %arg23[%dma_start3A_70] : memref<50048xf32, #tpu.memory_space<vmem_shared>> -> memref<50048xf32, #tpu.memory_space<vmem_shared>>
            tpu.enqueue_indirect_dma source(%arg19 : memref<128xf32, #tpu.memory_space<vmem>>) target(%dma_start3A_71 : memref<50048xf32, #tpu.memory_space<vmem_shared>>) offsets(%dma_start3A : memref<128xi32, #tpu.memory_space<vmem>>) semaphore(%run_scoped3A : memref<!tpu.dma_semaphore, #tpu.memory_space<semaphore_mem>>) {add = true}
            %dma_wait3A = tpu.memref_slice %arg15[%mul3A_42] : memref<2048xi32, #tpu.memory_space<vmem>> -> memref<128xi32, #tpu.memory_space<vmem>>
            %dma_wait3A_72 = arith.constant 0 : i32
            %dma_wait3A_73 = tpu.memref_slice %arg23[%dma_wait3A_72] : memref<50048xf32, #tpu.memory_space<vmem_shared>> -> memref<50048xf32, #tpu.memory_space<vmem_shared>>
            tpu.wait_indirect_dma semaphore(%run_scoped3A : memref<!tpu.dma_semaphore, #tpu.memory_space<semaphore_mem>>) src(%arg19 : memref<128xf32, #tpu.memory_space<vmem>>) dst(%dma_wait3A_73 : memref<50048xf32, #tpu.memory_space<vmem_shared>>)
            tpu.yield
          }) : () -> ()
        } else {
        }
      }
      %scan3A_39 = arith.constant 16 : i32
    }
    %scan3A_10 = arith.constant 26 : i32
    %barrier3A_11 = arith.constant 0 : index
    tpu.barrier barrier_id(%barrier3A_11)
    %eq3A_12 = arith.constant 0 : i32
    %eq3A_13 = arith.cmpi eq, %arg0, %eq3A_12 : i32
    %convert_element_type3A_14 = arith.extui %eq3A_13 : i1 to i32
    %cond3A_15 = arith.constant 0 : i32
    %cond3A_16 = arith.cmpi ne, %convert_element_type3A_14, %cond3A_15 : i32
    scf.if %cond3A_16 {
      %run_scoped3A = arith.constant 0 : i32
      "tpu.region"() ({
        %run_scoped3A_29 = tpu.sem_alloc : memref<!tpu.dma_semaphore, #tpu.memory_space<semaphore_mem>>
        %dma_start3A = arith.constant 0 : i32
        %dma_start3A_30 = arith.constant 0 : i32
        %dma_start3A_31 = tpu.memref_slice %arg12[%run_scoped3A, %dma_start3A, %dma_start3A_30] : memref<2x50048x32xf32, #tpu.memory_space<hbm>> -> memref<1x50048x32xf32, #tpu.memory_space<hbm>>
        %dma_start3A_32 = tpu.memref_squeeze %dma_start3A_31 : memref<1x50048x32xf32, #tpu.memory_space<hbm>> -> memref<50048x32xf32, #tpu.memory_space<hbm>>
        %dma_start3A_33 = arith.constant 0 : i32
        %dma_start3A_34 = tpu.memref_slice %dma_start3A_32[%mul3A_0, %dma_start3A_33] : memref<50048x32xf32, #tpu.memory_space<hbm>> -> memref<3128x32xf32, #tpu.memory_space<hbm>>
        %dma_start3A_35 = arith.constant 0 : i32
        %dma_start3A_36 = tpu.memref_slice %arg22[%mul3A_0, %dma_start3A_35] : memref<50048x32xf32, #tpu.memory_space<vmem_shared>> -> memref<3128x32xf32, #tpu.memory_space<vmem_shared>>
        tpu.enqueue_dma source(%dma_start3A_36 : memref<3128x32xf32, #tpu.memory_space<vmem_shared>>) target(%dma_start3A_34 : memref<3128x32xf32, #tpu.memory_space<hbm>>) target_semaphore(%run_scoped3A_29 : memref<!tpu.dma_semaphore, #tpu.memory_space<semaphore_mem>>)
        %dma_wait3A = arith.constant 0 : i32
        %dma_wait3A_37 = arith.constant 0 : i32
        %dma_wait3A_38 = tpu.memref_slice %arg12[%run_scoped3A, %dma_wait3A, %dma_wait3A_37] : memref<2x50048x32xf32, #tpu.memory_space<hbm>> -> memref<1x50048x32xf32, #tpu.memory_space<hbm>>
        %dma_wait3A_39 = tpu.memref_squeeze %dma_wait3A_38 : memref<1x50048x32xf32, #tpu.memory_space<hbm>> -> memref<50048x32xf32, #tpu.memory_space<hbm>>
        %dma_wait3A_40 = arith.constant 0 : i32
        %dma_wait3A_41 = tpu.memref_slice %dma_wait3A_39[%mul3A_0, %dma_wait3A_40] : memref<50048x32xf32, #tpu.memory_space<hbm>> -> memref<3128x32xf32, #tpu.memory_space<hbm>>
        %dma_wait3A_42 = arith.constant 0 : i32
        %dma_wait3A_43 = tpu.memref_slice %arg22[%mul3A_0, %dma_wait3A_42] : memref<50048x32xf32, #tpu.memory_space<vmem_shared>> -> memref<3128x32xf32, #tpu.memory_space<vmem_shared>>
        tpu.wait_dma2 semaphore(%run_scoped3A_29 : memref<!tpu.dma_semaphore, #tpu.memory_space<semaphore_mem>>) src(%dma_wait3A_43 : memref<3128x32xf32, #tpu.memory_space<vmem_shared>>) dst(%dma_wait3A_41 : memref<3128x32xf32, #tpu.memory_space<hbm>>)
        tpu.yield
      }) : () -> ()
    } else {
    }
    %eq3A_17 = arith.constant 1 : i32
    %eq3A_18 = arith.cmpi eq, %arg0, %eq3A_17 : i32
    %convert_element_type3A_19 = arith.extui %eq3A_18 : i1 to i32
    %cond3A_20 = arith.constant 0 : i32
    %cond3A_21 = arith.cmpi ne, %convert_element_type3A_19, %cond3A_20 : i32
    scf.if %cond3A_21 {
      %run_scoped3A = arith.constant 1 : i32
      "tpu.region"() ({
        %run_scoped3A_29 = tpu.sem_alloc : memref<!tpu.dma_semaphore, #tpu.memory_space<semaphore_mem>>
        %dma_start3A = arith.constant 0 : i32
        %dma_start3A_30 = arith.constant 0 : i32
        %dma_start3A_31 = tpu.memref_slice %arg12[%run_scoped3A, %dma_start3A, %dma_start3A_30] : memref<2x50048x32xf32, #tpu.memory_space<hbm>> -> memref<1x50048x32xf32, #tpu.memory_space<hbm>>
        %dma_start3A_32 = tpu.memref_squeeze %dma_start3A_31 : memref<1x50048x32xf32, #tpu.memory_space<hbm>> -> memref<50048x32xf32, #tpu.memory_space<hbm>>
        %dma_start3A_33 = arith.constant 0 : i32
        %dma_start3A_34 = tpu.memref_slice %dma_start3A_32[%mul3A_0, %dma_start3A_33] : memref<50048x32xf32, #tpu.memory_space<hbm>> -> memref<3128x32xf32, #tpu.memory_space<hbm>>
        %dma_start3A_35 = arith.constant 0 : i32
        %dma_start3A_36 = tpu.memref_slice %arg22[%mul3A_0, %dma_start3A_35] : memref<50048x32xf32, #tpu.memory_space<vmem_shared>> -> memref<3128x32xf32, #tpu.memory_space<vmem_shared>>
        tpu.enqueue_dma source(%dma_start3A_36 : memref<3128x32xf32, #tpu.memory_space<vmem_shared>>) target(%dma_start3A_34 : memref<3128x32xf32, #tpu.memory_space<hbm>>) target_semaphore(%run_scoped3A_29 : memref<!tpu.dma_semaphore, #tpu.memory_space<semaphore_mem>>)
        %dma_wait3A = arith.constant 0 : i32
        %dma_wait3A_37 = arith.constant 0 : i32
        %dma_wait3A_38 = tpu.memref_slice %arg12[%run_scoped3A, %dma_wait3A, %dma_wait3A_37] : memref<2x50048x32xf32, #tpu.memory_space<hbm>> -> memref<1x50048x32xf32, #tpu.memory_space<hbm>>
        %dma_wait3A_39 = tpu.memref_squeeze %dma_wait3A_38 : memref<1x50048x32xf32, #tpu.memory_space<hbm>> -> memref<50048x32xf32, #tpu.memory_space<hbm>>
        %dma_wait3A_40 = arith.constant 0 : i32
        %dma_wait3A_41 = tpu.memref_slice %dma_wait3A_39[%mul3A_0, %dma_wait3A_40] : memref<50048x32xf32, #tpu.memory_space<hbm>> -> memref<3128x32xf32, #tpu.memory_space<hbm>>
        %dma_wait3A_42 = arith.constant 0 : i32
        %dma_wait3A_43 = tpu.memref_slice %arg22[%mul3A_0, %dma_wait3A_42] : memref<50048x32xf32, #tpu.memory_space<vmem_shared>> -> memref<3128x32xf32, #tpu.memory_space<vmem_shared>>
        tpu.wait_dma2 semaphore(%run_scoped3A_29 : memref<!tpu.dma_semaphore, #tpu.memory_space<semaphore_mem>>) src(%dma_wait3A_43 : memref<3128x32xf32, #tpu.memory_space<vmem_shared>>) dst(%dma_wait3A_41 : memref<3128x32xf32, #tpu.memory_space<hbm>>)
        tpu.yield
      }) : () -> ()
    } else {
    }
    %eq3A_22 = arith.constant 0 : i32
    %eq3A_23 = arith.cmpi eq, %arg0, %eq3A_22 : i32
    %eq3A_24 = arith.constant 0 : i32
    %eq3A_25 = arith.cmpi eq, %arg1, %eq3A_24 : i32
    %and3A = arith.andi %eq3A_23, %eq3A_25 : i1
    %convert_element_type3A_26 = arith.extui %and3A : i1 to i32
    %cond3A_27 = arith.constant 0 : i32
    %cond3A_28 = arith.cmpi ne, %convert_element_type3A_26, %cond3A_27 : i32
    scf.if %cond3A_28 {
      "tpu.region"() ({
        %run_scoped3A = tpu.sem_alloc : memref<!tpu.dma_semaphore, #tpu.memory_space<semaphore_mem>>
        tpu.enqueue_dma source(%arg23 : memref<50048xf32, #tpu.memory_space<vmem_shared>>) target(%arg13 : memref<50048xf32, #tpu.memory_space<hbm>>) target_semaphore(%run_scoped3A : memref<!tpu.dma_semaphore, #tpu.memory_space<semaphore_mem>>)
        tpu.wait_dma2 semaphore(%run_scoped3A : memref<!tpu.dma_semaphore, #tpu.memory_space<semaphore_mem>>) src(%arg23 : memref<50048xf32, #tpu.memory_space<vmem_shared>>) dst(%arg13 : memref<50048xf32, #tpu.memory_space<hbm>>)
        tpu.yield
      }) : () -> ()
    } else {
    }
    return
  }
}

#map = affine_map<(d0, d1) -> (0)>
#map1 = affine_map<(d0, d1) -> (0, 0)>
#map2 = affine_map<(d0, d1) -> (0, 0, 0)>
module attributes {stable_mosaic.version = 14 : i64} {
  func.func @_edge_sc_body(%arg0: i32, %arg1: i32, %arg2: memref<50000xf32, #tpu.memory_space<hbm>>, %arg3: memref<50000xf32, #tpu.memory_space<hbm>>, %arg4: memref<851968xf32, #tpu.memory_space<hbm>>, %arg5: memref<851968xi32, #tpu.memory_space<hbm>>, %arg6: memref<851968xi32, #tpu.memory_space<hbm>>, %arg7: memref<16xf32, #tpu.memory_space<hbm>>, %arg8: memref<50000x32xf32, #tpu.memory_space<hbm>>, %arg9: memref<50000x32xf32, #tpu.memory_space<hbm>>, %arg10: memref<3128x32xf32, #tpu.memory_space<hbm>>, %arg11: memref<50048xf32, #tpu.memory_space<hbm>>, %arg12: memref<2x50048x32xf32, #tpu.memory_space<hbm>>, %arg13: memref<50048xf32, #tpu.memory_space<hbm>>, %arg14: memref<2048xi32, #tpu.memory_space<vmem>>, %arg15: memref<2048xi32, #tpu.memory_space<vmem>>, %arg16: memref<2048xf32, #tpu.memory_space<vmem>>, %arg17: memref<2048xf32, #tpu.memory_space<vmem>>, %arg18: memref<2048xf32, #tpu.memory_space<vmem>>, %arg19: memref<128xf32, #tpu.memory_space<vmem>>, %arg20: memref<128x32xf32, #tpu.memory_space<vmem>>, %arg21: memref<16xf32, #tpu.memory_space<vmem>>, %arg22: memref<50048x32xf32, #tpu.memory_space<vmem_shared>>, %arg23: memref<50048xf32, #tpu.memory_space<vmem_shared>>) attributes {dimension_semantics = [#tpu.dimension_semantics<core_parallel>, #tpu.dimension_semantics<subcore_parallel>], iteration_bounds = array<i64: 2, 16>, scalar_prefetch = 0 : i64, scratch_operands = 10 : i64, tpu.core_type = #tpu.core_type<sc_vector_subcore>, window_params = [{transform_indices = #map}, {transform_indices = #map}, {transform_indices = #map}, {transform_indices = #map}, {transform_indices = #map}, {transform_indices = #map}, {transform_indices = #map1}, {transform_indices = #map1}, {transform_indices = #map1}, {transform_indices = #map}, {transform_indices = #map2}, {transform_indices = #map}]} {
    "tpu.region"() ({
      %run_scoped3A = tpu.sem_alloc : memref<!tpu.dma_semaphore, #tpu.memory_space<semaphore_mem>>
      tpu.enqueue_dma source(%arg7 : memref<16xf32, #tpu.memory_space<hbm>>) target(%arg21 : memref<16xf32, #tpu.memory_space<vmem>>) target_semaphore(%run_scoped3A : memref<!tpu.dma_semaphore, #tpu.memory_space<semaphore_mem>>)
      tpu.wait_dma2 semaphore(%run_scoped3A : memref<!tpu.dma_semaphore, #tpu.memory_space<semaphore_mem>>) src(%arg7 : memref<16xf32, #tpu.memory_space<hbm>>) dst(%arg21 : memref<16xf32, #tpu.memory_space<vmem>>)
      tpu.yield
    }) : () -> ()
    %mul3A = arith.constant 3128 : i32
    %mul3A_0 = arith.muli %arg1, %mul3A : i32
    "tpu.region"() ({
      %run_scoped3A = tpu.sem_alloc : memref<!tpu.dma_semaphore, #tpu.memory_space<semaphore_mem>>
      %dma_start3A = arith.constant 0 : i32
      %dma_start3A_29 = tpu.memref_slice %arg22[%mul3A_0, %dma_start3A] : memref<50048x32xf32, #tpu.memory_space<vmem_shared>> -> memref<3128x32xf32, #tpu.memory_space<vmem_shared>>
      tpu.enqueue_dma source(%arg10 : memref<3128x32xf32, #tpu.memory_space<hbm>>) target(%dma_start3A_29 : memref<3128x32xf32, #tpu.memory_space<vmem_shared>>) target_semaphore(%run_scoped3A : memref<!tpu.dma_semaphore, #tpu.memory_space<semaphore_mem>>)
      %dma_wait3A = arith.constant 0 : i32
      %dma_wait3A_30 = tpu.memref_slice %arg22[%mul3A_0, %dma_wait3A] : memref<50048x32xf32, #tpu.memory_space<vmem_shared>> -> memref<3128x32xf32, #tpu.memory_space<vmem_shared>>
      tpu.wait_dma2 semaphore(%run_scoped3A : memref<!tpu.dma_semaphore, #tpu.memory_space<semaphore_mem>>) src(%arg10 : memref<3128x32xf32, #tpu.memory_space<hbm>>) dst(%dma_wait3A_30 : memref<3128x32xf32, #tpu.memory_space<vmem_shared>>)
      tpu.yield
    }) : () -> ()
    %eq3A = arith.constant 0 : i32
    %eq3A_1 = arith.cmpi eq, %arg1, %eq3A : i32
    %convert_element_type3A = arith.extui %eq3A_1 : i1 to i32
    %cond3A = arith.constant 0 : i32
    %cond3A_2 = arith.cmpi ne, %convert_element_type3A, %cond3A : i32
    scf.if %cond3A_2 {
      "tpu.region"() ({
        %run_scoped3A = tpu.sem_alloc : memref<!tpu.dma_semaphore, #tpu.memory_space<semaphore_mem>>
        tpu.enqueue_dma source(%arg11 : memref<50048xf32, #tpu.memory_space<hbm>>) target(%arg23 : memref<50048xf32, #tpu.memory_space<vmem_shared>>) target_semaphore(%run_scoped3A : memref<!tpu.dma_semaphore, #tpu.memory_space<semaphore_mem>>)
        tpu.wait_dma2 semaphore(%run_scoped3A : memref<!tpu.dma_semaphore, #tpu.memory_space<semaphore_mem>>) src(%arg11 : memref<50048xf32, #tpu.memory_space<hbm>>) dst(%arg23 : memref<50048xf32, #tpu.memory_space<vmem_shared>>)
        tpu.yield
      }) : () -> ()
    } else {
    }
    %barrier3A = arith.constant 0 : index
    tpu.barrier barrier_id(%barrier3A)
    %get3A = arith.constant 0 : index
    %get3A_3 = tpu.vector_load %arg21[%get3A] {strides = array<i32>} : memref<16xf32, #tpu.memory_space<vmem>>, vector<16xf32>,
    %mul3A_4 = arith.constant 416 : i32
    %mul3A_5 = arith.muli %arg1, %mul3A_4 : i32
    %scan3A = arith.constant 0 : i32
    %scan3A_6 = arith.constant 0 : i32
    %scan3A_7 = arith.constant 26 : i32
    %scan3A_8 = arith.addi %scan3A_6, %scan3A_7 : i32
    %scan3A_9 = arith.constant 1 : i32
    scf.for %scan3A_29 = %scan3A_6 to %scan3A_8 step %scan3A_9  : i32 {
      %mul3A_30 = arith.constant 16 : i32
      %mul3A_31 = arith.muli %scan3A_29, %mul3A_30 : i32
      %add3A = arith.addi %mul3A_5, %mul3A_31 : i32
      %mul3A_32 = arith.constant 128 : i32
      %mul3A_33 = arith.muli %add3A, %mul3A_32 : i32
      "tpu.region"() ({
        %run_scoped3A = tpu.sem_alloc : memref<!tpu.dma_semaphore, #tpu.memory_space<semaphore_mem>>
        %dma_start3A = tpu.memref_slice %arg5[%mul3A_33] : memref<851968xi32, #tpu.memory_space<hbm>> -> memref<2048xi32, #tpu.memory_space<hbm>>
        %dma_start3A_40 = tpu.memref_slice %arg5[%mul3A_33] : memref<851968xi32, #tpu.memory_space<hbm>> -> memref<2048xi32, #tpu.memory_space<hbm>>
        tpu.enqueue_dma source(%dma_start3A_40 : memref<2048xi32, #tpu.memory_space<hbm>>) target(%arg14 : memref<2048xi32, #tpu.memory_space<vmem>>) target_semaphore(%run_scoped3A : memref<!tpu.dma_semaphore, #tpu.memory_space<semaphore_mem>>)
        %dma_wait3A = tpu.memref_slice %arg5[%mul3A_33] : memref<851968xi32, #tpu.memory_space<hbm>> -> memref<2048xi32, #tpu.memory_space<hbm>>
        %dma_wait3A_41 = tpu.memref_slice %arg5[%mul3A_33] : memref<851968xi32, #tpu.memory_space<hbm>> -> memref<2048xi32, #tpu.memory_space<hbm>>
        tpu.wait_dma2 semaphore(%run_scoped3A : memref<!tpu.dma_semaphore, #tpu.memory_space<semaphore_mem>>) src(%dma_wait3A_41 : memref<2048xi32, #tpu.memory_space<hbm>>) dst(%arg14 : memref<2048xi32, #tpu.memory_space<vmem>>)
        tpu.yield
      }) : () -> ()
      "tpu.region"() ({
        %run_scoped3A = tpu.sem_alloc : memref<!tpu.dma_semaphore, #tpu.memory_space<semaphore_mem>>
        %dma_start3A = tpu.memref_slice %arg6[%mul3A_33] : memref<851968xi32, #tpu.memory_space<hbm>> -> memref<2048xi32, #tpu.memory_space<hbm>>
        %dma_start3A_40 = tpu.memref_slice %arg6[%mul3A_33] : memref<851968xi32, #tpu.memory_space<hbm>> -> memref<2048xi32, #tpu.memory_space<hbm>>
        tpu.enqueue_dma source(%dma_start3A_40 : memref<2048xi32, #tpu.memory_space<hbm>>) target(%arg15 : memref<2048xi32, #tpu.memory_space<vmem>>) target_semaphore(%run_scoped3A : memref<!tpu.dma_semaphore, #tpu.memory_space<semaphore_mem>>)
        %dma_wait3A = tpu.memref_slice %arg6[%mul3A_33] : memref<851968xi32, #tpu.memory_space<hbm>> -> memref<2048xi32, #tpu.memory_space<hbm>>
        %dma_wait3A_41 = tpu.memref_slice %arg6[%mul3A_33] : memref<851968xi32, #tpu.memory_space<hbm>> -> memref<2048xi32, #tpu.memory_space<hbm>>
        tpu.wait_dma2 semaphore(%run_scoped3A : memref<!tpu.dma_semaphore, #tpu.memory_space<semaphore_mem>>) src(%dma_wait3A_41 : memref<2048xi32, #tpu.memory_space<hbm>>) dst(%arg15 : memref<2048xi32, #tpu.memory_space<vmem>>)
        tpu.yield
      }) : () -> ()
      "tpu.region"() ({
        %run_scoped3A = tpu.sem_alloc : memref<!tpu.dma_semaphore, #tpu.memory_space<semaphore_mem>>
        %dma_start3A = tpu.memref_slice %arg4[%mul3A_33] : memref<851968xf32, #tpu.memory_space<hbm>> -> memref<2048xf32, #tpu.memory_space<hbm>>
        %dma_start3A_40 = tpu.memref_slice %arg4[%mul3A_33] : memref<851968xf32, #tpu.memory_space<hbm>> -> memref<2048xf32, #tpu.memory_space<hbm>>
        tpu.enqueue_dma source(%dma_start3A_40 : memref<2048xf32, #tpu.memory_space<hbm>>) target(%arg16 : memref<2048xf32, #tpu.memory_space<vmem>>) target_semaphore(%run_scoped3A : memref<!tpu.dma_semaphore, #tpu.memory_space<semaphore_mem>>)
        %dma_wait3A = tpu.memref_slice %arg4[%mul3A_33] : memref<851968xf32, #tpu.memory_space<hbm>> -> memref<2048xf32, #tpu.memory_space<hbm>>
        %dma_wait3A_41 = tpu.memref_slice %arg4[%mul3A_33] : memref<851968xf32, #tpu.memory_space<hbm>> -> memref<2048xf32, #tpu.memory_space<hbm>>
        tpu.wait_dma2 semaphore(%run_scoped3A : memref<!tpu.dma_semaphore, #tpu.memory_space<semaphore_mem>>) src(%dma_wait3A_41 : memref<2048xf32, #tpu.memory_space<hbm>>) dst(%arg16 : memref<2048xf32, #tpu.memory_space<vmem>>)
        tpu.yield
      }) : () -> ()
      "tpu.region"() ({
        %run_scoped3A = tpu.sem_alloc : memref<!tpu.dma_semaphore, #tpu.memory_space<semaphore_mem>>
        %dma_start3A = arith.constant 0 : i32
        %dma_start3A_40 = tpu.memref_slice %arg2[%dma_start3A] : memref<50000xf32, #tpu.memory_space<hbm>> -> memref<50000xf32, #tpu.memory_space<hbm>>
        tpu.enqueue_indirect_dma source(%dma_start3A_40 : memref<50000xf32, #tpu.memory_space<hbm>>) target(%arg17 : memref<2048xf32, #tpu.memory_space<vmem>>) offsets(%arg14 : memref<2048xi32, #tpu.memory_space<vmem>>) semaphore(%run_scoped3A : memref<!tpu.dma_semaphore, #tpu.memory_space<semaphore_mem>>)
        %dma_wait3A = arith.constant 0 : i32
        %dma_wait3A_41 = tpu.memref_slice %arg2[%dma_wait3A] : memref<50000xf32, #tpu.memory_space<hbm>> -> memref<50000xf32, #tpu.memory_space<hbm>>
        tpu.wait_indirect_dma semaphore(%run_scoped3A : memref<!tpu.dma_semaphore, #tpu.memory_space<semaphore_mem>>) src(%dma_wait3A_41 : memref<50000xf32, #tpu.memory_space<hbm>>) dst(%arg17 : memref<2048xf32, #tpu.memory_space<vmem>>)
        tpu.yield
      }) : () -> ()
      "tpu.region"() ({
        %run_scoped3A = tpu.sem_alloc : memref<!tpu.dma_semaphore, #tpu.memory_space<semaphore_mem>>
        %dma_start3A = arith.constant 0 : i32
        %dma_start3A_40 = tpu.memref_slice %arg3[%dma_start3A] : memref<50000xf32, #tpu.memory_space<hbm>> -> memref<50000xf32, #tpu.memory_space<hbm>>
        tpu.enqueue_indirect_dma source(%dma_start3A_40 : memref<50000xf32, #tpu.memory_space<hbm>>) target(%arg18 : memref<2048xf32, #tpu.memory_space<vmem>>) offsets(%arg15 : memref<2048xi32, #tpu.memory_space<vmem>>) semaphore(%run_scoped3A : memref<!tpu.dma_semaphore, #tpu.memory_space<semaphore_mem>>)
        %dma_wait3A = arith.constant 0 : i32
        %dma_wait3A_41 = tpu.memref_slice %arg3[%dma_wait3A] : memref<50000xf32, #tpu.memory_space<hbm>> -> memref<50000xf32, #tpu.memory_space<hbm>>
        tpu.wait_indirect_dma semaphore(%run_scoped3A : memref<!tpu.dma_semaphore, #tpu.memory_space<semaphore_mem>>) src(%dma_wait3A_41 : memref<50000xf32, #tpu.memory_space<hbm>>) dst(%arg18 : memref<2048xf32, #tpu.memory_space<vmem>>)
        tpu.yield
      }) : () -> ()
      %scan3A_34 = arith.constant 0 : i32
      %scan3A_35 = arith.constant 0 : i32
      %scan3A_36 = arith.constant 16 : i32
      %scan3A_37 = arith.addi %scan3A_35, %scan3A_36 : i32
      %scan3A_38 = arith.constant 1 : i32
      scf.for %scan3A_40 = %scan3A_35 to %scan3A_37 step %scan3A_38  : i32 {
        %mul3A_41 = arith.constant 128 : i32
        %mul3A_42 = arith.muli %scan3A_40, %mul3A_41 : i32
        %eq3A_43 = arith.constant 0 : i32
        %eq3A_44 = arith.cmpi eq, %arg0, %eq3A_43 : i32
        %convert_element_type3A_45 = arith.extui %eq3A_44 : i1 to i32
        %cond3A_46 = arith.constant 0 : i32
        %cond3A_47 = arith.cmpi ne, %convert_element_type3A_45, %cond3A_46 : i32
        scf.if %cond3A_47 {
          "tpu.region"() ({
            %run_scoped3A = tpu.sem_alloc : memref<!tpu.dma_semaphore, #tpu.memory_space<semaphore_mem>>
            %dma_start3A = tpu.memref_slice %arg14[%mul3A_42] : memref<2048xi32, #tpu.memory_space<vmem>> -> memref<128xi32, #tpu.memory_space<vmem>>
            %dma_start3A_70 = arith.constant 0 : i32
            %dma_start3A_71 = arith.constant 0 : i32
            %dma_start3A_72 = tpu.memref_slice %arg8[%dma_start3A_70, %dma_start3A_71] : memref<50000x32xf32, #tpu.memory_space<hbm>> -> memref<50000x32xf32, #tpu.memory_space<hbm>>
            tpu.enqueue_indirect_dma source(%dma_start3A_72 : memref<50000x32xf32, #tpu.memory_space<hbm>>) target(%arg20 : memref<128x32xf32, #tpu.memory_space<vmem>>) offsets(%dma_start3A : memref<128xi32, #tpu.memory_space<vmem>>) semaphore(%run_scoped3A : memref<!tpu.dma_semaphore, #tpu.memory_space<semaphore_mem>>)
            %dma_wait3A = tpu.memref_slice %arg14[%mul3A_42] : memref<2048xi32, #tpu.memory_space<vmem>> -> memref<128xi32, #tpu.memory_space<vmem>>
            %dma_wait3A_73 = arith.constant 0 : i32
            %dma_wait3A_74 = arith.constant 0 : i32
            %dma_wait3A_75 = tpu.memref_slice %arg8[%dma_wait3A_73, %dma_wait3A_74] : memref<50000x32xf32, #tpu.memory_space<hbm>> -> memref<50000x32xf32, #tpu.memory_space<hbm>>
            tpu.wait_indirect_dma semaphore(%run_scoped3A : memref<!tpu.dma_semaphore, #tpu.memory_space<semaphore_mem>>) src(%dma_wait3A_75 : memref<50000x32xf32, #tpu.memory_space<hbm>>) dst(%arg20 : memref<128x32xf32, #tpu.memory_space<vmem>>)
            tpu.yield
          }) : () -> ()
        } else {
        }
        %eq3A_48 = arith.constant 1 : i32
        %eq3A_49 = arith.cmpi eq, %arg0, %eq3A_48 : i32
        %convert_element_type3A_50 = arith.extui %eq3A_49 : i1 to i32
        %cond3A_51 = arith.constant 0 : i32
        %cond3A_52 = arith.cmpi ne, %convert_element_type3A_50, %cond3A_51 : i32
        scf.if %cond3A_52 {
          "tpu.region"() ({
            %run_scoped3A = tpu.sem_alloc : memref<!tpu.dma_semaphore, #tpu.memory_space<semaphore_mem>>
            %dma_start3A = tpu.memref_slice %arg14[%mul3A_42] : memref<2048xi32, #tpu.memory_space<vmem>> -> memref<128xi32, #tpu.memory_space<vmem>>
            %dma_start3A_70 = arith.constant 0 : i32
            %dma_start3A_71 = arith.constant 0 : i32
            %dma_start3A_72 = tpu.memref_slice %arg9[%dma_start3A_70, %dma_start3A_71] : memref<50000x32xf32, #tpu.memory_space<hbm>> -> memref<50000x32xf32, #tpu.memory_space<hbm>>
            tpu.enqueue_indirect_dma source(%dma_start3A_72 : memref<50000x32xf32, #tpu.memory_space<hbm>>) target(%arg20 : memref<128x32xf32, #tpu.memory_space<vmem>>) offsets(%dma_start3A : memref<128xi32, #tpu.memory_space<vmem>>) semaphore(%run_scoped3A : memref<!tpu.dma_semaphore, #tpu.memory_space<semaphore_mem>>)
            %dma_wait3A = tpu.memref_slice %arg14[%mul3A_42] : memref<2048xi32, #tpu.memory_space<vmem>> -> memref<128xi32, #tpu.memory_space<vmem>>
            %dma_wait3A_73 = arith.constant 0 : i32
            %dma_wait3A_74 = arith.constant 0 : i32
            %dma_wait3A_75 = tpu.memref_slice %arg9[%dma_wait3A_73, %dma_wait3A_74] : memref<50000x32xf32, #tpu.memory_space<hbm>> -> memref<50000x32xf32, #tpu.memory_space<hbm>>
            tpu.wait_indirect_dma semaphore(%run_scoped3A : memref<!tpu.dma_semaphore, #tpu.memory_space<semaphore_mem>>) src(%dma_wait3A_75 : memref<50000x32xf32, #tpu.memory_space<hbm>>) dst(%arg20 : memref<128x32xf32, #tpu.memory_space<vmem>>)
            tpu.yield
          }) : () -> ()
        } else {
        }
        %scan3A_53 = arith.constant 0 : i32
        %scan3A_54 = arith.constant 0 : i32
        %scan3A_55 = arith.constant 8 : i32
        %scan3A_56 = arith.addi %scan3A_54, %scan3A_55 : i32
        %scan3A_57 = arith.constant 1 : i32
        scf.for %scan3A_70 = %scan3A_54 to %scan3A_56 step %scan3A_57  : i32 {
          %mul3A_71 = arith.constant 128 : i32
          %mul3A_72 = arith.muli %scan3A_40, %mul3A_71 : i32
          %mul3A_73 = arith.constant 16 : i32
          %mul3A_74 = arith.muli %scan3A_70, %mul3A_73 : i32
          %add3A_75 = arith.addi %mul3A_72, %mul3A_74 : i32
          %get3A_76 = arith.index_cast %add3A_75 : i32 to index
          %get3A_77 = tpu.vector_load %arg17[%get3A_76] {strides = array<i32>} : memref<2048xf32, #tpu.memory_space<vmem>>, vector<16xf32>,
          %get3A_78 = arith.index_cast %add3A_75 : i32 to index
          %get3A_79 = tpu.vector_load %arg18[%get3A_78] {strides = array<i32>} : memref<2048xf32, #tpu.memory_space<vmem>>, vector<16xf32>,
          %add3A_80 = arith.addf %get3A_77, %get3A_79 : vector<16xf32>
          %get3A_81 = arith.index_cast %add3A_75 : i32 to index
          %get3A_82 = tpu.vector_load %arg16[%get3A_81] {strides = array<i32>} : memref<2048xf32, #tpu.memory_space<vmem>>, vector<16xf32>,
          %add3A_83 = arith.addf %add3A_80, %get3A_82 : vector<16xf32>
          %mul3A_84 = arith.constant 2.000000e-01 : f32
          %mul3A_85 = vector.broadcast %mul3A_84 : f32 to vector<16xf32>
          %mul3A_86 = arith.mulf %mul3A_85, %add3A_83 : vector<16xf32>
          %max3A = arith.maximumf %add3A_83, %mul3A_86 : vector<16xf32>
          %sub3A = arith.subf %max3A, %get3A_3 : vector<16xf32>
          %exp3A = math.exp %sub3A : vector<16xf32>
          %mul3A_87 = arith.constant 16 : i32
          %mul3A_88 = arith.muli %scan3A_70, %mul3A_87 : i32
          %swap3A = arith.index_cast %mul3A_88 : i32 to index
          %swap3A_89 = tpu.vector_load %arg19[%swap3A] {strides = array<i32>} : memref<128xf32, #tpu.memory_space<vmem>>, vector<16xf32>,
          tpu.vector_store %arg19[%swap3A], %exp3A {strides = array<i32>} : memref<128xf32, #tpu.memory_space<vmem>>, vector<16xf32>,
        }
        %scan3A_58 = arith.constant 8 : i32
        %scan3A_59 = arith.constant 0 : i32
        %scan3A_60 = arith.constant 0 : i32
        %scan3A_61 = arith.constant 8 : i32
        %scan3A_62 = arith.addi %scan3A_60, %scan3A_61 : i32
        %scan3A_63 = arith.constant 1 : i32
        scf.for %scan3A_70 = %scan3A_60 to %scan3A_62 step %scan3A_63  : i32 {
          %mul3A_71 = arith.constant 16 : i32
          %mul3A_72 = arith.muli %scan3A_70, %mul3A_71 : i32
          %add3A_73 = arith.constant 0 : i32
          %add3A_74 = arith.addi %mul3A_72, %add3A_73 : i32
          %broadcast_in_dim3A = vector.broadcast %add3A_74 : i32 to vector<16xi32>
          %gather3A = tpu.vector_load_idx %arg19[%broadcast_in_dim3A] : memref<128xf32, #tpu.memory_space<vmem>>[vector<16xi32>], vector<16xf32>,
          %get3A_75 = arith.index_cast %add3A_74 : i32 to index
          %get3A_76 = arith.constant 0 : index
          %get3A_77 = tpu.vector_load %arg20[%get3A_75, %get3A_76] {strides = array<i32>} : memref<128x32xf32, #tpu.memory_space<vmem>>, vector<16xf32>,
          %mul3A_78 = arith.mulf %get3A_77, %gather3A : vector<16xf32>
          %swap3A = arith.index_cast %add3A_74 : i32 to index
          %swap3A_79 = arith.constant 0 : index
          %swap3A_80 = tpu.vector_load %arg20[%swap3A, %swap3A_79] {strides = array<i32>} : memref<128x32xf32, #tpu.memory_space<vmem>>, vector<16xf32>,
          tpu.vector_store %arg20[%swap3A, %swap3A_79], %mul3A_78 {strides = array<i32>} : memref<128x32xf32, #tpu.memory_space<vmem>>, vector<16xf32>,
          %get3A_81 = arith.index_cast %add3A_74 : i32 to index
          %get3A_82 = arith.constant 16 : index
          %get3A_83 = tpu.vector_load %arg20[%get3A_81, %get3A_82] {strides = array<i32>} : memref<128x32xf32, #tpu.memory_space<vmem>>, vector<16xf32>,
          %mul3A_84 = arith.mulf %get3A_83, %gather3A : vector<16xf32>
          %swap3A_85 = arith.index_cast %add3A_74 : i32 to index
          %swap3A_86 = arith.constant 16 : index
          %swap3A_87 = tpu.vector_load %arg20[%swap3A_85, %swap3A_86] {strides = array<i32>} : memref<128x32xf32, #tpu.memory_space<vmem>>, vector<16xf32>,
          tpu.vector_store %arg20[%swap3A_85, %swap3A_86], %mul3A_84 {strides = array<i32>} : memref<128x32xf32, #tpu.memory_space<vmem>>, vector<16xf32>,
          %mul3A_88 = arith.constant 16 : i32
          %mul3A_89 = arith.muli %scan3A_70, %mul3A_88 : i32
          %add3A_90 = arith.constant 1 : i32
          %add3A_91 = arith.addi %mul3A_89, %add3A_90 : i32
          %broadcast_in_dim3A_92 = vector.broadcast %add3A_91 : i32 to vector<16xi32>
          %gather3A_93 = tpu.vector_load_idx %arg19[%broadcast_in_dim3A_92] : memref<128xf32, #tpu.memory_space<vmem>>[vector<16xi32>], vector<16xf32>,
          %get3A_94 = arith.index_cast %add3A_91 : i32 to index
          %get3A_95 = arith.constant 0 : index
          %get3A_96 = tpu.vector_load %arg20[%get3A_94, %get3A_95] {strides = array<i32>} : memref<128x32xf32, #tpu.memory_space<vmem>>, vector<16xf32>,
          %mul3A_97 = arith.mulf %get3A_96, %gather3A_93 : vector<16xf32>
          %swap3A_98 = arith.index_cast %add3A_91 : i32 to index
          %swap3A_99 = arith.constant 0 : index
          %swap3A_100 = tpu.vector_load %arg20[%swap3A_98, %swap3A_99] {strides = array<i32>} : memref<128x32xf32, #tpu.memory_space<vmem>>, vector<16xf32>,
          tpu.vector_store %arg20[%swap3A_98, %swap3A_99], %mul3A_97 {strides = array<i32>} : memref<128x32xf32, #tpu.memory_space<vmem>>, vector<16xf32>,
          %get3A_101 = arith.index_cast %add3A_91 : i32 to index
          %get3A_102 = arith.constant 16 : index
          %get3A_103 = tpu.vector_load %arg20[%get3A_101, %get3A_102] {strides = array<i32>} : memref<128x32xf32, #tpu.memory_space<vmem>>, vector<16xf32>,
          %mul3A_104 = arith.mulf %get3A_103, %gather3A_93 : vector<16xf32>
          %swap3A_105 = arith.index_cast %add3A_91 : i32 to index
          %swap3A_106 = arith.constant 16 : index
          %swap3A_107 = tpu.vector_load %arg20[%swap3A_105, %swap3A_106] {strides = array<i32>} : memref<128x32xf32, #tpu.memory_space<vmem>>, vector<16xf32>,
          tpu.vector_store %arg20[%swap3A_105, %swap3A_106], %mul3A_104 {strides = array<i32>} : memref<128x32xf32, #tpu.memory_space<vmem>>, vector<16xf32>,
          %mul3A_108 = arith.constant 16 : i32
          %mul3A_109 = arith.muli %scan3A_70, %mul3A_108 : i32
          %add3A_110 = arith.constant 2 : i32
          %add3A_111 = arith.addi %mul3A_109, %add3A_110 : i32
          %broadcast_in_dim3A_112 = vector.broadcast %add3A_111 : i32 to vector<16xi32>
          %gather3A_113 = tpu.vector_load_idx %arg19[%broadcast_in_dim3A_112] : memref<128xf32, #tpu.memory_space<vmem>>[vector<16xi32>], vector<16xf32>,
          %get3A_114 = arith.index_cast %add3A_111 : i32 to index
          %get3A_115 = arith.constant 0 : index
          %get3A_116 = tpu.vector_load %arg20[%get3A_114, %get3A_115] {strides = array<i32>} : memref<128x32xf32, #tpu.memory_space<vmem>>, vector<16xf32>,
          %mul3A_117 = arith.mulf %get3A_116, %gather3A_113 : vector<16xf32>
          %swap3A_118 = arith.index_cast %add3A_111 : i32 to index
          %swap3A_119 = arith.constant 0 : index
          %swap3A_120 = tpu.vector_load %arg20[%swap3A_118, %swap3A_119] {strides = array<i32>} : memref<128x32xf32, #tpu.memory_space<vmem>>, vector<16xf32>,
          tpu.vector_store %arg20[%swap3A_118, %swap3A_119], %mul3A_117 {strides = array<i32>} : memref<128x32xf32, #tpu.memory_space<vmem>>, vector<16xf32>,
          %get3A_121 = arith.index_cast %add3A_111 : i32 to index
          %get3A_122 = arith.constant 16 : index
          %get3A_123 = tpu.vector_load %arg20[%get3A_121, %get3A_122] {strides = array<i32>} : memref<128x32xf32, #tpu.memory_space<vmem>>, vector<16xf32>,
          %mul3A_124 = arith.mulf %get3A_123, %gather3A_113 : vector<16xf32>
          %swap3A_125 = arith.index_cast %add3A_111 : i32 to index
          %swap3A_126 = arith.constant 16 : index
          %swap3A_127 = tpu.vector_load %arg20[%swap3A_125, %swap3A_126] {strides = array<i32>} : memref<128x32xf32, #tpu.memory_space<vmem>>, vector<16xf32>,
          tpu.vector_store %arg20[%swap3A_125, %swap3A_126], %mul3A_124 {strides = array<i32>} : memref<128x32xf32, #tpu.memory_space<vmem>>, vector<16xf32>,
          %mul3A_128 = arith.constant 16 : i32
          %mul3A_129 = arith.muli %scan3A_70, %mul3A_128 : i32
          %add3A_130 = arith.constant 3 : i32
          %add3A_131 = arith.addi %mul3A_129, %add3A_130 : i32
          %broadcast_in_dim3A_132 = vector.broadcast %add3A_131 : i32 to vector<16xi32>
          %gather3A_133 = tpu.vector_load_idx %arg19[%broadcast_in_dim3A_132] : memref<128xf32, #tpu.memory_space<vmem>>[vector<16xi32>], vector<16xf32>,
          %get3A_134 = arith.index_cast %add3A_131 : i32 to index
          %get3A_135 = arith.constant 0 : index
          %get3A_136 = tpu.vector_load %arg20[%get3A_134, %get3A_135] {strides = array<i32>} : memref<128x32xf32, #tpu.memory_space<vmem>>, vector<16xf32>,
          %mul3A_137 = arith.mulf %get3A_136, %gather3A_133 : vector<16xf32>
          %swap3A_138 = arith.index_cast %add3A_131 : i32 to index
          %swap3A_139 = arith.constant 0 : index
          %swap3A_140 = tpu.vector_load %arg20[%swap3A_138, %swap3A_139] {strides = array<i32>} : memref<128x32xf32, #tpu.memory_space<vmem>>, vector<16xf32>,
          tpu.vector_store %arg20[%swap3A_138, %swap3A_139], %mul3A_137 {strides = array<i32>} : memref<128x32xf32, #tpu.memory_space<vmem>>, vector<16xf32>,
          %get3A_141 = arith.index_cast %add3A_131 : i32 to index
          %get3A_142 = arith.constant 16 : index
          %get3A_143 = tpu.vector_load %arg20[%get3A_141, %get3A_142] {strides = array<i32>} : memref<128x32xf32, #tpu.memory_space<vmem>>, vector<16xf32>,
          %mul3A_144 = arith.mulf %get3A_143, %gather3A_133 : vector<16xf32>
          %swap3A_145 = arith.index_cast %add3A_131 : i32 to index
          %swap3A_146 = arith.constant 16 : index
          %swap3A_147 = tpu.vector_load %arg20[%swap3A_145, %swap3A_146] {strides = array<i32>} : memref<128x32xf32, #tpu.memory_space<vmem>>, vector<16xf32>,
          tpu.vector_store %arg20[%swap3A_145, %swap3A_146], %mul3A_144 {strides = array<i32>} : memref<128x32xf32, #tpu.memory_space<vmem>>, vector<16xf32>,
          %mul3A_148 = arith.constant 16 : i32
          %mul3A_149 = arith.muli %scan3A_70, %mul3A_148 : i32
          %add3A_150 = arith.constant 4 : i32
          %add3A_151 = arith.addi %mul3A_149, %add3A_150 : i32
          %broadcast_in_dim3A_152 = vector.broadcast %add3A_151 : i32 to vector<16xi32>
          %gather3A_153 = tpu.vector_load_idx %arg19[%broadcast_in_dim3A_152] : memref<128xf32, #tpu.memory_space<vmem>>[vector<16xi32>], vector<16xf32>,
          %get3A_154 = arith.index_cast %add3A_151 : i32 to index
          %get3A_155 = arith.constant 0 : index
          %get3A_156 = tpu.vector_load %arg20[%get3A_154, %get3A_155] {strides = array<i32>} : memref<128x32xf32, #tpu.memory_space<vmem>>, vector<16xf32>,
          %mul3A_157 = arith.mulf %get3A_156, %gather3A_153 : vector<16xf32>
          %swap3A_158 = arith.index_cast %add3A_151 : i32 to index
          %swap3A_159 = arith.constant 0 : index
          %swap3A_160 = tpu.vector_load %arg20[%swap3A_158, %swap3A_159] {strides = array<i32>} : memref<128x32xf32, #tpu.memory_space<vmem>>, vector<16xf32>,
          tpu.vector_store %arg20[%swap3A_158, %swap3A_159], %mul3A_157 {strides = array<i32>} : memref<128x32xf32, #tpu.memory_space<vmem>>, vector<16xf32>,
          %get3A_161 = arith.index_cast %add3A_151 : i32 to index
          %get3A_162 = arith.constant 16 : index
          %get3A_163 = tpu.vector_load %arg20[%get3A_161, %get3A_162] {strides = array<i32>} : memref<128x32xf32, #tpu.memory_space<vmem>>, vector<16xf32>,
          %mul3A_164 = arith.mulf %get3A_163, %gather3A_153 : vector<16xf32>
          %swap3A_165 = arith.index_cast %add3A_151 : i32 to index
          %swap3A_166 = arith.constant 16 : index
          %swap3A_167 = tpu.vector_load %arg20[%swap3A_165, %swap3A_166] {strides = array<i32>} : memref<128x32xf32, #tpu.memory_space<vmem>>, vector<16xf32>,
          tpu.vector_store %arg20[%swap3A_165, %swap3A_166], %mul3A_164 {strides = array<i32>} : memref<128x32xf32, #tpu.memory_space<vmem>>, vector<16xf32>,
          %mul3A_168 = arith.constant 16 : i32
          %mul3A_169 = arith.muli %scan3A_70, %mul3A_168 : i32
          %add3A_170 = arith.constant 5 : i32
          %add3A_171 = arith.addi %mul3A_169, %add3A_170 : i32
          %broadcast_in_dim3A_172 = vector.broadcast %add3A_171 : i32 to vector<16xi32>
          %gather3A_173 = tpu.vector_load_idx %arg19[%broadcast_in_dim3A_172] : memref<128xf32, #tpu.memory_space<vmem>>[vector<16xi32>], vector<16xf32>,
          %get3A_174 = arith.index_cast %add3A_171 : i32 to index
          %get3A_175 = arith.constant 0 : index
          %get3A_176 = tpu.vector_load %arg20[%get3A_174, %get3A_175] {strides = array<i32>} : memref<128x32xf32, #tpu.memory_space<vmem>>, vector<16xf32>,
          %mul3A_177 = arith.mulf %get3A_176, %gather3A_173 : vector<16xf32>
          %swap3A_178 = arith.index_cast %add3A_171 : i32 to index
          %swap3A_179 = arith.constant 0 : index
          %swap3A_180 = tpu.vector_load %arg20[%swap3A_178, %swap3A_179] {strides = array<i32>} : memref<128x32xf32, #tpu.memory_space<vmem>>, vector<16xf32>,
          tpu.vector_store %arg20[%swap3A_178, %swap3A_179], %mul3A_177 {strides = array<i32>} : memref<128x32xf32, #tpu.memory_space<vmem>>, vector<16xf32>,
          %get3A_181 = arith.index_cast %add3A_171 : i32 to index
          %get3A_182 = arith.constant 16 : index
          %get3A_183 = tpu.vector_load %arg20[%get3A_181, %get3A_182] {strides = array<i32>} : memref<128x32xf32, #tpu.memory_space<vmem>>, vector<16xf32>,
          %mul3A_184 = arith.mulf %get3A_183, %gather3A_173 : vector<16xf32>
          %swap3A_185 = arith.index_cast %add3A_171 : i32 to index
          %swap3A_186 = arith.constant 16 : index
          %swap3A_187 = tpu.vector_load %arg20[%swap3A_185, %swap3A_186] {strides = array<i32>} : memref<128x32xf32, #tpu.memory_space<vmem>>, vector<16xf32>,
          tpu.vector_store %arg20[%swap3A_185, %swap3A_186], %mul3A_184 {strides = array<i32>} : memref<128x32xf32, #tpu.memory_space<vmem>>, vector<16xf32>,
          %mul3A_188 = arith.constant 16 : i32
          %mul3A_189 = arith.muli %scan3A_70, %mul3A_188 : i32
          %add3A_190 = arith.constant 6 : i32
          %add3A_191 = arith.addi %mul3A_189, %add3A_190 : i32
          %broadcast_in_dim3A_192 = vector.broadcast %add3A_191 : i32 to vector<16xi32>
          %gather3A_193 = tpu.vector_load_idx %arg19[%broadcast_in_dim3A_192] : memref<128xf32, #tpu.memory_space<vmem>>[vector<16xi32>], vector<16xf32>,
          %get3A_194 = arith.index_cast %add3A_191 : i32 to index
          %get3A_195 = arith.constant 0 : index
          %get3A_196 = tpu.vector_load %arg20[%get3A_194, %get3A_195] {strides = array<i32>} : memref<128x32xf32, #tpu.memory_space<vmem>>, vector<16xf32>,
          %mul3A_197 = arith.mulf %get3A_196, %gather3A_193 : vector<16xf32>
          %swap3A_198 = arith.index_cast %add3A_191 : i32 to index
          %swap3A_199 = arith.constant 0 : index
          %swap3A_200 = tpu.vector_load %arg20[%swap3A_198, %swap3A_199] {strides = array<i32>} : memref<128x32xf32, #tpu.memory_space<vmem>>, vector<16xf32>,
          tpu.vector_store %arg20[%swap3A_198, %swap3A_199], %mul3A_197 {strides = array<i32>} : memref<128x32xf32, #tpu.memory_space<vmem>>, vector<16xf32>,
          %get3A_201 = arith.index_cast %add3A_191 : i32 to index
          %get3A_202 = arith.constant 16 : index
          %get3A_203 = tpu.vector_load %arg20[%get3A_201, %get3A_202] {strides = array<i32>} : memref<128x32xf32, #tpu.memory_space<vmem>>, vector<16xf32>,
          %mul3A_204 = arith.mulf %get3A_203, %gather3A_193 : vector<16xf32>
          %swap3A_205 = arith.index_cast %add3A_191 : i32 to index
          %swap3A_206 = arith.constant 16 : index
          %swap3A_207 = tpu.vector_load %arg20[%swap3A_205, %swap3A_206] {strides = array<i32>} : memref<128x32xf32, #tpu.memory_space<vmem>>, vector<16xf32>,
          tpu.vector_store %arg20[%swap3A_205, %swap3A_206], %mul3A_204 {strides = array<i32>} : memref<128x32xf32, #tpu.memory_space<vmem>>, vector<16xf32>,
          %mul3A_208 = arith.constant 16 : i32
          %mul3A_209 = arith.muli %scan3A_70, %mul3A_208 : i32
          %add3A_210 = arith.constant 7 : i32
          %add3A_211 = arith.addi %mul3A_209, %add3A_210 : i32
          %broadcast_in_dim3A_212 = vector.broadcast %add3A_211 : i32 to vector<16xi32>
          %gather3A_213 = tpu.vector_load_idx %arg19[%broadcast_in_dim3A_212] : memref<128xf32, #tpu.memory_space<vmem>>[vector<16xi32>], vector<16xf32>,
          %get3A_214 = arith.index_cast %add3A_211 : i32 to index
          %get3A_215 = arith.constant 0 : index
          %get3A_216 = tpu.vector_load %arg20[%get3A_214, %get3A_215] {strides = array<i32>} : memref<128x32xf32, #tpu.memory_space<vmem>>, vector<16xf32>,
          %mul3A_217 = arith.mulf %get3A_216, %gather3A_213 : vector<16xf32>
          %swap3A_218 = arith.index_cast %add3A_211 : i32 to index
          %swap3A_219 = arith.constant 0 : index
          %swap3A_220 = tpu.vector_load %arg20[%swap3A_218, %swap3A_219] {strides = array<i32>} : memref<128x32xf32, #tpu.memory_space<vmem>>, vector<16xf32>,
          tpu.vector_store %arg20[%swap3A_218, %swap3A_219], %mul3A_217 {strides = array<i32>} : memref<128x32xf32, #tpu.memory_space<vmem>>, vector<16xf32>,
          %get3A_221 = arith.index_cast %add3A_211 : i32 to index
          %get3A_222 = arith.constant 16 : index
          %get3A_223 = tpu.vector_load %arg20[%get3A_221, %get3A_222] {strides = array<i32>} : memref<128x32xf32, #tpu.memory_space<vmem>>, vector<16xf32>,
          %mul3A_224 = arith.mulf %get3A_223, %gather3A_213 : vector<16xf32>
          %swap3A_225 = arith.index_cast %add3A_211 : i32 to index
          %swap3A_226 = arith.constant 16 : index
          %swap3A_227 = tpu.vector_load %arg20[%swap3A_225, %swap3A_226] {strides = array<i32>} : memref<128x32xf32, #tpu.memory_space<vmem>>, vector<16xf32>,
          tpu.vector_store %arg20[%swap3A_225, %swap3A_226], %mul3A_224 {strides = array<i32>} : memref<128x32xf32, #tpu.memory_space<vmem>>, vector<16xf32>,
          %mul3A_228 = arith.constant 16 : i32
          %mul3A_229 = arith.muli %scan3A_70, %mul3A_228 : i32
          %add3A_230 = arith.constant 8 : i32
          %add3A_231 = arith.addi %mul3A_229, %add3A_230 : i32
          %broadcast_in_dim3A_232 = vector.broadcast %add3A_231 : i32 to vector<16xi32>
          %gather3A_233 = tpu.vector_load_idx %arg19[%broadcast_in_dim3A_232] : memref<128xf32, #tpu.memory_space<vmem>>[vector<16xi32>], vector<16xf32>,
          %get3A_234 = arith.index_cast %add3A_231 : i32 to index
          %get3A_235 = arith.constant 0 : index
          %get3A_236 = tpu.vector_load %arg20[%get3A_234, %get3A_235] {strides = array<i32>} : memref<128x32xf32, #tpu.memory_space<vmem>>, vector<16xf32>,
          %mul3A_237 = arith.mulf %get3A_236, %gather3A_233 : vector<16xf32>
          %swap3A_238 = arith.index_cast %add3A_231 : i32 to index
          %swap3A_239 = arith.constant 0 : index
          %swap3A_240 = tpu.vector_load %arg20[%swap3A_238, %swap3A_239] {strides = array<i32>} : memref<128x32xf32, #tpu.memory_space<vmem>>, vector<16xf32>,
          tpu.vector_store %arg20[%swap3A_238, %swap3A_239], %mul3A_237 {strides = array<i32>} : memref<128x32xf32, #tpu.memory_space<vmem>>, vector<16xf32>,
          %get3A_241 = arith.index_cast %add3A_231 : i32 to index
          %get3A_242 = arith.constant 16 : index
          %get3A_243 = tpu.vector_load %arg20[%get3A_241, %get3A_242] {strides = array<i32>} : memref<128x32xf32, #tpu.memory_space<vmem>>, vector<16xf32>,
          %mul3A_244 = arith.mulf %get3A_243, %gather3A_233 : vector<16xf32>
          %swap3A_245 = arith.index_cast %add3A_231 : i32 to index
          %swap3A_246 = arith.constant 16 : index
          %swap3A_247 = tpu.vector_load %arg20[%swap3A_245, %swap3A_246] {strides = array<i32>} : memref<128x32xf32, #tpu.memory_space<vmem>>, vector<16xf32>,
          tpu.vector_store %arg20[%swap3A_245, %swap3A_246], %mul3A_244 {strides = array<i32>} : memref<128x32xf32, #tpu.memory_space<vmem>>, vector<16xf32>,
          %mul3A_248 = arith.constant 16 : i32
          %mul3A_249 = arith.muli %scan3A_70, %mul3A_248 : i32
          %add3A_250 = arith.constant 9 : i32
          %add3A_251 = arith.addi %mul3A_249, %add3A_250 : i32
          %broadcast_in_dim3A_252 = vector.broadcast %add3A_251 : i32 to vector<16xi32>
          %gather3A_253 = tpu.vector_load_idx %arg19[%broadcast_in_dim3A_252] : memref<128xf32, #tpu.memory_space<vmem>>[vector<16xi32>], vector<16xf32>,
          %get3A_254 = arith.index_cast %add3A_251 : i32 to index
          %get3A_255 = arith.constant 0 : index
          %get3A_256 = tpu.vector_load %arg20[%get3A_254, %get3A_255] {strides = array<i32>} : memref<128x32xf32, #tpu.memory_space<vmem>>, vector<16xf32>,
          %mul3A_257 = arith.mulf %get3A_256, %gather3A_253 : vector<16xf32>
          %swap3A_258 = arith.index_cast %add3A_251 : i32 to index
          %swap3A_259 = arith.constant 0 : index
          %swap3A_260 = tpu.vector_load %arg20[%swap3A_258, %swap3A_259] {strides = array<i32>} : memref<128x32xf32, #tpu.memory_space<vmem>>, vector<16xf32>,
          tpu.vector_store %arg20[%swap3A_258, %swap3A_259], %mul3A_257 {strides = array<i32>} : memref<128x32xf32, #tpu.memory_space<vmem>>, vector<16xf32>,
          %get3A_261 = arith.index_cast %add3A_251 : i32 to index
          %get3A_262 = arith.constant 16 : index
          %get3A_263 = tpu.vector_load %arg20[%get3A_261, %get3A_262] {strides = array<i32>} : memref<128x32xf32, #tpu.memory_space<vmem>>, vector<16xf32>,
          %mul3A_264 = arith.mulf %get3A_263, %gather3A_253 : vector<16xf32>
          %swap3A_265 = arith.index_cast %add3A_251 : i32 to index
          %swap3A_266 = arith.constant 16 : index
          %swap3A_267 = tpu.vector_load %arg20[%swap3A_265, %swap3A_266] {strides = array<i32>} : memref<128x32xf32, #tpu.memory_space<vmem>>, vector<16xf32>,
          tpu.vector_store %arg20[%swap3A_265, %swap3A_266], %mul3A_264 {strides = array<i32>} : memref<128x32xf32, #tpu.memory_space<vmem>>, vector<16xf32>,
          %mul3A_268 = arith.constant 16 : i32
          %mul3A_269 = arith.muli %scan3A_70, %mul3A_268 : i32
          %add3A_270 = arith.constant 10 : i32
          %add3A_271 = arith.addi %mul3A_269, %add3A_270 : i32
          %broadcast_in_dim3A_272 = vector.broadcast %add3A_271 : i32 to vector<16xi32>
          %gather3A_273 = tpu.vector_load_idx %arg19[%broadcast_in_dim3A_272] : memref<128xf32, #tpu.memory_space<vmem>>[vector<16xi32>], vector<16xf32>,
          %get3A_274 = arith.index_cast %add3A_271 : i32 to index
          %get3A_275 = arith.constant 0 : index
          %get3A_276 = tpu.vector_load %arg20[%get3A_274, %get3A_275] {strides = array<i32>} : memref<128x32xf32, #tpu.memory_space<vmem>>, vector<16xf32>,
          %mul3A_277 = arith.mulf %get3A_276, %gather3A_273 : vector<16xf32>
          %swap3A_278 = arith.index_cast %add3A_271 : i32 to index
          %swap3A_279 = arith.constant 0 : index
          %swap3A_280 = tpu.vector_load %arg20[%swap3A_278, %swap3A_279] {strides = array<i32>} : memref<128x32xf32, #tpu.memory_space<vmem>>, vector<16xf32>,
          tpu.vector_store %arg20[%swap3A_278, %swap3A_279], %mul3A_277 {strides = array<i32>} : memref<128x32xf32, #tpu.memory_space<vmem>>, vector<16xf32>,
          %get3A_281 = arith.index_cast %add3A_271 : i32 to index
          %get3A_282 = arith.constant 16 : index
          %get3A_283 = tpu.vector_load %arg20[%get3A_281, %get3A_282] {strides = array<i32>} : memref<128x32xf32, #tpu.memory_space<vmem>>, vector<16xf32>,
          %mul3A_284 = arith.mulf %get3A_283, %gather3A_273 : vector<16xf32>
          %swap3A_285 = arith.index_cast %add3A_271 : i32 to index
          %swap3A_286 = arith.constant 16 : index
          %swap3A_287 = tpu.vector_load %arg20[%swap3A_285, %swap3A_286] {strides = array<i32>} : memref<128x32xf32, #tpu.memory_space<vmem>>, vector<16xf32>,
          tpu.vector_store %arg20[%swap3A_285, %swap3A_286], %mul3A_284 {strides = array<i32>} : memref<128x32xf32, #tpu.memory_space<vmem>>, vector<16xf32>,
          %mul3A_288 = arith.constant 16 : i32
          %mul3A_289 = arith.muli %scan3A_70, %mul3A_288 : i32
          %add3A_290 = arith.constant 11 : i32
          %add3A_291 = arith.addi %mul3A_289, %add3A_290 : i32
          %broadcast_in_dim3A_292 = vector.broadcast %add3A_291 : i32 to vector<16xi32>
          %gather3A_293 = tpu.vector_load_idx %arg19[%broadcast_in_dim3A_292] : memref<128xf32, #tpu.memory_space<vmem>>[vector<16xi32>], vector<16xf32>,
          %get3A_294 = arith.index_cast %add3A_291 : i32 to index
          %get3A_295 = arith.constant 0 : index
          %get3A_296 = tpu.vector_load %arg20[%get3A_294, %get3A_295] {strides = array<i32>} : memref<128x32xf32, #tpu.memory_space<vmem>>, vector<16xf32>,
          %mul3A_297 = arith.mulf %get3A_296, %gather3A_293 : vector<16xf32>
          %swap3A_298 = arith.index_cast %add3A_291 : i32 to index
          %swap3A_299 = arith.constant 0 : index
          %swap3A_300 = tpu.vector_load %arg20[%swap3A_298, %swap3A_299] {strides = array<i32>} : memref<128x32xf32, #tpu.memory_space<vmem>>, vector<16xf32>,
          tpu.vector_store %arg20[%swap3A_298, %swap3A_299], %mul3A_297 {strides = array<i32>} : memref<128x32xf32, #tpu.memory_space<vmem>>, vector<16xf32>,
          %get3A_301 = arith.index_cast %add3A_291 : i32 to index
          %get3A_302 = arith.constant 16 : index
          %get3A_303 = tpu.vector_load %arg20[%get3A_301, %get3A_302] {strides = array<i32>} : memref<128x32xf32, #tpu.memory_space<vmem>>, vector<16xf32>,
          %mul3A_304 = arith.mulf %get3A_303, %gather3A_293 : vector<16xf32>
          %swap3A_305 = arith.index_cast %add3A_291 : i32 to index
          %swap3A_306 = arith.constant 16 : index
          %swap3A_307 = tpu.vector_load %arg20[%swap3A_305, %swap3A_306] {strides = array<i32>} : memref<128x32xf32, #tpu.memory_space<vmem>>, vector<16xf32>,
          tpu.vector_store %arg20[%swap3A_305, %swap3A_306], %mul3A_304 {strides = array<i32>} : memref<128x32xf32, #tpu.memory_space<vmem>>, vector<16xf32>,
          %mul3A_308 = arith.constant 16 : i32
          %mul3A_309 = arith.muli %scan3A_70, %mul3A_308 : i32
          %add3A_310 = arith.constant 12 : i32
          %add3A_311 = arith.addi %mul3A_309, %add3A_310 : i32
          %broadcast_in_dim3A_312 = vector.broadcast %add3A_311 : i32 to vector<16xi32>
          %gather3A_313 = tpu.vector_load_idx %arg19[%broadcast_in_dim3A_312] : memref<128xf32, #tpu.memory_space<vmem>>[vector<16xi32>], vector<16xf32>,
          %get3A_314 = arith.index_cast %add3A_311 : i32 to index
          %get3A_315 = arith.constant 0 : index
          %get3A_316 = tpu.vector_load %arg20[%get3A_314, %get3A_315] {strides = array<i32>} : memref<128x32xf32, #tpu.memory_space<vmem>>, vector<16xf32>,
          %mul3A_317 = arith.mulf %get3A_316, %gather3A_313 : vector<16xf32>
          %swap3A_318 = arith.index_cast %add3A_311 : i32 to index
          %swap3A_319 = arith.constant 0 : index
          %swap3A_320 = tpu.vector_load %arg20[%swap3A_318, %swap3A_319] {strides = array<i32>} : memref<128x32xf32, #tpu.memory_space<vmem>>, vector<16xf32>,
          tpu.vector_store %arg20[%swap3A_318, %swap3A_319], %mul3A_317 {strides = array<i32>} : memref<128x32xf32, #tpu.memory_space<vmem>>, vector<16xf32>,
          %get3A_321 = arith.index_cast %add3A_311 : i32 to index
          %get3A_322 = arith.constant 16 : index
          %get3A_323 = tpu.vector_load %arg20[%get3A_321, %get3A_322] {strides = array<i32>} : memref<128x32xf32, #tpu.memory_space<vmem>>, vector<16xf32>,
          %mul3A_324 = arith.mulf %get3A_323, %gather3A_313 : vector<16xf32>
          %swap3A_325 = arith.index_cast %add3A_311 : i32 to index
          %swap3A_326 = arith.constant 16 : index
          %swap3A_327 = tpu.vector_load %arg20[%swap3A_325, %swap3A_326] {strides = array<i32>} : memref<128x32xf32, #tpu.memory_space<vmem>>, vector<16xf32>,
          tpu.vector_store %arg20[%swap3A_325, %swap3A_326], %mul3A_324 {strides = array<i32>} : memref<128x32xf32, #tpu.memory_space<vmem>>, vector<16xf32>,
          %mul3A_328 = arith.constant 16 : i32
          %mul3A_329 = arith.muli %scan3A_70, %mul3A_328 : i32
          %add3A_330 = arith.constant 13 : i32
          %add3A_331 = arith.addi %mul3A_329, %add3A_330 : i32
          %broadcast_in_dim3A_332 = vector.broadcast %add3A_331 : i32 to vector<16xi32>
          %gather3A_333 = tpu.vector_load_idx %arg19[%broadcast_in_dim3A_332] : memref<128xf32, #tpu.memory_space<vmem>>[vector<16xi32>], vector<16xf32>,
          %get3A_334 = arith.index_cast %add3A_331 : i32 to index
          %get3A_335 = arith.constant 0 : index
          %get3A_336 = tpu.vector_load %arg20[%get3A_334, %get3A_335] {strides = array<i32>} : memref<128x32xf32, #tpu.memory_space<vmem>>, vector<16xf32>,
          %mul3A_337 = arith.mulf %get3A_336, %gather3A_333 : vector<16xf32>
          %swap3A_338 = arith.index_cast %add3A_331 : i32 to index
          %swap3A_339 = arith.constant 0 : index
          %swap3A_340 = tpu.vector_load %arg20[%swap3A_338, %swap3A_339] {strides = array<i32>} : memref<128x32xf32, #tpu.memory_space<vmem>>, vector<16xf32>,
          tpu.vector_store %arg20[%swap3A_338, %swap3A_339], %mul3A_337 {strides = array<i32>} : memref<128x32xf32, #tpu.memory_space<vmem>>, vector<16xf32>,
          %get3A_341 = arith.index_cast %add3A_331 : i32 to index
          %get3A_342 = arith.constant 16 : index
          %get3A_343 = tpu.vector_load %arg20[%get3A_341, %get3A_342] {strides = array<i32>} : memref<128x32xf32, #tpu.memory_space<vmem>>, vector<16xf32>,
          %mul3A_344 = arith.mulf %get3A_343, %gather3A_333 : vector<16xf32>
          %swap3A_345 = arith.index_cast %add3A_331 : i32 to index
          %swap3A_346 = arith.constant 16 : index
          %swap3A_347 = tpu.vector_load %arg20[%swap3A_345, %swap3A_346] {strides = array<i32>} : memref<128x32xf32, #tpu.memory_space<vmem>>, vector<16xf32>,
          tpu.vector_store %arg20[%swap3A_345, %swap3A_346], %mul3A_344 {strides = array<i32>} : memref<128x32xf32, #tpu.memory_space<vmem>>, vector<16xf32>,
          %mul3A_348 = arith.constant 16 : i32
          %mul3A_349 = arith.muli %scan3A_70, %mul3A_348 : i32
          %add3A_350 = arith.constant 14 : i32
          %add3A_351 = arith.addi %mul3A_349, %add3A_350 : i32
          %broadcast_in_dim3A_352 = vector.broadcast %add3A_351 : i32 to vector<16xi32>
          %gather3A_353 = tpu.vector_load_idx %arg19[%broadcast_in_dim3A_352] : memref<128xf32, #tpu.memory_space<vmem>>[vector<16xi32>], vector<16xf32>,
          %get3A_354 = arith.index_cast %add3A_351 : i32 to index
          %get3A_355 = arith.constant 0 : index
          %get3A_356 = tpu.vector_load %arg20[%get3A_354, %get3A_355] {strides = array<i32>} : memref<128x32xf32, #tpu.memory_space<vmem>>, vector<16xf32>,
          %mul3A_357 = arith.mulf %get3A_356, %gather3A_353 : vector<16xf32>
          %swap3A_358 = arith.index_cast %add3A_351 : i32 to index
          %swap3A_359 = arith.constant 0 : index
          %swap3A_360 = tpu.vector_load %arg20[%swap3A_358, %swap3A_359] {strides = array<i32>} : memref<128x32xf32, #tpu.memory_space<vmem>>, vector<16xf32>,
          tpu.vector_store %arg20[%swap3A_358, %swap3A_359], %mul3A_357 {strides = array<i32>} : memref<128x32xf32, #tpu.memory_space<vmem>>, vector<16xf32>,
          %get3A_361 = arith.index_cast %add3A_351 : i32 to index
          %get3A_362 = arith.constant 16 : index
          %get3A_363 = tpu.vector_load %arg20[%get3A_361, %get3A_362] {strides = array<i32>} : memref<128x32xf32, #tpu.memory_space<vmem>>, vector<16xf32>,
          %mul3A_364 = arith.mulf %get3A_363, %gather3A_353 : vector<16xf32>
          %swap3A_365 = arith.index_cast %add3A_351 : i32 to index
          %swap3A_366 = arith.constant 16 : index
          %swap3A_367 = tpu.vector_load %arg20[%swap3A_365, %swap3A_366] {strides = array<i32>} : memref<128x32xf32, #tpu.memory_space<vmem>>, vector<16xf32>,
          tpu.vector_store %arg20[%swap3A_365, %swap3A_366], %mul3A_364 {strides = array<i32>} : memref<128x32xf32, #tpu.memory_space<vmem>>, vector<16xf32>,
          %mul3A_368 = arith.constant 16 : i32
          %mul3A_369 = arith.muli %scan3A_70, %mul3A_368 : i32
          %add3A_370 = arith.constant 15 : i32
          %add3A_371 = arith.addi %mul3A_369, %add3A_370 : i32
          %broadcast_in_dim3A_372 = vector.broadcast %add3A_371 : i32 to vector<16xi32>
          %gather3A_373 = tpu.vector_load_idx %arg19[%broadcast_in_dim3A_372] : memref<128xf32, #tpu.memory_space<vmem>>[vector<16xi32>], vector<16xf32>,
          %get3A_374 = arith.index_cast %add3A_371 : i32 to index
          %get3A_375 = arith.constant 0 : index
          %get3A_376 = tpu.vector_load %arg20[%get3A_374, %get3A_375] {strides = array<i32>} : memref<128x32xf32, #tpu.memory_space<vmem>>, vector<16xf32>,
          %mul3A_377 = arith.mulf %get3A_376, %gather3A_373 : vector<16xf32>
          %swap3A_378 = arith.index_cast %add3A_371 : i32 to index
          %swap3A_379 = arith.constant 0 : index
          %swap3A_380 = tpu.vector_load %arg20[%swap3A_378, %swap3A_379] {strides = array<i32>} : memref<128x32xf32, #tpu.memory_space<vmem>>, vector<16xf32>,
          tpu.vector_store %arg20[%swap3A_378, %swap3A_379], %mul3A_377 {strides = array<i32>} : memref<128x32xf32, #tpu.memory_space<vmem>>, vector<16xf32>,
          %get3A_381 = arith.index_cast %add3A_371 : i32 to index
          %get3A_382 = arith.constant 16 : index
          %get3A_383 = tpu.vector_load %arg20[%get3A_381, %get3A_382] {strides = array<i32>} : memref<128x32xf32, #tpu.memory_space<vmem>>, vector<16xf32>,
          %mul3A_384 = arith.mulf %get3A_383, %gather3A_373 : vector<16xf32>
          %swap3A_385 = arith.index_cast %add3A_371 : i32 to index
          %swap3A_386 = arith.constant 16 : index
          %swap3A_387 = tpu.vector_load %arg20[%swap3A_385, %swap3A_386] {strides = array<i32>} : memref<128x32xf32, #tpu.memory_space<vmem>>, vector<16xf32>,
          tpu.vector_store %arg20[%swap3A_385, %swap3A_386], %mul3A_384 {strides = array<i32>} : memref<128x32xf32, #tpu.memory_space<vmem>>, vector<16xf32>,
        }
        %scan3A_64 = arith.constant 8 : i32
        "tpu.region"() ({
          %run_scoped3A = tpu.sem_alloc : memref<!tpu.dma_semaphore, #tpu.memory_space<semaphore_mem>>
          %dma_start3A = tpu.memref_slice %arg15[%mul3A_42] : memref<2048xi32, #tpu.memory_space<vmem>> -> memref<128xi32, #tpu.memory_space<vmem>>
          %dma_start3A_70 = arith.constant 0 : i32
          %dma_start3A_71 = arith.constant 0 : i32
          %dma_start3A_72 = tpu.memref_slice %arg22[%dma_start3A_70, %dma_start3A_71] : memref<50048x32xf32, #tpu.memory_space<vmem_shared>> -> memref<50048x32xf32, #tpu.memory_space<vmem_shared>>
          tpu.enqueue_indirect_dma source(%arg20 : memref<128x32xf32, #tpu.memory_space<vmem>>) target(%dma_start3A_72 : memref<50048x32xf32, #tpu.memory_space<vmem_shared>>) offsets(%dma_start3A : memref<128xi32, #tpu.memory_space<vmem>>) semaphore(%run_scoped3A : memref<!tpu.dma_semaphore, #tpu.memory_space<semaphore_mem>>) {add = true}
          %dma_wait3A = tpu.memref_slice %arg15[%mul3A_42] : memref<2048xi32, #tpu.memory_space<vmem>> -> memref<128xi32, #tpu.memory_space<vmem>>
          %dma_wait3A_73 = arith.constant 0 : i32
          %dma_wait3A_74 = arith.constant 0 : i32
          %dma_wait3A_75 = tpu.memref_slice %arg22[%dma_wait3A_73, %dma_wait3A_74] : memref<50048x32xf32, #tpu.memory_space<vmem_shared>> -> memref<50048x32xf32, #tpu.memory_space<vmem_shared>>
          tpu.wait_indirect_dma semaphore(%run_scoped3A : memref<!tpu.dma_semaphore, #tpu.memory_space<semaphore_mem>>) src(%arg20 : memref<128x32xf32, #tpu.memory_space<vmem>>) dst(%dma_wait3A_75 : memref<50048x32xf32, #tpu.memory_space<vmem_shared>>)
          tpu.yield
        }) : () -> ()
        %eq3A_65 = arith.constant 0 : i32
        %eq3A_66 = arith.cmpi eq, %arg0, %eq3A_65 : i32
        %convert_element_type3A_67 = arith.extui %eq3A_66 : i1 to i32
        %cond3A_68 = arith.constant 0 : i32
        %cond3A_69 = arith.cmpi ne, %convert_element_type3A_67, %cond3A_68 : i32
        scf.if %cond3A_69 {
          "tpu.region"() ({
            %run_scoped3A = tpu.sem_alloc : memref<!tpu.dma_semaphore, #tpu.memory_space<semaphore_mem>>
            %dma_start3A = tpu.memref_slice %arg15[%mul3A_42] : memref<2048xi32, #tpu.memory_space<vmem>> -> memref<128xi32, #tpu.memory_space<vmem>>
            %dma_start3A_70 = arith.constant 0 : i32
            %dma_start3A_71 = tpu.memref_slice %arg23[%dma_start3A_70] : memref<50048xf32, #tpu.memory_space<vmem_shared>> -> memref<50048xf32, #tpu.memory_space<vmem_shared>>
            tpu.enqueue_indirect_dma source(%arg19 : memref<128xf32, #tpu.memory_space<vmem>>) target(%dma_start3A_71 : memref<50048xf32, #tpu.memory_space<vmem_shared>>) offsets(%dma_start3A : memref<128xi32, #tpu.memory_space<vmem>>) semaphore(%run_scoped3A : memref<!tpu.dma_semaphore, #tpu.memory_space<semaphore_mem>>) {add = true}
            %dma_wait3A = tpu.memref_slice %arg15[%mul3A_42] : memref<2048xi32, #tpu.memory_space<vmem>> -> memref<128xi32, #tpu.memory_space<vmem>>
            %dma_wait3A_72 = arith.constant 0 : i32
            %dma_wait3A_73 = tpu.memref_slice %arg23[%dma_wait3A_72] : memref<50048xf32, #tpu.memory_space<vmem_shared>> -> memref<50048xf32, #tpu.memory_space<vmem_shared>>
            tpu.wait_indirect_dma semaphore(%run_scoped3A : memref<!tpu.dma_semaphore, #tpu.memory_space<semaphore_mem>>) src(%arg19 : memref<128xf32, #tpu.memory_space<vmem>>) dst(%dma_wait3A_73 : memref<50048xf32, #tpu.memory_space<vmem_shared>>)
            tpu.yield
          }) : () -> ()
        } else {
        }
      }
      %scan3A_39 = arith.constant 16 : i32
    }
    %scan3A_10 = arith.constant 26 : i32
    %barrier3A_11 = arith.constant 0 : index
    tpu.barrier barrier_id(%barrier3A_11)
    %eq3A_12 = arith.constant 0 : i32
    %eq3A_13 = arith.cmpi eq, %arg0, %eq3A_12 : i32
    %convert_element_type3A_14 = arith.extui %eq3A_13 : i1 to i32
    %cond3A_15 = arith.constant 0 : i32
    %cond3A_16 = arith.cmpi ne, %convert_element_type3A_14, %cond3A_15 : i32
    scf.if %cond3A_16 {
      %run_scoped3A = arith.constant 0 : i32
      "tpu.region"() ({
        %run_scoped3A_29 = tpu.sem_alloc : memref<!tpu.dma_semaphore, #tpu.memory_space<semaphore_mem>>
        %dma_start3A = arith.constant 0 : i32
        %dma_start3A_30 = arith.constant 0 : i32
        %dma_start3A_31 = tpu.memref_slice %arg12[%run_scoped3A, %dma_start3A, %dma_start3A_30] : memref<2x50048x32xf32, #tpu.memory_space<hbm>> -> memref<1x50048x32xf32, #tpu.memory_space<hbm>>
        %dma_start3A_32 = tpu.memref_squeeze %dma_start3A_31 : memref<1x50048x32xf32, #tpu.memory_space<hbm>> -> memref<50048x32xf32, #tpu.memory_space<hbm>>
        %dma_start3A_33 = arith.constant 0 : i32
        %dma_start3A_34 = tpu.memref_slice %dma_start3A_32[%mul3A_0, %dma_start3A_33] : memref<50048x32xf32, #tpu.memory_space<hbm>> -> memref<3128x32xf32, #tpu.memory_space<hbm>>
        %dma_start3A_35 = arith.constant 0 : i32
        %dma_start3A_36 = tpu.memref_slice %arg22[%mul3A_0, %dma_start3A_35] : memref<50048x32xf32, #tpu.memory_space<vmem_shared>> -> memref<3128x32xf32, #tpu.memory_space<vmem_shared>>
        tpu.enqueue_dma source(%dma_start3A_36 : memref<3128x32xf32, #tpu.memory_space<vmem_shared>>) target(%dma_start3A_34 : memref<3128x32xf32, #tpu.memory_space<hbm>>) target_semaphore(%run_scoped3A_29 : memref<!tpu.dma_semaphore, #tpu.memory_space<semaphore_mem>>)
        %dma_wait3A = arith.constant 0 : i32
        %dma_wait3A_37 = arith.constant 0 : i32
        %dma_wait3A_38 = tpu.memref_slice %arg12[%run_scoped3A, %dma_wait3A, %dma_wait3A_37] : memref<2x50048x32xf32, #tpu.memory_space<hbm>> -> memref<1x50048x32xf32, #tpu.memory_space<hbm>>
        %dma_wait3A_39 = tpu.memref_squeeze %dma_wait3A_38 : memref<1x50048x32xf32, #tpu.memory_space<hbm>> -> memref<50048x32xf32, #tpu.memory_space<hbm>>
        %dma_wait3A_40 = arith.constant 0 : i32
        %dma_wait3A_41 = tpu.memref_slice %dma_wait3A_39[%mul3A_0, %dma_wait3A_40] : memref<50048x32xf32, #tpu.memory_space<hbm>> -> memref<3128x32xf32, #tpu.memory_space<hbm>>
        %dma_wait3A_42 = arith.constant 0 : i32
        %dma_wait3A_43 = tpu.memref_slice %arg22[%mul3A_0, %dma_wait3A_42] : memref<50048x32xf32, #tpu.memory_space<vmem_shared>> -> memref<3128x32xf32, #tpu.memory_space<vmem_shared>>
        tpu.wait_dma2 semaphore(%run_scoped3A_29 : memref<!tpu.dma_semaphore, #tpu.memory_space<semaphore_mem>>) src(%dma_wait3A_43 : memref<3128x32xf32, #tpu.memory_space<vmem_shared>>) dst(%dma_wait3A_41 : memref<3128x32xf32, #tpu.memory_space<hbm>>)
        tpu.yield
      }) : () -> ()
    } else {
    }
    %eq3A_17 = arith.constant 1 : i32
    %eq3A_18 = arith.cmpi eq, %arg0, %eq3A_17 : i32
    %convert_element_type3A_19 = arith.extui %eq3A_18 : i1 to i32
    %cond3A_20 = arith.constant 0 : i32
    %cond3A_21 = arith.cmpi ne, %convert_element_type3A_19, %cond3A_20 : i32
    scf.if %cond3A_21 {
      %run_scoped3A = arith.constant 1 : i32
      "tpu.region"() ({
        %run_scoped3A_29 = tpu.sem_alloc : memref<!tpu.dma_semaphore, #tpu.memory_space<semaphore_mem>>
        %dma_start3A = arith.constant 0 : i32
        %dma_start3A_30 = arith.constant 0 : i32
        %dma_start3A_31 = tpu.memref_slice %arg12[%run_scoped3A, %dma_start3A, %dma_start3A_30] : memref<2x50048x32xf32, #tpu.memory_space<hbm>> -> memref<1x50048x32xf32, #tpu.memory_space<hbm>>
        %dma_start3A_32 = tpu.memref_squeeze %dma_start3A_31 : memref<1x50048x32xf32, #tpu.memory_space<hbm>> -> memref<50048x32xf32, #tpu.memory_space<hbm>>
        %dma_start3A_33 = arith.constant 0 : i32
        %dma_start3A_34 = tpu.memref_slice %dma_start3A_32[%mul3A_0, %dma_start3A_33] : memref<50048x32xf32, #tpu.memory_space<hbm>> -> memref<3128x32xf32, #tpu.memory_space<hbm>>
        %dma_start3A_35 = arith.constant 0 : i32
        %dma_start3A_36 = tpu.memref_slice %arg22[%mul3A_0, %dma_start3A_35] : memref<50048x32xf32, #tpu.memory_space<vmem_shared>> -> memref<3128x32xf32, #tpu.memory_space<vmem_shared>>
        tpu.enqueue_dma source(%dma_start3A_36 : memref<3128x32xf32, #tpu.memory_space<vmem_shared>>) target(%dma_start3A_34 : memref<3128x32xf32, #tpu.memory_space<hbm>>) target_semaphore(%run_scoped3A_29 : memref<!tpu.dma_semaphore, #tpu.memory_space<semaphore_mem>>)
        %dma_wait3A = arith.constant 0 : i32
        %dma_wait3A_37 = arith.constant 0 : i32
        %dma_wait3A_38 = tpu.memref_slice %arg12[%run_scoped3A, %dma_wait3A, %dma_wait3A_37] : memref<2x50048x32xf32, #tpu.memory_space<hbm>> -> memref<1x50048x32xf32, #tpu.memory_space<hbm>>
        %dma_wait3A_39 = tpu.memref_squeeze %dma_wait3A_38 : memref<1x50048x32xf32, #tpu.memory_space<hbm>> -> memref<50048x32xf32, #tpu.memory_space<hbm>>
        %dma_wait3A_40 = arith.constant 0 : i32
        %dma_wait3A_41 = tpu.memref_slice %dma_wait3A_39[%mul3A_0, %dma_wait3A_40] : memref<50048x32xf32, #tpu.memory_space<hbm>> -> memref<3128x32xf32, #tpu.memory_space<hbm>>
        %dma_wait3A_42 = arith.constant 0 : i32
        %dma_wait3A_43 = tpu.memref_slice %arg22[%mul3A_0, %dma_wait3A_42] : memref<50048x32xf32, #tpu.memory_space<vmem_shared>> -> memref<3128x32xf32, #tpu.memory_space<vmem_shared>>
        tpu.wait_dma2 semaphore(%run_scoped3A_29 : memref<!tpu.dma_semaphore, #tpu.memory_space<semaphore_mem>>) src(%dma_wait3A_43 : memref<3128x32xf32, #tpu.memory_space<vmem_shared>>) dst(%dma_wait3A_41 : memref<3128x32xf32, #tpu.memory_space<hbm>>)
        tpu.yield
      }) : () -> ()
    } else {
    }
    %eq3A_22 = arith.constant 0 : i32
    %eq3A_23 = arith.cmpi eq, %arg0, %eq3A_22 : i32
    %eq3A_24 = arith.constant 0 : i32
    %eq3A_25 = arith.cmpi eq, %arg1, %eq3A_24 : i32
    %and3A = arith.andi %eq3A_23, %eq3A_25 : i1
    %convert_element_type3A_26 = arith.extui %and3A : i1 to i32
    %cond3A_27 = arith.constant 0 : i32
    %cond3A_28 = arith.cmpi ne, %convert_element_type3A_26, %cond3A_27 : i32
    scf.if %cond3A_28 {
      "tpu.region"() ({
        %run_scoped3A = tpu.sem_alloc : memref<!tpu.dma_semaphore, #tpu.memory_space<semaphore_mem>>
        tpu.enqueue_dma source(%arg23 : memref<50048xf32, #tpu.memory_space<vmem_shared>>) target(%arg13 : memref<50048xf32, #tpu.memory_space<hbm>>) target_semaphore(%run_scoped3A : memref<!tpu.dma_semaphore, #tpu.memory_space<semaphore_mem>>)
        tpu.wait_dma2 semaphore(%run_scoped3A : memref<!tpu.dma_semaphore, #tpu.memory_space<semaphore_mem>>) src(%arg23 : memref<50048xf32, #tpu.memory_space<vmem_shared>>) dst(%arg13 : memref<50048xf32, #tpu.memory_space<hbm>>)
        tpu.yield
      }) : () -> ()
    } else {
    }
    return
  }
}

#map = affine_map<(d0, d1) -> (0)>
#map1 = affine_map<(d0, d1) -> (0, 0)>
#map2 = affine_map<(d0, d1) -> (0, 0, 0)>
module attributes {stable_mosaic.version = 14 : i64} {
  func.func @_edge_sc_body(%arg0: i32, %arg1: i32, %arg2: memref<50000xf32, #tpu.memory_space<hbm>>, %arg3: memref<50000xf32, #tpu.memory_space<hbm>>, %arg4: memref<851968xf32, #tpu.memory_space<hbm>>, %arg5: memref<851968xi32, #tpu.memory_space<hbm>>, %arg6: memref<851968xi32, #tpu.memory_space<hbm>>, %arg7: memref<16xf32, #tpu.memory_space<hbm>>, %arg8: memref<50000x32xf32, #tpu.memory_space<hbm>>, %arg9: memref<50000x32xf32, #tpu.memory_space<hbm>>, %arg10: memref<3128x32xf32, #tpu.memory_space<hbm>>, %arg11: memref<50048xf32, #tpu.memory_space<hbm>>, %arg12: memref<2x50048x32xf32, #tpu.memory_space<hbm>>, %arg13: memref<50048xf32, #tpu.memory_space<hbm>>, %arg14: memref<2048xi32, #tpu.memory_space<vmem>>, %arg15: memref<2048xi32, #tpu.memory_space<vmem>>, %arg16: memref<2048xf32, #tpu.memory_space<vmem>>, %arg17: memref<2048xf32, #tpu.memory_space<vmem>>, %arg18: memref<2048xf32, #tpu.memory_space<vmem>>, %arg19: memref<128xf32, #tpu.memory_space<vmem>>, %arg20: memref<128x32xf32, #tpu.memory_space<vmem>>, %arg21: memref<16xf32, #tpu.memory_space<vmem>>, %arg22: memref<50048x32xf32, #tpu.memory_space<vmem_shared>>, %arg23: memref<50048xf32, #tpu.memory_space<vmem_shared>>) attributes {dimension_semantics = [#tpu.dimension_semantics<core_parallel>, #tpu.dimension_semantics<subcore_parallel>], iteration_bounds = array<i64: 2, 16>, scalar_prefetch = 0 : i64, scratch_operands = 10 : i64, tpu.core_type = #tpu.core_type<sc_vector_subcore>, window_params = [{transform_indices = #map}, {transform_indices = #map}, {transform_indices = #map}, {transform_indices = #map}, {transform_indices = #map}, {transform_indices = #map}, {transform_indices = #map1}, {transform_indices = #map1}, {transform_indices = #map1}, {transform_indices = #map}, {transform_indices = #map2}, {transform_indices = #map}]} {
    "tpu.region"() ({
      %run_scoped3A = tpu.sem_alloc : memref<!tpu.dma_semaphore, #tpu.memory_space<semaphore_mem>>
      tpu.enqueue_dma source(%arg7 : memref<16xf32, #tpu.memory_space<hbm>>) target(%arg21 : memref<16xf32, #tpu.memory_space<vmem>>) target_semaphore(%run_scoped3A : memref<!tpu.dma_semaphore, #tpu.memory_space<semaphore_mem>>)
      tpu.wait_dma2 semaphore(%run_scoped3A : memref<!tpu.dma_semaphore, #tpu.memory_space<semaphore_mem>>) src(%arg7 : memref<16xf32, #tpu.memory_space<hbm>>) dst(%arg21 : memref<16xf32, #tpu.memory_space<vmem>>)
      tpu.yield
    }) : () -> ()
    %mul3A = arith.constant 3128 : i32
    %mul3A_0 = arith.muli %arg1, %mul3A : i32
    "tpu.region"() ({
      %run_scoped3A = tpu.sem_alloc : memref<!tpu.dma_semaphore, #tpu.memory_space<semaphore_mem>>
      %dma_start3A = arith.constant 0 : i32
      %dma_start3A_29 = tpu.memref_slice %arg22[%mul3A_0, %dma_start3A] : memref<50048x32xf32, #tpu.memory_space<vmem_shared>> -> memref<3128x32xf32, #tpu.memory_space<vmem_shared>>
      tpu.enqueue_dma source(%arg10 : memref<3128x32xf32, #tpu.memory_space<hbm>>) target(%dma_start3A_29 : memref<3128x32xf32, #tpu.memory_space<vmem_shared>>) target_semaphore(%run_scoped3A : memref<!tpu.dma_semaphore, #tpu.memory_space<semaphore_mem>>)
      %dma_wait3A = arith.constant 0 : i32
      %dma_wait3A_30 = tpu.memref_slice %arg22[%mul3A_0, %dma_wait3A] : memref<50048x32xf32, #tpu.memory_space<vmem_shared>> -> memref<3128x32xf32, #tpu.memory_space<vmem_shared>>
      tpu.wait_dma2 semaphore(%run_scoped3A : memref<!tpu.dma_semaphore, #tpu.memory_space<semaphore_mem>>) src(%arg10 : memref<3128x32xf32, #tpu.memory_space<hbm>>) dst(%dma_wait3A_30 : memref<3128x32xf32, #tpu.memory_space<vmem_shared>>)
      tpu.yield
    }) : () -> ()
    %eq3A = arith.constant 0 : i32
    %eq3A_1 = arith.cmpi eq, %arg1, %eq3A : i32
    %convert_element_type3A = arith.extui %eq3A_1 : i1 to i32
    %cond3A = arith.constant 0 : i32
    %cond3A_2 = arith.cmpi ne, %convert_element_type3A, %cond3A : i32
    scf.if %cond3A_2 {
      "tpu.region"() ({
        %run_scoped3A = tpu.sem_alloc : memref<!tpu.dma_semaphore, #tpu.memory_space<semaphore_mem>>
        tpu.enqueue_dma source(%arg11 : memref<50048xf32, #tpu.memory_space<hbm>>) target(%arg23 : memref<50048xf32, #tpu.memory_space<vmem_shared>>) target_semaphore(%run_scoped3A : memref<!tpu.dma_semaphore, #tpu.memory_space<semaphore_mem>>)
        tpu.wait_dma2 semaphore(%run_scoped3A : memref<!tpu.dma_semaphore, #tpu.memory_space<semaphore_mem>>) src(%arg11 : memref<50048xf32, #tpu.memory_space<hbm>>) dst(%arg23 : memref<50048xf32, #tpu.memory_space<vmem_shared>>)
        tpu.yield
      }) : () -> ()
    } else {
    }
    %barrier3A = arith.constant 0 : index
    tpu.barrier barrier_id(%barrier3A)
    %get3A = arith.constant 0 : index
    %get3A_3 = tpu.vector_load %arg21[%get3A] {strides = array<i32>} : memref<16xf32, #tpu.memory_space<vmem>>, vector<16xf32>,
    %mul3A_4 = arith.constant 416 : i32
    %mul3A_5 = arith.muli %arg1, %mul3A_4 : i32
    %scan3A = arith.constant 0 : i32
    %scan3A_6 = arith.constant 0 : i32
    %scan3A_7 = arith.constant 26 : i32
    %scan3A_8 = arith.addi %scan3A_6, %scan3A_7 : i32
    %scan3A_9 = arith.constant 1 : i32
    scf.for %scan3A_29 = %scan3A_6 to %scan3A_8 step %scan3A_9  : i32 {
      %mul3A_30 = arith.constant 16 : i32
      %mul3A_31 = arith.muli %scan3A_29, %mul3A_30 : i32
      %add3A = arith.addi %mul3A_5, %mul3A_31 : i32
      %mul3A_32 = arith.constant 128 : i32
      %mul3A_33 = arith.muli %add3A, %mul3A_32 : i32
      "tpu.region"() ({
        %run_scoped3A = tpu.sem_alloc : memref<!tpu.dma_semaphore, #tpu.memory_space<semaphore_mem>>
        %dma_start3A = tpu.memref_slice %arg5[%mul3A_33] : memref<851968xi32, #tpu.memory_space<hbm>> -> memref<2048xi32, #tpu.memory_space<hbm>>
        %dma_start3A_40 = tpu.memref_slice %arg5[%mul3A_33] : memref<851968xi32, #tpu.memory_space<hbm>> -> memref<2048xi32, #tpu.memory_space<hbm>>
        tpu.enqueue_dma source(%dma_start3A_40 : memref<2048xi32, #tpu.memory_space<hbm>>) target(%arg14 : memref<2048xi32, #tpu.memory_space<vmem>>) target_semaphore(%run_scoped3A : memref<!tpu.dma_semaphore, #tpu.memory_space<semaphore_mem>>)
        %dma_wait3A = tpu.memref_slice %arg5[%mul3A_33] : memref<851968xi32, #tpu.memory_space<hbm>> -> memref<2048xi32, #tpu.memory_space<hbm>>
        %dma_wait3A_41 = tpu.memref_slice %arg5[%mul3A_33] : memref<851968xi32, #tpu.memory_space<hbm>> -> memref<2048xi32, #tpu.memory_space<hbm>>
        tpu.wait_dma2 semaphore(%run_scoped3A : memref<!tpu.dma_semaphore, #tpu.memory_space<semaphore_mem>>) src(%dma_wait3A_41 : memref<2048xi32, #tpu.memory_space<hbm>>) dst(%arg14 : memref<2048xi32, #tpu.memory_space<vmem>>)
        tpu.yield
      }) : () -> ()
      "tpu.region"() ({
        %run_scoped3A = tpu.sem_alloc : memref<!tpu.dma_semaphore, #tpu.memory_space<semaphore_mem>>
        %dma_start3A = tpu.memref_slice %arg6[%mul3A_33] : memref<851968xi32, #tpu.memory_space<hbm>> -> memref<2048xi32, #tpu.memory_space<hbm>>
        %dma_start3A_40 = tpu.memref_slice %arg6[%mul3A_33] : memref<851968xi32, #tpu.memory_space<hbm>> -> memref<2048xi32, #tpu.memory_space<hbm>>
        tpu.enqueue_dma source(%dma_start3A_40 : memref<2048xi32, #tpu.memory_space<hbm>>) target(%arg15 : memref<2048xi32, #tpu.memory_space<vmem>>) target_semaphore(%run_scoped3A : memref<!tpu.dma_semaphore, #tpu.memory_space<semaphore_mem>>)
        %dma_wait3A = tpu.memref_slice %arg6[%mul3A_33] : memref<851968xi32, #tpu.memory_space<hbm>> -> memref<2048xi32, #tpu.memory_space<hbm>>
        %dma_wait3A_41 = tpu.memref_slice %arg6[%mul3A_33] : memref<851968xi32, #tpu.memory_space<hbm>> -> memref<2048xi32, #tpu.memory_space<hbm>>
        tpu.wait_dma2 semaphore(%run_scoped3A : memref<!tpu.dma_semaphore, #tpu.memory_space<semaphore_mem>>) src(%dma_wait3A_41 : memref<2048xi32, #tpu.memory_space<hbm>>) dst(%arg15 : memref<2048xi32, #tpu.memory_space<vmem>>)
        tpu.yield
      }) : () -> ()
      "tpu.region"() ({
        %run_scoped3A = tpu.sem_alloc : memref<!tpu.dma_semaphore, #tpu.memory_space<semaphore_mem>>
        %dma_start3A = tpu.memref_slice %arg4[%mul3A_33] : memref<851968xf32, #tpu.memory_space<hbm>> -> memref<2048xf32, #tpu.memory_space<hbm>>
        %dma_start3A_40 = tpu.memref_slice %arg4[%mul3A_33] : memref<851968xf32, #tpu.memory_space<hbm>> -> memref<2048xf32, #tpu.memory_space<hbm>>
        tpu.enqueue_dma source(%dma_start3A_40 : memref<2048xf32, #tpu.memory_space<hbm>>) target(%arg16 : memref<2048xf32, #tpu.memory_space<vmem>>) target_semaphore(%run_scoped3A : memref<!tpu.dma_semaphore, #tpu.memory_space<semaphore_mem>>)
        %dma_wait3A = tpu.memref_slice %arg4[%mul3A_33] : memref<851968xf32, #tpu.memory_space<hbm>> -> memref<2048xf32, #tpu.memory_space<hbm>>
        %dma_wait3A_41 = tpu.memref_slice %arg4[%mul3A_33] : memref<851968xf32, #tpu.memory_space<hbm>> -> memref<2048xf32, #tpu.memory_space<hbm>>
        tpu.wait_dma2 semaphore(%run_scoped3A : memref<!tpu.dma_semaphore, #tpu.memory_space<semaphore_mem>>) src(%dma_wait3A_41 : memref<2048xf32, #tpu.memory_space<hbm>>) dst(%arg16 : memref<2048xf32, #tpu.memory_space<vmem>>)
        tpu.yield
      }) : () -> ()
      "tpu.region"() ({
        %run_scoped3A = tpu.sem_alloc : memref<!tpu.dma_semaphore, #tpu.memory_space<semaphore_mem>>
        %dma_start3A = arith.constant 0 : i32
        %dma_start3A_40 = tpu.memref_slice %arg2[%dma_start3A] : memref<50000xf32, #tpu.memory_space<hbm>> -> memref<50000xf32, #tpu.memory_space<hbm>>
        tpu.enqueue_indirect_dma source(%dma_start3A_40 : memref<50000xf32, #tpu.memory_space<hbm>>) target(%arg17 : memref<2048xf32, #tpu.memory_space<vmem>>) offsets(%arg14 : memref<2048xi32, #tpu.memory_space<vmem>>) semaphore(%run_scoped3A : memref<!tpu.dma_semaphore, #tpu.memory_space<semaphore_mem>>)
        %dma_wait3A = arith.constant 0 : i32
        %dma_wait3A_41 = tpu.memref_slice %arg2[%dma_wait3A] : memref<50000xf32, #tpu.memory_space<hbm>> -> memref<50000xf32, #tpu.memory_space<hbm>>
        tpu.wait_indirect_dma semaphore(%run_scoped3A : memref<!tpu.dma_semaphore, #tpu.memory_space<semaphore_mem>>) src(%dma_wait3A_41 : memref<50000xf32, #tpu.memory_space<hbm>>) dst(%arg17 : memref<2048xf32, #tpu.memory_space<vmem>>)
        tpu.yield
      }) : () -> ()
      "tpu.region"() ({
        %run_scoped3A = tpu.sem_alloc : memref<!tpu.dma_semaphore, #tpu.memory_space<semaphore_mem>>
        %dma_start3A = arith.constant 0 : i32
        %dma_start3A_40 = tpu.memref_slice %arg3[%dma_start3A] : memref<50000xf32, #tpu.memory_space<hbm>> -> memref<50000xf32, #tpu.memory_space<hbm>>
        tpu.enqueue_indirect_dma source(%dma_start3A_40 : memref<50000xf32, #tpu.memory_space<hbm>>) target(%arg18 : memref<2048xf32, #tpu.memory_space<vmem>>) offsets(%arg15 : memref<2048xi32, #tpu.memory_space<vmem>>) semaphore(%run_scoped3A : memref<!tpu.dma_semaphore, #tpu.memory_space<semaphore_mem>>)
        %dma_wait3A = arith.constant 0 : i32
        %dma_wait3A_41 = tpu.memref_slice %arg3[%dma_wait3A] : memref<50000xf32, #tpu.memory_space<hbm>> -> memref<50000xf32, #tpu.memory_space<hbm>>
        tpu.wait_indirect_dma semaphore(%run_scoped3A : memref<!tpu.dma_semaphore, #tpu.memory_space<semaphore_mem>>) src(%dma_wait3A_41 : memref<50000xf32, #tpu.memory_space<hbm>>) dst(%arg18 : memref<2048xf32, #tpu.memory_space<vmem>>)
        tpu.yield
      }) : () -> ()
      %scan3A_34 = arith.constant 0 : i32
      %scan3A_35 = arith.constant 0 : i32
      %scan3A_36 = arith.constant 16 : i32
      %scan3A_37 = arith.addi %scan3A_35, %scan3A_36 : i32
      %scan3A_38 = arith.constant 1 : i32
      scf.for %scan3A_40 = %scan3A_35 to %scan3A_37 step %scan3A_38  : i32 {
        %mul3A_41 = arith.constant 128 : i32
        %mul3A_42 = arith.muli %scan3A_40, %mul3A_41 : i32
        %eq3A_43 = arith.constant 0 : i32
        %eq3A_44 = arith.cmpi eq, %arg0, %eq3A_43 : i32
        %convert_element_type3A_45 = arith.extui %eq3A_44 : i1 to i32
        %cond3A_46 = arith.constant 0 : i32
        %cond3A_47 = arith.cmpi ne, %convert_element_type3A_45, %cond3A_46 : i32
        scf.if %cond3A_47 {
          "tpu.region"() ({
            %run_scoped3A = tpu.sem_alloc : memref<!tpu.dma_semaphore, #tpu.memory_space<semaphore_mem>>
            %dma_start3A = tpu.memref_slice %arg14[%mul3A_42] : memref<2048xi32, #tpu.memory_space<vmem>> -> memref<128xi32, #tpu.memory_space<vmem>>
            %dma_start3A_70 = arith.constant 0 : i32
            %dma_start3A_71 = arith.constant 0 : i32
            %dma_start3A_72 = tpu.memref_slice %arg8[%dma_start3A_70, %dma_start3A_71] : memref<50000x32xf32, #tpu.memory_space<hbm>> -> memref<50000x32xf32, #tpu.memory_space<hbm>>
            tpu.enqueue_indirect_dma source(%dma_start3A_72 : memref<50000x32xf32, #tpu.memory_space<hbm>>) target(%arg20 : memref<128x32xf32, #tpu.memory_space<vmem>>) offsets(%dma_start3A : memref<128xi32, #tpu.memory_space<vmem>>) semaphore(%run_scoped3A : memref<!tpu.dma_semaphore, #tpu.memory_space<semaphore_mem>>)
            %dma_wait3A = tpu.memref_slice %arg14[%mul3A_42] : memref<2048xi32, #tpu.memory_space<vmem>> -> memref<128xi32, #tpu.memory_space<vmem>>
            %dma_wait3A_73 = arith.constant 0 : i32
            %dma_wait3A_74 = arith.constant 0 : i32
            %dma_wait3A_75 = tpu.memref_slice %arg8[%dma_wait3A_73, %dma_wait3A_74] : memref<50000x32xf32, #tpu.memory_space<hbm>> -> memref<50000x32xf32, #tpu.memory_space<hbm>>
            tpu.wait_indirect_dma semaphore(%run_scoped3A : memref<!tpu.dma_semaphore, #tpu.memory_space<semaphore_mem>>) src(%dma_wait3A_75 : memref<50000x32xf32, #tpu.memory_space<hbm>>) dst(%arg20 : memref<128x32xf32, #tpu.memory_space<vmem>>)
            tpu.yield
          }) : () -> ()
        } else {
        }
        %eq3A_48 = arith.constant 1 : i32
        %eq3A_49 = arith.cmpi eq, %arg0, %eq3A_48 : i32
        %convert_element_type3A_50 = arith.extui %eq3A_49 : i1 to i32
        %cond3A_51 = arith.constant 0 : i32
        %cond3A_52 = arith.cmpi ne, %convert_element_type3A_50, %cond3A_51 : i32
        scf.if %cond3A_52 {
          "tpu.region"() ({
            %run_scoped3A = tpu.sem_alloc : memref<!tpu.dma_semaphore, #tpu.memory_space<semaphore_mem>>
            %dma_start3A = tpu.memref_slice %arg14[%mul3A_42] : memref<2048xi32, #tpu.memory_space<vmem>> -> memref<128xi32, #tpu.memory_space<vmem>>
            %dma_start3A_70 = arith.constant 0 : i32
            %dma_start3A_71 = arith.constant 0 : i32
            %dma_start3A_72 = tpu.memref_slice %arg9[%dma_start3A_70, %dma_start3A_71] : memref<50000x32xf32, #tpu.memory_space<hbm>> -> memref<50000x32xf32, #tpu.memory_space<hbm>>
            tpu.enqueue_indirect_dma source(%dma_start3A_72 : memref<50000x32xf32, #tpu.memory_space<hbm>>) target(%arg20 : memref<128x32xf32, #tpu.memory_space<vmem>>) offsets(%dma_start3A : memref<128xi32, #tpu.memory_space<vmem>>) semaphore(%run_scoped3A : memref<!tpu.dma_semaphore, #tpu.memory_space<semaphore_mem>>)
            %dma_wait3A = tpu.memref_slice %arg14[%mul3A_42] : memref<2048xi32, #tpu.memory_space<vmem>> -> memref<128xi32, #tpu.memory_space<vmem>>
            %dma_wait3A_73 = arith.constant 0 : i32
            %dma_wait3A_74 = arith.constant 0 : i32
            %dma_wait3A_75 = tpu.memref_slice %arg9[%dma_wait3A_73, %dma_wait3A_74] : memref<50000x32xf32, #tpu.memory_space<hbm>> -> memref<50000x32xf32, #tpu.memory_space<hbm>>
            tpu.wait_indirect_dma semaphore(%run_scoped3A : memref<!tpu.dma_semaphore, #tpu.memory_space<semaphore_mem>>) src(%dma_wait3A_75 : memref<50000x32xf32, #tpu.memory_space<hbm>>) dst(%arg20 : memref<128x32xf32, #tpu.memory_space<vmem>>)
            tpu.yield
          }) : () -> ()
        } else {
        }
        %scan3A_53 = arith.constant 0 : i32
        %scan3A_54 = arith.constant 0 : i32
        %scan3A_55 = arith.constant 8 : i32
        %scan3A_56 = arith.addi %scan3A_54, %scan3A_55 : i32
        %scan3A_57 = arith.constant 1 : i32
        scf.for %scan3A_70 = %scan3A_54 to %scan3A_56 step %scan3A_57  : i32 {
          %mul3A_71 = arith.constant 128 : i32
          %mul3A_72 = arith.muli %scan3A_40, %mul3A_71 : i32
          %mul3A_73 = arith.constant 16 : i32
          %mul3A_74 = arith.muli %scan3A_70, %mul3A_73 : i32
          %add3A_75 = arith.addi %mul3A_72, %mul3A_74 : i32
          %get3A_76 = arith.index_cast %add3A_75 : i32 to index
          %get3A_77 = tpu.vector_load %arg17[%get3A_76] {strides = array<i32>} : memref<2048xf32, #tpu.memory_space<vmem>>, vector<16xf32>,
          %get3A_78 = arith.index_cast %add3A_75 : i32 to index
          %get3A_79 = tpu.vector_load %arg18[%get3A_78] {strides = array<i32>} : memref<2048xf32, #tpu.memory_space<vmem>>, vector<16xf32>,
          %add3A_80 = arith.addf %get3A_77, %get3A_79 : vector<16xf32>
          %get3A_81 = arith.index_cast %add3A_75 : i32 to index
          %get3A_82 = tpu.vector_load %arg16[%get3A_81] {strides = array<i32>} : memref<2048xf32, #tpu.memory_space<vmem>>, vector<16xf32>,
          %add3A_83 = arith.addf %add3A_80, %get3A_82 : vector<16xf32>
          %mul3A_84 = arith.constant 2.000000e-01 : f32
          %mul3A_85 = vector.broadcast %mul3A_84 : f32 to vector<16xf32>
          %mul3A_86 = arith.mulf %mul3A_85, %add3A_83 : vector<16xf32>
          %max3A = arith.maximumf %add3A_83, %mul3A_86 : vector<16xf32>
          %sub3A = arith.subf %max3A, %get3A_3 : vector<16xf32>
          %exp3A = math.exp %sub3A : vector<16xf32>
          %mul3A_87 = arith.constant 16 : i32
          %mul3A_88 = arith.muli %scan3A_70, %mul3A_87 : i32
          %swap3A = arith.index_cast %mul3A_88 : i32 to index
          %swap3A_89 = tpu.vector_load %arg19[%swap3A] {strides = array<i32>} : memref<128xf32, #tpu.memory_space<vmem>>, vector<16xf32>,
          tpu.vector_store %arg19[%swap3A], %exp3A {strides = array<i32>} : memref<128xf32, #tpu.memory_space<vmem>>, vector<16xf32>,
        }
        %scan3A_58 = arith.constant 8 : i32
        %scan3A_59 = arith.constant 0 : i32
        %scan3A_60 = arith.constant 0 : i32
        %scan3A_61 = arith.constant 8 : i32
        %scan3A_62 = arith.addi %scan3A_60, %scan3A_61 : i32
        %scan3A_63 = arith.constant 1 : i32
        scf.for %scan3A_70 = %scan3A_60 to %scan3A_62 step %scan3A_63  : i32 {
          %mul3A_71 = arith.constant 16 : i32
          %mul3A_72 = arith.muli %scan3A_70, %mul3A_71 : i32
          %add3A_73 = arith.constant 0 : i32
          %add3A_74 = arith.addi %mul3A_72, %add3A_73 : i32
          %broadcast_in_dim3A = vector.broadcast %add3A_74 : i32 to vector<16xi32>
          %gather3A = tpu.vector_load_idx %arg19[%broadcast_in_dim3A] : memref<128xf32, #tpu.memory_space<vmem>>[vector<16xi32>], vector<16xf32>,
          %get3A_75 = arith.index_cast %add3A_74 : i32 to index
          %get3A_76 = arith.constant 0 : index
          %get3A_77 = tpu.vector_load %arg20[%get3A_75, %get3A_76] {strides = array<i32>} : memref<128x32xf32, #tpu.memory_space<vmem>>, vector<16xf32>,
          %mul3A_78 = arith.mulf %get3A_77, %gather3A : vector<16xf32>
          %swap3A = arith.index_cast %add3A_74 : i32 to index
          %swap3A_79 = arith.constant 0 : index
          %swap3A_80 = tpu.vector_load %arg20[%swap3A, %swap3A_79] {strides = array<i32>} : memref<128x32xf32, #tpu.memory_space<vmem>>, vector<16xf32>,
          tpu.vector_store %arg20[%swap3A, %swap3A_79], %mul3A_78 {strides = array<i32>} : memref<128x32xf32, #tpu.memory_space<vmem>>, vector<16xf32>,
          %get3A_81 = arith.index_cast %add3A_74 : i32 to index
          %get3A_82 = arith.constant 16 : index
          %get3A_83 = tpu.vector_load %arg20[%get3A_81, %get3A_82] {strides = array<i32>} : memref<128x32xf32, #tpu.memory_space<vmem>>, vector<16xf32>,
          %mul3A_84 = arith.mulf %get3A_83, %gather3A : vector<16xf32>
          %swap3A_85 = arith.index_cast %add3A_74 : i32 to index
          %swap3A_86 = arith.constant 16 : index
          %swap3A_87 = tpu.vector_load %arg20[%swap3A_85, %swap3A_86] {strides = array<i32>} : memref<128x32xf32, #tpu.memory_space<vmem>>, vector<16xf32>,
          tpu.vector_store %arg20[%swap3A_85, %swap3A_86], %mul3A_84 {strides = array<i32>} : memref<128x32xf32, #tpu.memory_space<vmem>>, vector<16xf32>,
          %mul3A_88 = arith.constant 16 : i32
          %mul3A_89 = arith.muli %scan3A_70, %mul3A_88 : i32
          %add3A_90 = arith.constant 1 : i32
          %add3A_91 = arith.addi %mul3A_89, %add3A_90 : i32
          %broadcast_in_dim3A_92 = vector.broadcast %add3A_91 : i32 to vector<16xi32>
          %gather3A_93 = tpu.vector_load_idx %arg19[%broadcast_in_dim3A_92] : memref<128xf32, #tpu.memory_space<vmem>>[vector<16xi32>], vector<16xf32>,
          %get3A_94 = arith.index_cast %add3A_91 : i32 to index
          %get3A_95 = arith.constant 0 : index
          %get3A_96 = tpu.vector_load %arg20[%get3A_94, %get3A_95] {strides = array<i32>} : memref<128x32xf32, #tpu.memory_space<vmem>>, vector<16xf32>,
          %mul3A_97 = arith.mulf %get3A_96, %gather3A_93 : vector<16xf32>
          %swap3A_98 = arith.index_cast %add3A_91 : i32 to index
          %swap3A_99 = arith.constant 0 : index
          %swap3A_100 = tpu.vector_load %arg20[%swap3A_98, %swap3A_99] {strides = array<i32>} : memref<128x32xf32, #tpu.memory_space<vmem>>, vector<16xf32>,
          tpu.vector_store %arg20[%swap3A_98, %swap3A_99], %mul3A_97 {strides = array<i32>} : memref<128x32xf32, #tpu.memory_space<vmem>>, vector<16xf32>,
          %get3A_101 = arith.index_cast %add3A_91 : i32 to index
          %get3A_102 = arith.constant 16 : index
          %get3A_103 = tpu.vector_load %arg20[%get3A_101, %get3A_102] {strides = array<i32>} : memref<128x32xf32, #tpu.memory_space<vmem>>, vector<16xf32>,
          %mul3A_104 = arith.mulf %get3A_103, %gather3A_93 : vector<16xf32>
          %swap3A_105 = arith.index_cast %add3A_91 : i32 to index
          %swap3A_106 = arith.constant 16 : index
          %swap3A_107 = tpu.vector_load %arg20[%swap3A_105, %swap3A_106] {strides = array<i32>} : memref<128x32xf32, #tpu.memory_space<vmem>>, vector<16xf32>,
          tpu.vector_store %arg20[%swap3A_105, %swap3A_106], %mul3A_104 {strides = array<i32>} : memref<128x32xf32, #tpu.memory_space<vmem>>, vector<16xf32>,
          %mul3A_108 = arith.constant 16 : i32
          %mul3A_109 = arith.muli %scan3A_70, %mul3A_108 : i32
          %add3A_110 = arith.constant 2 : i32
          %add3A_111 = arith.addi %mul3A_109, %add3A_110 : i32
          %broadcast_in_dim3A_112 = vector.broadcast %add3A_111 : i32 to vector<16xi32>
          %gather3A_113 = tpu.vector_load_idx %arg19[%broadcast_in_dim3A_112] : memref<128xf32, #tpu.memory_space<vmem>>[vector<16xi32>], vector<16xf32>,
          %get3A_114 = arith.index_cast %add3A_111 : i32 to index
          %get3A_115 = arith.constant 0 : index
          %get3A_116 = tpu.vector_load %arg20[%get3A_114, %get3A_115] {strides = array<i32>} : memref<128x32xf32, #tpu.memory_space<vmem>>, vector<16xf32>,
          %mul3A_117 = arith.mulf %get3A_116, %gather3A_113 : vector<16xf32>
          %swap3A_118 = arith.index_cast %add3A_111 : i32 to index
          %swap3A_119 = arith.constant 0 : index
          %swap3A_120 = tpu.vector_load %arg20[%swap3A_118, %swap3A_119] {strides = array<i32>} : memref<128x32xf32, #tpu.memory_space<vmem>>, vector<16xf32>,
          tpu.vector_store %arg20[%swap3A_118, %swap3A_119], %mul3A_117 {strides = array<i32>} : memref<128x32xf32, #tpu.memory_space<vmem>>, vector<16xf32>,
          %get3A_121 = arith.index_cast %add3A_111 : i32 to index
          %get3A_122 = arith.constant 16 : index
          %get3A_123 = tpu.vector_load %arg20[%get3A_121, %get3A_122] {strides = array<i32>} : memref<128x32xf32, #tpu.memory_space<vmem>>, vector<16xf32>,
          %mul3A_124 = arith.mulf %get3A_123, %gather3A_113 : vector<16xf32>
          %swap3A_125 = arith.index_cast %add3A_111 : i32 to index
          %swap3A_126 = arith.constant 16 : index
          %swap3A_127 = tpu.vector_load %arg20[%swap3A_125, %swap3A_126] {strides = array<i32>} : memref<128x32xf32, #tpu.memory_space<vmem>>, vector<16xf32>,
          tpu.vector_store %arg20[%swap3A_125, %swap3A_126], %mul3A_124 {strides = array<i32>} : memref<128x32xf32, #tpu.memory_space<vmem>>, vector<16xf32>,
          %mul3A_128 = arith.constant 16 : i32
          %mul3A_129 = arith.muli %scan3A_70, %mul3A_128 : i32
          %add3A_130 = arith.constant 3 : i32
          %add3A_131 = arith.addi %mul3A_129, %add3A_130 : i32
          %broadcast_in_dim3A_132 = vector.broadcast %add3A_131 : i32 to vector<16xi32>
          %gather3A_133 = tpu.vector_load_idx %arg19[%broadcast_in_dim3A_132] : memref<128xf32, #tpu.memory_space<vmem>>[vector<16xi32>], vector<16xf32>,
          %get3A_134 = arith.index_cast %add3A_131 : i32 to index
          %get3A_135 = arith.constant 0 : index
          %get3A_136 = tpu.vector_load %arg20[%get3A_134, %get3A_135] {strides = array<i32>} : memref<128x32xf32, #tpu.memory_space<vmem>>, vector<16xf32>,
          %mul3A_137 = arith.mulf %get3A_136, %gather3A_133 : vector<16xf32>
          %swap3A_138 = arith.index_cast %add3A_131 : i32 to index
          %swap3A_139 = arith.constant 0 : index
          %swap3A_140 = tpu.vector_load %arg20[%swap3A_138, %swap3A_139] {strides = array<i32>} : memref<128x32xf32, #tpu.memory_space<vmem>>, vector<16xf32>,
          tpu.vector_store %arg20[%swap3A_138, %swap3A_139], %mul3A_137 {strides = array<i32>} : memref<128x32xf32, #tpu.memory_space<vmem>>, vector<16xf32>,
          %get3A_141 = arith.index_cast %add3A_131 : i32 to index
          %get3A_142 = arith.constant 16 : index
          %get3A_143 = tpu.vector_load %arg20[%get3A_141, %get3A_142] {strides = array<i32>} : memref<128x32xf32, #tpu.memory_space<vmem>>, vector<16xf32>,
          %mul3A_144 = arith.mulf %get3A_143, %gather3A_133 : vector<16xf32>
          %swap3A_145 = arith.index_cast %add3A_131 : i32 to index
          %swap3A_146 = arith.constant 16 : index
          %swap3A_147 = tpu.vector_load %arg20[%swap3A_145, %swap3A_146] {strides = array<i32>} : memref<128x32xf32, #tpu.memory_space<vmem>>, vector<16xf32>,
          tpu.vector_store %arg20[%swap3A_145, %swap3A_146], %mul3A_144 {strides = array<i32>} : memref<128x32xf32, #tpu.memory_space<vmem>>, vector<16xf32>,
          %mul3A_148 = arith.constant 16 : i32
          %mul3A_149 = arith.muli %scan3A_70, %mul3A_148 : i32
          %add3A_150 = arith.constant 4 : i32
          %add3A_151 = arith.addi %mul3A_149, %add3A_150 : i32
          %broadcast_in_dim3A_152 = vector.broadcast %add3A_151 : i32 to vector<16xi32>
          %gather3A_153 = tpu.vector_load_idx %arg19[%broadcast_in_dim3A_152] : memref<128xf32, #tpu.memory_space<vmem>>[vector<16xi32>], vector<16xf32>,
          %get3A_154 = arith.index_cast %add3A_151 : i32 to index
          %get3A_155 = arith.constant 0 : index
          %get3A_156 = tpu.vector_load %arg20[%get3A_154, %get3A_155] {strides = array<i32>} : memref<128x32xf32, #tpu.memory_space<vmem>>, vector<16xf32>,
          %mul3A_157 = arith.mulf %get3A_156, %gather3A_153 : vector<16xf32>
          %swap3A_158 = arith.index_cast %add3A_151 : i32 to index
          %swap3A_159 = arith.constant 0 : index
          %swap3A_160 = tpu.vector_load %arg20[%swap3A_158, %swap3A_159] {strides = array<i32>} : memref<128x32xf32, #tpu.memory_space<vmem>>, vector<16xf32>,
          tpu.vector_store %arg20[%swap3A_158, %swap3A_159], %mul3A_157 {strides = array<i32>} : memref<128x32xf32, #tpu.memory_space<vmem>>, vector<16xf32>,
          %get3A_161 = arith.index_cast %add3A_151 : i32 to index
          %get3A_162 = arith.constant 16 : index
          %get3A_163 = tpu.vector_load %arg20[%get3A_161, %get3A_162] {strides = array<i32>} : memref<128x32xf32, #tpu.memory_space<vmem>>, vector<16xf32>,
          %mul3A_164 = arith.mulf %get3A_163, %gather3A_153 : vector<16xf32>
          %swap3A_165 = arith.index_cast %add3A_151 : i32 to index
          %swap3A_166 = arith.constant 16 : index
          %swap3A_167 = tpu.vector_load %arg20[%swap3A_165, %swap3A_166] {strides = array<i32>} : memref<128x32xf32, #tpu.memory_space<vmem>>, vector<16xf32>,
          tpu.vector_store %arg20[%swap3A_165, %swap3A_166], %mul3A_164 {strides = array<i32>} : memref<128x32xf32, #tpu.memory_space<vmem>>, vector<16xf32>,
          %mul3A_168 = arith.constant 16 : i32
          %mul3A_169 = arith.muli %scan3A_70, %mul3A_168 : i32
          %add3A_170 = arith.constant 5 : i32
          %add3A_171 = arith.addi %mul3A_169, %add3A_170 : i32
          %broadcast_in_dim3A_172 = vector.broadcast %add3A_171 : i32 to vector<16xi32>
          %gather3A_173 = tpu.vector_load_idx %arg19[%broadcast_in_dim3A_172] : memref<128xf32, #tpu.memory_space<vmem>>[vector<16xi32>], vector<16xf32>,
          %get3A_174 = arith.index_cast %add3A_171 : i32 to index
          %get3A_175 = arith.constant 0 : index
          %get3A_176 = tpu.vector_load %arg20[%get3A_174, %get3A_175] {strides = array<i32>} : memref<128x32xf32, #tpu.memory_space<vmem>>, vector<16xf32>,
          %mul3A_177 = arith.mulf %get3A_176, %gather3A_173 : vector<16xf32>
          %swap3A_178 = arith.index_cast %add3A_171 : i32 to index
          %swap3A_179 = arith.constant 0 : index
          %swap3A_180 = tpu.vector_load %arg20[%swap3A_178, %swap3A_179] {strides = array<i32>} : memref<128x32xf32, #tpu.memory_space<vmem>>, vector<16xf32>,
          tpu.vector_store %arg20[%swap3A_178, %swap3A_179], %mul3A_177 {strides = array<i32>} : memref<128x32xf32, #tpu.memory_space<vmem>>, vector<16xf32>,
          %get3A_181 = arith.index_cast %add3A_171 : i32 to index
          %get3A_182 = arith.constant 16 : index
          %get3A_183 = tpu.vector_load %arg20[%get3A_181, %get3A_182] {strides = array<i32>} : memref<128x32xf32, #tpu.memory_space<vmem>>, vector<16xf32>,
          %mul3A_184 = arith.mulf %get3A_183, %gather3A_173 : vector<16xf32>
          %swap3A_185 = arith.index_cast %add3A_171 : i32 to index
          %swap3A_186 = arith.constant 16 : index
          %swap3A_187 = tpu.vector_load %arg20[%swap3A_185, %swap3A_186] {strides = array<i32>} : memref<128x32xf32, #tpu.memory_space<vmem>>, vector<16xf32>,
          tpu.vector_store %arg20[%swap3A_185, %swap3A_186], %mul3A_184 {strides = array<i32>} : memref<128x32xf32, #tpu.memory_space<vmem>>, vector<16xf32>,
          %mul3A_188 = arith.constant 16 : i32
          %mul3A_189 = arith.muli %scan3A_70, %mul3A_188 : i32
          %add3A_190 = arith.constant 6 : i32
          %add3A_191 = arith.addi %mul3A_189, %add3A_190 : i32
          %broadcast_in_dim3A_192 = vector.broadcast %add3A_191 : i32 to vector<16xi32>
          %gather3A_193 = tpu.vector_load_idx %arg19[%broadcast_in_dim3A_192] : memref<128xf32, #tpu.memory_space<vmem>>[vector<16xi32>], vector<16xf32>,
          %get3A_194 = arith.index_cast %add3A_191 : i32 to index
          %get3A_195 = arith.constant 0 : index
          %get3A_196 = tpu.vector_load %arg20[%get3A_194, %get3A_195] {strides = array<i32>} : memref<128x32xf32, #tpu.memory_space<vmem>>, vector<16xf32>,
          %mul3A_197 = arith.mulf %get3A_196, %gather3A_193 : vector<16xf32>
          %swap3A_198 = arith.index_cast %add3A_191 : i32 to index
          %swap3A_199 = arith.constant 0 : index
          %swap3A_200 = tpu.vector_load %arg20[%swap3A_198, %swap3A_199] {strides = array<i32>} : memref<128x32xf32, #tpu.memory_space<vmem>>, vector<16xf32>,
          tpu.vector_store %arg20[%swap3A_198, %swap3A_199], %mul3A_197 {strides = array<i32>} : memref<128x32xf32, #tpu.memory_space<vmem>>, vector<16xf32>,
          %get3A_201 = arith.index_cast %add3A_191 : i32 to index
          %get3A_202 = arith.constant 16 : index
          %get3A_203 = tpu.vector_load %arg20[%get3A_201, %get3A_202] {strides = array<i32>} : memref<128x32xf32, #tpu.memory_space<vmem>>, vector<16xf32>,
          %mul3A_204 = arith.mulf %get3A_203, %gather3A_193 : vector<16xf32>
          %swap3A_205 = arith.index_cast %add3A_191 : i32 to index
          %swap3A_206 = arith.constant 16 : index
          %swap3A_207 = tpu.vector_load %arg20[%swap3A_205, %swap3A_206] {strides = array<i32>} : memref<128x32xf32, #tpu.memory_space<vmem>>, vector<16xf32>,
          tpu.vector_store %arg20[%swap3A_205, %swap3A_206], %mul3A_204 {strides = array<i32>} : memref<128x32xf32, #tpu.memory_space<vmem>>, vector<16xf32>,
          %mul3A_208 = arith.constant 16 : i32
          %mul3A_209 = arith.muli %scan3A_70, %mul3A_208 : i32
          %add3A_210 = arith.constant 7 : i32
          %add3A_211 = arith.addi %mul3A_209, %add3A_210 : i32
          %broadcast_in_dim3A_212 = vector.broadcast %add3A_211 : i32 to vector<16xi32>
          %gather3A_213 = tpu.vector_load_idx %arg19[%broadcast_in_dim3A_212] : memref<128xf32, #tpu.memory_space<vmem>>[vector<16xi32>], vector<16xf32>,
          %get3A_214 = arith.index_cast %add3A_211 : i32 to index
          %get3A_215 = arith.constant 0 : index
          %get3A_216 = tpu.vector_load %arg20[%get3A_214, %get3A_215] {strides = array<i32>} : memref<128x32xf32, #tpu.memory_space<vmem>>, vector<16xf32>,
          %mul3A_217 = arith.mulf %get3A_216, %gather3A_213 : vector<16xf32>
          %swap3A_218 = arith.index_cast %add3A_211 : i32 to index
          %swap3A_219 = arith.constant 0 : index
          %swap3A_220 = tpu.vector_load %arg20[%swap3A_218, %swap3A_219] {strides = array<i32>} : memref<128x32xf32, #tpu.memory_space<vmem>>, vector<16xf32>,
          tpu.vector_store %arg20[%swap3A_218, %swap3A_219], %mul3A_217 {strides = array<i32>} : memref<128x32xf32, #tpu.memory_space<vmem>>, vector<16xf32>,
          %get3A_221 = arith.index_cast %add3A_211 : i32 to index
          %get3A_222 = arith.constant 16 : index
          %get3A_223 = tpu.vector_load %arg20[%get3A_221, %get3A_222] {strides = array<i32>} : memref<128x32xf32, #tpu.memory_space<vmem>>, vector<16xf32>,
          %mul3A_224 = arith.mulf %get3A_223, %gather3A_213 : vector<16xf32>
          %swap3A_225 = arith.index_cast %add3A_211 : i32 to index
          %swap3A_226 = arith.constant 16 : index
          %swap3A_227 = tpu.vector_load %arg20[%swap3A_225, %swap3A_226] {strides = array<i32>} : memref<128x32xf32, #tpu.memory_space<vmem>>, vector<16xf32>,
          tpu.vector_store %arg20[%swap3A_225, %swap3A_226], %mul3A_224 {strides = array<i32>} : memref<128x32xf32, #tpu.memory_space<vmem>>, vector<16xf32>,
          %mul3A_228 = arith.constant 16 : i32
          %mul3A_229 = arith.muli %scan3A_70, %mul3A_228 : i32
          %add3A_230 = arith.constant 8 : i32
          %add3A_231 = arith.addi %mul3A_229, %add3A_230 : i32
          %broadcast_in_dim3A_232 = vector.broadcast %add3A_231 : i32 to vector<16xi32>
          %gather3A_233 = tpu.vector_load_idx %arg19[%broadcast_in_dim3A_232] : memref<128xf32, #tpu.memory_space<vmem>>[vector<16xi32>], vector<16xf32>,
          %get3A_234 = arith.index_cast %add3A_231 : i32 to index
          %get3A_235 = arith.constant 0 : index
          %get3A_236 = tpu.vector_load %arg20[%get3A_234, %get3A_235] {strides = array<i32>} : memref<128x32xf32, #tpu.memory_space<vmem>>, vector<16xf32>,
          %mul3A_237 = arith.mulf %get3A_236, %gather3A_233 : vector<16xf32>
          %swap3A_238 = arith.index_cast %add3A_231 : i32 to index
          %swap3A_239 = arith.constant 0 : index
          %swap3A_240 = tpu.vector_load %arg20[%swap3A_238, %swap3A_239] {strides = array<i32>} : memref<128x32xf32, #tpu.memory_space<vmem>>, vector<16xf32>,
          tpu.vector_store %arg20[%swap3A_238, %swap3A_239], %mul3A_237 {strides = array<i32>} : memref<128x32xf32, #tpu.memory_space<vmem>>, vector<16xf32>,
          %get3A_241 = arith.index_cast %add3A_231 : i32 to index
          %get3A_242 = arith.constant 16 : index
          %get3A_243 = tpu.vector_load %arg20[%get3A_241, %get3A_242] {strides = array<i32>} : memref<128x32xf32, #tpu.memory_space<vmem>>, vector<16xf32>,
          %mul3A_244 = arith.mulf %get3A_243, %gather3A_233 : vector<16xf32>
          %swap3A_245 = arith.index_cast %add3A_231 : i32 to index
          %swap3A_246 = arith.constant 16 : index
          %swap3A_247 = tpu.vector_load %arg20[%swap3A_245, %swap3A_246] {strides = array<i32>} : memref<128x32xf32, #tpu.memory_space<vmem>>, vector<16xf32>,
          tpu.vector_store %arg20[%swap3A_245, %swap3A_246], %mul3A_244 {strides = array<i32>} : memref<128x32xf32, #tpu.memory_space<vmem>>, vector<16xf32>,
          %mul3A_248 = arith.constant 16 : i32
          %mul3A_249 = arith.muli %scan3A_70, %mul3A_248 : i32
          %add3A_250 = arith.constant 9 : i32
          %add3A_251 = arith.addi %mul3A_249, %add3A_250 : i32
          %broadcast_in_dim3A_252 = vector.broadcast %add3A_251 : i32 to vector<16xi32>
          %gather3A_253 = tpu.vector_load_idx %arg19[%broadcast_in_dim3A_252] : memref<128xf32, #tpu.memory_space<vmem>>[vector<16xi32>], vector<16xf32>,
          %get3A_254 = arith.index_cast %add3A_251 : i32 to index
          %get3A_255 = arith.constant 0 : index
          %get3A_256 = tpu.vector_load %arg20[%get3A_254, %get3A_255] {strides = array<i32>} : memref<128x32xf32, #tpu.memory_space<vmem>>, vector<16xf32>,
          %mul3A_257 = arith.mulf %get3A_256, %gather3A_253 : vector<16xf32>
          %swap3A_258 = arith.index_cast %add3A_251 : i32 to index
          %swap3A_259 = arith.constant 0 : index
          %swap3A_260 = tpu.vector_load %arg20[%swap3A_258, %swap3A_259] {strides = array<i32>} : memref<128x32xf32, #tpu.memory_space<vmem>>, vector<16xf32>,
          tpu.vector_store %arg20[%swap3A_258, %swap3A_259], %mul3A_257 {strides = array<i32>} : memref<128x32xf32, #tpu.memory_space<vmem>>, vector<16xf32>,
          %get3A_261 = arith.index_cast %add3A_251 : i32 to index
          %get3A_262 = arith.constant 16 : index
          %get3A_263 = tpu.vector_load %arg20[%get3A_261, %get3A_262] {strides = array<i32>} : memref<128x32xf32, #tpu.memory_space<vmem>>, vector<16xf32>,
          %mul3A_264 = arith.mulf %get3A_263, %gather3A_253 : vector<16xf32>
          %swap3A_265 = arith.index_cast %add3A_251 : i32 to index
          %swap3A_266 = arith.constant 16 : index
          %swap3A_267 = tpu.vector_load %arg20[%swap3A_265, %swap3A_266] {strides = array<i32>} : memref<128x32xf32, #tpu.memory_space<vmem>>, vector<16xf32>,
          tpu.vector_store %arg20[%swap3A_265, %swap3A_266], %mul3A_264 {strides = array<i32>} : memref<128x32xf32, #tpu.memory_space<vmem>>, vector<16xf32>,
          %mul3A_268 = arith.constant 16 : i32
          %mul3A_269 = arith.muli %scan3A_70, %mul3A_268 : i32
          %add3A_270 = arith.constant 10 : i32
          %add3A_271 = arith.addi %mul3A_269, %add3A_270 : i32
          %broadcast_in_dim3A_272 = vector.broadcast %add3A_271 : i32 to vector<16xi32>
          %gather3A_273 = tpu.vector_load_idx %arg19[%broadcast_in_dim3A_272] : memref<128xf32, #tpu.memory_space<vmem>>[vector<16xi32>], vector<16xf32>,
          %get3A_274 = arith.index_cast %add3A_271 : i32 to index
          %get3A_275 = arith.constant 0 : index
          %get3A_276 = tpu.vector_load %arg20[%get3A_274, %get3A_275] {strides = array<i32>} : memref<128x32xf32, #tpu.memory_space<vmem>>, vector<16xf32>,
          %mul3A_277 = arith.mulf %get3A_276, %gather3A_273 : vector<16xf32>
          %swap3A_278 = arith.index_cast %add3A_271 : i32 to index
          %swap3A_279 = arith.constant 0 : index
          %swap3A_280 = tpu.vector_load %arg20[%swap3A_278, %swap3A_279] {strides = array<i32>} : memref<128x32xf32, #tpu.memory_space<vmem>>, vector<16xf32>,
          tpu.vector_store %arg20[%swap3A_278, %swap3A_279], %mul3A_277 {strides = array<i32>} : memref<128x32xf32, #tpu.memory_space<vmem>>, vector<16xf32>,
          %get3A_281 = arith.index_cast %add3A_271 : i32 to index
          %get3A_282 = arith.constant 16 : index
          %get3A_283 = tpu.vector_load %arg20[%get3A_281, %get3A_282] {strides = array<i32>} : memref<128x32xf32, #tpu.memory_space<vmem>>, vector<16xf32>,
          %mul3A_284 = arith.mulf %get3A_283, %gather3A_273 : vector<16xf32>
          %swap3A_285 = arith.index_cast %add3A_271 : i32 to index
          %swap3A_286 = arith.constant 16 : index
          %swap3A_287 = tpu.vector_load %arg20[%swap3A_285, %swap3A_286] {strides = array<i32>} : memref<128x32xf32, #tpu.memory_space<vmem>>, vector<16xf32>,
          tpu.vector_store %arg20[%swap3A_285, %swap3A_286], %mul3A_284 {strides = array<i32>} : memref<128x32xf32, #tpu.memory_space<vmem>>, vector<16xf32>,
          %mul3A_288 = arith.constant 16 : i32
          %mul3A_289 = arith.muli %scan3A_70, %mul3A_288 : i32
          %add3A_290 = arith.constant 11 : i32
          %add3A_291 = arith.addi %mul3A_289, %add3A_290 : i32
          %broadcast_in_dim3A_292 = vector.broadcast %add3A_291 : i32 to vector<16xi32>
          %gather3A_293 = tpu.vector_load_idx %arg19[%broadcast_in_dim3A_292] : memref<128xf32, #tpu.memory_space<vmem>>[vector<16xi32>], vector<16xf32>,
          %get3A_294 = arith.index_cast %add3A_291 : i32 to index
          %get3A_295 = arith.constant 0 : index
          %get3A_296 = tpu.vector_load %arg20[%get3A_294, %get3A_295] {strides = array<i32>} : memref<128x32xf32, #tpu.memory_space<vmem>>, vector<16xf32>,
          %mul3A_297 = arith.mulf %get3A_296, %gather3A_293 : vector<16xf32>
          %swap3A_298 = arith.index_cast %add3A_291 : i32 to index
          %swap3A_299 = arith.constant 0 : index
          %swap3A_300 = tpu.vector_load %arg20[%swap3A_298, %swap3A_299] {strides = array<i32>} : memref<128x32xf32, #tpu.memory_space<vmem>>, vector<16xf32>,
          tpu.vector_store %arg20[%swap3A_298, %swap3A_299], %mul3A_297 {strides = array<i32>} : memref<128x32xf32, #tpu.memory_space<vmem>>, vector<16xf32>,
          %get3A_301 = arith.index_cast %add3A_291 : i32 to index
          %get3A_302 = arith.constant 16 : index
          %get3A_303 = tpu.vector_load %arg20[%get3A_301, %get3A_302] {strides = array<i32>} : memref<128x32xf32, #tpu.memory_space<vmem>>, vector<16xf32>,
          %mul3A_304 = arith.mulf %get3A_303, %gather3A_293 : vector<16xf32>
          %swap3A_305 = arith.index_cast %add3A_291 : i32 to index
          %swap3A_306 = arith.constant 16 : index
          %swap3A_307 = tpu.vector_load %arg20[%swap3A_305, %swap3A_306] {strides = array<i32>} : memref<128x32xf32, #tpu.memory_space<vmem>>, vector<16xf32>,
          tpu.vector_store %arg20[%swap3A_305, %swap3A_306], %mul3A_304 {strides = array<i32>} : memref<128x32xf32, #tpu.memory_space<vmem>>, vector<16xf32>,
          %mul3A_308 = arith.constant 16 : i32
          %mul3A_309 = arith.muli %scan3A_70, %mul3A_308 : i32
          %add3A_310 = arith.constant 12 : i32
          %add3A_311 = arith.addi %mul3A_309, %add3A_310 : i32
          %broadcast_in_dim3A_312 = vector.broadcast %add3A_311 : i32 to vector<16xi32>
          %gather3A_313 = tpu.vector_load_idx %arg19[%broadcast_in_dim3A_312] : memref<128xf32, #tpu.memory_space<vmem>>[vector<16xi32>], vector<16xf32>,
          %get3A_314 = arith.index_cast %add3A_311 : i32 to index
          %get3A_315 = arith.constant 0 : index
          %get3A_316 = tpu.vector_load %arg20[%get3A_314, %get3A_315] {strides = array<i32>} : memref<128x32xf32, #tpu.memory_space<vmem>>, vector<16xf32>,
          %mul3A_317 = arith.mulf %get3A_316, %gather3A_313 : vector<16xf32>
          %swap3A_318 = arith.index_cast %add3A_311 : i32 to index
          %swap3A_319 = arith.constant 0 : index
          %swap3A_320 = tpu.vector_load %arg20[%swap3A_318, %swap3A_319] {strides = array<i32>} : memref<128x32xf32, #tpu.memory_space<vmem>>, vector<16xf32>,
          tpu.vector_store %arg20[%swap3A_318, %swap3A_319], %mul3A_317 {strides = array<i32>} : memref<128x32xf32, #tpu.memory_space<vmem>>, vector<16xf32>,
          %get3A_321 = arith.index_cast %add3A_311 : i32 to index
          %get3A_322 = arith.constant 16 : index
          %get3A_323 = tpu.vector_load %arg20[%get3A_321, %get3A_322] {strides = array<i32>} : memref<128x32xf32, #tpu.memory_space<vmem>>, vector<16xf32>,
          %mul3A_324 = arith.mulf %get3A_323, %gather3A_313 : vector<16xf32>
          %swap3A_325 = arith.index_cast %add3A_311 : i32 to index
          %swap3A_326 = arith.constant 16 : index
          %swap3A_327 = tpu.vector_load %arg20[%swap3A_325, %swap3A_326] {strides = array<i32>} : memref<128x32xf32, #tpu.memory_space<vmem>>, vector<16xf32>,
          tpu.vector_store %arg20[%swap3A_325, %swap3A_326], %mul3A_324 {strides = array<i32>} : memref<128x32xf32, #tpu.memory_space<vmem>>, vector<16xf32>,
          %mul3A_328 = arith.constant 16 : i32
          %mul3A_329 = arith.muli %scan3A_70, %mul3A_328 : i32
          %add3A_330 = arith.constant 13 : i32
          %add3A_331 = arith.addi %mul3A_329, %add3A_330 : i32
          %broadcast_in_dim3A_332 = vector.broadcast %add3A_331 : i32 to vector<16xi32>
          %gather3A_333 = tpu.vector_load_idx %arg19[%broadcast_in_dim3A_332] : memref<128xf32, #tpu.memory_space<vmem>>[vector<16xi32>], vector<16xf32>,
          %get3A_334 = arith.index_cast %add3A_331 : i32 to index
          %get3A_335 = arith.constant 0 : index
          %get3A_336 = tpu.vector_load %arg20[%get3A_334, %get3A_335] {strides = array<i32>} : memref<128x32xf32, #tpu.memory_space<vmem>>, vector<16xf32>,
          %mul3A_337 = arith.mulf %get3A_336, %gather3A_333 : vector<16xf32>
          %swap3A_338 = arith.index_cast %add3A_331 : i32 to index
          %swap3A_339 = arith.constant 0 : index
          %swap3A_340 = tpu.vector_load %arg20[%swap3A_338, %swap3A_339] {strides = array<i32>} : memref<128x32xf32, #tpu.memory_space<vmem>>, vector<16xf32>,
          tpu.vector_store %arg20[%swap3A_338, %swap3A_339], %mul3A_337 {strides = array<i32>} : memref<128x32xf32, #tpu.memory_space<vmem>>, vector<16xf32>,
          %get3A_341 = arith.index_cast %add3A_331 : i32 to index
          %get3A_342 = arith.constant 16 : index
          %get3A_343 = tpu.vector_load %arg20[%get3A_341, %get3A_342] {strides = array<i32>} : memref<128x32xf32, #tpu.memory_space<vmem>>, vector<16xf32>,
          %mul3A_344 = arith.mulf %get3A_343, %gather3A_333 : vector<16xf32>
          %swap3A_345 = arith.index_cast %add3A_331 : i32 to index
          %swap3A_346 = arith.constant 16 : index
          %swap3A_347 = tpu.vector_load %arg20[%swap3A_345, %swap3A_346] {strides = array<i32>} : memref<128x32xf32, #tpu.memory_space<vmem>>, vector<16xf32>,
          tpu.vector_store %arg20[%swap3A_345, %swap3A_346], %mul3A_344 {strides = array<i32>} : memref<128x32xf32, #tpu.memory_space<vmem>>, vector<16xf32>,
          %mul3A_348 = arith.constant 16 : i32
          %mul3A_349 = arith.muli %scan3A_70, %mul3A_348 : i32
          %add3A_350 = arith.constant 14 : i32
          %add3A_351 = arith.addi %mul3A_349, %add3A_350 : i32
          %broadcast_in_dim3A_352 = vector.broadcast %add3A_351 : i32 to vector<16xi32>
          %gather3A_353 = tpu.vector_load_idx %arg19[%broadcast_in_dim3A_352] : memref<128xf32, #tpu.memory_space<vmem>>[vector<16xi32>], vector<16xf32>,
          %get3A_354 = arith.index_cast %add3A_351 : i32 to index
          %get3A_355 = arith.constant 0 : index
          %get3A_356 = tpu.vector_load %arg20[%get3A_354, %get3A_355] {strides = array<i32>} : memref<128x32xf32, #tpu.memory_space<vmem>>, vector<16xf32>,
          %mul3A_357 = arith.mulf %get3A_356, %gather3A_353 : vector<16xf32>
          %swap3A_358 = arith.index_cast %add3A_351 : i32 to index
          %swap3A_359 = arith.constant 0 : index
          %swap3A_360 = tpu.vector_load %arg20[%swap3A_358, %swap3A_359] {strides = array<i32>} : memref<128x32xf32, #tpu.memory_space<vmem>>, vector<16xf32>,
          tpu.vector_store %arg20[%swap3A_358, %swap3A_359], %mul3A_357 {strides = array<i32>} : memref<128x32xf32, #tpu.memory_space<vmem>>, vector<16xf32>,
          %get3A_361 = arith.index_cast %add3A_351 : i32 to index
          %get3A_362 = arith.constant 16 : index
          %get3A_363 = tpu.vector_load %arg20[%get3A_361, %get3A_362] {strides = array<i32>} : memref<128x32xf32, #tpu.memory_space<vmem>>, vector<16xf32>,
          %mul3A_364 = arith.mulf %get3A_363, %gather3A_353 : vector<16xf32>
          %swap3A_365 = arith.index_cast %add3A_351 : i32 to index
          %swap3A_366 = arith.constant 16 : index
          %swap3A_367 = tpu.vector_load %arg20[%swap3A_365, %swap3A_366] {strides = array<i32>} : memref<128x32xf32, #tpu.memory_space<vmem>>, vector<16xf32>,
          tpu.vector_store %arg20[%swap3A_365, %swap3A_366], %mul3A_364 {strides = array<i32>} : memref<128x32xf32, #tpu.memory_space<vmem>>, vector<16xf32>,
          %mul3A_368 = arith.constant 16 : i32
          %mul3A_369 = arith.muli %scan3A_70, %mul3A_368 : i32
          %add3A_370 = arith.constant 15 : i32
          %add3A_371 = arith.addi %mul3A_369, %add3A_370 : i32
          %broadcast_in_dim3A_372 = vector.broadcast %add3A_371 : i32 to vector<16xi32>
          %gather3A_373 = tpu.vector_load_idx %arg19[%broadcast_in_dim3A_372] : memref<128xf32, #tpu.memory_space<vmem>>[vector<16xi32>], vector<16xf32>,
          %get3A_374 = arith.index_cast %add3A_371 : i32 to index
          %get3A_375 = arith.constant 0 : index
          %get3A_376 = tpu.vector_load %arg20[%get3A_374, %get3A_375] {strides = array<i32>} : memref<128x32xf32, #tpu.memory_space<vmem>>, vector<16xf32>,
          %mul3A_377 = arith.mulf %get3A_376, %gather3A_373 : vector<16xf32>
          %swap3A_378 = arith.index_cast %add3A_371 : i32 to index
          %swap3A_379 = arith.constant 0 : index
          %swap3A_380 = tpu.vector_load %arg20[%swap3A_378, %swap3A_379] {strides = array<i32>} : memref<128x32xf32, #tpu.memory_space<vmem>>, vector<16xf32>,
          tpu.vector_store %arg20[%swap3A_378, %swap3A_379], %mul3A_377 {strides = array<i32>} : memref<128x32xf32, #tpu.memory_space<vmem>>, vector<16xf32>,
          %get3A_381 = arith.index_cast %add3A_371 : i32 to index
          %get3A_382 = arith.constant 16 : index
          %get3A_383 = tpu.vector_load %arg20[%get3A_381, %get3A_382] {strides = array<i32>} : memref<128x32xf32, #tpu.memory_space<vmem>>, vector<16xf32>,
          %mul3A_384 = arith.mulf %get3A_383, %gather3A_373 : vector<16xf32>
          %swap3A_385 = arith.index_cast %add3A_371 : i32 to index
          %swap3A_386 = arith.constant 16 : index
          %swap3A_387 = tpu.vector_load %arg20[%swap3A_385, %swap3A_386] {strides = array<i32>} : memref<128x32xf32, #tpu.memory_space<vmem>>, vector<16xf32>,
          tpu.vector_store %arg20[%swap3A_385, %swap3A_386], %mul3A_384 {strides = array<i32>} : memref<128x32xf32, #tpu.memory_space<vmem>>, vector<16xf32>,
        }
        %scan3A_64 = arith.constant 8 : i32
        "tpu.region"() ({
          %run_scoped3A = tpu.sem_alloc : memref<!tpu.dma_semaphore, #tpu.memory_space<semaphore_mem>>
          %dma_start3A = tpu.memref_slice %arg15[%mul3A_42] : memref<2048xi32, #tpu.memory_space<vmem>> -> memref<128xi32, #tpu.memory_space<vmem>>
          %dma_start3A_70 = arith.constant 0 : i32
          %dma_start3A_71 = arith.constant 0 : i32
          %dma_start3A_72 = tpu.memref_slice %arg22[%dma_start3A_70, %dma_start3A_71] : memref<50048x32xf32, #tpu.memory_space<vmem_shared>> -> memref<50048x32xf32, #tpu.memory_space<vmem_shared>>
          tpu.enqueue_indirect_dma source(%arg20 : memref<128x32xf32, #tpu.memory_space<vmem>>) target(%dma_start3A_72 : memref<50048x32xf32, #tpu.memory_space<vmem_shared>>) offsets(%dma_start3A : memref<128xi32, #tpu.memory_space<vmem>>) semaphore(%run_scoped3A : memref<!tpu.dma_semaphore, #tpu.memory_space<semaphore_mem>>) {add = true}
          %dma_wait3A = tpu.memref_slice %arg15[%mul3A_42] : memref<2048xi32, #tpu.memory_space<vmem>> -> memref<128xi32, #tpu.memory_space<vmem>>
          %dma_wait3A_73 = arith.constant 0 : i32
          %dma_wait3A_74 = arith.constant 0 : i32
          %dma_wait3A_75 = tpu.memref_slice %arg22[%dma_wait3A_73, %dma_wait3A_74] : memref<50048x32xf32, #tpu.memory_space<vmem_shared>> -> memref<50048x32xf32, #tpu.memory_space<vmem_shared>>
          tpu.wait_indirect_dma semaphore(%run_scoped3A : memref<!tpu.dma_semaphore, #tpu.memory_space<semaphore_mem>>) src(%arg20 : memref<128x32xf32, #tpu.memory_space<vmem>>) dst(%dma_wait3A_75 : memref<50048x32xf32, #tpu.memory_space<vmem_shared>>)
          tpu.yield
        }) : () -> ()
        %eq3A_65 = arith.constant 0 : i32
        %eq3A_66 = arith.cmpi eq, %arg0, %eq3A_65 : i32
        %convert_element_type3A_67 = arith.extui %eq3A_66 : i1 to i32
        %cond3A_68 = arith.constant 0 : i32
        %cond3A_69 = arith.cmpi ne, %convert_element_type3A_67, %cond3A_68 : i32
        scf.if %cond3A_69 {
          "tpu.region"() ({
            %run_scoped3A = tpu.sem_alloc : memref<!tpu.dma_semaphore, #tpu.memory_space<semaphore_mem>>
            %dma_start3A = tpu.memref_slice %arg15[%mul3A_42] : memref<2048xi32, #tpu.memory_space<vmem>> -> memref<128xi32, #tpu.memory_space<vmem>>
            %dma_start3A_70 = arith.constant 0 : i32
            %dma_start3A_71 = tpu.memref_slice %arg23[%dma_start3A_70] : memref<50048xf32, #tpu.memory_space<vmem_shared>> -> memref<50048xf32, #tpu.memory_space<vmem_shared>>
            tpu.enqueue_indirect_dma source(%arg19 : memref<128xf32, #tpu.memory_space<vmem>>) target(%dma_start3A_71 : memref<50048xf32, #tpu.memory_space<vmem_shared>>) offsets(%dma_start3A : memref<128xi32, #tpu.memory_space<vmem>>) semaphore(%run_scoped3A : memref<!tpu.dma_semaphore, #tpu.memory_space<semaphore_mem>>) {add = true}
            %dma_wait3A = tpu.memref_slice %arg15[%mul3A_42] : memref<2048xi32, #tpu.memory_space<vmem>> -> memref<128xi32, #tpu.memory_space<vmem>>
            %dma_wait3A_72 = arith.constant 0 : i32
            %dma_wait3A_73 = tpu.memref_slice %arg23[%dma_wait3A_72] : memref<50048xf32, #tpu.memory_space<vmem_shared>> -> memref<50048xf32, #tpu.memory_space<vmem_shared>>
            tpu.wait_indirect_dma semaphore(%run_scoped3A : memref<!tpu.dma_semaphore, #tpu.memory_space<semaphore_mem>>) src(%arg19 : memref<128xf32, #tpu.memory_space<vmem>>) dst(%dma_wait3A_73 : memref<50048xf32, #tpu.memory_space<vmem_shared>>)
            tpu.yield
          }) : () -> ()
        } else {
        }
      }
      %scan3A_39 = arith.constant 16 : i32
    }
    %scan3A_10 = arith.constant 26 : i32
    %barrier3A_11 = arith.constant 0 : index
    tpu.barrier barrier_id(%barrier3A_11)
    %eq3A_12 = arith.constant 0 : i32
    %eq3A_13 = arith.cmpi eq, %arg0, %eq3A_12 : i32
    %convert_element_type3A_14 = arith.extui %eq3A_13 : i1 to i32
    %cond3A_15 = arith.constant 0 : i32
    %cond3A_16 = arith.cmpi ne, %convert_element_type3A_14, %cond3A_15 : i32
    scf.if %cond3A_16 {
      %run_scoped3A = arith.constant 0 : i32
      "tpu.region"() ({
        %run_scoped3A_29 = tpu.sem_alloc : memref<!tpu.dma_semaphore, #tpu.memory_space<semaphore_mem>>
        %dma_start3A = arith.constant 0 : i32
        %dma_start3A_30 = arith.constant 0 : i32
        %dma_start3A_31 = tpu.memref_slice %arg12[%run_scoped3A, %dma_start3A, %dma_start3A_30] : memref<2x50048x32xf32, #tpu.memory_space<hbm>> -> memref<1x50048x32xf32, #tpu.memory_space<hbm>>
        %dma_start3A_32 = tpu.memref_squeeze %dma_start3A_31 : memref<1x50048x32xf32, #tpu.memory_space<hbm>> -> memref<50048x32xf32, #tpu.memory_space<hbm>>
        %dma_start3A_33 = arith.constant 0 : i32
        %dma_start3A_34 = tpu.memref_slice %dma_start3A_32[%mul3A_0, %dma_start3A_33] : memref<50048x32xf32, #tpu.memory_space<hbm>> -> memref<3128x32xf32, #tpu.memory_space<hbm>>
        %dma_start3A_35 = arith.constant 0 : i32
        %dma_start3A_36 = tpu.memref_slice %arg22[%mul3A_0, %dma_start3A_35] : memref<50048x32xf32, #tpu.memory_space<vmem_shared>> -> memref<3128x32xf32, #tpu.memory_space<vmem_shared>>
        tpu.enqueue_dma source(%dma_start3A_36 : memref<3128x32xf32, #tpu.memory_space<vmem_shared>>) target(%dma_start3A_34 : memref<3128x32xf32, #tpu.memory_space<hbm>>) target_semaphore(%run_scoped3A_29 : memref<!tpu.dma_semaphore, #tpu.memory_space<semaphore_mem>>)
        %dma_wait3A = arith.constant 0 : i32
        %dma_wait3A_37 = arith.constant 0 : i32
        %dma_wait3A_38 = tpu.memref_slice %arg12[%run_scoped3A, %dma_wait3A, %dma_wait3A_37] : memref<2x50048x32xf32, #tpu.memory_space<hbm>> -> memref<1x50048x32xf32, #tpu.memory_space<hbm>>
        %dma_wait3A_39 = tpu.memref_squeeze %dma_wait3A_38 : memref<1x50048x32xf32, #tpu.memory_space<hbm>> -> memref<50048x32xf32, #tpu.memory_space<hbm>>
        %dma_wait3A_40 = arith.constant 0 : i32
        %dma_wait3A_41 = tpu.memref_slice %dma_wait3A_39[%mul3A_0, %dma_wait3A_40] : memref<50048x32xf32, #tpu.memory_space<hbm>> -> memref<3128x32xf32, #tpu.memory_space<hbm>>
        %dma_wait3A_42 = arith.constant 0 : i32
        %dma_wait3A_43 = tpu.memref_slice %arg22[%mul3A_0, %dma_wait3A_42] : memref<50048x32xf32, #tpu.memory_space<vmem_shared>> -> memref<3128x32xf32, #tpu.memory_space<vmem_shared>>
        tpu.wait_dma2 semaphore(%run_scoped3A_29 : memref<!tpu.dma_semaphore, #tpu.memory_space<semaphore_mem>>) src(%dma_wait3A_43 : memref<3128x32xf32, #tpu.memory_space<vmem_shared>>) dst(%dma_wait3A_41 : memref<3128x32xf32, #tpu.memory_space<hbm>>)
        tpu.yield
      }) : () -> ()
    } else {
    }
    %eq3A_17 = arith.constant 1 : i32
    %eq3A_18 = arith.cmpi eq, %arg0, %eq3A_17 : i32
    %convert_element_type3A_19 = arith.extui %eq3A_18 : i1 to i32
    %cond3A_20 = arith.constant 0 : i32
    %cond3A_21 = arith.cmpi ne, %convert_element_type3A_19, %cond3A_20 : i32
    scf.if %cond3A_21 {
      %run_scoped3A = arith.constant 1 : i32
      "tpu.region"() ({
        %run_scoped3A_29 = tpu.sem_alloc : memref<!tpu.dma_semaphore, #tpu.memory_space<semaphore_mem>>
        %dma_start3A = arith.constant 0 : i32
        %dma_start3A_30 = arith.constant 0 : i32
        %dma_start3A_31 = tpu.memref_slice %arg12[%run_scoped3A, %dma_start3A, %dma_start3A_30] : memref<2x50048x32xf32, #tpu.memory_space<hbm>> -> memref<1x50048x32xf32, #tpu.memory_space<hbm>>
        %dma_start3A_32 = tpu.memref_squeeze %dma_start3A_31 : memref<1x50048x32xf32, #tpu.memory_space<hbm>> -> memref<50048x32xf32, #tpu.memory_space<hbm>>
        %dma_start3A_33 = arith.constant 0 : i32
        %dma_start3A_34 = tpu.memref_slice %dma_start3A_32[%mul3A_0, %dma_start3A_33] : memref<50048x32xf32, #tpu.memory_space<hbm>> -> memref<3128x32xf32, #tpu.memory_space<hbm>>
        %dma_start3A_35 = arith.constant 0 : i32
        %dma_start3A_36 = tpu.memref_slice %arg22[%mul3A_0, %dma_start3A_35] : memref<50048x32xf32, #tpu.memory_space<vmem_shared>> -> memref<3128x32xf32, #tpu.memory_space<vmem_shared>>
        tpu.enqueue_dma source(%dma_start3A_36 : memref<3128x32xf32, #tpu.memory_space<vmem_shared>>) target(%dma_start3A_34 : memref<3128x32xf32, #tpu.memory_space<hbm>>) target_semaphore(%run_scoped3A_29 : memref<!tpu.dma_semaphore, #tpu.memory_space<semaphore_mem>>)
        %dma_wait3A = arith.constant 0 : i32
        %dma_wait3A_37 = arith.constant 0 : i32
        %dma_wait3A_38 = tpu.memref_slice %arg12[%run_scoped3A, %dma_wait3A, %dma_wait3A_37] : memref<2x50048x32xf32, #tpu.memory_space<hbm>> -> memref<1x50048x32xf32, #tpu.memory_space<hbm>>
        %dma_wait3A_39 = tpu.memref_squeeze %dma_wait3A_38 : memref<1x50048x32xf32, #tpu.memory_space<hbm>> -> memref<50048x32xf32, #tpu.memory_space<hbm>>
        %dma_wait3A_40 = arith.constant 0 : i32
        %dma_wait3A_41 = tpu.memref_slice %dma_wait3A_39[%mul3A_0, %dma_wait3A_40] : memref<50048x32xf32, #tpu.memory_space<hbm>> -> memref<3128x32xf32, #tpu.memory_space<hbm>>
        %dma_wait3A_42 = arith.constant 0 : i32
        %dma_wait3A_43 = tpu.memref_slice %arg22[%mul3A_0, %dma_wait3A_42] : memref<50048x32xf32, #tpu.memory_space<vmem_shared>> -> memref<3128x32xf32, #tpu.memory_space<vmem_shared>>
        tpu.wait_dma2 semaphore(%run_scoped3A_29 : memref<!tpu.dma_semaphore, #tpu.memory_space<semaphore_mem>>) src(%dma_wait3A_43 : memref<3128x32xf32, #tpu.memory_space<vmem_shared>>) dst(%dma_wait3A_41 : memref<3128x32xf32, #tpu.memory_space<hbm>>)
        tpu.yield
      }) : () -> ()
    } else {
    }
    %eq3A_22 = arith.constant 0 : i32
    %eq3A_23 = arith.cmpi eq, %arg0, %eq3A_22 : i32
    %eq3A_24 = arith.constant 0 : i32
    %eq3A_25 = arith.cmpi eq, %arg1, %eq3A_24 : i32
    %and3A = arith.andi %eq3A_23, %eq3A_25 : i1
    %convert_element_type3A_26 = arith.extui %and3A : i1 to i32
    %cond3A_27 = arith.constant 0 : i32
    %cond3A_28 = arith.cmpi ne, %convert_element_type3A_26, %cond3A_27 : i32
    scf.if %cond3A_28 {
      "tpu.region"() ({
        %run_scoped3A = tpu.sem_alloc : memref<!tpu.dma_semaphore, #tpu.memory_space<semaphore_mem>>
        tpu.enqueue_dma source(%arg23 : memref<50048xf32, #tpu.memory_space<vmem_shared>>) target(%arg13 : memref<50048xf32, #tpu.memory_space<hbm>>) target_semaphore(%run_scoped3A : memref<!tpu.dma_semaphore, #tpu.memory_space<semaphore_mem>>)
        tpu.wait_dma2 semaphore(%run_scoped3A : memref<!tpu.dma_semaphore, #tpu.memory_space<semaphore_mem>>) src(%arg23 : memref<50048xf32, #tpu.memory_space<vmem_shared>>) dst(%arg13 : memref<50048xf32, #tpu.memory_space<hbm>>)
        tpu.yield
      }) : () -> ()
    } else {
    }
    return
  }
}

#map = affine_map<(d0, d1) -> (0, 0)>
#map1 = affine_map<(d0, d1) -> (0)>
module attributes {stable_mosaic.version = 14 : i64} {
  func.func @_xt_sc_body(%arg0: i32, %arg1: i32, %arg2: memref<50000x64xf32, #tpu.memory_space<hbm>>, %arg3: memref<50000x64xf32, #tpu.memory_space<hbm>>, %arg4: memref<6272x128xi32, #tpu.memory_space<hbm>>, %arg5: memref<6272x128xi32, #tpu.memory_space<hbm>>, %arg6: memref<64x16xf32, #tpu.memory_space<hbm>>, %arg7: memref<16xf32, #tpu.memory_space<hbm>>, %arg8: memref<6272x128xf32, #tpu.memory_space<hbm>>, %arg9: memref<64x16xf32, #tpu.memory_space<vmem>>, %arg10: memref<16xf32, #tpu.memory_space<vmem>>, %arg11: memref<1x128xi32, #tpu.memory_space<vmem>>, %arg12: memref<1x128xi32, #tpu.memory_space<vmem>>, %arg13: memref<128x64xf32, #tpu.memory_space<vmem>>, %arg14: memref<128x64xf32, #tpu.memory_space<vmem>>, %arg15: memref<128xf32, #tpu.memory_space<vmem>>) attributes {dimension_semantics = [#tpu.dimension_semantics<core_parallel>, #tpu.dimension_semantics<subcore_parallel>], iteration_bounds = array<i64: 2, 16>, scalar_prefetch = 0 : i64, scratch_operands = 7 : i64, tpu.core_type = #tpu.core_type<sc_vector_subcore>, window_params = [{transform_indices = #map}, {transform_indices = #map}, {transform_indices = #map}, {transform_indices = #map}, {transform_indices = #map}, {transform_indices = #map1}, {transform_indices = #map}]} {
    %mul3A = arith.constant 2 : i32
    %mul3A_0 = arith.muli %arg1, %mul3A : i32
    %add3A = arith.addi %mul3A_0, %arg0 : i32
    %mul3A_1 = arith.constant 196 : i32
    %mul3A_2 = arith.muli %add3A, %mul3A_1 : i32
    "tpu.region"() ({
      %run_scoped3A = tpu.sem_alloc : memref<!tpu.dma_semaphore, #tpu.memory_space<semaphore_mem>>
      tpu.enqueue_dma source(%arg6 : memref<64x16xf32, #tpu.memory_space<hbm>>) target(%arg9 : memref<64x16xf32, #tpu.memory_space<vmem>>) target_semaphore(%run_scoped3A : memref<!tpu.dma_semaphore, #tpu.memory_space<semaphore_mem>>)
      tpu.wait_dma2 semaphore(%run_scoped3A : memref<!tpu.dma_semaphore, #tpu.memory_space<semaphore_mem>>) src(%arg6 : memref<64x16xf32, #tpu.memory_space<hbm>>) dst(%arg9 : memref<64x16xf32, #tpu.memory_space<vmem>>)
      tpu.yield
    }) : () -> ()
    "tpu.region"() ({
      %run_scoped3A = tpu.sem_alloc : memref<!tpu.dma_semaphore, #tpu.memory_space<semaphore_mem>>
      tpu.enqueue_dma source(%arg7 : memref<16xf32, #tpu.memory_space<hbm>>) target(%arg10 : memref<16xf32, #tpu.memory_space<vmem>>) target_semaphore(%run_scoped3A : memref<!tpu.dma_semaphore, #tpu.memory_space<semaphore_mem>>)
      tpu.wait_dma2 semaphore(%run_scoped3A : memref<!tpu.dma_semaphore, #tpu.memory_space<semaphore_mem>>) src(%arg7 : memref<16xf32, #tpu.memory_space<hbm>>) dst(%arg10 : memref<16xf32, #tpu.memory_space<vmem>>)
      tpu.yield
    }) : () -> ()
    %get3A = arith.constant 0 : index
    %get3A_3 = tpu.vector_load %arg10[%get3A] {strides = array<i32>} : memref<16xf32, #tpu.memory_space<vmem>>, vector<16xf32>,
    %scan3A = arith.constant 0 : i32
    %scan3A_4 = arith.constant 0 : i32
    %scan3A_5 = arith.constant 196 : i32
    %scan3A_6 = arith.addi %scan3A_4, %scan3A_5 : i32
    %scan3A_7 = arith.constant 1 : i32
    scf.for %scan3A_9 = %scan3A_4 to %scan3A_6 step %scan3A_7  : i32 {
      %add3A_10 = arith.addi %mul3A_2, %scan3A_9 : i32
      "tpu.region"() ({
        %run_scoped3A_129 = tpu.sem_alloc : memref<!tpu.dma_semaphore, #tpu.memory_space<semaphore_mem>>
        %dma_start3A = arith.constant 0 : i32
        %dma_start3A_130 = tpu.memref_slice %arg4[%add3A_10, %dma_start3A] : memref<6272x128xi32, #tpu.memory_space<hbm>> -> memref<1x128xi32, #tpu.memory_space<hbm>>
        %dma_start3A_131 = arith.constant 0 : i32
        %dma_start3A_132 = tpu.memref_slice %arg4[%add3A_10, %dma_start3A_131] : memref<6272x128xi32, #tpu.memory_space<hbm>> -> memref<1x128xi32, #tpu.memory_space<hbm>>
        tpu.enqueue_dma source(%dma_start3A_132 : memref<1x128xi32, #tpu.memory_space<hbm>>) target(%arg11 : memref<1x128xi32, #tpu.memory_space<vmem>>) target_semaphore(%run_scoped3A_129 : memref<!tpu.dma_semaphore, #tpu.memory_space<semaphore_mem>>)
        %dma_wait3A = arith.constant 0 : i32
        %dma_wait3A_133 = tpu.memref_slice %arg4[%add3A_10, %dma_wait3A] : memref<6272x128xi32, #tpu.memory_space<hbm>> -> memref<1x128xi32, #tpu.memory_space<hbm>>
        %dma_wait3A_134 = arith.constant 0 : i32
        %dma_wait3A_135 = tpu.memref_slice %arg4[%add3A_10, %dma_wait3A_134] : memref<6272x128xi32, #tpu.memory_space<hbm>> -> memref<1x128xi32, #tpu.memory_space<hbm>>
        tpu.wait_dma2 semaphore(%run_scoped3A_129 : memref<!tpu.dma_semaphore, #tpu.memory_space<semaphore_mem>>) src(%dma_wait3A_135 : memref<1x128xi32, #tpu.memory_space<hbm>>) dst(%arg11 : memref<1x128xi32, #tpu.memory_space<vmem>>)
        tpu.yield
      }) : () -> ()
      "tpu.region"() ({
        %run_scoped3A_129 = tpu.sem_alloc : memref<!tpu.dma_semaphore, #tpu.memory_space<semaphore_mem>>
        %dma_start3A = arith.constant 0 : i32
        %dma_start3A_130 = tpu.memref_slice %arg5[%add3A_10, %dma_start3A] : memref<6272x128xi32, #tpu.memory_space<hbm>> -> memref<1x128xi32, #tpu.memory_space<hbm>>
        %dma_start3A_131 = arith.constant 0 : i32
        %dma_start3A_132 = tpu.memref_slice %arg5[%add3A_10, %dma_start3A_131] : memref<6272x128xi32, #tpu.memory_space<hbm>> -> memref<1x128xi32, #tpu.memory_space<hbm>>
        tpu.enqueue_dma source(%dma_start3A_132 : memref<1x128xi32, #tpu.memory_space<hbm>>) target(%arg12 : memref<1x128xi32, #tpu.memory_space<vmem>>) target_semaphore(%run_scoped3A_129 : memref<!tpu.dma_semaphore, #tpu.memory_space<semaphore_mem>>)
        %dma_wait3A = arith.constant 0 : i32
        %dma_wait3A_133 = tpu.memref_slice %arg5[%add3A_10, %dma_wait3A] : memref<6272x128xi32, #tpu.memory_space<hbm>> -> memref<1x128xi32, #tpu.memory_space<hbm>>
        %dma_wait3A_134 = arith.constant 0 : i32
        %dma_wait3A_135 = tpu.memref_slice %arg5[%add3A_10, %dma_wait3A_134] : memref<6272x128xi32, #tpu.memory_space<hbm>> -> memref<1x128xi32, #tpu.memory_space<hbm>>
        tpu.wait_dma2 semaphore(%run_scoped3A_129 : memref<!tpu.dma_semaphore, #tpu.memory_space<semaphore_mem>>) src(%dma_wait3A_135 : memref<1x128xi32, #tpu.memory_space<hbm>>) dst(%arg12 : memref<1x128xi32, #tpu.memory_space<vmem>>)
        tpu.yield
      }) : () -> ()
      %run_scoped3A = arith.constant 0 : i32
      "tpu.region"() ({
        %run_scoped3A_129 = tpu.sem_alloc : memref<!tpu.dma_semaphore, #tpu.memory_space<semaphore_mem>>
        %dma_start3A = arith.constant 0 : i32
        %dma_start3A_130 = tpu.memref_slice %arg11[%run_scoped3A, %dma_start3A] : memref<1x128xi32, #tpu.memory_space<vmem>> -> memref<1x128xi32, #tpu.memory_space<vmem>>
        %dma_start3A_131 = tpu.memref_squeeze %dma_start3A_130 : memref<1x128xi32, #tpu.memory_space<vmem>> -> memref<128xi32, #tpu.memory_space<vmem>>
        %dma_start3A_132 = arith.constant 0 : i32
        %dma_start3A_133 = arith.constant 0 : i32
        %dma_start3A_134 = tpu.memref_slice %arg2[%dma_start3A_132, %dma_start3A_133] : memref<50000x64xf32, #tpu.memory_space<hbm>> -> memref<50000x64xf32, #tpu.memory_space<hbm>>
        tpu.enqueue_indirect_dma source(%dma_start3A_134 : memref<50000x64xf32, #tpu.memory_space<hbm>>) target(%arg13 : memref<128x64xf32, #tpu.memory_space<vmem>>) offsets(%dma_start3A_131 : memref<128xi32, #tpu.memory_space<vmem>>) semaphore(%run_scoped3A_129 : memref<!tpu.dma_semaphore, #tpu.memory_space<semaphore_mem>>)
        %dma_wait3A = arith.constant 0 : i32
        %dma_wait3A_135 = tpu.memref_slice %arg11[%run_scoped3A, %dma_wait3A] : memref<1x128xi32, #tpu.memory_space<vmem>> -> memref<1x128xi32, #tpu.memory_space<vmem>>
        %dma_wait3A_136 = tpu.memref_squeeze %dma_wait3A_135 : memref<1x128xi32, #tpu.memory_space<vmem>> -> memref<128xi32, #tpu.memory_space<vmem>>
        %dma_wait3A_137 = arith.constant 0 : i32
        %dma_wait3A_138 = arith.constant 0 : i32
        %dma_wait3A_139 = tpu.memref_slice %arg2[%dma_wait3A_137, %dma_wait3A_138] : memref<50000x64xf32, #tpu.memory_space<hbm>> -> memref<50000x64xf32, #tpu.memory_space<hbm>>
        tpu.wait_indirect_dma semaphore(%run_scoped3A_129 : memref<!tpu.dma_semaphore, #tpu.memory_space<semaphore_mem>>) src(%dma_wait3A_139 : memref<50000x64xf32, #tpu.memory_space<hbm>>) dst(%arg13 : memref<128x64xf32, #tpu.memory_space<vmem>>)
        tpu.yield
      }) : () -> ()
      %run_scoped3A_11 = arith.constant 0 : i32
      "tpu.region"() ({
        %run_scoped3A_129 = tpu.sem_alloc : memref<!tpu.dma_semaphore, #tpu.memory_space<semaphore_mem>>
        %dma_start3A = arith.constant 0 : i32
        %dma_start3A_130 = tpu.memref_slice %arg12[%run_scoped3A_11, %dma_start3A] : memref<1x128xi32, #tpu.memory_space<vmem>> -> memref<1x128xi32, #tpu.memory_space<vmem>>
        %dma_start3A_131 = tpu.memref_squeeze %dma_start3A_130 : memref<1x128xi32, #tpu.memory_space<vmem>> -> memref<128xi32, #tpu.memory_space<vmem>>
        %dma_start3A_132 = arith.constant 0 : i32
        %dma_start3A_133 = arith.constant 0 : i32
        %dma_start3A_134 = tpu.memref_slice %arg3[%dma_start3A_132, %dma_start3A_133] : memref<50000x64xf32, #tpu.memory_space<hbm>> -> memref<50000x64xf32, #tpu.memory_space<hbm>>
        tpu.enqueue_indirect_dma source(%dma_start3A_134 : memref<50000x64xf32, #tpu.memory_space<hbm>>) target(%arg14 : memref<128x64xf32, #tpu.memory_space<vmem>>) offsets(%dma_start3A_131 : memref<128xi32, #tpu.memory_space<vmem>>) semaphore(%run_scoped3A_129 : memref<!tpu.dma_semaphore, #tpu.memory_space<semaphore_mem>>)
        %dma_wait3A = arith.constant 0 : i32
        %dma_wait3A_135 = tpu.memref_slice %arg12[%run_scoped3A_11, %dma_wait3A] : memref<1x128xi32, #tpu.memory_space<vmem>> -> memref<1x128xi32, #tpu.memory_space<vmem>>
        %dma_wait3A_136 = tpu.memref_squeeze %dma_wait3A_135 : memref<1x128xi32, #tpu.memory_space<vmem>> -> memref<128xi32, #tpu.memory_space<vmem>>
        %dma_wait3A_137 = arith.constant 0 : i32
        %dma_wait3A_138 = arith.constant 0 : i32
        %dma_wait3A_139 = tpu.memref_slice %arg3[%dma_wait3A_137, %dma_wait3A_138] : memref<50000x64xf32, #tpu.memory_space<hbm>> -> memref<50000x64xf32, #tpu.memory_space<hbm>>
        tpu.wait_indirect_dma semaphore(%run_scoped3A_129 : memref<!tpu.dma_semaphore, #tpu.memory_space<semaphore_mem>>) src(%dma_wait3A_139 : memref<50000x64xf32, #tpu.memory_space<hbm>>) dst(%arg14 : memref<128x64xf32, #tpu.memory_space<vmem>>)
        tpu.yield
      }) : () -> ()
      %iota3A = tpu.iota {dimensions = array<i32: 0>} : vector<16xi32>
      %add3A_12 = arith.constant 0 : i32
      %add3A_13 = vector.broadcast %add3A_12 : i32 to vector<16xi32>
      %add3A_14 = arith.addi %iota3A, %add3A_13 : vector<16xi32>
      %broadcast_in_dim3A = arith.constant 0.000000e+00 : f32
      %broadcast_in_dim3A_15 = vector.broadcast %broadcast_in_dim3A : f32 to vector<16xf32>
      %scan3A_16 = arith.constant 0 : i32
      %scan3A_17 = arith.constant 64 : i32
      %scan3A_18 = arith.addi %scan3A_16, %scan3A_17 : i32
      %scan3A_19 = arith.constant 1 : i32
      %scan3A_20 = scf.for %scan3A_129 = %scan3A_16 to %scan3A_18 step %scan3A_19 iter_args(%scan3A_130 = %broadcast_in_dim3A_15) -> (vector<16xf32>)  : i32 {
        %broadcast_in_dim3A_131 = vector.broadcast %scan3A_129 : i32 to vector<16xi32>
        %gather3A = tpu.vector_load_idx %arg13[%add3A_14, %broadcast_in_dim3A_131] : memref<128x64xf32, #tpu.memory_space<vmem>>[vector<16xi32>, vector<16xi32>], vector<16xf32>,
        %gather3A_132 = tpu.vector_load_idx %arg14[%add3A_14, %broadcast_in_dim3A_131] : memref<128x64xf32, #tpu.memory_space<vmem>>[vector<16xi32>, vector<16xi32>], vector<16xf32>,
        %add3A_133 = arith.addf %gather3A, %gather3A_132 : vector<16xf32>
        %max3A = arith.constant 0.000000e+00 : f32
        %max3A_134 = vector.broadcast %max3A : f32 to vector<16xf32>
        %max3A_135 = arith.maximumf %add3A_133, %max3A_134 : vector<16xf32>
        %get3A_136 = arith.index_cast %scan3A_129 : i32 to index
        %get3A_137 = arith.constant 0 : index
        %get3A_138 = tpu.vector_load %arg9[%get3A_136, %get3A_137] {strides = array<i32>} : memref<64x16xf32, #tpu.memory_space<vmem>>, vector<16xf32>,
        %mul3A_139 = arith.mulf %max3A_135, %get3A_138 : vector<16xf32>
        %add3A_140 = arith.addf %scan3A_130, %mul3A_139 : vector<16xf32>
        scf.yield %add3A_140 : vector<16xf32>
      }
      %scan3A_21 = arith.constant 64 : i32
      %add3A_22 = arith.addf %scan3A_20, %get3A_3 : vector<16xf32>
      %swap3A = arith.constant 0 : index
      %swap3A_23 = tpu.vector_load %arg15[%swap3A] {strides = array<i32>} : memref<128xf32, #tpu.memory_space<vmem>>, vector<16xf32>,
      tpu.vector_store %arg15[%swap3A], %add3A_22 {strides = array<i32>} : memref<128xf32, #tpu.memory_space<vmem>>, vector<16xf32>,
      %iota3A_24 = tpu.iota {dimensions = array<i32: 0>} : vector<16xi32>
      %add3A_25 = arith.constant 16 : i32
      %add3A_26 = vector.broadcast %add3A_25 : i32 to vector<16xi32>
      %add3A_27 = arith.addi %iota3A_24, %add3A_26 : vector<16xi32>
      %broadcast_in_dim3A_28 = arith.constant 0.000000e+00 : f32
      %broadcast_in_dim3A_29 = vector.broadcast %broadcast_in_dim3A_28 : f32 to vector<16xf32>
      %scan3A_30 = arith.constant 0 : i32
      %scan3A_31 = arith.constant 64 : i32
      %scan3A_32 = arith.addi %scan3A_30, %scan3A_31 : i32
      %scan3A_33 = arith.constant 1 : i32
      %scan3A_34 = scf.for %scan3A_129 = %scan3A_30 to %scan3A_32 step %scan3A_33 iter_args(%scan3A_130 = %broadcast_in_dim3A_29) -> (vector<16xf32>)  : i32 {
        %broadcast_in_dim3A_131 = vector.broadcast %scan3A_129 : i32 to vector<16xi32>
        %gather3A = tpu.vector_load_idx %arg13[%add3A_27, %broadcast_in_dim3A_131] : memref<128x64xf32, #tpu.memory_space<vmem>>[vector<16xi32>, vector<16xi32>], vector<16xf32>,
        %gather3A_132 = tpu.vector_load_idx %arg14[%add3A_27, %broadcast_in_dim3A_131] : memref<128x64xf32, #tpu.memory_space<vmem>>[vector<16xi32>, vector<16xi32>], vector<16xf32>,
        %add3A_133 = arith.addf %gather3A, %gather3A_132 : vector<16xf32>
        %max3A = arith.constant 0.000000e+00 : f32
        %max3A_134 = vector.broadcast %max3A : f32 to vector<16xf32>
        %max3A_135 = arith.maximumf %add3A_133, %max3A_134 : vector<16xf32>
        %get3A_136 = arith.index_cast %scan3A_129 : i32 to index
        %get3A_137 = arith.constant 0 : index
        %get3A_138 = tpu.vector_load %arg9[%get3A_136, %get3A_137] {strides = array<i32>} : memref<64x16xf32, #tpu.memory_space<vmem>>, vector<16xf32>,
        %mul3A_139 = arith.mulf %max3A_135, %get3A_138 : vector<16xf32>
        %add3A_140 = arith.addf %scan3A_130, %mul3A_139 : vector<16xf32>
        scf.yield %add3A_140 : vector<16xf32>
      }
      %scan3A_35 = arith.constant 64 : i32
      %add3A_36 = arith.addf %scan3A_34, %get3A_3 : vector<16xf32>
      %swap3A_37 = arith.constant 16 : index
      %swap3A_38 = tpu.vector_load %arg15[%swap3A_37] {strides = array<i32>} : memref<128xf32, #tpu.memory_space<vmem>>, vector<16xf32>,
      tpu.vector_store %arg15[%swap3A_37], %add3A_36 {strides = array<i32>} : memref<128xf32, #tpu.memory_space<vmem>>, vector<16xf32>,
      %iota3A_39 = tpu.iota {dimensions = array<i32: 0>} : vector<16xi32>
      %add3A_40 = arith.constant 32 : i32
      %add3A_41 = vector.broadcast %add3A_40 : i32 to vector<16xi32>
      %add3A_42 = arith.addi %iota3A_39, %add3A_41 : vector<16xi32>
      %broadcast_in_dim3A_43 = arith.constant 0.000000e+00 : f32
      %broadcast_in_dim3A_44 = vector.broadcast %broadcast_in_dim3A_43 : f32 to vector<16xf32>
      %scan3A_45 = arith.constant 0 : i32
      %scan3A_46 = arith.constant 64 : i32
      %scan3A_47 = arith.addi %scan3A_45, %scan3A_46 : i32
      %scan3A_48 = arith.constant 1 : i32
      %scan3A_49 = scf.for %scan3A_129 = %scan3A_45 to %scan3A_47 step %scan3A_48 iter_args(%scan3A_130 = %broadcast_in_dim3A_44) -> (vector<16xf32>)  : i32 {
        %broadcast_in_dim3A_131 = vector.broadcast %scan3A_129 : i32 to vector<16xi32>
        %gather3A = tpu.vector_load_idx %arg13[%add3A_42, %broadcast_in_dim3A_131] : memref<128x64xf32, #tpu.memory_space<vmem>>[vector<16xi32>, vector<16xi32>], vector<16xf32>,
        %gather3A_132 = tpu.vector_load_idx %arg14[%add3A_42, %broadcast_in_dim3A_131] : memref<128x64xf32, #tpu.memory_space<vmem>>[vector<16xi32>, vector<16xi32>], vector<16xf32>,
        %add3A_133 = arith.addf %gather3A, %gather3A_132 : vector<16xf32>
        %max3A = arith.constant 0.000000e+00 : f32
        %max3A_134 = vector.broadcast %max3A : f32 to vector<16xf32>
        %max3A_135 = arith.maximumf %add3A_133, %max3A_134 : vector<16xf32>
        %get3A_136 = arith.index_cast %scan3A_129 : i32 to index
        %get3A_137 = arith.constant 0 : index
        %get3A_138 = tpu.vector_load %arg9[%get3A_136, %get3A_137] {strides = array<i32>} : memref<64x16xf32, #tpu.memory_space<vmem>>, vector<16xf32>,
        %mul3A_139 = arith.mulf %max3A_135, %get3A_138 : vector<16xf32>
        %add3A_140 = arith.addf %scan3A_130, %mul3A_139 : vector<16xf32>
        scf.yield %add3A_140 : vector<16xf32>
      }
      %scan3A_50 = arith.constant 64 : i32
      %add3A_51 = arith.addf %scan3A_49, %get3A_3 : vector<16xf32>
      %swap3A_52 = arith.constant 32 : index
      %swap3A_53 = tpu.vector_load %arg15[%swap3A_52] {strides = array<i32>} : memref<128xf32, #tpu.memory_space<vmem>>, vector<16xf32>,
      tpu.vector_store %arg15[%swap3A_52], %add3A_51 {strides = array<i32>} : memref<128xf32, #tpu.memory_space<vmem>>, vector<16xf32>,
      %iota3A_54 = tpu.iota {dimensions = array<i32: 0>} : vector<16xi32>
      %add3A_55 = arith.constant 48 : i32
      %add3A_56 = vector.broadcast %add3A_55 : i32 to vector<16xi32>
      %add3A_57 = arith.addi %iota3A_54, %add3A_56 : vector<16xi32>
      %broadcast_in_dim3A_58 = arith.constant 0.000000e+00 : f32
      %broadcast_in_dim3A_59 = vector.broadcast %broadcast_in_dim3A_58 : f32 to vector<16xf32>
      %scan3A_60 = arith.constant 0 : i32
      %scan3A_61 = arith.constant 64 : i32
      %scan3A_62 = arith.addi %scan3A_60, %scan3A_61 : i32
      %scan3A_63 = arith.constant 1 : i32
      %scan3A_64 = scf.for %scan3A_129 = %scan3A_60 to %scan3A_62 step %scan3A_63 iter_args(%scan3A_130 = %broadcast_in_dim3A_59) -> (vector<16xf32>)  : i32 {
        %broadcast_in_dim3A_131 = vector.broadcast %scan3A_129 : i32 to vector<16xi32>
        %gather3A = tpu.vector_load_idx %arg13[%add3A_57, %broadcast_in_dim3A_131] : memref<128x64xf32, #tpu.memory_space<vmem>>[vector<16xi32>, vector<16xi32>], vector<16xf32>,
        %gather3A_132 = tpu.vector_load_idx %arg14[%add3A_57, %broadcast_in_dim3A_131] : memref<128x64xf32, #tpu.memory_space<vmem>>[vector<16xi32>, vector<16xi32>], vector<16xf32>,
        %add3A_133 = arith.addf %gather3A, %gather3A_132 : vector<16xf32>
        %max3A = arith.constant 0.000000e+00 : f32
        %max3A_134 = vector.broadcast %max3A : f32 to vector<16xf32>
        %max3A_135 = arith.maximumf %add3A_133, %max3A_134 : vector<16xf32>
        %get3A_136 = arith.index_cast %scan3A_129 : i32 to index
        %get3A_137 = arith.constant 0 : index
        %get3A_138 = tpu.vector_load %arg9[%get3A_136, %get3A_137] {strides = array<i32>} : memref<64x16xf32, #tpu.memory_space<vmem>>, vector<16xf32>,
        %mul3A_139 = arith.mulf %max3A_135, %get3A_138 : vector<16xf32>
        %add3A_140 = arith.addf %scan3A_130, %mul3A_139 : vector<16xf32>
        scf.yield %add3A_140 : vector<16xf32>
      }
      %scan3A_65 = arith.constant 64 : i32
      %add3A_66 = arith.addf %scan3A_64, %get3A_3 : vector<16xf32>
      %swap3A_67 = arith.constant 48 : index
      %swap3A_68 = tpu.vector_load %arg15[%swap3A_67] {strides = array<i32>} : memref<128xf32, #tpu.memory_space<vmem>>, vector<16xf32>,
      tpu.vector_store %arg15[%swap3A_67], %add3A_66 {strides = array<i32>} : memref<128xf32, #tpu.memory_space<vmem>>, vector<16xf32>,
      %iota3A_69 = tpu.iota {dimensions = array<i32: 0>} : vector<16xi32>
      %add3A_70 = arith.constant 64 : i32
      %add3A_71 = vector.broadcast %add3A_70 : i32 to vector<16xi32>
      %add3A_72 = arith.addi %iota3A_69, %add3A_71 : vector<16xi32>
      %broadcast_in_dim3A_73 = arith.constant 0.000000e+00 : f32
      %broadcast_in_dim3A_74 = vector.broadcast %broadcast_in_dim3A_73 : f32 to vector<16xf32>
      %scan3A_75 = arith.constant 0 : i32
      %scan3A_76 = arith.constant 64 : i32
      %scan3A_77 = arith.addi %scan3A_75, %scan3A_76 : i32
      %scan3A_78 = arith.constant 1 : i32
      %scan3A_79 = scf.for %scan3A_129 = %scan3A_75 to %scan3A_77 step %scan3A_78 iter_args(%scan3A_130 = %broadcast_in_dim3A_74) -> (vector<16xf32>)  : i32 {
        %broadcast_in_dim3A_131 = vector.broadcast %scan3A_129 : i32 to vector<16xi32>
        %gather3A = tpu.vector_load_idx %arg13[%add3A_72, %broadcast_in_dim3A_131] : memref<128x64xf32, #tpu.memory_space<vmem>>[vector<16xi32>, vector<16xi32>], vector<16xf32>,
        %gather3A_132 = tpu.vector_load_idx %arg14[%add3A_72, %broadcast_in_dim3A_131] : memref<128x64xf32, #tpu.memory_space<vmem>>[vector<16xi32>, vector<16xi32>], vector<16xf32>,
        %add3A_133 = arith.addf %gather3A, %gather3A_132 : vector<16xf32>
        %max3A = arith.constant 0.000000e+00 : f32
        %max3A_134 = vector.broadcast %max3A : f32 to vector<16xf32>
        %max3A_135 = arith.maximumf %add3A_133, %max3A_134 : vector<16xf32>
        %get3A_136 = arith.index_cast %scan3A_129 : i32 to index
        %get3A_137 = arith.constant 0 : index
        %get3A_138 = tpu.vector_load %arg9[%get3A_136, %get3A_137] {strides = array<i32>} : memref<64x16xf32, #tpu.memory_space<vmem>>, vector<16xf32>,
        %mul3A_139 = arith.mulf %max3A_135, %get3A_138 : vector<16xf32>
        %add3A_140 = arith.addf %scan3A_130, %mul3A_139 : vector<16xf32>
        scf.yield %add3A_140 : vector<16xf32>
      }
      %scan3A_80 = arith.constant 64 : i32
      %add3A_81 = arith.addf %scan3A_79, %get3A_3 : vector<16xf32>
      %swap3A_82 = arith.constant 64 : index
      %swap3A_83 = tpu.vector_load %arg15[%swap3A_82] {strides = array<i32>} : memref<128xf32, #tpu.memory_space<vmem>>, vector<16xf32>,
      tpu.vector_store %arg15[%swap3A_82], %add3A_81 {strides = array<i32>} : memref<128xf32, #tpu.memory_space<vmem>>, vector<16xf32>,
      %iota3A_84 = tpu.iota {dimensions = array<i32: 0>} : vector<16xi32>
      %add3A_85 = arith.constant 80 : i32
      %add3A_86 = vector.broadcast %add3A_85 : i32 to vector<16xi32>
      %add3A_87 = arith.addi %iota3A_84, %add3A_86 : vector<16xi32>
      %broadcast_in_dim3A_88 = arith.constant 0.000000e+00 : f32
      %broadcast_in_dim3A_89 = vector.broadcast %broadcast_in_dim3A_88 : f32 to vector<16xf32>
      %scan3A_90 = arith.constant 0 : i32
      %scan3A_91 = arith.constant 64 : i32
      %scan3A_92 = arith.addi %scan3A_90, %scan3A_91 : i32
      %scan3A_93 = arith.constant 1 : i32
      %scan3A_94 = scf.for %scan3A_129 = %scan3A_90 to %scan3A_92 step %scan3A_93 iter_args(%scan3A_130 = %broadcast_in_dim3A_89) -> (vector<16xf32>)  : i32 {
        %broadcast_in_dim3A_131 = vector.broadcast %scan3A_129 : i32 to vector<16xi32>
        %gather3A = tpu.vector_load_idx %arg13[%add3A_87, %broadcast_in_dim3A_131] : memref<128x64xf32, #tpu.memory_space<vmem>>[vector<16xi32>, vector<16xi32>], vector<16xf32>,
        %gather3A_132 = tpu.vector_load_idx %arg14[%add3A_87, %broadcast_in_dim3A_131] : memref<128x64xf32, #tpu.memory_space<vmem>>[vector<16xi32>, vector<16xi32>], vector<16xf32>,
        %add3A_133 = arith.addf %gather3A, %gather3A_132 : vector<16xf32>
        %max3A = arith.constant 0.000000e+00 : f32
        %max3A_134 = vector.broadcast %max3A : f32 to vector<16xf32>
        %max3A_135 = arith.maximumf %add3A_133, %max3A_134 : vector<16xf32>
        %get3A_136 = arith.index_cast %scan3A_129 : i32 to index
        %get3A_137 = arith.constant 0 : index
        %get3A_138 = tpu.vector_load %arg9[%get3A_136, %get3A_137] {strides = array<i32>} : memref<64x16xf32, #tpu.memory_space<vmem>>, vector<16xf32>,
        %mul3A_139 = arith.mulf %max3A_135, %get3A_138 : vector<16xf32>
        %add3A_140 = arith.addf %scan3A_130, %mul3A_139 : vector<16xf32>
        scf.yield %add3A_140 : vector<16xf32>
      }
      %scan3A_95 = arith.constant 64 : i32
      %add3A_96 = arith.addf %scan3A_94, %get3A_3 : vector<16xf32>
      %swap3A_97 = arith.constant 80 : index
      %swap3A_98 = tpu.vector_load %arg15[%swap3A_97] {strides = array<i32>} : memref<128xf32, #tpu.memory_space<vmem>>, vector<16xf32>,
      tpu.vector_store %arg15[%swap3A_97], %add3A_96 {strides = array<i32>} : memref<128xf32, #tpu.memory_space<vmem>>, vector<16xf32>,
      %iota3A_99 = tpu.iota {dimensions = array<i32: 0>} : vector<16xi32>
      %add3A_100 = arith.constant 96 : i32
      %add3A_101 = vector.broadcast %add3A_100 : i32 to vector<16xi32>
      %add3A_102 = arith.addi %iota3A_99, %add3A_101 : vector<16xi32>
      %broadcast_in_dim3A_103 = arith.constant 0.000000e+00 : f32
      %broadcast_in_dim3A_104 = vector.broadcast %broadcast_in_dim3A_103 : f32 to vector<16xf32>
      %scan3A_105 = arith.constant 0 : i32
      %scan3A_106 = arith.constant 64 : i32
      %scan3A_107 = arith.addi %scan3A_105, %scan3A_106 : i32
      %scan3A_108 = arith.constant 1 : i32
      %scan3A_109 = scf.for %scan3A_129 = %scan3A_105 to %scan3A_107 step %scan3A_108 iter_args(%scan3A_130 = %broadcast_in_dim3A_104) -> (vector<16xf32>)  : i32 {
        %broadcast_in_dim3A_131 = vector.broadcast %scan3A_129 : i32 to vector<16xi32>
        %gather3A = tpu.vector_load_idx %arg13[%add3A_102, %broadcast_in_dim3A_131] : memref<128x64xf32, #tpu.memory_space<vmem>>[vector<16xi32>, vector<16xi32>], vector<16xf32>,
        %gather3A_132 = tpu.vector_load_idx %arg14[%add3A_102, %broadcast_in_dim3A_131] : memref<128x64xf32, #tpu.memory_space<vmem>>[vector<16xi32>, vector<16xi32>], vector<16xf32>,
        %add3A_133 = arith.addf %gather3A, %gather3A_132 : vector<16xf32>
        %max3A = arith.constant 0.000000e+00 : f32
        %max3A_134 = vector.broadcast %max3A : f32 to vector<16xf32>
        %max3A_135 = arith.maximumf %add3A_133, %max3A_134 : vector<16xf32>
        %get3A_136 = arith.index_cast %scan3A_129 : i32 to index
        %get3A_137 = arith.constant 0 : index
        %get3A_138 = tpu.vector_load %arg9[%get3A_136, %get3A_137] {strides = array<i32>} : memref<64x16xf32, #tpu.memory_space<vmem>>, vector<16xf32>,
        %mul3A_139 = arith.mulf %max3A_135, %get3A_138 : vector<16xf32>
        %add3A_140 = arith.addf %scan3A_130, %mul3A_139 : vector<16xf32>
        scf.yield %add3A_140 : vector<16xf32>
      }
      %scan3A_110 = arith.constant 64 : i32
      %add3A_111 = arith.addf %scan3A_109, %get3A_3 : vector<16xf32>
      %swap3A_112 = arith.constant 96 : index
      %swap3A_113 = tpu.vector_load %arg15[%swap3A_112] {strides = array<i32>} : memref<128xf32, #tpu.memory_space<vmem>>, vector<16xf32>,
      tpu.vector_store %arg15[%swap3A_112], %add3A_111 {strides = array<i32>} : memref<128xf32, #tpu.memory_space<vmem>>, vector<16xf32>,
      %iota3A_114 = tpu.iota {dimensions = array<i32: 0>} : vector<16xi32>
      %add3A_115 = arith.constant 112 : i32
      %add3A_116 = vector.broadcast %add3A_115 : i32 to vector<16xi32>
      %add3A_117 = arith.addi %iota3A_114, %add3A_116 : vector<16xi32>
      %broadcast_in_dim3A_118 = arith.constant 0.000000e+00 : f32
      %broadcast_in_dim3A_119 = vector.broadcast %broadcast_in_dim3A_118 : f32 to vector<16xf32>
      %scan3A_120 = arith.constant 0 : i32
      %scan3A_121 = arith.constant 64 : i32
      %scan3A_122 = arith.addi %scan3A_120, %scan3A_121 : i32
      %scan3A_123 = arith.constant 1 : i32
      %scan3A_124 = scf.for %scan3A_129 = %scan3A_120 to %scan3A_122 step %scan3A_123 iter_args(%scan3A_130 = %broadcast_in_dim3A_119) -> (vector<16xf32>)  : i32 {
        %broadcast_in_dim3A_131 = vector.broadcast %scan3A_129 : i32 to vector<16xi32>
        %gather3A = tpu.vector_load_idx %arg13[%add3A_117, %broadcast_in_dim3A_131] : memref<128x64xf32, #tpu.memory_space<vmem>>[vector<16xi32>, vector<16xi32>], vector<16xf32>,
        %gather3A_132 = tpu.vector_load_idx %arg14[%add3A_117, %broadcast_in_dim3A_131] : memref<128x64xf32, #tpu.memory_space<vmem>>[vector<16xi32>, vector<16xi32>], vector<16xf32>,
        %add3A_133 = arith.addf %gather3A, %gather3A_132 : vector<16xf32>
        %max3A = arith.constant 0.000000e+00 : f32
        %max3A_134 = vector.broadcast %max3A : f32 to vector<16xf32>
        %max3A_135 = arith.maximumf %add3A_133, %max3A_134 : vector<16xf32>
        %get3A_136 = arith.index_cast %scan3A_129 : i32 to index
        %get3A_137 = arith.constant 0 : index
        %get3A_138 = tpu.vector_load %arg9[%get3A_136, %get3A_137] {strides = array<i32>} : memref<64x16xf32, #tpu.memory_space<vmem>>, vector<16xf32>,
        %mul3A_139 = arith.mulf %max3A_135, %get3A_138 : vector<16xf32>
        %add3A_140 = arith.addf %scan3A_130, %mul3A_139 : vector<16xf32>
        scf.yield %add3A_140 : vector<16xf32>
      }
      %scan3A_125 = arith.constant 64 : i32
      %add3A_126 = arith.addf %scan3A_124, %get3A_3 : vector<16xf32>
      %swap3A_127 = arith.constant 112 : index
      %swap3A_128 = tpu.vector_load %arg15[%swap3A_127] {strides = array<i32>} : memref<128xf32, #tpu.memory_space<vmem>>, vector<16xf32>,
      tpu.vector_store %arg15[%swap3A_127], %add3A_126 {strides = array<i32>} : memref<128xf32, #tpu.memory_space<vmem>>, vector<16xf32>,
      "tpu.region"() ({
        %run_scoped3A_129 = tpu.sem_alloc : memref<!tpu.dma_semaphore, #tpu.memory_space<semaphore_mem>>
        %dma_start3A = arith.constant 0 : i32
        %dma_start3A_130 = tpu.memref_slice %arg8[%add3A_10, %dma_start3A] : memref<6272x128xf32, #tpu.memory_space<hbm>> -> memref<1x128xf32, #tpu.memory_space<hbm>>
        %dma_start3A_131 = tpu.memref_squeeze %dma_start3A_130 : memref<1x128xf32, #tpu.memory_space<hbm>> -> memref<128xf32, #tpu.memory_space<hbm>>
        %dma_start3A_132 = arith.constant 0 : i32
        %dma_start3A_133 = tpu.memref_slice %arg8[%add3A_10, %dma_start3A_132] : memref<6272x128xf32, #tpu.memory_space<hbm>> -> memref<1x128xf32, #tpu.memory_space<hbm>>
        %dma_start3A_134 = tpu.memref_squeeze %dma_start3A_133 : memref<1x128xf32, #tpu.memory_space<hbm>> -> memref<128xf32, #tpu.memory_space<hbm>>
        tpu.enqueue_dma source(%arg15 : memref<128xf32, #tpu.memory_space<vmem>>) target(%dma_start3A_134 : memref<128xf32, #tpu.memory_space<hbm>>) target_semaphore(%run_scoped3A_129 : memref<!tpu.dma_semaphore, #tpu.memory_space<semaphore_mem>>)
        %dma_wait3A = arith.constant 0 : i32
        %dma_wait3A_135 = tpu.memref_slice %arg8[%add3A_10, %dma_wait3A] : memref<6272x128xf32, #tpu.memory_space<hbm>> -> memref<1x128xf32, #tpu.memory_space<hbm>>
        %dma_wait3A_136 = tpu.memref_squeeze %dma_wait3A_135 : memref<1x128xf32, #tpu.memory_space<hbm>> -> memref<128xf32, #tpu.memory_space<hbm>>
        %dma_wait3A_137 = arith.constant 0 : i32
        %dma_wait3A_138 = tpu.memref_slice %arg8[%add3A_10, %dma_wait3A_137] : memref<6272x128xf32, #tpu.memory_space<hbm>> -> memref<1x128xf32, #tpu.memory_space<hbm>>
        %dma_wait3A_139 = tpu.memref_squeeze %dma_wait3A_138 : memref<1x128xf32, #tpu.memory_space<hbm>> -> memref<128xf32, #tpu.memory_space<hbm>>
        tpu.wait_dma2 semaphore(%run_scoped3A_129 : memref<!tpu.dma_semaphore, #tpu.memory_space<semaphore_mem>>) src(%arg15 : memref<128xf32, #tpu.memory_space<vmem>>) dst(%dma_wait3A_139 : memref<128xf32, #tpu.memory_space<hbm>>)
        tpu.yield
      }) : () -> ()
    }
    %scan3A_8 = arith.constant 196 : i32
    return
  }
}

module attributes {stable_mosaic.version = 14 : i64} {
  func.func @_proj0_body(%arg0: i32, %arg1: memref<1000x4xf32, #tpu.memory_space<vmem>>, %arg2: memref<4x64xf32, #tpu.memory_space<vmem>>, %arg3: memref<64x1xf32, #tpu.memory_space<vmem>>, %arg4: memref<64x1xf32, #tpu.memory_space<vmem>>, %arg5: memref<1000x32xf32, #tpu.memory_space<vmem>>, %arg6: memref<1000x32xf32, #tpu.memory_space<vmem>>, %arg7: memref<1000x1xf32, #tpu.memory_space<vmem>>, %arg8: memref<1000x1xf32, #tpu.memory_space<vmem>>, %arg9: memref<1x1xf32, #tpu.memory_space<vmem>>, %arg10: memref<1x1xf32, #tpu.memory_space<vmem>>) attributes {dimension_semantics = [#tpu.dimension_semantics<arbitrary>], iteration_bounds = array<i64: 50>, scalar_prefetch = 0 : i64, scratch_operands = 0 : i64, tpu.core_type = #tpu.core_type<tc>, window_params = [{transform_indices = @transform_0, window_bounds = array<i64: 1000, 4>}, {pipeline_mode = #tpu.pipeline_mode<synchronous>, transform_indices = @transform_1, window_bounds = array<i64: 4, 64>}, {pipeline_mode = #tpu.pipeline_mode<synchronous>, transform_indices = @transform_2, window_bounds = array<i64: 64, 1>}, {pipeline_mode = #tpu.pipeline_mode<synchronous>, transform_indices = @transform_3, window_bounds = array<i64: 64, 1>}, {transform_indices = @transform_4, window_bounds = array<i64: 1000, 32>}, {transform_indices = @transform_5, window_bounds = array<i64: 1000, 32>}, {transform_indices = @transform_6, window_bounds = array<i64: 1000, 1>}, {transform_indices = @transform_7, window_bounds = array<i64: 1000, 1>}, {pipeline_mode = #tpu.pipeline_mode<synchronous>, transform_indices = @transform_8, window_bounds = array<i64: 1, 1>}, {pipeline_mode = #tpu.pipeline_mode<synchronous>, transform_indices = @transform_9, window_bounds = array<i64: 1, 1>}]} {
    %get3A = arith.constant 0 : index
    %get3A_0 = arith.constant 0 : index
    %get3A_1 = vector.load %arg1[%get3A, %get3A_0] : memref<1000x4xf32, #tpu.memory_space<vmem>>, vector<1000x4xf32>
    %get3A_2 = arith.constant 0 : index
    %get3A_3 = arith.constant 0 : index
    %get3A_4 = vector.load %arg2[%get3A_2, %get3A_3] : memref<4x64xf32, #tpu.memory_space<vmem>>, vector<4x64xf32>
    %dot_general3A = arith.constant dense<0.000000e+00> : vector<1000x64xf32>
    %dot_general3A_5 = tpu.matmul %get3A_1, %get3A_4, %dot_general3A {dimension_numbers = #tpu.dot_dimension_numbers<[1], [0], [0], [1], [0, 0, 1, 1], [], []>, transpose_lhs_hint = false} : vector<1000x4xf32>, vector<4x64xf32>, vector<1000x64xf32> -> vector<1000x64xf32>
    %slice3A = vector.extract_strided_slice %dot_general3A_5 {offsets = [0, 0], sizes = [1000, 32], strides = [1, 1]} : vector<1000x64xf32> to vector<1000x32xf32>
    %swap3A = arith.constant 0 : index
    %swap3A_6 = arith.constant 0 : index
    %swap3A_7 = vector.load %arg5[%swap3A, %swap3A_6] : memref<1000x32xf32, #tpu.memory_space<vmem>>, vector<1000x32xf32>
    tpu.vector_store %arg5[%swap3A, %swap3A_6], %slice3A {strides = array<i32>} : memref<1000x32xf32, #tpu.memory_space<vmem>>, vector<1000x32xf32>,
    %slice3A_8 = vector.extract_strided_slice %dot_general3A_5 {offsets = [0, 32], sizes = [1000, 32], strides = [1, 1]} : vector<1000x64xf32> to vector<1000x32xf32>
    %swap3A_9 = arith.constant 0 : index
    %swap3A_10 = arith.constant 0 : index
    %swap3A_11 = vector.load %arg6[%swap3A_9, %swap3A_10] : memref<1000x32xf32, #tpu.memory_space<vmem>>, vector<1000x32xf32>
    tpu.vector_store %arg6[%swap3A_9, %swap3A_10], %slice3A_8 {strides = array<i32>} : memref<1000x32xf32, #tpu.memory_space<vmem>>, vector<1000x32xf32>,
    %get3A_12 = arith.constant 0 : index
    %get3A_13 = arith.constant 0 : index
    %get3A_14 = vector.load %arg3[%get3A_12, %get3A_13] : memref<64x1xf32, #tpu.memory_space<vmem>>, vector<64x1xf32>
    %dot_general3A_15 = arith.constant dense<0.000000e+00> : vector<1000x1xf32>
    %dot_general3A_16 = tpu.matmul %dot_general3A_5, %get3A_14, %dot_general3A_15 {dimension_numbers = #tpu.dot_dimension_numbers<[1], [0], [0], [1], [0, 0, 1, 1], [], []>, transpose_lhs_hint = false} : vector<1000x64xf32>, vector<64x1xf32>, vector<1000x1xf32> -> vector<1000x1xf32>
    %get3A_17 = arith.constant 0 : index
    %get3A_18 = arith.constant 0 : index
    %get3A_19 = vector.load %arg4[%get3A_17, %get3A_18] : memref<64x1xf32, #tpu.memory_space<vmem>>, vector<64x1xf32>
    %dot_general3A_20 = arith.constant dense<0.000000e+00> : vector<1000x1xf32>
    %dot_general3A_21 = tpu.matmul %dot_general3A_5, %get3A_19, %dot_general3A_20 {dimension_numbers = #tpu.dot_dimension_numbers<[1], [0], [0], [1], [0, 0, 1, 1], [], []>, transpose_lhs_hint = false} : vector<1000x64xf32>, vector<64x1xf32>, vector<1000x1xf32> -> vector<1000x1xf32>
    %swap3A_22 = arith.constant 0 : index
    %swap3A_23 = arith.constant 0 : index
    %swap3A_24 = vector.load %arg7[%swap3A_22, %swap3A_23] : memref<1000x1xf32, #tpu.memory_space<vmem>>, vector<1000x1xf32>
    tpu.vector_store %arg7[%swap3A_22, %swap3A_23], %dot_general3A_16 {strides = array<i32>} : memref<1000x1xf32, #tpu.memory_space<vmem>>, vector<1000x1xf32>,
    %swap3A_25 = arith.constant 0 : index
    %swap3A_26 = arith.constant 0 : index
    %swap3A_27 = vector.load %arg8[%swap3A_25, %swap3A_26] : memref<1000x1xf32, #tpu.memory_space<vmem>>, vector<1000x1xf32>
    tpu.vector_store %arg8[%swap3A_25, %swap3A_26], %dot_general3A_21 {strides = array<i32>} : memref<1000x1xf32, #tpu.memory_space<vmem>>, vector<1000x1xf32>,
    %eq3A = arith.constant 0 : i32
    %eq3A_28 = arith.cmpi eq, %arg0, %eq3A : i32
    %convert_element_type3A = arith.extui %eq3A_28 : i1 to i32
    %cond3A = arith.constant 0 : i32
    %cond3A_29 = arith.cmpi ne, %convert_element_type3A, %cond3A : i32
    scf.if %cond3A_29 {
      %broadcast_in_dim3A_47 = arith.constant -1.000000e+30 : f32
      %broadcast_in_dim3A_48 = vector.broadcast %broadcast_in_dim3A_47 : f32 to vector<1x1xf32>
      %swap3A_49 = arith.constant 0 : index
      %swap3A_50 = arith.constant 0 : index
      %swap3A_51 = vector.load %arg9[%swap3A_49, %swap3A_50] : memref<1x1xf32, #tpu.memory_space<vmem>>, vector<1x1xf32>
      tpu.vector_store %arg9[%swap3A_49, %swap3A_50], %broadcast_in_dim3A_48 {strides = array<i32>} : memref<1x1xf32, #tpu.memory_space<vmem>>, vector<1x1xf32>,
      %broadcast_in_dim3A_52 = arith.constant -1.000000e+30 : f32
      %broadcast_in_dim3A_53 = vector.broadcast %broadcast_in_dim3A_52 : f32 to vector<1x1xf32>
      %swap3A_54 = arith.constant 0 : index
      %swap3A_55 = arith.constant 0 : index
      %swap3A_56 = vector.load %arg10[%swap3A_54, %swap3A_55] : memref<1x1xf32, #tpu.memory_space<vmem>>, vector<1x1xf32>
      tpu.vector_store %arg10[%swap3A_54, %swap3A_55], %broadcast_in_dim3A_53 {strides = array<i32>} : memref<1x1xf32, #tpu.memory_space<vmem>>, vector<1x1xf32>,
    } else {
    }
    %get3A_30 = arith.constant 0 : index
    %get3A_31 = arith.constant 0 : index
    %get3A_32 = vector.load %arg9[%get3A_30, %get3A_31] : memref<1x1xf32, #tpu.memory_space<vmem>>, vector<1x1xf32>
    %reduce_max3A = arith.constant dense<0xFF800000> : vector<1xf32>
    %reduce_max3A_33 = vector.multi_reduction <maximumf>, %dot_general3A_16, %reduce_max3A [0] : vector<1000x1xf32> to vector<1xf32>
    %broadcast_in_dim3A = vector.shape_cast %reduce_max3A_33 : vector<1xf32> to vector<1x1xf32>
    %max3A = arith.maximumf %get3A_32, %broadcast_in_dim3A : vector<1x1xf32>
    %swap3A_34 = arith.constant 0 : index
    %swap3A_35 = arith.constant 0 : index
    %swap3A_36 = vector.load %arg9[%swap3A_34, %swap3A_35] : memref<1x1xf32, #tpu.memory_space<vmem>>, vector<1x1xf32>
    tpu.vector_store %arg9[%swap3A_34, %swap3A_35], %max3A {strides = array<i32>} : memref<1x1xf32, #tpu.memory_space<vmem>>, vector<1x1xf32>,
    %get3A_37 = arith.constant 0 : index
    %get3A_38 = arith.constant 0 : index
    %get3A_39 = vector.load %arg10[%get3A_37, %get3A_38] : memref<1x1xf32, #tpu.memory_space<vmem>>, vector<1x1xf32>
    %reduce_max3A_40 = arith.constant dense<0xFF800000> : vector<1xf32>
    %reduce_max3A_41 = vector.multi_reduction <maximumf>, %dot_general3A_21, %reduce_max3A_40 [0] : vector<1000x1xf32> to vector<1xf32>
    %broadcast_in_dim3A_42 = vector.shape_cast %reduce_max3A_41 : vector<1xf32> to vector<1x1xf32>
    %max3A_43 = arith.maximumf %get3A_39, %broadcast_in_dim3A_42 : vector<1x1xf32>
    %swap3A_44 = arith.constant 0 : index
    %swap3A_45 = arith.constant 0 : index
    %swap3A_46 = vector.load %arg10[%swap3A_44, %swap3A_45] : memref<1x1xf32, #tpu.memory_space<vmem>>, vector<1x1xf32>
    tpu.vector_store %arg10[%swap3A_44, %swap3A_45], %max3A_43 {strides = array<i32>} : memref<1x1xf32, #tpu.memory_space<vmem>>, vector<1x1xf32>,
    return
  }
  func.func @transform_0(%arg0: i32) -> (i32, i32) {
    %c0_i32 = arith.constant 0 : i32
    %c0_i32_0 = arith.constant 0 : i32
    return %arg0, %c0_i32 : i32, i32
  }
  func.func @transform_1(%arg0: i32) -> (i32, i32) {
    %c0_i32 = arith.constant 0 : i32
    %c0_i32_0 = arith.constant 0 : i32
    %c0_i32_1 = arith.constant 0 : i32
    return %c0_i32, %c0_i32_0 : i32, i32
  }
  func.func @transform_2(%arg0: i32) -> (i32, i32) {
    %c0_i32 = arith.constant 0 : i32
    %c0_i32_0 = arith.constant 0 : i32
    %c0_i32_1 = arith.constant 0 : i32
    return %c0_i32, %c0_i32_0 : i32, i32
  }
  func.func @transform_3(%arg0: i32) -> (i32, i32) {
    %c0_i32 = arith.constant 0 : i32
    %c0_i32_0 = arith.constant 0 : i32
    %c0_i32_1 = arith.constant 0 : i32
    return %c0_i32, %c0_i32_0 : i32, i32
  }
  func.func @transform_4(%arg0: i32) -> (i32, i32) {
    %c0_i32 = arith.constant 0 : i32
    %c0_i32_0 = arith.constant 0 : i32
    return %arg0, %c0_i32 : i32, i32
  }
  func.func @transform_5(%arg0: i32) -> (i32, i32) {
    %c0_i32 = arith.constant 0 : i32
    %c0_i32_0 = arith.constant 0 : i32
    return %arg0, %c0_i32 : i32, i32
  }
  func.func @transform_6(%arg0: i32) -> (i32, i32) {
    %c0_i32 = arith.constant 0 : i32
    %c0_i32_0 = arith.constant 0 : i32
    return %arg0, %c0_i32 : i32, i32
  }
  func.func @transform_7(%arg0: i32) -> (i32, i32) {
    %c0_i32 = arith.constant 0 : i32
    %c0_i32_0 = arith.constant 0 : i32
    return %arg0, %c0_i32 : i32, i32
  }
  func.func @transform_8(%arg0: i32) -> (i32, i32) {
    %c0_i32 = arith.constant 0 : i32
    %c0_i32_0 = arith.constant 0 : i32
    %c0_i32_1 = arith.constant 0 : i32
    return %c0_i32, %c0_i32_0 : i32, i32
  }
  func.func @transform_9(%arg0: i32) -> (i32, i32) {
    %c0_i32 = arith.constant 0 : i32
    %c0_i32_0 = arith.constant 0 : i32
    %c0_i32_1 = arith.constant 0 : i32
    return %c0_i32, %c0_i32_0 : i32, i32
  }
}

module attributes {stable_mosaic.version = 14 : i64} {
  func.func @_edge_alpha_body(%arg0: i32, %arg1: memref<1000x2xf32, #tpu.memory_space<vmem>>, %arg2: memref<2x4xf32, #tpu.memory_space<vmem>>, %arg3: memref<1000x4xf32, #tpu.memory_space<vmem>>, %arg4: memref<1x4xf32, #tpu.memory_space<vmem>>, %arg5: memref<1x4xf32, #tpu.memory_space<vmem>>) attributes {dimension_semantics = [#tpu.dimension_semantics<arbitrary>], iteration_bounds = array<i64: 800>, scalar_prefetch = 0 : i64, scratch_operands = 0 : i64, tpu.core_type = #tpu.core_type<tc>, window_params = [{transform_indices = @transform_0, window_bounds = array<i64: 1000, 2>}, {pipeline_mode = #tpu.pipeline_mode<synchronous>, transform_indices = @transform_1, window_bounds = array<i64: 2, 4>}, {transform_indices = @transform_2, window_bounds = array<i64: 1000, 4>}, {pipeline_mode = #tpu.pipeline_mode<synchronous>, transform_indices = @transform_3, window_bounds = array<i64: 1, 4>}, {pipeline_mode = #tpu.pipeline_mode<synchronous>, transform_indices = @transform_4, window_bounds = array<i64: 1, 4>}]} {
    %get3A = arith.constant 0 : index
    %get3A_0 = arith.constant 0 : index
    %get3A_1 = vector.load %arg1[%get3A, %get3A_0] : memref<1000x2xf32, #tpu.memory_space<vmem>>, vector<1000x2xf32>
    %get3A_2 = arith.constant 0 : index
    %get3A_3 = arith.constant 0 : index
    %get3A_4 = vector.load %arg2[%get3A_2, %get3A_3] : memref<2x4xf32, #tpu.memory_space<vmem>>, vector<2x4xf32>
    %dot_general3A = arith.constant dense<0.000000e+00> : vector<1000x4xf32>
    %dot_general3A_5 = tpu.matmul %get3A_1, %get3A_4, %dot_general3A {dimension_numbers = #tpu.dot_dimension_numbers<[1], [0], [0], [1], [0, 0, 1, 1], [], []>, transpose_lhs_hint = false} : vector<1000x2xf32>, vector<2x4xf32>, vector<1000x4xf32> -> vector<1000x4xf32>
    %eq3A = arith.constant 0 : i32
    %eq3A_6 = arith.cmpi eq, %arg0, %eq3A : i32
    %convert_element_type3A = arith.extui %eq3A_6 : i1 to i32
    %cond3A = arith.constant 0 : i32
    %cond3A_7 = arith.cmpi ne, %convert_element_type3A, %cond3A : i32
    scf.if %cond3A_7 {
      %broadcast_in_dim3A_25 = arith.constant 0.000000e+00 : f32
      %broadcast_in_dim3A_26 = vector.broadcast %broadcast_in_dim3A_25 : f32 to vector<1x4xf32>
      %swap3A_27 = arith.constant 0 : index
      %swap3A_28 = arith.constant 0 : index
      %swap3A_29 = vector.load %arg4[%swap3A_27, %swap3A_28] : memref<1x4xf32, #tpu.memory_space<vmem>>, vector<1x4xf32>
      tpu.vector_store %arg4[%swap3A_27, %swap3A_28], %broadcast_in_dim3A_26 {strides = array<i32>} : memref<1x4xf32, #tpu.memory_space<vmem>>, vector<1x4xf32>,
      %broadcast_in_dim3A_30 = arith.constant -1.000000e+30 : f32
      %broadcast_in_dim3A_31 = vector.broadcast %broadcast_in_dim3A_30 : f32 to vector<1x4xf32>
      %swap3A_32 = arith.constant 0 : index
      %swap3A_33 = arith.constant 0 : index
      %swap3A_34 = vector.load %arg5[%swap3A_32, %swap3A_33] : memref<1x4xf32, #tpu.memory_space<vmem>>, vector<1x4xf32>
      tpu.vector_store %arg5[%swap3A_32, %swap3A_33], %broadcast_in_dim3A_31 {strides = array<i32>} : memref<1x4xf32, #tpu.memory_space<vmem>>, vector<1x4xf32>,
    } else {
    }
    %swap3A = arith.constant 0 : index
    %swap3A_8 = arith.constant 0 : index
    %swap3A_9 = vector.load %arg3[%swap3A, %swap3A_8] : memref<1000x4xf32, #tpu.memory_space<vmem>>, vector<1000x4xf32>
    tpu.vector_store %arg3[%swap3A, %swap3A_8], %dot_general3A_5 {strides = array<i32>} : memref<1000x4xf32, #tpu.memory_space<vmem>>, vector<1000x4xf32>,
    %get3A_10 = arith.constant 0 : index
    %get3A_11 = arith.constant 0 : index
    %get3A_12 = vector.load %arg4[%get3A_10, %get3A_11] : memref<1x4xf32, #tpu.memory_space<vmem>>, vector<1x4xf32>
    %reduce_sum3A = arith.constant dense<0.000000e+00> : vector<4xf32>
    %reduce_sum3A_13 = vector.multi_reduction <add>, %dot_general3A_5, %reduce_sum3A [0] : vector<1000x4xf32> to vector<4xf32>
    %broadcast_in_dim3A = vector.shape_cast %reduce_sum3A_13 : vector<4xf32> to vector<1x4xf32>
    %add3A = arith.addf %get3A_12, %broadcast_in_dim3A : vector<1x4xf32>
    %swap3A_14 = arith.constant 0 : index
    %swap3A_15 = arith.constant 0 : index
    %swap3A_16 = vector.load %arg4[%swap3A_14, %swap3A_15] : memref<1x4xf32, #tpu.memory_space<vmem>>, vector<1x4xf32>
    tpu.vector_store %arg4[%swap3A_14, %swap3A_15], %add3A {strides = array<i32>} : memref<1x4xf32, #tpu.memory_space<vmem>>, vector<1x4xf32>,
    %get3A_17 = arith.constant 0 : index
    %get3A_18 = arith.constant 0 : index
    %get3A_19 = vector.load %arg5[%get3A_17, %get3A_18] : memref<1x4xf32, #tpu.memory_space<vmem>>, vector<1x4xf32>
    %reduce_max3A = arith.constant dense<0xFF800000> : vector<4xf32>
    %reduce_max3A_20 = vector.multi_reduction <maximumf>, %dot_general3A_5, %reduce_max3A [0] : vector<1000x4xf32> to vector<4xf32>
    %broadcast_in_dim3A_21 = vector.shape_cast %reduce_max3A_20 : vector<4xf32> to vector<1x4xf32>
    %max3A = arith.maximumf %get3A_19, %broadcast_in_dim3A_21 : vector<1x4xf32>
    %swap3A_22 = arith.constant 0 : index
    %swap3A_23 = arith.constant 0 : index
    %swap3A_24 = vector.load %arg5[%swap3A_22, %swap3A_23] : memref<1x4xf32, #tpu.memory_space<vmem>>, vector<1x4xf32>
    tpu.vector_store %arg5[%swap3A_22, %swap3A_23], %max3A {strides = array<i32>} : memref<1x4xf32, #tpu.memory_space<vmem>>, vector<1x4xf32>,
    return
  }
  func.func @transform_0(%arg0: i32) -> (i32, i32) {
    %c0_i32 = arith.constant 0 : i32
    %c0_i32_0 = arith.constant 0 : i32
    return %arg0, %c0_i32 : i32, i32
  }
  func.func @transform_1(%arg0: i32) -> (i32, i32) {
    %c0_i32 = arith.constant 0 : i32
    %c0_i32_0 = arith.constant 0 : i32
    %c0_i32_1 = arith.constant 0 : i32
    return %c0_i32, %c0_i32_0 : i32, i32
  }
  func.func @transform_2(%arg0: i32) -> (i32, i32) {
    %c0_i32 = arith.constant 0 : i32
    %c0_i32_0 = arith.constant 0 : i32
    return %arg0, %c0_i32 : i32, i32
  }
  func.func @transform_3(%arg0: i32) -> (i32, i32) {
    %c0_i32 = arith.constant 0 : i32
    %c0_i32_0 = arith.constant 0 : i32
    %c0_i32_1 = arith.constant 0 : i32
    return %c0_i32, %c0_i32_0 : i32, i32
  }
  func.func @transform_4(%arg0: i32) -> (i32, i32) {
    %c0_i32 = arith.constant 0 : i32
    %c0_i32_0 = arith.constant 0 : i32
    %c0_i32_1 = arith.constant 0 : i32
    return %c0_i32, %c0_i32_0 : i32, i32
  }
}

module attributes {stable_mosaic.version = 14 : i64} {
  func.func @_proj_mid_body(%arg0: i32, %arg1: memref<1000x32xf32, #tpu.memory_space<vmem>>, %arg2: memref<1000x32xf32, #tpu.memory_space<vmem>>, %arg3: memref<1000x1xf32, #tpu.memory_space<vmem>>, %arg4: memref<1x64xf32, #tpu.memory_space<vmem>>, %arg5: memref<64x64xf32, #tpu.memory_space<vmem>>, %arg6: memref<64x1xf32, #tpu.memory_space<vmem>>, %arg7: memref<64x1xf32, #tpu.memory_space<vmem>>, %arg8: memref<1000x32xf32, #tpu.memory_space<vmem>>, %arg9: memref<1000x32xf32, #tpu.memory_space<vmem>>, %arg10: memref<1000x1xf32, #tpu.memory_space<vmem>>, %arg11: memref<1000x1xf32, #tpu.memory_space<vmem>>, %arg12: memref<1x1xf32, #tpu.memory_space<vmem>>, %arg13: memref<1x1xf32, #tpu.memory_space<vmem>>) attributes {dimension_semantics = [#tpu.dimension_semantics<arbitrary>], iteration_bounds = array<i64: 50>, scalar_prefetch = 0 : i64, scratch_operands = 0 : i64, tpu.core_type = #tpu.core_type<tc>, window_params = [{transform_indices = @transform_0, window_bounds = array<i64: 1000, 32>}, {transform_indices = @transform_1, window_bounds = array<i64: 1000, 32>}, {transform_indices = @transform_2, window_bounds = array<i64: 1000, 1>}, {pipeline_mode = #tpu.pipeline_mode<synchronous>, transform_indices = @transform_3, window_bounds = array<i64: 1, 64>}, {pipeline_mode = #tpu.pipeline_mode<synchronous>, transform_indices = @transform_4, window_bounds = array<i64: 64, 64>}, {pipeline_mode = #tpu.pipeline_mode<synchronous>, transform_indices = @transform_5, window_bounds = array<i64: 64, 1>}, {pipeline_mode = #tpu.pipeline_mode<synchronous>, transform_indices = @transform_6, window_bounds = array<i64: 64, 1>}, {transform_indices = @transform_7, window_bounds = array<i64: 1000, 32>}, {transform_indices = @transform_8, window_bounds = array<i64: 1000, 32>}, {transform_indices = @transform_9, window_bounds = array<i64: 1000, 1>}, {transform_indices = @transform_10, window_bounds = array<i64: 1000, 1>}, {pipeline_mode = #tpu.pipeline_mode<synchronous>, transform_indices = @transform_11, window_bounds = array<i64: 1, 1>}, {pipeline_mode = #tpu.pipeline_mode<synchronous>, transform_indices = @transform_12, window_bounds = array<i64: 1, 1>}]} {
    %get3A = arith.constant 0 : index
    %get3A_0 = arith.constant 0 : index
    %get3A_1 = vector.load %arg3[%get3A, %get3A_0] : memref<1000x1xf32, #tpu.memory_space<vmem>>, vector<1000x1xf32>
    %add3A = arith.constant 1.000000e-16 : f32
    %add3A_2 = vector.broadcast %add3A : f32 to vector<1000x1xf32>
    %add3A_3 = arith.addf %get3A_1, %add3A_2 : vector<1000x1xf32>
    %div3A = arith.constant 1.000000e+00 : f32
    %div3A_4 = vector.broadcast %div3A : f32 to vector<1000x1xf32>
    %div3A_5 = arith.divf %div3A_4, %add3A_3 : vector<1000x1xf32>
    %get3A_6 = arith.constant 0 : index
    %get3A_7 = arith.constant 0 : index
    %get3A_8 = vector.load %arg1[%get3A_6, %get3A_7] : memref<1000x32xf32, #tpu.memory_space<vmem>>, vector<1000x32xf32>
    %mul3A = vector.broadcast %div3A_5 : vector<1000x1xf32> to vector<1000x32xf32>
    %mul3A_9 = arith.mulf %get3A_8, %mul3A : vector<1000x32xf32>
    %get3A_10 = arith.constant 0 : index
    %get3A_11 = arith.constant 0 : index
    %get3A_12 = vector.load %arg4[%get3A_10, %get3A_11] : memref<1x64xf32, #tpu.memory_space<vmem>>, vector<1x32xf32>
    %add3A_13 = vector.broadcast %get3A_12 : vector<1x32xf32> to vector<1000x32xf32>
    %add3A_14 = arith.addf %mul3A_9, %add3A_13 : vector<1000x32xf32>
    %max3A = arith.constant 0.000000e+00 : f32
    %max3A_15 = vector.broadcast %max3A : f32 to vector<1000x32xf32>
    %max3A_16 = arith.maximumf %add3A_14, %max3A_15 : vector<1000x32xf32>
    %get3A_17 = arith.constant 0 : index
    %get3A_18 = arith.constant 0 : index
    %get3A_19 = vector.load %arg2[%get3A_17, %get3A_18] : memref<1000x32xf32, #tpu.memory_space<vmem>>, vector<1000x32xf32>
    %mul3A_20 = vector.broadcast %div3A_5 : vector<1000x1xf32> to vector<1000x32xf32>
    %mul3A_21 = arith.mulf %get3A_19, %mul3A_20 : vector<1000x32xf32>
    %get3A_22 = arith.constant 0 : index
    %get3A_23 = arith.constant 32 : index
    %get3A_24 = vector.load %arg4[%get3A_22, %get3A_23] : memref<1x64xf32, #tpu.memory_space<vmem>>, vector<1x32xf32>
    %add3A_25 = vector.broadcast %get3A_24 : vector<1x32xf32> to vector<1000x32xf32>
    %add3A_26 = arith.addf %mul3A_21, %add3A_25 : vector<1000x32xf32>
    %max3A_27 = arith.constant 0.000000e+00 : f32
    %max3A_28 = vector.broadcast %max3A_27 : f32 to vector<1000x32xf32>
    %max3A_29 = arith.maximumf %add3A_26, %max3A_28 : vector<1000x32xf32>
    %get3A_30 = arith.constant 0 : index
    %get3A_31 = arith.constant 0 : index
    %get3A_32 = vector.load %arg5[%get3A_30, %get3A_31] : memref<64x64xf32, #tpu.memory_space<vmem>>, vector<32x64xf32>
    %dot_general3A = arith.constant dense<0.000000e+00> : vector<1000x64xf32>
    %dot_general3A_33 = tpu.matmul %max3A_16, %get3A_32, %dot_general3A {dimension_numbers = #tpu.dot_dimension_numbers<[1], [0], [0], [1], [0, 0, 1, 1], [], []>, transpose_lhs_hint = false} : vector<1000x32xf32>, vector<32x64xf32>, vector<1000x64xf32> -> vector<1000x64xf32>
    %get3A_34 = arith.constant 32 : index
    %get3A_35 = arith.constant 0 : index
    %get3A_36 = vector.load %arg5[%get3A_34, %get3A_35] : memref<64x64xf32, #tpu.memory_space<vmem>>, vector<32x64xf32>
    %dot_general3A_37 = arith.constant dense<0.000000e+00> : vector<1000x64xf32>
    %dot_general3A_38 = tpu.matmul %max3A_29, %get3A_36, %dot_general3A_37 {dimension_numbers = #tpu.dot_dimension_numbers<[1], [0], [0], [1], [0, 0, 1, 1], [], []>, transpose_lhs_hint = false} : vector<1000x32xf32>, vector<32x64xf32>, vector<1000x64xf32> -> vector<1000x64xf32>
    %add3A_39 = arith.addf %dot_general3A_33, %dot_general3A_38 : vector<1000x64xf32>
    %slice3A = vector.extract_strided_slice %add3A_39 {offsets = [0, 0], sizes = [1000, 32], strides = [1, 1]} : vector<1000x64xf32> to vector<1000x32xf32>
    %swap3A = arith.constant 0 : index
    %swap3A_40 = arith.constant 0 : index
    %swap3A_41 = vector.load %arg8[%swap3A, %swap3A_40] : memref<1000x32xf32, #tpu.memory_space<vmem>>, vector<1000x32xf32>
    tpu.vector_store %arg8[%swap3A, %swap3A_40], %slice3A {strides = array<i32>} : memref<1000x32xf32, #tpu.memory_space<vmem>>, vector<1000x32xf32>,
    %slice3A_42 = vector.extract_strided_slice %add3A_39 {offsets = [0, 32], sizes = [1000, 32], strides = [1, 1]} : vector<1000x64xf32> to vector<1000x32xf32>
    %swap3A_43 = arith.constant 0 : index
    %swap3A_44 = arith.constant 0 : index
    %swap3A_45 = vector.load %arg9[%swap3A_43, %swap3A_44] : memref<1000x32xf32, #tpu.memory_space<vmem>>, vector<1000x32xf32>
    tpu.vector_store %arg9[%swap3A_43, %swap3A_44], %slice3A_42 {strides = array<i32>} : memref<1000x32xf32, #tpu.memory_space<vmem>>, vector<1000x32xf32>,
    %get3A_46 = arith.constant 0 : index
    %get3A_47 = arith.constant 0 : index
    %get3A_48 = vector.load %arg6[%get3A_46, %get3A_47] : memref<64x1xf32, #tpu.memory_space<vmem>>, vector<64x1xf32>
    %dot_general3A_49 = arith.constant dense<0.000000e+00> : vector<1000x1xf32>
    %dot_general3A_50 = tpu.matmul %add3A_39, %get3A_48, %dot_general3A_49 {dimension_numbers = #tpu.dot_dimension_numbers<[1], [0], [0], [1], [0, 0, 1, 1], [], []>, transpose_lhs_hint = false} : vector<1000x64xf32>, vector<64x1xf32>, vector<1000x1xf32> -> vector<1000x1xf32>
    %get3A_51 = arith.constant 0 : index
    %get3A_52 = arith.constant 0 : index
    %get3A_53 = vector.load %arg7[%get3A_51, %get3A_52] : memref<64x1xf32, #tpu.memory_space<vmem>>, vector<64x1xf32>
    %dot_general3A_54 = arith.constant dense<0.000000e+00> : vector<1000x1xf32>
    %dot_general3A_55 = tpu.matmul %add3A_39, %get3A_53, %dot_general3A_54 {dimension_numbers = #tpu.dot_dimension_numbers<[1], [0], [0], [1], [0, 0, 1, 1], [], []>, transpose_lhs_hint = false} : vector<1000x64xf32>, vector<64x1xf32>, vector<1000x1xf32> -> vector<1000x1xf32>
    %swap3A_56 = arith.constant 0 : index
    %swap3A_57 = arith.constant 0 : index
    %swap3A_58 = vector.load %arg10[%swap3A_56, %swap3A_57] : memref<1000x1xf32, #tpu.memory_space<vmem>>, vector<1000x1xf32>
    tpu.vector_store %arg10[%swap3A_56, %swap3A_57], %dot_general3A_50 {strides = array<i32>} : memref<1000x1xf32, #tpu.memory_space<vmem>>, vector<1000x1xf32>,
    %swap3A_59 = arith.constant 0 : index
    %swap3A_60 = arith.constant 0 : index
    %swap3A_61 = vector.load %arg11[%swap3A_59, %swap3A_60] : memref<1000x1xf32, #tpu.memory_space<vmem>>, vector<1000x1xf32>
    tpu.vector_store %arg11[%swap3A_59, %swap3A_60], %dot_general3A_55 {strides = array<i32>} : memref<1000x1xf32, #tpu.memory_space<vmem>>, vector<1000x1xf32>,
    %eq3A = arith.constant 0 : i32
    %eq3A_62 = arith.cmpi eq, %arg0, %eq3A : i32
    %convert_element_type3A = arith.extui %eq3A_62 : i1 to i32
    %cond3A = arith.constant 0 : i32
    %cond3A_63 = arith.cmpi ne, %convert_element_type3A, %cond3A : i32
    scf.if %cond3A_63 {
      %broadcast_in_dim3A_82 = arith.constant -1.000000e+30 : f32
      %broadcast_in_dim3A_83 = vector.broadcast %broadcast_in_dim3A_82 : f32 to vector<1x1xf32>
      %swap3A_84 = arith.constant 0 : index
      %swap3A_85 = arith.constant 0 : index
      %swap3A_86 = vector.load %arg12[%swap3A_84, %swap3A_85] : memref<1x1xf32, #tpu.memory_space<vmem>>, vector<1x1xf32>
      tpu.vector_store %arg12[%swap3A_84, %swap3A_85], %broadcast_in_dim3A_83 {strides = array<i32>} : memref<1x1xf32, #tpu.memory_space<vmem>>, vector<1x1xf32>,
      %broadcast_in_dim3A_87 = arith.constant -1.000000e+30 : f32
      %broadcast_in_dim3A_88 = vector.broadcast %broadcast_in_dim3A_87 : f32 to vector<1x1xf32>
      %swap3A_89 = arith.constant 0 : index
      %swap3A_90 = arith.constant 0 : index
      %swap3A_91 = vector.load %arg13[%swap3A_89, %swap3A_90] : memref<1x1xf32, #tpu.memory_space<vmem>>, vector<1x1xf32>
      tpu.vector_store %arg13[%swap3A_89, %swap3A_90], %broadcast_in_dim3A_88 {strides = array<i32>} : memref<1x1xf32, #tpu.memory_space<vmem>>, vector<1x1xf32>,
    } else {
    }
    %get3A_64 = arith.constant 0 : index
    %get3A_65 = arith.constant 0 : index
    %get3A_66 = vector.load %arg12[%get3A_64, %get3A_65] : memref<1x1xf32, #tpu.memory_space<vmem>>, vector<1x1xf32>
    %reduce_max3A = arith.constant dense<0xFF800000> : vector<1xf32>
    %reduce_max3A_67 = vector.multi_reduction <maximumf>, %dot_general3A_50, %reduce_max3A [0] : vector<1000x1xf32> to vector<1xf32>
    %broadcast_in_dim3A = vector.shape_cast %reduce_max3A_67 : vector<1xf32> to vector<1x1xf32>
    %max3A_68 = arith.maximumf %get3A_66, %broadcast_in_dim3A : vector<1x1xf32>
    %swap3A_69 = arith.constant 0 : index
    %swap3A_70 = arith.constant 0 : index
    %swap3A_71 = vector.load %arg12[%swap3A_69, %swap3A_70] : memref<1x1xf32, #tpu.memory_space<vmem>>, vector<1x1xf32>
    tpu.vector_store %arg12[%swap3A_69, %swap3A_70], %max3A_68 {strides = array<i32>} : memref<1x1xf32, #tpu.memory_space<vmem>>, vector<1x1xf32>,
    %get3A_72 = arith.constant 0 : index
    %get3A_73 = arith.constant 0 : index
    %get3A_74 = vector.load %arg13[%get3A_72, %get3A_73] : memref<1x1xf32, #tpu.memory_space<vmem>>, vector<1x1xf32>
    %reduce_max3A_75 = arith.constant dense<0xFF800000> : vector<1xf32>
    %reduce_max3A_76 = vector.multi_reduction <maximumf>, %dot_general3A_55, %reduce_max3A_75 [0] : vector<1000x1xf32> to vector<1xf32>
    %broadcast_in_dim3A_77 = vector.shape_cast %reduce_max3A_76 : vector<1xf32> to vector<1x1xf32>
    %max3A_78 = arith.maximumf %get3A_74, %broadcast_in_dim3A_77 : vector<1x1xf32>
    %swap3A_79 = arith.constant 0 : index
    %swap3A_80 = arith.constant 0 : index
    %swap3A_81 = vector.load %arg13[%swap3A_79, %swap3A_80] : memref<1x1xf32, #tpu.memory_space<vmem>>, vector<1x1xf32>
    tpu.vector_store %arg13[%swap3A_79, %swap3A_80], %max3A_78 {strides = array<i32>} : memref<1x1xf32, #tpu.memory_space<vmem>>, vector<1x1xf32>,
    return
  }
  func.func @transform_0(%arg0: i32) -> (i32, i32) {
    %c0_i32 = arith.constant 0 : i32
    %c0_i32_0 = arith.constant 0 : i32
    return %arg0, %c0_i32 : i32, i32
  }
  func.func @transform_1(%arg0: i32) -> (i32, i32) {
    %c0_i32 = arith.constant 0 : i32
    %c0_i32_0 = arith.constant 0 : i32
    return %arg0, %c0_i32 : i32, i32
  }
  func.func @transform_2(%arg0: i32) -> (i32, i32) {
    %c0_i32 = arith.constant 0 : i32
    %c0_i32_0 = arith.constant 0 : i32
    return %arg0, %c0_i32 : i32, i32
  }
  func.func @transform_3(%arg0: i32) -> (i32, i32) {
    %c0_i32 = arith.constant 0 : i32
    %c0_i32_0 = arith.constant 0 : i32
    %c0_i32_1 = arith.constant 0 : i32
    return %c0_i32, %c0_i32_0 : i32, i32
  }
  func.func @transform_4(%arg0: i32) -> (i32, i32) {
    %c0_i32 = arith.constant 0 : i32
    %c0_i32_0 = arith.constant 0 : i32
    %c0_i32_1 = arith.constant 0 : i32
    return %c0_i32, %c0_i32_0 : i32, i32
  }
  func.func @transform_5(%arg0: i32) -> (i32, i32) {
    %c0_i32 = arith.constant 0 : i32
    %c0_i32_0 = arith.constant 0 : i32
    %c0_i32_1 = arith.constant 0 : i32
    return %c0_i32, %c0_i32_0 : i32, i32
  }
  func.func @transform_6(%arg0: i32) -> (i32, i32) {
    %c0_i32 = arith.constant 0 : i32
    %c0_i32_0 = arith.constant 0 : i32
    %c0_i32_1 = arith.constant 0 : i32
    return %c0_i32, %c0_i32_0 : i32, i32
  }
  func.func @transform_7(%arg0: i32) -> (i32, i32) {
    %c0_i32 = arith.constant 0 : i32
    %c0_i32_0 = arith.constant 0 : i32
    return %arg0, %c0_i32 : i32, i32
  }
  func.func @transform_8(%arg0: i32) -> (i32, i32) {
    %c0_i32 = arith.constant 0 : i32
    %c0_i32_0 = arith.constant 0 : i32
    return %arg0, %c0_i32 : i32, i32
  }
  func.func @transform_9(%arg0: i32) -> (i32, i32) {
    %c0_i32 = arith.constant 0 : i32
    %c0_i32_0 = arith.constant 0 : i32
    return %arg0, %c0_i32 : i32, i32
  }
  func.func @transform_10(%arg0: i32) -> (i32, i32) {
    %c0_i32 = arith.constant 0 : i32
    %c0_i32_0 = arith.constant 0 : i32
    return %arg0, %c0_i32 : i32, i32
  }
  func.func @transform_11(%arg0: i32) -> (i32, i32) {
    %c0_i32 = arith.constant 0 : i32
    %c0_i32_0 = arith.constant 0 : i32
    %c0_i32_1 = arith.constant 0 : i32
    return %c0_i32, %c0_i32_0 : i32, i32
  }
  func.func @transform_12(%arg0: i32) -> (i32, i32) {
    %c0_i32 = arith.constant 0 : i32
    %c0_i32_0 = arith.constant 0 : i32
    %c0_i32_1 = arith.constant 0 : i32
    return %c0_i32, %c0_i32_0 : i32, i32
  }
}

module attributes {stable_mosaic.version = 14 : i64} {
  func.func @_final_body(%arg0: i32, %arg1: memref<1000x32xf32, #tpu.memory_space<vmem>>, %arg2: memref<1000x32xf32, #tpu.memory_space<vmem>>, %arg3: memref<1000x1xf32, #tpu.memory_space<vmem>>, %arg4: memref<1x64xf32, #tpu.memory_space<vmem>>, %arg5: memref<64x32xf32, #tpu.memory_space<vmem>>, %arg6: memref<1x32xf32, #tpu.memory_space<vmem>>, %arg7: memref<32x1xf32, #tpu.memory_space<vmem>>, %arg8: memref<1x1xf32, #tpu.memory_space<vmem>>, %arg9: memref<64x32xf32, #tpu.memory_space<vmem>>, %arg10: memref<1x32xf32, #tpu.memory_space<vmem>>, %arg11: memref<32x1xf32, #tpu.memory_space<vmem>>, %arg12: memref<1x1xf32, #tpu.memory_space<vmem>>, %arg13: memref<64x64xf32, #tpu.memory_space<vmem>>, %arg14: memref<64x64xf32, #tpu.memory_space<vmem>>, %arg15: memref<1x64xf32, #tpu.memory_space<vmem>>, %arg16: memref<1000x1xf32, #tpu.memory_space<vmem>>, %arg17: memref<1000x1xf32, #tpu.memory_space<vmem>>, %arg18: memref<1000x64xf32, #tpu.memory_space<vmem>>, %arg19: memref<1000x64xf32, #tpu.memory_space<vmem>>) attributes {dimension_semantics = [#tpu.dimension_semantics<arbitrary>], iteration_bounds = array<i64: 50>, scalar_prefetch = 0 : i64, scratch_operands = 0 : i64, tpu.core_type = #tpu.core_type<tc>, window_params = [{transform_indices = @transform_0, window_bounds = array<i64: 1000, 32>}, {transform_indices = @transform_1, window_bounds = array<i64: 1000, 32>}, {transform_indices = @transform_2, window_bounds = array<i64: 1000, 1>}, {pipeline_mode = #tpu.pipeline_mode<synchronous>, transform_indices = @transform_3, window_bounds = array<i64: 1, 64>}, {pipeline_mode = #tpu.pipeline_mode<synchronous>, transform_indices = @transform_4, window_bounds = array<i64: 64, 32>}, {pipeline_mode = #tpu.pipeline_mode<synchronous>, transform_indices = @transform_5, window_bounds = array<i64: 1, 32>}, {pipeline_mode = #tpu.pipeline_mode<synchronous>, transform_indices = @transform_6, window_bounds = array<i64: 32, 1>}, {pipeline_mode = #tpu.pipeline_mode<synchronous>, transform_indices = @transform_7, window_bounds = array<i64: 1, 1>}, {pipeline_mode = #tpu.pipeline_mode<synchronous>, transform_indices = @transform_8, window_bounds = array<i64: 64, 32>}, {pipeline_mode = #tpu.pipeline_mode<synchronous>, transform_indices = @transform_9, window_bounds = array<i64: 1, 32>}, {pipeline_mode = #tpu.pipeline_mode<synchronous>, transform_indices = @transform_10, window_bounds = array<i64: 32, 1>}, {pipeline_mode = #tpu.pipeline_mode<synchronous>, transform_indices = @transform_11, window_bounds = array<i64: 1, 1>}, {pipeline_mode = #tpu.pipeline_mode<synchronous>, transform_indices = @transform_12, window_bounds = array<i64: 64, 64>}, {pipeline_mode = #tpu.pipeline_mode<synchronous>, transform_indices = @transform_13, window_bounds = array<i64: 64, 64>}, {pipeline_mode = #tpu.pipeline_mode<synchronous>, transform_indices = @transform_14, window_bounds = array<i64: 1, 64>}, {transform_indices = @transform_15, window_bounds = array<i64: 1000, 1>}, {transform_indices = @transform_16, window_bounds = array<i64: 1000, 1>}, {transform_indices = @transform_17, window_bounds = array<i64: 1000, 64>}, {transform_indices = @transform_18, window_bounds = array<i64: 1000, 64>}]} {
    %get3A = arith.constant 0 : index
    %get3A_0 = arith.constant 0 : index
    %get3A_1 = vector.load %arg3[%get3A, %get3A_0] : memref<1000x1xf32, #tpu.memory_space<vmem>>, vector<1000x1xf32>
    %add3A = arith.constant 1.000000e-16 : f32
    %add3A_2 = vector.broadcast %add3A : f32 to vector<1000x1xf32>
    %add3A_3 = arith.addf %get3A_1, %add3A_2 : vector<1000x1xf32>
    %div3A = arith.constant 1.000000e+00 : f32
    %div3A_4 = vector.broadcast %div3A : f32 to vector<1000x1xf32>
    %div3A_5 = arith.divf %div3A_4, %add3A_3 : vector<1000x1xf32>
    %get3A_6 = arith.constant 0 : index
    %get3A_7 = arith.constant 0 : index
    %get3A_8 = vector.load %arg1[%get3A_6, %get3A_7] : memref<1000x32xf32, #tpu.memory_space<vmem>>, vector<1000x32xf32>
    %mul3A = vector.broadcast %div3A_5 : vector<1000x1xf32> to vector<1000x32xf32>
    %mul3A_9 = arith.mulf %get3A_8, %mul3A : vector<1000x32xf32>
    %get3A_10 = arith.constant 0 : index
    %get3A_11 = arith.constant 0 : index
    %get3A_12 = vector.load %arg4[%get3A_10, %get3A_11] : memref<1x64xf32, #tpu.memory_space<vmem>>, vector<1x32xf32>
    %add3A_13 = vector.broadcast %get3A_12 : vector<1x32xf32> to vector<1000x32xf32>
    %add3A_14 = arith.addf %mul3A_9, %add3A_13 : vector<1000x32xf32>
    %get3A_15 = arith.constant 0 : index
    %get3A_16 = arith.constant 0 : index
    %get3A_17 = vector.load %arg2[%get3A_15, %get3A_16] : memref<1000x32xf32, #tpu.memory_space<vmem>>, vector<1000x32xf32>
    %mul3A_18 = vector.broadcast %div3A_5 : vector<1000x1xf32> to vector<1000x32xf32>
    %mul3A_19 = arith.mulf %get3A_17, %mul3A_18 : vector<1000x32xf32>
    %get3A_20 = arith.constant 0 : index
    %get3A_21 = arith.constant 32 : index
    %get3A_22 = vector.load %arg4[%get3A_20, %get3A_21] : memref<1x64xf32, #tpu.memory_space<vmem>>, vector<1x32xf32>
    %add3A_23 = vector.broadcast %get3A_22 : vector<1x32xf32> to vector<1000x32xf32>
    %add3A_24 = arith.addf %mul3A_19, %add3A_23 : vector<1000x32xf32>
    %concatenate3A = tpu.concatenate %add3A_14, %add3A_24 in 1 : vector<1000x32xf32>, vector<1000x32xf32> -> vector<1000x64xf32>
    %get3A_25 = arith.constant 0 : index
    %get3A_26 = arith.constant 0 : index
    %get3A_27 = vector.load %arg5[%get3A_25, %get3A_26] : memref<64x32xf32, #tpu.memory_space<vmem>>, vector<64x32xf32>
    %dot_general3A = arith.constant dense<0.000000e+00> : vector<1000x32xf32>
    %dot_general3A_28 = tpu.matmul %concatenate3A, %get3A_27, %dot_general3A {dimension_numbers = #tpu.dot_dimension_numbers<[1], [0], [0], [1], [0, 0, 1, 1], [], []>, transpose_lhs_hint = false} : vector<1000x64xf32>, vector<64x32xf32>, vector<1000x32xf32> -> vector<1000x32xf32>
    %get3A_29 = arith.constant 0 : index
    %get3A_30 = arith.constant 0 : index
    %get3A_31 = vector.load %arg6[%get3A_29, %get3A_30] : memref<1x32xf32, #tpu.memory_space<vmem>>, vector<1x32xf32>
    %add3A_32 = vector.broadcast %get3A_31 : vector<1x32xf32> to vector<1000x32xf32>
    %add3A_33 = arith.addf %dot_general3A_28, %add3A_32 : vector<1000x32xf32>
    %max3A = arith.constant 0.000000e+00 : f32
    %max3A_34 = vector.broadcast %max3A : f32 to vector<1000x32xf32>
    %max3A_35 = arith.maximumf %add3A_33, %max3A_34 : vector<1000x32xf32>
    %get3A_36 = arith.constant 0 : index
    %get3A_37 = arith.constant 0 : index
    %get3A_38 = vector.load %arg7[%get3A_36, %get3A_37] : memref<32x1xf32, #tpu.memory_space<vmem>>, vector<32x1xf32>
    %dot_general3A_39 = arith.constant dense<0.000000e+00> : vector<1000x1xf32>
    %dot_general3A_40 = tpu.matmul %max3A_35, %get3A_38, %dot_general3A_39 {dimension_numbers = #tpu.dot_dimension_numbers<[1], [0], [0], [1], [0, 0, 1, 1], [], []>, transpose_lhs_hint = false} : vector<1000x32xf32>, vector<32x1xf32>, vector<1000x1xf32> -> vector<1000x1xf32>
    %get3A_41 = arith.constant 0 : index
    %get3A_42 = arith.constant 0 : index
    %get3A_43 = vector.load %arg8[%get3A_41, %get3A_42] : memref<1x1xf32, #tpu.memory_space<vmem>>, vector<1x1xf32>
    %add3A_44 = vector.broadcast %get3A_43 : vector<1x1xf32> to vector<1000x1xf32>
    %add3A_45 = arith.addf %dot_general3A_40, %add3A_44 : vector<1000x1xf32>
    %swap3A = arith.constant 0 : index
    %swap3A_46 = arith.constant 0 : index
    %swap3A_47 = vector.load %arg16[%swap3A, %swap3A_46] : memref<1000x1xf32, #tpu.memory_space<vmem>>, vector<1000x1xf32>
    tpu.vector_store %arg16[%swap3A, %swap3A_46], %add3A_45 {strides = array<i32>} : memref<1000x1xf32, #tpu.memory_space<vmem>>, vector<1000x1xf32>,
    %get3A_48 = arith.constant 0 : index
    %get3A_49 = arith.constant 0 : index
    %get3A_50 = vector.load %arg9[%get3A_48, %get3A_49] : memref<64x32xf32, #tpu.memory_space<vmem>>, vector<64x32xf32>
    %dot_general3A_51 = arith.constant dense<0.000000e+00> : vector<1000x32xf32>
    %dot_general3A_52 = tpu.matmul %concatenate3A, %get3A_50, %dot_general3A_51 {dimension_numbers = #tpu.dot_dimension_numbers<[1], [0], [0], [1], [0, 0, 1, 1], [], []>, transpose_lhs_hint = false} : vector<1000x64xf32>, vector<64x32xf32>, vector<1000x32xf32> -> vector<1000x32xf32>
    %get3A_53 = arith.constant 0 : index
    %get3A_54 = arith.constant 0 : index
    %get3A_55 = vector.load %arg10[%get3A_53, %get3A_54] : memref<1x32xf32, #tpu.memory_space<vmem>>, vector<1x32xf32>
    %add3A_56 = vector.broadcast %get3A_55 : vector<1x32xf32> to vector<1000x32xf32>
    %add3A_57 = arith.addf %dot_general3A_52, %add3A_56 : vector<1000x32xf32>
    %max3A_58 = arith.constant 0.000000e+00 : f32
    %max3A_59 = vector.broadcast %max3A_58 : f32 to vector<1000x32xf32>
    %max3A_60 = arith.maximumf %add3A_57, %max3A_59 : vector<1000x32xf32>
    %get3A_61 = arith.constant 0 : index
    %get3A_62 = arith.constant 0 : index
    %get3A_63 = vector.load %arg11[%get3A_61, %get3A_62] : memref<32x1xf32, #tpu.memory_space<vmem>>, vector<32x1xf32>
    %dot_general3A_64 = arith.constant dense<0.000000e+00> : vector<1000x1xf32>
    %dot_general3A_65 = tpu.matmul %max3A_60, %get3A_63, %dot_general3A_64 {dimension_numbers = #tpu.dot_dimension_numbers<[1], [0], [0], [1], [0, 0, 1, 1], [], []>, transpose_lhs_hint = false} : vector<1000x32xf32>, vector<32x1xf32>, vector<1000x1xf32> -> vector<1000x1xf32>
    %get3A_66 = arith.constant 0 : index
    %get3A_67 = arith.constant 0 : index
    %get3A_68 = vector.load %arg12[%get3A_66, %get3A_67] : memref<1x1xf32, #tpu.memory_space<vmem>>, vector<1x1xf32>
    %add3A_69 = vector.broadcast %get3A_68 : vector<1x1xf32> to vector<1000x1xf32>
    %add3A_70 = arith.addf %dot_general3A_65, %add3A_69 : vector<1000x1xf32>
    %swap3A_71 = arith.constant 0 : index
    %swap3A_72 = arith.constant 0 : index
    %swap3A_73 = vector.load %arg17[%swap3A_71, %swap3A_72] : memref<1000x1xf32, #tpu.memory_space<vmem>>, vector<1000x1xf32>
    tpu.vector_store %arg17[%swap3A_71, %swap3A_72], %add3A_70 {strides = array<i32>} : memref<1000x1xf32, #tpu.memory_space<vmem>>, vector<1000x1xf32>,
    %get3A_74 = arith.constant 0 : index
    %get3A_75 = arith.constant 0 : index
    %get3A_76 = vector.load %arg13[%get3A_74, %get3A_75] : memref<64x64xf32, #tpu.memory_space<vmem>>, vector<64x64xf32>
    %dot_general3A_77 = arith.constant dense<0.000000e+00> : vector<1000x64xf32>
    %dot_general3A_78 = tpu.matmul %concatenate3A, %get3A_76, %dot_general3A_77 {dimension_numbers = #tpu.dot_dimension_numbers<[1], [0], [0], [1], [0, 0, 1, 1], [], []>, transpose_lhs_hint = false} : vector<1000x64xf32>, vector<64x64xf32>, vector<1000x64xf32> -> vector<1000x64xf32>
    %get3A_79 = arith.constant 0 : index
    %get3A_80 = arith.constant 0 : index
    %get3A_81 = vector.load %arg15[%get3A_79, %get3A_80] : memref<1x64xf32, #tpu.memory_space<vmem>>, vector<1x64xf32>
    %add3A_82 = vector.broadcast %get3A_81 : vector<1x64xf32> to vector<1000x64xf32>
    %add3A_83 = arith.addf %dot_general3A_78, %add3A_82 : vector<1000x64xf32>
    %swap3A_84 = arith.constant 0 : index
    %swap3A_85 = arith.constant 0 : index
    %swap3A_86 = vector.load %arg18[%swap3A_84, %swap3A_85] : memref<1000x64xf32, #tpu.memory_space<vmem>>, vector<1000x64xf32>
    tpu.vector_store %arg18[%swap3A_84, %swap3A_85], %add3A_83 {strides = array<i32>} : memref<1000x64xf32, #tpu.memory_space<vmem>>, vector<1000x64xf32>,
    %get3A_87 = arith.constant 0 : index
    %get3A_88 = arith.constant 0 : index
    %get3A_89 = vector.load %arg14[%get3A_87, %get3A_88] : memref<64x64xf32, #tpu.memory_space<vmem>>, vector<64x64xf32>
    %dot_general3A_90 = arith.constant dense<0.000000e+00> : vector<1000x64xf32>
    %dot_general3A_91 = tpu.matmul %concatenate3A, %get3A_89, %dot_general3A_90 {dimension_numbers = #tpu.dot_dimension_numbers<[1], [0], [0], [1], [0, 0, 1, 1], [], []>, transpose_lhs_hint = false} : vector<1000x64xf32>, vector<64x64xf32>, vector<1000x64xf32> -> vector<1000x64xf32>
    %swap3A_92 = arith.constant 0 : index
    %swap3A_93 = arith.constant 0 : index
    %swap3A_94 = vector.load %arg19[%swap3A_92, %swap3A_93] : memref<1000x64xf32, #tpu.memory_space<vmem>>, vector<1000x64xf32>
    tpu.vector_store %arg19[%swap3A_92, %swap3A_93], %dot_general3A_91 {strides = array<i32>} : memref<1000x64xf32, #tpu.memory_space<vmem>>, vector<1000x64xf32>,
    return
  }
  func.func @transform_0(%arg0: i32) -> (i32, i32) {
    %c0_i32 = arith.constant 0 : i32
    %c0_i32_0 = arith.constant 0 : i32
    return %arg0, %c0_i32 : i32, i32
  }
  func.func @transform_1(%arg0: i32) -> (i32, i32) {
    %c0_i32 = arith.constant 0 : i32
    %c0_i32_0 = arith.constant 0 : i32
    return %arg0, %c0_i32 : i32, i32
  }
  func.func @transform_2(%arg0: i32) -> (i32, i32) {
    %c0_i32 = arith.constant 0 : i32
    %c0_i32_0 = arith.constant 0 : i32
    return %arg0, %c0_i32 : i32, i32
  }
  func.func @transform_3(%arg0: i32) -> (i32, i32) {
    %c0_i32 = arith.constant 0 : i32
    %c0_i32_0 = arith.constant 0 : i32
    %c0_i32_1 = arith.constant 0 : i32
    return %c0_i32, %c0_i32_0 : i32, i32
  }
  func.func @transform_4(%arg0: i32) -> (i32, i32) {
    %c0_i32 = arith.constant 0 : i32
    %c0_i32_0 = arith.constant 0 : i32
    %c0_i32_1 = arith.constant 0 : i32
    return %c0_i32, %c0_i32_0 : i32, i32
  }
  func.func @transform_5(%arg0: i32) -> (i32, i32) {
    %c0_i32 = arith.constant 0 : i32
    %c0_i32_0 = arith.constant 0 : i32
    %c0_i32_1 = arith.constant 0 : i32
    return %c0_i32, %c0_i32_0 : i32, i32
  }
  func.func @transform_6(%arg0: i32) -> (i32, i32) {
    %c0_i32 = arith.constant 0 : i32
    %c0_i32_0 = arith.constant 0 : i32
    %c0_i32_1 = arith.constant 0 : i32
    return %c0_i32, %c0_i32_0 : i32, i32
  }
  func.func @transform_7(%arg0: i32) -> (i32, i32) {
    %c0_i32 = arith.constant 0 : i32
    %c0_i32_0 = arith.constant 0 : i32
    %c0_i32_1 = arith.constant 0 : i32
    return %c0_i32, %c0_i32_0 : i32, i32
  }
  func.func @transform_8(%arg0: i32) -> (i32, i32) {
    %c0_i32 = arith.constant 0 : i32
    %c0_i32_0 = arith.constant 0 : i32
    %c0_i32_1 = arith.constant 0 : i32
    return %c0_i32, %c0_i32_0 : i32, i32
  }
  func.func @transform_9(%arg0: i32) -> (i32, i32) {
    %c0_i32 = arith.constant 0 : i32
    %c0_i32_0 = arith.constant 0 : i32
    %c0_i32_1 = arith.constant 0 : i32
    return %c0_i32, %c0_i32_0 : i32, i32
  }
  func.func @transform_10(%arg0: i32) -> (i32, i32) {
    %c0_i32 = arith.constant 0 : i32
    %c0_i32_0 = arith.constant 0 : i32
    %c0_i32_1 = arith.constant 0 : i32
    return %c0_i32, %c0_i32_0 : i32, i32
  }
  func.func @transform_11(%arg0: i32) -> (i32, i32) {
    %c0_i32 = arith.constant 0 : i32
    %c0_i32_0 = arith.constant 0 : i32
    %c0_i32_1 = arith.constant 0 : i32
    return %c0_i32, %c0_i32_0 : i32, i32
  }
  func.func @transform_12(%arg0: i32) -> (i32, i32) {
    %c0_i32 = arith.constant 0 : i32
    %c0_i32_0 = arith.constant 0 : i32
    %c0_i32_1 = arith.constant 0 : i32
    return %c0_i32, %c0_i32_0 : i32, i32
  }
  func.func @transform_13(%arg0: i32) -> (i32, i32) {
    %c0_i32 = arith.constant 0 : i32
    %c0_i32_0 = arith.constant 0 : i32
    %c0_i32_1 = arith.constant 0 : i32
    return %c0_i32, %c0_i32_0 : i32, i32
  }
  func.func @transform_14(%arg0: i32) -> (i32, i32) {
    %c0_i32 = arith.constant 0 : i32
    %c0_i32_0 = arith.constant 0 : i32
    %c0_i32_1 = arith.constant 0 : i32
    return %c0_i32, %c0_i32_0 : i32, i32
  }
  func.func @transform_15(%arg0: i32) -> (i32, i32) {
    %c0_i32 = arith.constant 0 : i32
    %c0_i32_0 = arith.constant 0 : i32
    return %arg0, %c0_i32 : i32, i32
  }
  func.func @transform_16(%arg0: i32) -> (i32, i32) {
    %c0_i32 = arith.constant 0 : i32
    %c0_i32_0 = arith.constant 0 : i32
    return %arg0, %c0_i32 : i32, i32
  }
  func.func @transform_17(%arg0: i32) -> (i32, i32) {
    %c0_i32 = arith.constant 0 : i32
    %c0_i32_0 = arith.constant 0 : i32
    return %arg0, %c0_i32 : i32, i32
  }
  func.func @transform_18(%arg0: i32) -> (i32, i32) {
    %c0_i32 = arith.constant 0 : i32
    %c0_i32_0 = arith.constant 0 : i32
    return %arg0, %c0_i32 : i32, i32
  }
}

</mosaic_0001>

<sc_bundles>
// kernel: kernel.11.cloned.1.call-start
scs
__scs_entry_jumppad:
0x0: {  	(pc) =	sbr.rel $0x88, $3  }
0x1: {  	(tag) =	ssettag $0x0;
	lr =	simm.s32 $0x1  }
0x2: {  	[smem:$0x3F80] =	sst lr;
	_ =	strace $0xD0000000  }
0x3: {  	_ = 	snop  }
0x4: {  	_ = 	snop  }
0x5: {  	_ = 	snop  }
0x6: {  	_ = 	snop  }
0x7: {  	_ = 	snop  }
__scs_overlays_trampoline_lowered:
0x8: {  	[smem:$0x3F8F] =	sst s0  }
0x9: {  	[smem:$0x3F90] =	sst s1  }
0xa: {  	[smem:$0x3F91] =	sst s2  }
0xb: {  	[smem:$0x3F92] =	sst s3  }
0xc: {  	[smem:$0x3F93] =	sst s4  }
0xd: {  	[smem:$0x3F94] =	sst s5  }
0xe: {  	[smem:$0x3F95] =	sst s6  }
0xf: {  	[smem:$0x3F96] =	sst s7  }
0x10: {  	[smem:$0x3F97] =	sst s8  }
0x11: {  	[smem:$0x3F98] =	sst s9;
	s0 =	simm.s32 @!p0 $0x0  }
0x12: {  	s1 =	sld [smem:$0x3F7E];
	s0 =	simm.s32 @p0 $0x1  }
0x13: {  	[smem:$0x3F99] =	sst s0;
	s0 =	simm.s32 @!p1 $0x0  }
0x14: {  	s2 =	sld [smem:$0x3F7D];
	s0 =	simm.s32 @p1 $0x1  }
0x15: {  	[smem:$0x3F9A] =	sst s0;
	s0 =	simm.s32 @!p2 $0x0  }
0x16: {  	s3 =	sld [smem:$0x3FDB];
	s0 =	simm.s32 @p2 $0x1  }
0x17: {  	s4 =	simm.s32 $0x1BF5;
	[smem:$0x3F9C] =	sst s0  }
0x18: {  	s0 =	sld [smem:$0x3F7F];
	_ =	swait.ge [sflag:s4], $0x0  }
0x19: {  	s7 =	sld [smem:$0x3F80]  }
0x1a: {  	s8 =	sadd.s32 $0xFFFFE003, lr  }
0x1b: {  	s9 =	sadd.s32 $0xFFFFFEF7, lr;
	s5 =	simm.s32 $0xFFFFFFFF;
	p2 =	slt.u32 s8, $0xFFFFF086  }
0x1c: {  	p1 =	slt.u32 s9, $0xF7A;
	s5 =	simm.s32 @!p2 $0x0  }
0x1d: {  	s5 =	simm.s32 @p1 $0x1;
	p0 =	seq.s32 s7, s2  }
0x1e: {  	s7 =	smul.u32 @!p0 $0xF7A, s2;
	p2 =	seq.s32 @!p0 s5, $0x0  }
0x1f: {  	s9 =	smul.u32 $0xF7A, s1;
	s8 =	simm.s32 @!p0 $0x1BF5;
	p2 =	por !p2, p0  }
0x20: {  	[sflag:s8] =	ssyncset.s32 @!p0 $0xFFFFF086;
	s6 =	sadd.s32 @!p0 s3, s7;
	s7 =	simm.s32 @!p0 $0x108  }
0x21: {  	s3 =	sadd.s32 s3, s9;
	s6 =	sadd.s32 @!p0 $0x88, s6;
	s7 =	simm.s32 @p2 $0x1082  }
0x22: {  	[simem:s7], [sflag:s8] =	dma.local @!p0 [hbm:s6], $0xF7A  }
0x23: {  	s9 =	sor.u32 $0xD0000000, s2;
	s6 =	simm.s32 $0x108;
	_ =	swait.ge @!p0 [sflag:s8], $0x0  }
0x24: {  	s3 =	sadd.s32 $0x88, s3;
	s6 =	simm.s32 @!p1 $0x1082;
	[sflag:s4] =	ssyncset.s32 $0xFFFFF086  }
0x25: {  	[simem:s6], [sflag:s4] =	dma.local [hbm:s3], $0xF7A  }
0x26: {  	[smem:$0x3F80] =	sst s1;
	(tag) =	ssettag s2;
	_ =	strace s9  }
0x27: {  	s1 =	sld [smem:$0x3F90]  }
0x28: {  	s2 =	sld [smem:$0x3F91]  }
0x29: {  	s4 =	sld [smem:$0x3F93]  }
0x2a: {  	p0 =	seq.s32 s5, $0x0;
	s5 =	sld [smem:$0x3F94]  }
0x2b: {  	s6 =	sld [smem:$0x3F95]  }
0x2c: {  	s7 =	sld [smem:$0x3F96]  }
0x2d: {  	s3 =	simm.s32 $0x108;
	s8 =	sld [smem:$0x3F97]  }
0x2e: {  	s3 =	simm.s32 @!p0 $0x1082;
	s9 =	sld [smem:$0x3F98]  }
0x2f: {  	lr =	sadd.s32 s0, s3;
	s0 =	sld [smem:$0x3F8F]  }
0x30: {  	s3 =	sld [smem:$0x3F92]  }
0x31: {  	[smem:$0x3F9B] =	sst s10  }
0x32: {  	s10 =	sld [smem:$0x3F99];
	_ =	sdelay $0x3  }
0x33: {  	p0 =	seq.s32 s10, $0x1;
	s10 =	sld [smem:$0x3F9B];
	_ =	sdelay $0x3  }
0x34: {  	[smem:$0x3F9B] =	sst s10  }
0x35: {  	s10 =	sld [smem:$0x3F9A];
	_ =	sdelay $0x3  }
0x36: {  	p1 =	seq.s32 s10, $0x1;
	s10 =	sld [smem:$0x3F9B];
	_ =	sdelay $0x3  }
0x37: {  	[smem:$0x3F9B] =	sst s10  }
0x38: {  	s10 =	sld [smem:$0x3F9C]  }
0x39: {  	_ = 	snop;
	(pc) =	sbr.ind lr, $3  }
0x3a: {  	_ = 	snop  }
0x3b: {  	_ = 	snop  }
0x3c: {  	p2 =	seq.s32 s10, $0x1;
	s10 =	sld [smem:$0x3F9B]  }
0x3d: {  	_ =	shalt  }
0x3e: {  	_ =	shalt  }
0x3f: {  	_ =	shalt  }
0x40: {  	_ =	shalt  }
0x41: {  	_ =	shalt  }
0x42: {  	_ =	shalt  }
0x43: {  	_ =	shalt  }
0x44: {  	_ =	shalt  }
0x45: {  	_ =	shalt  }
0x46: {  	_ =	shalt  }
0x47: {  	_ =	shalt  }
0x48: {  	_ =	shalt  }
0x49: {  	_ =	shalt  }
0x4a: {  	_ =	shalt  }
0x4b: {  	_ =	shalt  }
0x4c: {  	_ =	shalt  }
0x4d: {  	_ =	shalt  }
0x4e: {  	_ =	shalt  }
0x4f: {  	_ =	shalt  }
0x50: {  	_ =	shalt  }
0x51: {  	_ =	shalt  }
0x52: {  	_ =	shalt  }
0x53: {  	_ =	shalt  }
0x54: {  	_ =	shalt  }
0x55: {  	_ =	shalt  }
0x56: {  	_ =	shalt  }
0x57: {  	_ =	shalt  }
0x58: {  	_ =	shalt  }
0x59: {  	_ =	shalt  }
0x5a: {  	_ =	shalt  }
0x5b: {  	_ =	shalt  }
0x5c: {  	_ =	shalt  }
0x5d: {  	_ =	shalt  }
0x5e: {  	_ =	shalt  }
0x5f: {  	_ =	shalt  }
0x60: {  	_ =	shalt  }
0x61: {  	_ =	shalt  }
0x62: {  	_ =	shalt  }
0x63: {  	_ =	shalt  }
0x64: {  	_ =	shalt  }
0x65: {  	_ =	shalt  }
0x66: {  	_ =	shalt  }
0x67: {  	_ =	shalt  }
0x68: {  	_ =	shalt  }
0x69: {  	_ =	shalt  }
0x6a: {  	_ =	shalt  }
0x6b: {  	_ =	shalt  }
0x6c: {  	_ =	shalt  }
0x6d: {  	_ =	shalt  }
0x6e: {  	_ =	shalt  }
0x6f: {  	_ =	shalt  }
0x70: {  	_ =	shalt  }
0x71: {  	_ =	shalt  }
0x72: {  	_ =	shalt  }
0x73: {  	_ =	shalt  }
0x74: {  	_ =	shalt  }
0x75: {  	_ =	shalt  }
0x76: {  	_ =	shalt  }
0x77: {  	_ =	shalt  }
0x78: {  	_ =	shalt  }
0x79: {  	_ =	shalt  }
0x7a: {  	_ =	shalt  }
0x7b: {  	_ =	shalt  }
0x7c: {  	_ =	shalt  }
0x7d: {  	_ =	shalt  }
0x7e: {  	_ =	shalt  }
0x7f: {  	_ =	shalt  }
0x80: {  	_ =	shalt  }
0x81: {  	_ =	shalt  }
0x82: {  	_ =	shalt  }
0x83: {  	_ =	shalt  }
0x84: {  	_ =	shalt  }
0x85: {  	_ =	shalt  }
0x86: {  	_ =	shalt  }
0x87: {  	_ =	shalt  }
.Lfunc_end0:
.L_simem_size_0:
called_computation_lowered:
.L_overlay_start_0:
0x88: {  	s2 =	sld [smem:$0x3FD9]  }
0x89: {  	s3 =	sld [smem:$0x3FFE];
	_ =	sdelay $0x1  }
0x8a: {  	s1 =	srdreg.scid  }
0x8b: {  	s0 =	sand.u32 $0x1, s1  }
0x8c: {  	s14 =	sshll.u32 s0, $0xA;
	s2 =	sadd.s32 s3, s2  }
0x8d: {  	s2 =	sadd.s32 s2, s14  }
0x8e: {  	[smem:$0x3FA7] =	sst s2  }
0x8f: {  	_ = 	snop  }
0x90: {  	s2 =	sld [smem:$0x3FD0];
	_ =	sdelay $0x2  }
0x91: {  	s15 =	simm.s32 $0xA;
	s4 =	simm.s32 $0x10  }
0x92: {  	[smem:s4], [sflag:s15] =	dma.local [hbm:s2], $0x1  }
0x93: {  	_ =	swait.eq [sflag:s15], $0x1  }
0x94: {  	[sflag:s15] =	ssyncset.done $0x0  }
0x95: {  	[sflag:s15] =	ssyncadd.s32 $0xFFFFFFFF  }
0x96: {  	s16 =	sld [smem:$0x10];
	(tm) =	ssettm $0x1  }
0x97: {  	s17 =	sld [smem:$0x3FFB];
	_ =	sdelay $0x3  }
0x98: {  	_ =	strace s17  }
0x99: {  	s3 =	sld [smem:$0x3FFC];
	_ =	sdelay $0x3  }
0x9a: {  	_ =	strace s3  }
0x9b: {  	s3 =	sld [smem:$0x3FFD];
	_ =	sdelay $0x3  }
0x9c: {  	_ =	strace s3  }
0x9d: {  	_ =	strace $0x8FFFFFFF  }
0x9e: {  	s18 =	sld [smem:$0x3FDB];
	_ =	sdelay $0x1  }
0x9f: {  	s19 =	simm.s32 $_scs_section_size  }
0xa0: {  	s5 =	simm.s32 $_size__tile_overlayer_lowered;
	s6 =	simm.s32 $_tile_overlayer_lowered  }
0xa1: {  	s22 =	simm.s32 $0x1BFF;
	s21 =	sshll.u32 s6, $0x1;
	s3 =	sadd.s32 s19, s18  }
0xa2: {  	s7 =	simm.s32 $0x0;
	s20 =	sshll.u32 s5, $0x1;
	s5 =	sadd.s32 s21, s3  }
0xa3: {  	[timem:s7], [sflag:s22] =	dma.local [hbm:s5], s20  }
0xa4: {  	_ =	swait.ge [sflag:s22], s20  }
0xa5: {  	s4 =	ssub.s32 $0x0, s20;
	[sflag:s22] =	ssyncset.done $0x0  }
0xa6: {  	[sflag:s22] =	ssyncadd.s32 s4;
	_ =	sdelay $0x1  }
0xa7: {  	s23 =	simm.s32 $0x1B8B  }
0xa8: {  	_ =	swait.ge [sflag:s23], $0x1  }
0xa9: {  	[sflag:s23] =	ssyncset.done $0x0  }
0xaa: {  	s25 =	simm.s32 $0x1B8E;
	s24 =	sld [smem:$0x3FFE];
	[sflag:s23] =	ssyncadd.s32 $0xFFFFFFFF  }
0xab: {  	s26 =	simm.s32 $execute0_lowered;
	[smem:$0x3FD2] =	sst s25  }
0xac: {  	s5 =	sshll.u32 s26, $0x1;
	_ =	strace $0x80000046;
	[dreg:$0x1] =	wrdreg $0xFFFFFFFF  }
0xad: {  	s28 =	simm.s32 $_size_execute0_lowered;
	s3 =	sadd.s32 s3, s5;
	[dreg:$0x0] =	wrdreg $0x0  }
0xae: {  	s5 =	sshll.u32 s28, $0x1;
	[dreg:$0x2] =	wrdreg s3  }
0xaf: {  	[dreg:$0x3] =	wrdreg s5  }
0xb0: {  	[dreg:$0x4] =	wrdreg $0xC0  }
0xb1: {  	_ =	task [dreg:s7], $0x5FFFF  }
0xb2: {  	[dreg:$0x1] =	wrdreg $0xFFFFFFFF  }
0xb3: {  	[dreg:$0x0] =	wrdreg $0x60  }
0xb4: {  	[dreg:$0x2] =	wrdreg s24  }
0xb5: {  	[dreg:$0x3] =	wrdreg s16  }
0xb6: {  	[dreg:$0x4] =	wrdreg $0x38900  }
0xb7: {  	[dreg:$0x5] =	wrdreg $0x1BF900  }
0xb8: {  	[dreg:$0x6] =	wrdreg $0x9  }
0xb9: {  	_ =	task.clear_ibuf [dreg:s7], $0x7FFFF;
	_ =	strace $0x90000046  }
0xba: {  	s29 =	simm.s32 $0x9;
	_ =	strace $0x80000048  }
0xbb: {  	_ =	swait.ge [sflag:s29], $0x1  }
0xbc: {  	[sflag:s29] =	ssyncadd.s32 $0xFFFFFFFF  }
0xbd: {  	_ =	strace $0x90000048  }
0xbe: {  	_ =	sfence  }
0xbf: {  	s30 =	sld [smem:$0x0];
	_ =	sdelay $0x2  }
0xc0: {  	s31 =	sshll.u32 s1, $0xD;
	s1 =	sshrl.u32 s1, $0x2  }
0xc1: {  	s3 =	sand.u32 $0x4000, s31;
	s1 =	sadd.s32 s1, s30  }
0xc2: {  	s0 =	sor.u32 s3, s0;
	s1 =	sshll.u32 s1, $0x11  }
0xc3: {  	s0 =	sor.u32 s1, s0  }
0xc4: {  	s0 =	sadd.s32 $0x8F2B, s0  }
0xc5: {  	[sflag:s0] =	ssyncadd.remote.s32 $0x1  }
0xc6: {  	_ =	sfence.sel $0xFFFF  }
0xc7: {  	[dreg:$0x0] =	wrdreg $0xFFFFFFFF;
	(pc) =	sbr.abs _section_cstart, $3  }
0xc8: {  	[dreg:$0x1] =	wrdreg $0xFFFFFFFF  }
0xc9: {  	_ =	task.clear_ibuf [dreg:s7], $0x2FFFF;
	_ =	strace $0x9FFFFFFF  }
0xca: {  	(tm) =	ssettm $0x7FFFFFFF  }
0xcb: {  	_ =	shalt  }
tec
execute0_lowered:
.L_overlay_start_1:
0x0: {  	(tag) =	ssettag $0x1  }
0x1: {  	s0 =	rddreg [dreg:$0x0]  }
0x2: {  	s2 =	rddreg [dreg:$0x2]  }
0x3: {  	s3 =	rddreg [dreg:$0x3];
	s1 =	simm.s32 $0x0;
	s23 =	stileid.u32  }
0x4: {  	s4 =	srdreg.scid;
	s17 =	simm.s32 $0x1;
	s21 =	simm.s32 $0x800  }
0x5: {  	s28 =	simm.s32 $0x2880;
	s29 =	simm.s32 $0x2;
	s30 =	simm.s32 $0x2800  }
0x6: {  	s31 =	simm.s32 $0x0;
	[smem:$0x7FF] =	sst s1;
	s5 =	sadd.s32 $0x70C00, s0  }
0x7: {  	s6 =	sadd.s32 $0x72600, s0;
	s7 =	sadd.s32 $0xD6400, s0;
	s8 =	sadd.s32 $0x56C00, s0  }
0x8: {  	s10 =	smul.u32 $0x18700, s23;
	s4 =	sand.u32 $0x1, s4;
	s9 =	sadd.s32 $0x3CC00, s0  }
0x9: {  	s11 =	sadd.s32 $0xF1E00, s0;
	s12 =	sadd.s32 $0xF0400, s0;
	s15 =	sadd.s32 $0xF5000, s0  }
0xa: {  	s16 =	sadd.s32 $0x127800, s0;
	_ =	strace $0x80000047;
	[dreg:$0x5] =	wrdreg s11  }
0xb: {  	p0 =	sne.s32 s23, $0x0;
	s26 =	sshll.u32 s23, $0x6;
	[dreg:$0x6] =	wrdreg s12  }
0xc: {  	s25 =	ssub.s32 $0x2, s4;
	[dreg:$0x7] =	wrdreg s15;
	p2 =	seq.s32 s4, $0x0  }
0xd: {  	s15 =	simm.s32 $0x74000;
	s18 =	sor.u32 $0x1C01, s26;
	s20 =	sshrl.u32 @!p0 s3, $0x3  }
0xe: {  	p1 =	sne.s32 s4, $0x0;
	s26 =	simm.s32 $0x80;
	s12 =	sshrl.u32 s10, $0x3  }
0xf: {  	s13 =	sshrl.u32 s25, $0x1;
	s10 =	sadd.s32 s10, s2;
	s15 =	simm.s32 @!p2 $0xA4E00  }
0x10: {  	s14 =	sadd.s32 s12, s0;
	s11 =	ssub.s32 s25, s13;
	s13 =	smul.u32 $0xD000, s23  }
0x11: {  	s25 =	sor.u32 s23, s4;
	s15 =	sadd.s32 s15, s0;
	s19 =	sshrl.u32 s10, $0x3  }
0x12: {  	s22 =	sadd.s32 @!p2 s12, s16;
	s24 =	sadd.s32 $0xF6A00, s14;
	s11 =	smax.u32 s11, $0x1  }
0x13: {  	v0 =	vimm.s32 $0x0;
	vm0 =	vcmask $0x300;
	s23 =	simm.s32 $0x1000;
	[dreg:$0x8] =	wrdreg s11;
	s22 =	smov.u32 @p2 s24  }
0x14: {  	v0 =	vsel vm0, $0x3, v0;
	s24 =	simm.s32 $0x1800;
	p2 =	sne.s32 s25, $0x0;
	s25 =	simm.s32 $0x2000  }
.LBB2_1:
0x15: {  	s0 =	rddreg [dreg:$0x1];
	s1 =	simm.s32 $0x0;
	s4 =	simm.s32 $0x3880  }
0x16: {  	[tilespmem:s4], [sflag:$0x1] =	stream.linear.gather [hbm4b:s0+s1], $0x10, $0x38;
	[tilespmem:$0x1CBC8] =	vst v63  }
0x17: {  	_ =	swait.ge [sflag:s17], $0x10  }
0x18: {  	[sflag:s17] =	ssyncset.done $0x0  }
0x19: {  	s16 =	rddreg [dreg:$0x5];
	[sflag:s17] =	ssyncadd.s32 $0xFFFFFFF0  }
0x1a: {  	[spmem:s19], [sflag:s18] =	dma.local [hbm:s16], $0x30E0  }
0x1b: {  	_ =	swait.ge [sflag:s17], $0x30E0  }
0x1c: {  	[sflag:s17] =	ssyncset.done $0x0  }
0x1d: {  	s0 =	rddreg [dreg:$0x6];
	[sflag:s17] =	ssyncadd.s32 $0xFFFFCF20  }
0x1e: {  	[spmem:s20], [sflag:s18] =	dma.local @!p0 [hbm:s0], $0x1870  }
0x1f: {  	s0 =	simm.s32 @!p0 $0x1  }
0x20: {  	_ =	swait.ge @!p0 [sflag:s0], $0x1870  }
0x21: {  	[sflag:s0] =	ssyncset.done @!p0 $0x0  }
0x22: {  	[sflag:s0] =	ssyncadd.s32 @!p0 $0xFFFFE790  }
0x23: {  	[bflag:$0x0] =	sbarrier.arrive $0xFFFF  }
0x24: {  	s0 =	simm.s32 $0x0;
	v1 =	vld [tilespmem:$0x3880]  }
.LBB2_2:
0x25: {  	s1 =	sshll.u32 s0, $0xB  }
0x26: {  	s1 =	sadd.s32 s13, s1  }
0x27: {  	s4 =	sshrl.u32 s1, $0x3  }
0x28: {  	s1 =	simm.s32 $0x0;
	s10 =	sadd.s32 s8, s4  }
0x29: {  	[tilespmem:s1], [sflag:$0x1] =	stream.linear.gather [hbm4b:s10+s1], $0x800, $0x38;
	[tilespmem:$0x1CBC8] =	vst v63  }
0x2a: {  	_ =	swait.ge [sflag:s17], $0x800  }
0x2b: {  	[sflag:s17] =	ssyncset.done $0x0  }
0x2c: {  	s16 =	sadd.s32 s9, s4;
	[sflag:s17] =	ssyncadd.s32 $0xFFFFF800  }
0x2d: {  	[tilespmem:s21], [sflag:$0x1] =	stream.linear.gather [hbm4b:s16+s1], $0x800, $0x38;
	[tilespmem:$0x1CBC8] =	vst v63  }
0x2e: {  	_ =	swait.ge [sflag:s17], $0x800  }
0x2f: {  	[sflag:s17] =	ssyncset.done $0x0  }
0x30: {  	s4 =	sadd.s32 s7, s4;
	[sflag:s17] =	ssyncadd.s32 $0xFFFFF800  }
0x31: {  	[tilespmem:s23], [sflag:$0x1] =	stream.linear.gather [hbm4b:s4+s1], $0x800, $0x38;
	[tilespmem:$0x1CBC8] =	vst v63  }
0x32: {  	_ =	swait.ge [sflag:s17], $0x800  }
0x33: {  	[sflag:s17] =	ssyncset.done $0x0  }
0x34: {  	[sflag:s17] =	ssyncadd.s32 $0xFFFFF800  }
0x35: {  	[tilespmem:s24], [sflag:$0x1] =	stream.indirect.gather [hbm4b:s5+s21], $0x1, s1, s21, $0xb8;
	[tilespmem:$0x1CBC8] =	vst v63  }
0x36: {  	_ =	swait.ge [sflag:s17], $0x800  }
0x37: {  	[sflag:s17] =	ssyncset.done $0x0  }
0x38: {  	[sflag:s17] =	ssyncadd.s32 $0xFFFFF800  }
0x39: {  	[tilespmem:s25], [sflag:$0x1] =	stream.indirect.gather [hbm4b:s6+s21], $0x1, s21, s21, $0xb8;
	[tilespmem:$0x1CBC8] =	vst v63  }
0x3a: {  	_ =	swait.ge [sflag:s17], $0x800  }
0x3b: {  	[sflag:s17] =	ssyncset.done $0x0  }
0x3c: {  	[sflag:s17] =	ssyncadd.s32 $0xFFFFF800  }
.LBB2_3:
0x3d: {  	s4 =	sshll.u32 s1, $0x7  }
0x3e: {  	[tilespmem:s28], [sflag:$0x2] =	stream.indirect.gather [hbm4b:s15+s26], $0x20, s4, s26, $0xb8;
	[tilespmem:$0x1CBC8] =	vst v63  }
0x3f: {  	_ =	swait.ge [sflag:s29], $0x1000  }
0x40: {  	[sflag:s29] =	ssyncset.done $0x0  }
0x41: {  	[sflag:s29] =	ssyncadd.s32 $0xFFFFF000  }
0x42: {  	v2 =	vld [tilespmem:s4+$0x1800]  }
0x43: {  	v3 =	vld [tilespmem:s4+$0x2000];
	_ =	sdelay $0x1  }
0x44: {  	v4 =	vld [tilespmem:s4+$0x1000];
	_ =	sdelay $0x2  }
0x45: {  	v2 =	vadd.f32 v3, v2;
	_ =	sdelay $0x1  }
0x46: {  	v2 =	vadd.f32 v4, v2;
	_ =	sdelay $0x1  }
0x47: {  	v3 =	vmul.f32 $2.000000030e-01, v2;
	_ =	sdelay $0x1  }
0x48: {  	v2 =	vmax.f32 v2, v3  }
0x49: {  	v2 =	vsub.f32 v2, v1;
	_ =	sdelay $0x1  }
0x4a: {  	v2 =	vmul.f32 $1.442695020e+00, v2;
	_ =	sdelay $0x1  }
0x4b: {  	(erf) = vpow2.f32 v2;
	_ =	sdelay $0x8  }
0x4c: {  	v2 =	vpop (erf)  }
0x4d: {  	[tilespmem:$0x2800] =	vst v2  }
0x4e: {  	v2 =	vld [tilespmem:s4+$0x1810]  }
0x4f: {  	v3 =	vld [tilespmem:s4+$0x2010];
	_ =	sdelay $0x1  }
0x50: {  	v4 =	vld [tilespmem:s4+$0x1010];
	_ =	sdelay $0x2  }
0x51: {  	v2 =	vadd.f32 v3, v2;
	_ =	sdelay $0x1  }
0x52: {  	v2 =	vadd.f32 v4, v2;
	_ =	sdelay $0x1  }
0x53: {  	v3 =	vmul.f32 $2.000000030e-01, v2;
	_ =	sdelay $0x1  }
0x54: {  	v2 =	vmax.f32 v2, v3  }
0x55: {  	v2 =	vsub.f32 v2, v1;
	_ =	sdelay $0x1  }
0x56: {  	v2 =	vmul.f32 $1.442695020e+00, v2;
	_ =	sdelay $0x1  }
0x57: {  	(erf) = vpow2.f32 v2;
	_ =	sdelay $0x8  }
0x58: {  	v2 =	vpop (erf)  }
0x59: {  	[tilespmem:$0x2810] =	vst v2  }
0x5a: {  	v2 =	vld [tilespmem:s4+$0x1820]  }
0x5b: {  	v3 =	vld [tilespmem:s4+$0x2020];
	_ =	sdelay $0x1  }
0x5c: {  	v4 =	vld [tilespmem:s4+$0x1020];
	_ =	sdelay $0x2  }
0x5d: {  	v2 =	vadd.f32 v3, v2;
	_ =	sdelay $0x1  }
0x5e: {  	v2 =	vadd.f32 v4, v2;
	_ =	sdelay $0x1  }
0x5f: {  	v3 =	vmul.f32 $2.000000030e-01, v2;
	_ =	sdelay $0x1  }
0x60: {  	v2 =	vmax.f32 v2, v3  }
0x61: {  	v2 =	vsub.f32 v2, v1;
	_ =	sdelay $0x1  }
0x62: {  	v2 =	vmul.f32 $1.442695020e+00, v2;
	_ =	sdelay $0x1  }
0x63: {  	(erf) = vpow2.f32 v2;
	_ =	sdelay $0x8  }
0x64: {  	v2 =	vpop (erf)  }
0x65: {  	[tilespmem:$0x2820] =	vst v2  }
0x66: {  	v2 =	vld [tilespmem:s4+$0x1830]  }
0x67: {  	v3 =	vld [tilespmem:s4+$0x2030];
	_ =	sdelay $0x1  }
0x68: {  	v4 =	vld [tilespmem:s4+$0x1030];
	_ =	sdelay $0x2  }
0x69: {  	v2 =	vadd.f32 v3, v2;
	_ =	sdelay $0x1  }
0x6a: {  	v2 =	vadd.f32 v4, v2;
	_ =	sdelay $0x1  }
0x6b: {  	v3 =	vmul.f32 $2.000000030e-01, v2;
	_ =	sdelay $0x1  }
0x6c: {  	v2 =	vmax.f32 v2, v3  }
0x6d: {  	v2 =	vsub.f32 v2, v1;
	_ =	sdelay $0x1  }
0x6e: {  	v2 =	vmul.f32 $1.442695020e+00, v2;
	_ =	sdelay $0x1  }
0x6f: {  	(erf) = vpow2.f32 v2;
	_ =	sdelay $0x8  }
0x70: {  	v2 =	vpop (erf)  }
0x71: {  	[tilespmem:$0x2830] =	vst v2  }
0x72: {  	v2 =	vld [tilespmem:s4+$0x1840]  }
0x73: {  	v3 =	vld [tilespmem:s4+$0x2040];
	_ =	sdelay $0x1  }
0x74: {  	v4 =	vld [tilespmem:s4+$0x1040];
	_ =	sdelay $0x2  }
0x75: {  	v2 =	vadd.f32 v3, v2;
	_ =	sdelay $0x1  }
0x76: {  	v2 =	vadd.f32 v4, v2;
	_ =	sdelay $0x1  }
0x77: {  	v3 =	vmul.f32 $2.000000030e-01, v2;
	_ =	sdelay $0x1  }
0x78: {  	v2 =	vmax.f32 v2, v3  }
0x79: {  	v2 =	vsub.f32 v2, v1;
	_ =	sdelay $0x1  }
0x7a: {  	v2 =	vmul.f32 $1.442695020e+00, v2;
	_ =	sdelay $0x1  }
0x7b: {  	(erf) = vpow2.f32 v2;
	_ =	sdelay $0x8  }
0x7c: {  	v2 =	vpop (erf)  }
0x7d: {  	[tilespmem:$0x2840] =	vst v2  }
0x7e: {  	v2 =	vld [tilespmem:s4+$0x1850]  }
0x7f: {  	v3 =	vld [tilespmem:s4+$0x2050];
	_ =	sdelay $0x1  }
0x80: {  	v4 =	vld [tilespmem:s4+$0x1050];
	_ =	sdelay $0x2  }
0x81: {  	v2 =	vadd.f32 v3, v2;
	_ =	sdelay $0x1  }
0x82: {  	v2 =	vadd.f32 v4, v2;
	_ =	sdelay $0x1  }
0x83: {  	v3 =	vmul.f32 $2.000000030e-01, v2;
	_ =	sdelay $0x1  }
0x84: {  	v2 =	vmax.f32 v2, v3  }
0x85: {  	v2 =	vsub.f32 v2, v1;
	_ =	sdelay $0x1  }
0x86: {  	v2 =	vmul.f32 $1.442695020e+00, v2;
	_ =	sdelay $0x1  }
0x87: {  	(erf) = vpow2.f32 v2;
	_ =	sdelay $0x8  }
0x88: {  	v2 =	vpop (erf)  }
0x89: {  	[tilespmem:$0x2850] =	vst v2  }
0x8a: {  	v2 =	vld [tilespmem:s4+$0x1860]  }
0x8b: {  	v3 =	vld [tilespmem:s4+$0x2060];
	_ =	sdelay $0x1  }
0x8c: {  	v4 =	vld [tilespmem:s4+$0x1060];
	_ =	sdelay $0x2  }
0x8d: {  	v2 =	vadd.f32 v3, v2;
	_ =	sdelay $0x1  }
0x8e: {  	v2 =	vadd.f32 v4, v2;
	_ =	sdelay $0x1  }
0x8f: {  	v3 =	vmul.f32 $2.000000030e-01, v2;
	_ =	sdelay $0x1  }
0x90: {  	v2 =	vmax.f32 v2, v3  }
0x91: {  	v2 =	vsub.f32 v2, v1;
	_ =	sdelay $0x1  }
0x92: {  	v2 =	vmul.f32 $1.442695020e+00, v2;
	_ =	sdelay $0x1  }
0x93: {  	(erf) = vpow2.f32 v2;
	_ =	sdelay $0x8  }
0x94: {  	v2 =	vpop (erf)  }
0x95: {  	[tilespmem:$0x2860] =	vst v2  }
0x96: {  	v2 =	vld [tilespmem:s4+$0x1870]  }
0x97: {  	v3 =	vld [tilespmem:s4+$0x2070];
	_ =	sdelay $0x1  }
0x98: {  	v4 =	vld [tilespmem:s4+$0x1070];
	_ =	sdelay $0x2  }
0x99: {  	v2 =	vadd.f32 v3, v2;
	_ =	sdelay $0x1  }
0x9a: {  	v2 =	vadd.f32 v4, v2;
	_ =	sdelay $0x1  }
0x9b: {  	v3 =	vmul.f32 $2.000000030e-01, v2;
	_ =	sdelay $0x1  }
0x9c: {  	v2 =	vmax.f32 v2, v3  }
0x9d: {  	v2 =	vsub.f32 v2, v1;
	_ =	sdelay $0x1  }
0x9e: {  	v2 =	vmul.f32 $1.442695020e+00, v2;
	_ =	sdelay $0x1  }
0x9f: {  	(erf) = vpow2.f32 v2  }
0xa0: {  	s10 =	simm.s32 $0x0  }
0xa1: {  	v2 =	vmov s10  }
0xa2: {  	v2 =	vshrl.u32 v2, $0x3  }
0xa3: {  	v2 =	vshll.u32 v2, v0  }
0xa4: {  	v2 =	vbroadcast v2, $0x0;
	_ =	sdelay $0x3  }
0xa5: {  	v3 =	vpop (erf)  }
0xa6: {  	s11 =	simm.s32 $0x1;
	[tilespmem:$0x2870] =	vst v3  }
0xa7: {  	s16 =	simm.s32 $0x2980;
	v3 =	vmov s11;
	v2 =	vld.idx.msk [tilespmem:v2+s30+$0x0], $0xffff  }
0xa8: {  	v3 =	vshrl.u32 v3, $0x3;
	v4 =	vld [tilespmem:s16+$0xFFFFFF00]  }
0xa9: {  	v5 =	vld [tilespmem:s16+$0xFFFFFF10];
	v3 =	vshll.u32 v3, v0  }
0xaa: {  	v3 =	vadd.s32 $0x1, v3  }
0xab: {  	v3 =	vbroadcast v3, $0x0;
	_ =	sdelay $0x1  }
0xac: {  	v4 =	vmul.f32 v4, v2  }
0xad: {  	v2 =	vmul.f32 v5, v2  }
0xae: {  	s12 =	simm.s32 $0x2;
	[tilespmem:s16+$0xFFFFFF00] =	vst v4  }
0xaf: {  	[tilespmem:s16+$0xFFFFFF10] =	vst v2;
	v2 =	vmov s12;
	v4 =	vld [tilespmem:s16+$0xFFFFFF20]  }
0xb0: {  	v2 =	vshrl.u32 v2, $0x3;
	v3 =	vld.idx.msk [tilespmem:v3+s30+$0x0], $0xffff  }
0xb1: {  	v5 =	vld [tilespmem:s16+$0xFFFFFF30];
	v2 =	vshll.u32 v2, v0  }
0xb2: {  	v2 =	vadd.s32 $0x2, v2  }
0xb3: {  	v2 =	vbroadcast v2, $0x0;
	_ =	sdelay $0x1  }
0xb4: {  	v4 =	vmul.f32 v4, v3  }
0xb5: {  	v3 =	vmul.f32 v5, v3  }
0xb6: {  	s14 =	simm.s32 $0x3;
	[tilespmem:s16+$0xFFFFFF20] =	vst v4  }
0xb7: {  	[tilespmem:s16+$0xFFFFFF30] =	vst v3;
	v3 =	vmov s14;
	v4 =	vld [tilespmem:s16+$0xFFFFFF40]  }
0xb8: {  	v2 =	vld.idx.msk [tilespmem:v2+s30+$0x0], $0xffff;
	v3 =	vshrl.u32 v3, $0x3  }
0xb9: {  	v5 =	vld [tilespmem:s16+$0xFFFFFF50];
	v3 =	vshll.u32 v3, v0  }
0xba: {  	v3 =	vadd.s32 $0x3, v3  }
0xbb: {  	v3 =	vbroadcast v3, $0x0;
	_ =	sdelay $0x1  }
0xbc: {  	v4 =	vmul.f32 v4, v2  }
0xbd: {  	v2 =	vmul.f32 v5, v2  }
0xbe: {  	s11 =	simm.s32 $0x4;
	[tilespmem:s16+$0xFFFFFF40] =	vst v4  }
0xbf: {  	[tilespmem:s16+$0xFFFFFF50] =	vst v2;
	v2 =	vmov s11;
	v4 =	vld [tilespmem:s16+$0xFFFFFF60]  }
0xc0: {  	v2 =	vshrl.u32 v2, $0x3;
	v3 =	vld.idx.msk [tilespmem:v3+s30+$0x0], $0xffff  }
0xc1: {  	v5 =	vld [tilespmem:s16+$0xFFFFFF70];
	v2 =	vshll.u32 v2, v0  }
0xc2: {  	v2 =	vadd.s32 $0x4, v2  }
0xc3: {  	v2 =	vbroadcast v2, $0x0;
	_ =	sdelay $0x1  }
0xc4: {  	v4 =	vmul.f32 v4, v3  }
0xc5: {  	v3 =	vmul.f32 v5, v3  }
0xc6: {  	s12 =	simm.s32 $0x5;
	[tilespmem:s16+$0xFFFFFF60] =	vst v4  }
0xc7: {  	[tilespmem:s16+$0xFFFFFF70] =	vst v3;
	v3 =	vmov s12;
	v4 =	vld [tilespmem:s16+$0xFFFFFF80]  }
0xc8: {  	v2 =	vld.idx.msk [tilespmem:v2+s30+$0x0], $0xffff;
	v3 =	vshrl.u32 v3, $0x3  }
0xc9: {  	v5 =	vld [tilespmem:s16+$0xFFFFFF90];
	v3 =	vshll.u32 v3, v0  }
0xca: {  	v3 =	vadd.s32 $0x5, v3  }
0xcb: {  	v3 =	vbroadcast v3, $0x0;
	_ =	sdelay $0x1  }
0xcc: {  	v4 =	vmul.f32 v4, v2  }
0xcd: {  	v2 =	vmul.f32 v5, v2  }
0xce: {  	s14 =	simm.s32 $0x6;
	[tilespmem:s16+$0xFFFFFF80] =	vst v4  }
0xcf: {  	[tilespmem:s16+$0xFFFFFF90] =	vst v2;
	v2 =	vmov s14;
	v4 =	vld [tilespmem:s16+$0xFFFFFFA0]  }
0xd0: {  	v2 =	vshrl.u32 v2, $0x3;
	v3 =	vld.idx.msk [tilespmem:v3+s30+$0x0], $0xffff  }
0xd1: {  	v5 =	vld [tilespmem:s16+$0xFFFFFFB0];
	v2 =	vshll.u32 v2, v0  }
0xd2: {  	v2 =	vadd.s32 $0x6, v2  }
0xd3: {  	v2 =	vbroadcast v2, $0x0;
	_ =	sdelay $0x1  }
0xd4: {  	v4 =	vmul.f32 v4, v3  }
0xd5: {  	v3 =	vmul.f32 v5, v3  }
0xd6: {  	s11 =	simm.s32 $0x7;
	[tilespmem:s16+$0xFFFFFFA0] =	vst v4  }
0xd7: {  	[tilespmem:s16+$0xFFFFFFB0] =	vst v3;
	v3 =	vmov s11;
	v4 =	vld [tilespmem:s16+$0xFFFFFFC0]  }
0xd8: {  	v2 =	vld.idx.msk [tilespmem:v2+s30+$0x0], $0xffff;
	v3 =	vshrl.u32 v3, $0x3  }
0xd9: {  	v5 =	vld [tilespmem:s16+$0xFFFFFFD0];
	v3 =	vshll.u32 v3, v0  }
0xda: {  	v3 =	vadd.s32 $0x7, v3  }
0xdb: {  	v3 =	vbroadcast v3, $0x0;
	_ =	sdelay $0x1  }
0xdc: {  	v4 =	vmul.f32 v4, v2  }
0xdd: {  	v2 =	vmul.f32 v5, v2  }
0xde: {  	[tilespmem:s16+$0xFFFFFFC0] =	vst v4  }
0xdf: {  	s12 =	simm.s32 $0x8;
	[tilespmem:s16+$0xFFFFFFD0] =	vst v2;
	v4 =	vld [tilespmem:s16+$0xFFFFFFE0]  }
0xe0: {  	v2 =	vld.idx.msk [tilespmem:v3+s30+$0x0], $0xffff;
	v3 =	vmov s12  }
0xe1: {  	v6 =	vld [tilespmem:s16+$0xFFFFFFF0];
	v3 =	vshrl.u32 v3, $0x3  }
0xe2: {  	v3 =	vshll.u32 v3, v0  }
0xe3: {  	v3 =	vbroadcast v3, $0x0;
	_ =	sdelay $0x1  }
0xe4: {  	v4 =	vmul.f32 v4, v2  }
0xe5: {  	v2 =	vmul.f32 v6, v2  }
0xe6: {  	s14 =	simm.s32 $0x9;
	[tilespmem:s16+$0xFFFFFFE0] =	vst v4  }
0xe7: {  	[tilespmem:s16+$0xFFFFFFF0] =	vst v2;
	v2 =	vmov s14;
	v4 =	vld [tilespmem:s16+$0x0]  }
0xe8: {  	v2 =	vshrl.u32 v2, $0x3;
	v3 =	vld.idx.msk [tilespmem:v3+s30+$0x0], $0xffff  }
0xe9: {  	v5 =	vld [tilespmem:s16+$0x10];
	v2 =	vshll.u32 v2, v0  }
0xea: {  	v2 =	vadd.s32 $0x1, v2  }
0xeb: {  	v2 =	vbroadcast v2, $0x0;
	_ =	sdelay $0x1  }
0xec: {  	v4 =	vmul.f32 v4, v3  }
0xed: {  	v3 =	vmul.f32 v5, v3  }
0xee: {  	s11 =	simm.s32 $0xA;
	[tilespmem:s16+$0x0] =	vst v4  }
0xef: {  	[tilespmem:s16+$0x10] =	vst v3;
	v3 =	vmov s11;
	v4 =	vld [tilespmem:s16+$0x20]  }
0xf0: {  	v2 =	vld.idx.msk [tilespmem:v2+s30+$0x0], $0xffff;
	v3 =	vshrl.u32 v3, $0x3  }
0xf1: {  	v5 =	vld [tilespmem:s16+$0x30];
	v3 =	vshll.u32 v3, v0  }
0xf2: {  	v3 =	vadd.s32 $0x2, v3  }
0xf3: {  	v3 =	vbroadcast v3, $0x0;
	_ =	sdelay $0x1  }
0xf4: {  	v4 =	vmul.f32 v4, v2  }
0xf5: {  	v2 =	vmul.f32 v5, v2  }
0xf6: {  	s12 =	simm.s32 $0xB;
	[tilespmem:s16+$0x20] =	vst v4  }
0xf7: {  	[tilespmem:s16+$0x30] =	vst v2;
	v2 =	vmov s12;
	v4 =	vld [tilespmem:s16+$0x40]  }
0xf8: {  	v2 =	vshrl.u32 v2, $0x3;
	v3 =	vld.idx.msk [tilespmem:v3+s30+$0x0], $0xffff  }
0xf9: {  	v5 =	vld [tilespmem:s16+$0x50];
	v2 =	vshll.u32 v2, v0  }
0xfa: {  	v2 =	vadd.s32 $0x3, v2  }
0xfb: {  	v2 =	vbroadcast v2, $0x0;
	_ =	sdelay $0x1  }
0xfc: {  	v4 =	vmul.f32 v4, v3  }
0xfd: {  	v3 =	vmul.f32 v5, v3  }
0xfe: {  	s14 =	simm.s32 $0xC;
	[tilespmem:s16+$0x40] =	vst v4  }
0xff: {  	[tilespmem:s16+$0x50] =	vst v3;
	v3 =	vmov s14;
	v4 =	vld [tilespmem:s16+$0x60]  }
0x100: {  	v2 =	vld.idx.msk [tilespmem:v2+s30+$0x0], $0xffff;
	v3 =	vshrl.u32 v3, $0x3  }
0x101: {  	v5 =	vld [tilespmem:s16+$0x70];
	v3 =	vshll.u32 v3, v0  }
0x102: {  	v3 =	vadd.s32 $0x4, v3  }
0x103: {  	v3 =	vbroadcast v3, $0x0;
	_ =	sdelay $0x1  }
0x104: {  	v4 =	vmul.f32 v4, v2  }
0x105: {  	v2 =	vmul.f32 v5, v2  }
0x106: {  	s11 =	simm.s32 $0xD;
	[tilespmem:s16+$0x60] =	vst v4  }
0x107: {  	[tilespmem:s16+$0x70] =	vst v2;
	v2 =	vmov s11;
	v4 =	vld [tilespmem:s16+$0x80]  }
0x108: {  	v2 =	vshrl.u32 v2, $0x3;
	v3 =	vld.idx.msk [tilespmem:v3+s30+$0x0], $0xffff  }
0x109: {  	v5 =	vld [tilespmem:s16+$0x90];
	v2 =	vshll.u32 v2, v0  }
0x10a: {  	v2 =	vadd.s32 $0x5, v2  }
0x10b: {  	v2 =	vbroadcast v2, $0x0;
	_ =	sdelay $0x1  }
0x10c: {  	v4 =	vmul.f32 v4, v3  }
0x10d: {  	v3 =	vmul.f32 v5, v3  }
0x10e: {  	[tilespmem:s16+$0x80] =	vst v4  }
0x10f: {  	s12 =	simm.s32 $0xE;
	[tilespmem:s16+$0x90] =	vst v3;
	v4 =	vld [tilespmem:s16+$0xA0]  }
0x110: {  	v3 =	vmov s12;
	v2 =	vld.idx.msk [tilespmem:v2+s30+$0x0], $0xffff  }
0x111: {  	v5 =	vld [tilespmem:s16+$0xB0];
	v3 =	vshrl.u32 v3, $0x3  }
0x112: {  	v3 =	vshll.u32 v3, v0  }
0x113: {  	v3 =	vadd.s32 $0x6, v3  }
0x114: {  	v6 =	vbroadcast v3, $0x0  }
0x115: {  	s14 =	simm.s32 $0xF;
	v3 =	vmul.f32 v4, v2  }
0x116: {  	v2 =	vmul.f32 v5, v2;
	v4 =	vmov s14  }
0x117: {  	[tilespmem:s16+$0xA0] =	vst v3;
	v3 =	vshrl.u32 v4, $0x3  }
0x118: {  	v5 =	vld [tilespmem:s16+$0xD0];
	[tilespmem:s16+$0xB0] =	vst v2;
	v2 =	vshll.u32 v3, v0  }
0x119: {  	v3 =	vld [tilespmem:s16+$0xC0];
	v2 =	vadd.s32 $0x7, v2  }
0x11a: {  	s10 =	simm.s32 $0x2980;
	s11 =	simm.s32 $0x1F;
	v4 =	vld.idx.msk [tilespmem:v6+s30+$0x0], $0xffff;
	v2 =	vbroadcast v2, $0x0  }
.LBB2_4:
0x11b: {  	p3 =	sne.s32 s11, $0x7F  }
0x11c: {  	s16 =	sadd.s32 $0x200, s16;
	s12 =	smov.u32 s11;
	s11 =	sadd.s32 $0x10, s11  }
0x11d: {  	_ =	sdelay $0x1  }
0x11e: {  	v3 =	vmul.f32 v3, v4;
	v4 =	vmul.f32 v5, v4;
	_ =	sdelay $0x1  }
0x11f: {  	[tilespmem:s10+$0xC0] =	vst v3  }
0x120: {  	[tilespmem:s10+$0xD0] =	vst v4;
	v3 =	vld [tilespmem:s10+$0xE0]  }
0x121: {  	s14 =	sadd.s32 $0xFFFFFFF1, s12;
	v2 =	vld.idx.msk [tilespmem:v2+s30+$0x0], $0xffff  }
0x122: {  	v4 =	vmov s14;
	v5 =	vld [tilespmem:s10+$0xF0]  }
0x123: {  	v4 =	vshrl.u32 v4, $0x3  }
0x124: {  	v4 =	vshll.u32 v4, v0  }
0x125: {  	v4 =	vbroadcast v4, $0x0;
	_ =	sdelay $0x1  }
0x126: {  	v3 =	vmul.f32 v3, v2;
	v2 =	vmul.f32 v5, v2;
	_ =	sdelay $0x1  }
0x127: {  	s14 =	sadd.s32 $0xFFFFFFF2, s12;
	[tilespmem:s10+$0xE0] =	vst v3  }
0x128: {  	v5 =	vmov s14;
	v3 =	vld [tilespmem:s16+$0xFFFFFF10];
	[tilespmem:s10+$0xF0] =	vst v2;
	s10 =	smov.u32 s16  }
0x129: {  	v2 =	vld.idx.msk [tilespmem:v4+s30+$0x0], $0xffff;
	v4 =	vshrl.u32 v5, $0x3  }
0x12a: {  	v5 =	vld [tilespmem:s16+$0xFFFFFF00];
	v4 =	vshll.u32 v4, v0  }
0x12b: {  	v4 =	vadd.s32 $0x1, v4  }
0x12c: {  	v4 =	vbroadcast v4, $0x0;
	_ =	sdelay $0x2  }
0x12d: {  	v5 =	vmul.f32 v5, v2;
	v2 =	vmul.f32 v3, v2  }
0x12e: {  	s14 =	sadd.s32 $0xFFFFFFF3, s12  }
0x12f: {  	v3 =	vmov s14;
	[tilespmem:s16+$0xFFFFFF00] =	vst v5  }
0x130: {  	v3 =	vshrl.u32 v3, $0x3;
	[tilespmem:s16+$0xFFFFFF10] =	vst v2;
	v2 =	vld [tilespmem:s16+$0xFFFFFF30]  }
0x131: {  	v3 =	vshll.u32 v3, v0;
	v4 =	vld.idx.msk [tilespmem:v4+s30+$0x0], $0xffff  }
0x132: {  	v3 =	vadd.s32 $0x2, v3;
	v5 =	vld [tilespmem:s16+$0xFFFFFF20]  }
0x133: {  	v3 =	vbroadcast v3, $0x0;
	_ =	sdelay $0x3  }
0x134: {  	s14 =	sadd.s32 $0xFFFFFFF4, s12;
	v2 =	vmul.f32 v2, v4;
	v5 =	vmul.f32 v5, v4  }
0x135: {  	v4 =	vmov s14  }
0x136: {  	v4 =	vshrl.u32 v4, $0x3;
	[tilespmem:s16+$0xFFFFFF20] =	vst v5  }
0x137: {  	v4 =	vshll.u32 v4, v0;
	[tilespmem:s16+$0xFFFFFF30] =	vst v2;
	v2 =	vld [tilespmem:s16+$0xFFFFFF50]  }
0x138: {  	v4 =	vadd.s32 $0x3, v4;
	v3 =	vld.idx.msk [tilespmem:v3+s30+$0x0], $0xffff  }
0x139: {  	v4 =	vbroadcast v4, $0x0;
	v5 =	vld [tilespmem:s16+$0xFFFFFF40];
	_ =	sdelay $0x3  }
0x13a: {  	s14 =	sadd.s32 $0xFFFFFFF5, s12  }
0x13b: {  	v2 =	vmul.f32 v2, v3;
	v5 =	vmul.f32 v5, v3;
	v3 =	vmov s14  }
0x13c: {  	v3 =	vshrl.u32 v3, $0x3  }
0x13d: {  	[tilespmem:s16+$0xFFFFFF40] =	vst v5;
	v3 =	vshll.u32 v3, v0  }
0x13e: {  	[tilespmem:s16+$0xFFFFFF50] =	vst v2;
	v2 =	vld [tilespmem:s16+$0xFFFFFF70];
	v3 =	vadd.s32 $0x4, v3  }
0x13f: {  	v4 =	vld.idx.msk [tilespmem:v4+s30+$0x0], $0xffff;
	v3 =	vbroadcast v3, $0x0  }
0x140: {  	v5 =	vld [tilespmem:s16+$0xFFFFFF60];
	_ =	sdelay $0x2  }
0x141: {  	s14 =	sadd.s32 $0xFFFFFFF6, s12  }
0x142: {  	v6 =	vmov s14  }
0x143: {  	v2 =	vmul.f32 v2, v4;
	v5 =	vmul.f32 v5, v4;
	v4 =	vshrl.u32 v6, $0x3  }
0x144: {  	v4 =	vshll.u32 v4, v0  }
0x145: {  	[tilespmem:s16+$0xFFFFFF60] =	vst v5;
	v4 =	vadd.s32 $0x5, v4  }
0x146: {  	[tilespmem:s16+$0xFFFFFF70] =	vst v2;
	v2 =	vld [tilespmem:s16+$0xFFFFFF90];
	v4 =	vbroadcast v4, $0x0  }
0x147: {  	v3 =	vld.idx.msk [tilespmem:v3+s30+$0x0], $0xffff  }
0x148: {  	v5 =	vld [tilespmem:s16+$0xFFFFFF80];
	_ =	sdelay $0x1  }
0x149: {  	s14 =	sadd.s32 $0xFFFFFFF7, s12  }
0x14a: {  	v6 =	vmov s14  }
0x14b: {  	v6 =	vshrl.u32 v6, $0x3  }
0x14c: {  	v2 =	vmul.f32 v2, v3;
	v5 =	vmul.f32 v5, v3;
	v3 =	vshll.u32 v6, v0  }
0x14d: {  	v3 =	vadd.s32 $0x6, v3  }
0x14e: {  	[tilespmem:s16+$0xFFFFFF80] =	vst v5;
	v3 =	vbroadcast v3, $0x0  }
0x14f: {  	[tilespmem:s16+$0xFFFFFF90] =	vst v2;
	v2 =	vld [tilespmem:s16+$0xFFFFFFB0]  }
0x150: {  	v4 =	vld.idx.msk [tilespmem:v4+s30+$0x0], $0xffff  }
0x151: {  	v5 =	vld [tilespmem:s16+$0xFFFFFFA0]  }
0x152: {  	s14 =	sadd.s32 $0xFFFFFFF8, s12  }
0x153: {  	v6 =	vmov s14  }
0x154: {  	v6 =	vshrl.u32 v6, $0x3  }
0x155: {  	v6 =	vshll.u32 v6, v0  }
0x156: {  	v2 =	vmul.f32 v2, v4;
	v5 =	vmul.f32 v5, v4;
	v4 =	vadd.s32 $0x7, v6  }
0x157: {  	v4 =	vbroadcast v4, $0x0  }
0x158: {  	[tilespmem:s16+$0xFFFFFFA0] =	vst v5  }
0x159: {  	[tilespmem:s16+$0xFFFFFFB0] =	vst v2;
	v2 =	vld [tilespmem:s16+$0xFFFFFFD0]  }
0x15a: {  	v3 =	vld.idx.msk [tilespmem:v3+s30+$0x0], $0xffff  }
0x15b: {  	v5 =	vld [tilespmem:s16+$0xFFFFFFC0]  }
0x15c: {  	s14 =	sadd.s32 $0xFFFFFFF9, s12  }
0x15d: {  	v6 =	vmov s14  }
0x15e: {  	v6 =	vshrl.u32 v6, $0x3;
	v7 =	vld [tilespmem:s16+$0xFFFFFFF0]  }
0x15f: {  	v6 =	vshll.u32 v6, v0  }
0x160: {  	v6 =	vbroadcast v6, $0x0;
	v5 =	vmul.f32 v5, v3  }
0x161: {  	v2 =	vmul.f32 v2, v3  }
0x162: {  	[tilespmem:s16+$0xFFFFFFC0] =	vst v5  }
0x163: {  	[tilespmem:s16+$0xFFFFFFD0] =	vst v2  }
0x164: {  	s14 =	sadd.s32 $0xFFFFFFFA, s12;
	v2 =	vld.idx.msk [tilespmem:v4+s30+$0x0], $0xffff  }
0x165: {  	v4 =	vmov s14;
	v3 =	vld [tilespmem:s16+$0xFFFFFFE0]  }
0x166: {  	v4 =	vshrl.u32 v4, $0x3  }
0x167: {  	v4 =	vshll.u32 v4, v0  }
0x168: {  	v4 =	vadd.s32 $0x1, v4  }
0x169: {  	v4 =	vbroadcast v4, $0x0  }
0x16a: {  	v3 =	vmul.f32 v3, v2;
	v2 =	vmul.f32 v7, v2;
	_ =	sdelay $0x1  }
0x16b: {  	[tilespmem:s16+$0xFFFFFFE0] =	vst v3  }
0x16c: {  	s14 =	sadd.s32 $0xFFFFFFFB, s12;
	[tilespmem:s16+$0xFFFFFFF0] =	vst v2;
	v2 =	vld [tilespmem:s16+$0x10]  }
0x16d: {  	v5 =	vmov s14;
	v3 =	vld.idx.msk [tilespmem:v6+s30+$0x0], $0xffff  }
0x16e: {  	v5 =	vshrl.u32 v5, $0x3;
	v6 =	vld [tilespmem:s16+$0x0]  }
0x16f: {  	v5 =	vshll.u32 v5, v0  }
0x170: {  	v5 =	vadd.s32 $0x2, v5  }
0x171: {  	v5 =	vbroadcast v5, $0x0;
	_ =	sdelay $0x1  }
0x172: {  	v2 =	vmul.f32 v2, v3;
	v6 =	vmul.f32 v6, v3;
	_ =	sdelay $0x1  }
0x173: {  	s14 =	sadd.s32 $0xFFFFFFFC, s12;
	[tilespmem:s16+$0x0] =	vst v6  }
0x174: {  	v3 =	vmov s14;
	[tilespmem:s16+$0x10] =	vst v2;
	v2 =	vld [tilespmem:s16+$0x30]  }
0x175: {  	v3 =	vshrl.u32 v3, $0x3;
	v4 =	vld.idx.msk [tilespmem:v4+s30+$0x0], $0xffff  }
0x176: {  	v3 =	vshll.u32 v3, v0;
	v6 =	vld [tilespmem:s16+$0x20]  }
0x177: {  	v3 =	vadd.s32 $0x3, v3  }
0x178: {  	v3 =	vbroadcast v3, $0x0;
	_ =	sdelay $0x2  }
0x179: {  	v2 =	vmul.f32 v2, v4;
	v6 =	vmul.f32 v6, v4  }
0x17a: {  	s14 =	sadd.s32 $0xFFFFFFFD, s12  }
0x17b: {  	v4 =	vmov s14;
	[tilespmem:s16+$0x20] =	vst v6  }
0x17c: {  	v4 =	vshrl.u32 v4, $0x3;
	[tilespmem:s16+$0x30] =	vst v2;
	v2 =	vld [tilespmem:s16+$0x50]  }
0x17d: {  	v4 =	vshll.u32 v4, v0;
	v5 =	vld.idx.msk [tilespmem:v5+s30+$0x0], $0xffff  }
0x17e: {  	v4 =	vadd.s32 $0x4, v4;
	v6 =	vld [tilespmem:s16+$0x40]  }
0x17f: {  	v4 =	vbroadcast v4, $0x0;
	_ =	sdelay $0x3  }
0x180: {  	s14 =	sadd.s32 $0xFFFFFFFE, s12;
	v2 =	vmul.f32 v2, v5;
	v6 =	vmul.f32 v6, v5  }
0x181: {  	v5 =	vmov s14  }
0x182: {  	v5 =	vshrl.u32 v5, $0x3;
	[tilespmem:s16+$0x40] =	vst v6  }
0x183: {  	v5 =	vshll.u32 v5, v0;
	[tilespmem:s16+$0x50] =	vst v2;
	v2 =	vld [tilespmem:s16+$0x70]  }
0x184: {  	v5 =	vadd.s32 $0x5, v5;
	v3 =	vld.idx.msk [tilespmem:v3+s30+$0x0], $0xffff  }
0x185: {  	v5 =	vbroadcast v5, $0x0;
	v6 =	vld [tilespmem:s16+$0x60];
	_ =	sdelay $0x3  }
0x186: {  	s14 =	sadd.s32 $0xFFFFFFFF, s12  }
0x187: {  	v2 =	vmul.f32 v2, v3;
	v6 =	vmul.f32 v6, v3;
	v3 =	vmov s14  }
0x188: {  	v3 =	vshrl.u32 v3, $0x3  }
0x189: {  	[tilespmem:s16+$0x60] =	vst v6;
	v3 =	vshll.u32 v3, v0  }
0x18a: {  	[tilespmem:s16+$0x70] =	vst v2;
	v2 =	vld [tilespmem:s16+$0x90];
	v3 =	vadd.s32 $0x6, v3  }
0x18b: {  	v4 =	vld.idx.msk [tilespmem:v4+s30+$0x0], $0xffff;
	v6 =	vbroadcast v3, $0x0  }
0x18c: {  	v3 =	vld [tilespmem:s16+$0x80];
	_ =	sdelay $0x3  }
0x18d: {  	v7 =	vmov s12  }
0x18e: {  	v2 =	vmul.f32 v2, v4;
	v3 =	vmul.f32 v3, v4;
	v4 =	vshrl.u32 v7, $0x3  }
0x18f: {  	v4 =	vshll.u32 v4, v0  }
0x190: {  	[tilespmem:s16+$0x80] =	vst v3;
	v3 =	vadd.s32 $0x7, v4  }
0x191: {  	[tilespmem:s16+$0x90] =	vst v2;
	v4 =	vld [tilespmem:s16+$0xB0];
	v2 =	vbroadcast v3, $0x0  }
0x192: {  	v3 =	vld.idx.msk [tilespmem:v5+s30+$0x0], $0xffff  }
0x193: {  	v5 =	vld [tilespmem:s16+$0xA0];
	_ =	sdelay $0x4  }
0x194: {  	v5 =	vmul.f32 v5, v3;
	v3 =	vmul.f32 v4, v3  }
.Ltmp0:
0x195: {  	(pc) =	sbr.rel @p3 .LBB2_4-.Ltmp0, $4  }
0x196: {  	[tilespmem:s16+$0xA0] =	vst v5  }
0x197: {  	[tilespmem:s16+$0xB0] =	vst v3;
	v3 =	vld [tilespmem:s16+$0xC0]  }
0x198: {  	v4 =	vld.idx.msk [tilespmem:v6+s30+$0x0], $0xffff  }
0x199: {  	v5 =	vld [tilespmem:s16+$0xD0]  }
0x19a: {  	_ =	sdelay $0x2  }
0x19b: {  	v3 =	vmul.f32 v3, v4  }
0x19c: {  	v62 =	vmul.f32 v5, v4  }
0x19d: {  	[tilespmem:s10+$0xC0] =	vst v3  }
0x19e: {  	v3 =	vld [tilespmem:s10+$0xE0];
	[tilespmem:s10+$0xD0] =	vst v62  }
0x19f: {  	v2 =	vld.idx.msk [tilespmem:v2+s30+$0x0], $0xffff  }
0x1a0: {  	v63 =	vld [tilespmem:s10+$0xF0];
	_ =	sdelay $0x3  }
0x1a1: {  	v3 =	vmul.f32 v3, v2  }
0x1a2: {  	v2 =	vmul.f32 v63, v2  }
0x1a3: {  	[tilespmem:s10+$0xE0] =	vst v3  }
0x1a4: {  	s4 =	sadd.s32 $0x800, s4;
	[tilespmem:s10+$0xF0] =	vst v2  }
0x1a5: {  	[spmem:s2] =	stream.indirect.scatter.add.f32 [tilespmem:s28], [sflag:$0x2], $0x20, s4, s26, $0xb8;
	[tilespmem:$0x1CBC8] =	vst v63  }
0x1a6: {  	_ =	swait.ge [sflag:s29], $0x1000  }
0x1a7: {  	s11 =	simm.s32 @!p1 $0x2800;
	s1 =	sadd.s32 $0x1, s1;
	[sflag:s29] =	ssyncset.done $0x0  }
0x1a8: {  	p3 =	sne.s32 s1, $0x10;
	s10 =	simm.s32 @!p1 $0x80;
	[sflag:s29] =	ssyncadd.s32 $0xFFFFF000  }
0x1a9: {  	[spmem:s3] =	stream.indirect.scatter.add.f32 @!p1 [tilespmem:s11], [sflag:$0x1], $0x1, s4, s10, $0xb8;
	[tilespmem:$0x1CBC8] =	vst v63  }
.Ltmp1:
0x1aa: {  	_ = 	snop;
	(pc) =	sbr.rel @p3 .LBB2_3-.Ltmp1, $4  }
0x1ab: {  	s4 =	simm.s32 @!p1 $0x1  }
0x1ac: {  	_ =	swait.ge @!p1 [sflag:s4], $0x80  }
0x1ad: {  	[sflag:s4] =	ssyncset.done @!p1 $0x0  }
0x1ae: {  	[sflag:s4] =	ssyncadd.s32 @!p1 $0xFFFFFF80  }
0x1af: {  	s0 =	sadd.s32 $0x1, s0  }
0x1b0: {  	p3 =	sne.s32 s0, $0x1A  }
.Ltmp2:
0x1b1: {  	_ = 	snop;
	(pc) =	sbr.rel @p3 .LBB2_2-.Ltmp2, $1  }
0x1b2: {  	_ =	sdelay $0x3  }
0x1b3: {  	[bflag:$0x0] =	sbarrier.arrive $0xFFFF  }
0x1b4: {  	[hbm:s22], [sflag:s18] =	dma.local [spmem:s19], $0x30E0  }
0x1b5: {  	_ =	swait.ge [sflag:s17], $0x30E0  }
0x1b6: {  	[sflag:s17] =	ssyncset.done $0x0  }
0x1b7: {  	s0 =	sshrl.u32 @!p2 s3, $0x3;
	s1 =	rddreg [dreg:$0x7];
	[sflag:s17] =	ssyncadd.s32 $0xFFFFCF20  }
0x1b8: {  	[hbm:s1], [sflag:s18] =	dma.local @!p2 [spmem:s0], $0x1870  }
0x1b9: {  	s0 =	simm.s32 @!p2 $0x1  }
0x1ba: {  	_ =	swait.ge @!p2 [sflag:s0], $0x1870  }
0x1bb: {  	s31 =	sadd.s32 $0x1, s31;
	s16 =	rddreg [dreg:$0x8]  }
0x1bc: {  	p3 =	sne.s32 s31, s16  }
.Ltmp3:
0x1bd: {  	_ = 	snop;
	(pc) =	sbr.rel @p3 .LBB2_1-.Ltmp3, $3  }
0x1be: {  	_ =	sdelay $0x1  }
0x1bf: {  	[sflag:s0] =	ssyncset.done @!p2 $0x0  }
0x1c0: {  	[sflag:s0] =	ssyncadd.s32 @!p2 $0xFFFFE790  }
0x1c1: {  	_ =	sfence.sel $0x180000  }
0x1c2: {  	[bflag:$0x0] =	sbarrier.arrive $0xFFFF  }
0x1c3: {  	_ =	strace $0x90000047  }
0x1c4: {  	[bflag:$0x2] =	sbarrier.arrive $0xFFFF  }
0x1c5: {  	s0 =	rddreg [dreg:$0x4]  }
0x1c6: {  	s0 =	sadd.s32 @!p0 $0x100000, s0  }
0x1c7: {  	[sflag:s0] =	ssyncadd.tile.s32 @!p0 $0x1;
	_ =	shalt  }
.Lfunc_end2:
_tile_overlayer_lowered:
.L_overlay_start_2:
0x1c8: {  	(tag) =	ssettag $0x2  }
0x1c9: {  	s0 =	rddreg [dreg:$0x0];
	s2 =	stileid.u32  }
0x1ca: {  	s1 =	rddreg [dreg:$0x1];
	p0 =	sne.s32 s2, $0x0  }
0x1cb: {  	s3 =	rddreg [dreg:$0x2];
	[bflag:$0x3] =	sbarrier.arrive $0xFFFF;
	s2 =	simm.s32 @!p0 $0x1C01  }
0x1cc: {  	[timem:s3], [sflag:s2] =	dma.local @!p0 [hbm:s0], s1  }
0x1cd: {  	s0 =	simm.s32 @!p0 $0x1  }
0x1ce: {  	_ =	swait.ge @!p0 [sflag:s0], s1  }
0x1cf: {  	s1 =	ssub.s32 @!p0 $0x0, s1;
	[sflag:s0] =	ssyncset.done @!p0 $0x0  }
0x1d0: {  	[sflag:s0] =	ssyncadd.s32 @!p0 s1  }
0x1d1: {  	[bflag:$0x3] =	sbarrier.arrive $0xFFFF  }
0x1d2: {  	_ =	shalt  }

// kernel: kernel.14.cloned.1.call-start
scs
__scs_entry_jumppad:
0x0: {  	(pc) =	sbr.rel $0x88, $3  }
0x1: {  	(tag) =	ssettag $0x0;
	lr =	simm.s32 $0x1  }
0x2: {  	[smem:$0x3F80] =	sst lr;
	_ =	strace $0xD0000000  }
0x3: {  	_ = 	snop  }
0x4: {  	_ = 	snop  }
0x5: {  	_ = 	snop  }
0x6: {  	_ = 	snop  }
0x7: {  	_ = 	snop  }
__scs_overlays_trampoline_lowered:
0x8: {  	[smem:$0x3F8F] =	sst s0  }
0x9: {  	[smem:$0x3F90] =	sst s1  }
0xa: {  	[smem:$0x3F91] =	sst s2  }
0xb: {  	[smem:$0x3F92] =	sst s3  }
0xc: {  	[smem:$0x3F93] =	sst s4  }
0xd: {  	[smem:$0x3F94] =	sst s5  }
0xe: {  	[smem:$0x3F95] =	sst s6  }
0xf: {  	[smem:$0x3F96] =	sst s7  }
0x10: {  	[smem:$0x3F97] =	sst s8  }
0x11: {  	[smem:$0x3F98] =	sst s9;
	s0 =	simm.s32 @!p0 $0x0  }
0x12: {  	s1 =	sld [smem:$0x3F7E];
	s0 =	simm.s32 @p0 $0x1  }
0x13: {  	[smem:$0x3F99] =	sst s0;
	s0 =	simm.s32 @!p1 $0x0  }
0x14: {  	s2 =	sld [smem:$0x3F7D];
	s0 =	simm.s32 @p1 $0x1  }
0x15: {  	[smem:$0x3F9A] =	sst s0;
	s0 =	simm.s32 @!p2 $0x0  }
0x16: {  	s3 =	sld [smem:$0x3FDB];
	s0 =	simm.s32 @p2 $0x1  }
0x17: {  	s4 =	simm.s32 $0x1BF5;
	[smem:$0x3F9C] =	sst s0  }
0x18: {  	s0 =	sld [smem:$0x3F7F];
	_ =	swait.ge [sflag:s4], $0x0  }
0x19: {  	s7 =	sld [smem:$0x3F80]  }
0x1a: {  	s8 =	sadd.s32 $0xFFFFE003, lr  }
0x1b: {  	s9 =	sadd.s32 $0xFFFFFEF7, lr;
	s5 =	simm.s32 $0xFFFFFFFF;
	p2 =	slt.u32 s8, $0xFFFFF086  }
0x1c: {  	p1 =	slt.u32 s9, $0xF7A;
	s5 =	simm.s32 @!p2 $0x0  }
0x1d: {  	s5 =	simm.s32 @p1 $0x1;
	p0 =	seq.s32 s7, s2  }
0x1e: {  	s7 =	smul.u32 @!p0 $0xF7A, s2;
	p2 =	seq.s32 @!p0 s5, $0x0  }
0x1f: {  	s9 =	smul.u32 $0xF7A, s1;
	s8 =	simm.s32 @!p0 $0x1BF5;
	p2 =	por !p2, p0  }
0x20: {  	[sflag:s8] =	ssyncset.s32 @!p0 $0xFFFFF086;
	s6 =	sadd.s32 @!p0 s3, s7;
	s7 =	simm.s32 @!p0 $0x108  }
0x21: {  	s3 =	sadd.s32 s3, s9;
	s6 =	sadd.s32 @!p0 $0x88, s6;
	s7 =	simm.s32 @p2 $0x1082  }
0x22: {  	[simem:s7], [sflag:s8] =	dma.local @!p0 [hbm:s6], $0xF7A  }
0x23: {  	s9 =	sor.u32 $0xD0000000, s2;
	s6 =	simm.s32 $0x108;
	_ =	swait.ge @!p0 [sflag:s8], $0x0  }
0x24: {  	s3 =	sadd.s32 $0x88, s3;
	s6 =	simm.s32 @!p1 $0x1082;
	[sflag:s4] =	ssyncset.s32 $0xFFFFF086  }
0x25: {  	[simem:s6], [sflag:s4] =	dma.local [hbm:s3], $0xF7A  }
0x26: {  	[smem:$0x3F80] =	sst s1;
	(tag) =	ssettag s2;
	_ =	strace s9  }
0x27: {  	s1 =	sld [smem:$0x3F90]  }
0x28: {  	s2 =	sld [smem:$0x3F91]  }
0x29: {  	s4 =	sld [smem:$0x3F93]  }
0x2a: {  	p0 =	seq.s32 s5, $0x0;
	s5 =	sld [smem:$0x3F94]  }
0x2b: {  	s6 =	sld [smem:$0x3F95]  }
0x2c: {  	s7 =	sld [smem:$0x3F96]  }
0x2d: {  	s3 =	simm.s32 $0x108;
	s8 =	sld [smem:$0x3F97]  }
0x2e: {  	s3 =	simm.s32 @!p0 $0x1082;
	s9 =	sld [smem:$0x3F98]  }
0x2f: {  	lr =	sadd.s32 s0, s3;
	s0 =	sld [smem:$0x3F8F]  }
0x30: {  	s3 =	sld [smem:$0x3F92]  }
0x31: {  	[smem:$0x3F9B] =	sst s10  }
0x32: {  	s10 =	sld [smem:$0x3F99];
	_ =	sdelay $0x3  }
0x33: {  	p0 =	seq.s32 s10, $0x1;
	s10 =	sld [smem:$0x3F9B];
	_ =	sdelay $0x3  }
0x34: {  	[smem:$0x3F9B] =	sst s10  }
0x35: {  	s10 =	sld [smem:$0x3F9A];
	_ =	sdelay $0x3  }
0x36: {  	p1 =	seq.s32 s10, $0x1;
	s10 =	sld [smem:$0x3F9B];
	_ =	sdelay $0x3  }
0x37: {  	[smem:$0x3F9B] =	sst s10  }
0x38: {  	s10 =	sld [smem:$0x3F9C]  }
0x39: {  	_ = 	snop;
	(pc) =	sbr.ind lr, $3  }
0x3a: {  	_ = 	snop  }
0x3b: {  	_ = 	snop  }
0x3c: {  	p2 =	seq.s32 s10, $0x1;
	s10 =	sld [smem:$0x3F9B]  }
0x3d: {  	_ =	shalt  }
0x3e: {  	_ =	shalt  }
0x3f: {  	_ =	shalt  }
0x40: {  	_ =	shalt  }
0x41: {  	_ =	shalt  }
0x42: {  	_ =	shalt  }
0x43: {  	_ =	shalt  }
0x44: {  	_ =	shalt  }
0x45: {  	_ =	shalt  }
0x46: {  	_ =	shalt  }
0x47: {  	_ =	shalt  }
0x48: {  	_ =	shalt  }
0x49: {  	_ =	shalt  }
0x4a: {  	_ =	shalt  }
0x4b: {  	_ =	shalt  }
0x4c: {  	_ =	shalt  }
0x4d: {  	_ =	shalt  }
0x4e: {  	_ =	shalt  }
0x4f: {  	_ =	shalt  }
0x50: {  	_ =	shalt  }
0x51: {  	_ =	shalt  }
0x52: {  	_ =	shalt  }
0x53: {  	_ =	shalt  }
0x54: {  	_ =	shalt  }
0x55: {  	_ =	shalt  }
0x56: {  	_ =	shalt  }
0x57: {  	_ =	shalt  }
0x58: {  	_ =	shalt  }
0x59: {  	_ =	shalt  }
0x5a: {  	_ =	shalt  }
0x5b: {  	_ =	shalt  }
0x5c: {  	_ =	shalt  }
0x5d: {  	_ =	shalt  }
0x5e: {  	_ =	shalt  }
0x5f: {  	_ =	shalt  }
0x60: {  	_ =	shalt  }
0x61: {  	_ =	shalt  }
0x62: {  	_ =	shalt  }
0x63: {  	_ =	shalt  }
0x64: {  	_ =	shalt  }
0x65: {  	_ =	shalt  }
0x66: {  	_ =	shalt  }
0x67: {  	_ =	shalt  }
0x68: {  	_ =	shalt  }
0x69: {  	_ =	shalt  }
0x6a: {  	_ =	shalt  }
0x6b: {  	_ =	shalt  }
0x6c: {  	_ =	shalt  }
0x6d: {  	_ =	shalt  }
0x6e: {  	_ =	shalt  }
0x6f: {  	_ =	shalt  }
0x70: {  	_ =	shalt  }
0x71: {  	_ =	shalt  }
0x72: {  	_ =	shalt  }
0x73: {  	_ =	shalt  }
0x74: {  	_ =	shalt  }
0x75: {  	_ =	shalt  }
0x76: {  	_ =	shalt  }
0x77: {  	_ =	shalt  }
0x78: {  	_ =	shalt  }
0x79: {  	_ =	shalt  }
0x7a: {  	_ =	shalt  }
0x7b: {  	_ =	shalt  }
0x7c: {  	_ =	shalt  }
0x7d: {  	_ =	shalt  }
0x7e: {  	_ =	shalt  }
0x7f: {  	_ =	shalt  }
0x80: {  	_ =	shalt  }
0x81: {  	_ =	shalt  }
0x82: {  	_ =	shalt  }
0x83: {  	_ =	shalt  }
0x84: {  	_ =	shalt  }
0x85: {  	_ =	shalt  }
0x86: {  	_ =	shalt  }
0x87: {  	_ =	shalt  }
.Lfunc_end0:
.L_simem_size_0:
called_computation.1_lowered:
.L_overlay_start_0:
0x88: {  	s2 =	sld [smem:$0x3FD9]  }
0x89: {  	s3 =	sld [smem:$0x3FFE];
	_ =	sdelay $0x1  }
0x8a: {  	s1 =	srdreg.scid  }
0x8b: {  	s0 =	sand.u32 $0x1, s1  }
0x8c: {  	s14 =	sshll.u32 s0, $0xA;
	s2 =	sadd.s32 s3, s2  }
0x8d: {  	s2 =	sadd.s32 s2, s14  }
0x8e: {  	[smem:$0x3FA7] =	sst s2  }
0x8f: {  	_ = 	snop  }
0x90: {  	s2 =	sld [smem:$0x3FD0];
	_ =	sdelay $0x2  }
0x91: {  	s15 =	simm.s32 $0xA;
	s4 =	simm.s32 $0x10  }
0x92: {  	[smem:s4], [sflag:s15] =	dma.local [hbm:s2], $0x1  }
0x93: {  	_ =	swait.eq [sflag:s15], $0x1  }
0x94: {  	[sflag:s15] =	ssyncset.done $0x0  }
0x95: {  	[sflag:s15] =	ssyncadd.s32 $0xFFFFFFFF  }
0x96: {  	s16 =	sld [smem:$0x10];
	(tm) =	ssettm $0x1  }
0x97: {  	s17 =	sld [smem:$0x3FFB];
	_ =	sdelay $0x3  }
0x98: {  	_ =	strace s17  }
0x99: {  	s3 =	sld [smem:$0x3FFC];
	_ =	sdelay $0x3  }
0x9a: {  	_ =	strace s3  }
0x9b: {  	s3 =	sld [smem:$0x3FFD];
	_ =	sdelay $0x3  }
0x9c: {  	_ =	strace s3  }
0x9d: {  	_ =	strace $0x8FFFFFFF  }
0x9e: {  	s18 =	sld [smem:$0x3FDB];
	_ =	sdelay $0x1  }
0x9f: {  	s19 =	simm.s32 $_scs_section_size  }
0xa0: {  	s5 =	simm.s32 $_size__tile_overlayer_lowered;
	s6 =	simm.s32 $_tile_overlayer_lowered  }
0xa1: {  	s22 =	simm.s32 $0x1BFF;
	s21 =	sshll.u32 s6, $0x1;
	s3 =	sadd.s32 s19, s18  }
0xa2: {  	s7 =	simm.s32 $0x0;
	s20 =	sshll.u32 s5, $0x1;
	s5 =	sadd.s32 s21, s3  }
0xa3: {  	[timem:s7], [sflag:s22] =	dma.local [hbm:s5], s20  }
0xa4: {  	_ =	swait.ge [sflag:s22], s20  }
0xa5: {  	s4 =	ssub.s32 $0x0, s20;
	[sflag:s22] =	ssyncset.done $0x0  }
0xa6: {  	[sflag:s22] =	ssyncadd.s32 s4;
	_ =	sdelay $0x1  }
0xa7: {  	s23 =	simm.s32 $0x1B8B  }
0xa8: {  	_ =	swait.ge [sflag:s23], $0x1  }
0xa9: {  	[sflag:s23] =	ssyncset.done $0x0  }
0xaa: {  	s25 =	simm.s32 $0x1B8E;
	s24 =	sld [smem:$0x3FFE];
	[sflag:s23] =	ssyncadd.s32 $0xFFFFFFFF  }
0xab: {  	s26 =	simm.s32 $execute0_lowered;
	[smem:$0x3FD2] =	sst s25  }
0xac: {  	s5 =	sshll.u32 s26, $0x1;
	_ =	strace $0x80000049;
	[dreg:$0x1] =	wrdreg $0xFFFFFFFF  }
0xad: {  	s28 =	simm.s32 $_size_execute0_lowered;
	s3 =	sadd.s32 s3, s5;
	[dreg:$0x0] =	wrdreg $0x0  }
0xae: {  	s5 =	sshll.u32 s28, $0x1;
	[dreg:$0x2] =	wrdreg s3  }
0xaf: {  	[dreg:$0x3] =	wrdreg s5  }
0xb0: {  	[dreg:$0x4] =	wrdreg $0xC0  }
0xb1: {  	_ =	task [dreg:s7], $0x5FFFF  }
0xb2: {  	[dreg:$0x1] =	wrdreg $0xFFFFFFFF  }
0xb3: {  	[dreg:$0x0] =	wrdreg $0x60  }
0xb4: {  	[dreg:$0x2] =	wrdreg s24  }
0xb5: {  	[dreg:$0x3] =	wrdreg s16  }
0xb6: {  	[dreg:$0x4] =	wrdreg $0x38900  }
0xb7: {  	[dreg:$0x5] =	wrdreg $0x1BF900  }
0xb8: {  	[dreg:$0x6] =	wrdreg $0x9  }
0xb9: {  	_ =	task.clear_ibuf [dreg:s7], $0x7FFFF;
	_ =	strace $0x90000049  }
0xba: {  	s29 =	simm.s32 $0x9;
	_ =	strace $0x8000004B  }
0xbb: {  	_ =	swait.ge [sflag:s29], $0x1  }
0xbc: {  	[sflag:s29] =	ssyncadd.s32 $0xFFFFFFFF  }
0xbd: {  	_ =	strace $0x9000004B  }
0xbe: {  	_ =	sfence  }
0xbf: {  	s30 =	sld [smem:$0x0];
	_ =	sdelay $0x2  }
0xc0: {  	s31 =	sshll.u32 s1, $0xD;
	s1 =	sshrl.u32 s1, $0x2  }
0xc1: {  	s3 =	sand.u32 $0x4000, s31;
	s1 =	sadd.s32 s1, s30  }
0xc2: {  	s0 =	sor.u32 s3, s0;
	s1 =	sshll.u32 s1, $0x11  }
0xc3: {  	s0 =	sor.u32 s1, s0  }
0xc4: {  	s0 =	sadd.s32 $0x8F2B, s0  }
0xc5: {  	[sflag:s0] =	ssyncadd.remote.s32 $0x1  }
0xc6: {  	_ =	sfence.sel $0xFFFF  }
0xc7: {  	[dreg:$0x0] =	wrdreg $0xFFFFFFFF;
	(pc) =	sbr.abs _section_cstart, $3  }
0xc8: {  	[dreg:$0x1] =	wrdreg $0xFFFFFFFF  }
0xc9: {  	_ =	task.clear_ibuf [dreg:s7], $0x2FFFF;
	_ =	strace $0x9FFFFFFF  }
0xca: {  	(tm) =	ssettm $0x7FFFFFFF  }
0xcb: {  	_ =	shalt  }
tec
execute0_lowered:
.L_overlay_start_1:
0x0: {  	(tag) =	ssettag $0x1  }
0x1: {  	s0 =	rddreg [dreg:$0x0]  }
0x2: {  	s2 =	rddreg [dreg:$0x2]  }
0x3: {  	s3 =	rddreg [dreg:$0x3];
	s1 =	simm.s32 $0x0;
	s23 =	stileid.u32  }
0x4: {  	s4 =	srdreg.scid;
	s17 =	simm.s32 $0x1;
	s21 =	simm.s32 $0x800  }
0x5: {  	s28 =	simm.s32 $0x2880;
	s29 =	simm.s32 $0x2;
	s30 =	simm.s32 $0x2800  }
0x6: {  	s31 =	simm.s32 $0x0;
	[smem:$0x7FF] =	sst s1;
	s5 =	sadd.s32 $0xD6400, s0  }
0x7: {  	s6 =	sadd.s32 $0xD7E00, s0;
	s7 =	sadd.s32 $0x158600, s0;
	s8 =	sadd.s32 $0x56C00, s0  }
0x8: {  	s10 =	smul.u32 $0x18700, s23;
	s4 =	sand.u32 $0x1, s4;
	s9 =	sadd.s32 $0x3CC00, s0  }
0x9: {  	s11 =	sadd.s32 $0xF1E00, s0;
	s12 =	sadd.s32 $0xF0400, s0;
	s15 =	sadd.s32 $0x156C00, s0  }
0xa: {  	s16 =	sadd.s32 $0xA1A00, s0;
	_ =	strace $0x8000004A;
	[dreg:$0x5] =	wrdreg s11  }
0xb: {  	p0 =	sne.s32 s23, $0x0;
	s26 =	sshll.u32 s23, $0x6;
	[dreg:$0x6] =	wrdreg s12  }
0xc: {  	s25 =	ssub.s32 $0x2, s4;
	[dreg:$0x7] =	wrdreg s15;
	p2 =	seq.s32 s4, $0x0  }
0xd: {  	s15 =	simm.s32 $0xF5000;
	s18 =	sor.u32 $0x1C01, s26;
	s20 =	sshrl.u32 @!p0 s3, $0x3  }
0xe: {  	p1 =	sne.s32 s4, $0x0;
	s26 =	simm.s32 $0x80;
	s12 =	sshrl.u32 s10, $0x3  }
0xf: {  	s13 =	sshrl.u32 s25, $0x1;
	s10 =	sadd.s32 s10, s2;
	s15 =	simm.s32 @!p2 $0x125E00  }
0x10: {  	s14 =	sadd.s32 s12, s0;
	s11 =	ssub.s32 s25, s13;
	s13 =	smul.u32 $0xD000, s23  }
0x11: {  	s25 =	sor.u32 s23, s4;
	s15 =	sadd.s32 s15, s0;
	s19 =	sshrl.u32 s10, $0x3  }
0x12: {  	s22 =	sadd.s32 @!p2 s12, s16;
	s24 =	sadd.s32 $0x70C00, s14;
	s11 =	smax.u32 s11, $0x1  }
0x13: {  	v0 =	vimm.s32 $0x0;
	vm0 =	vcmask $0x300;
	s23 =	simm.s32 $0x1000;
	[dreg:$0x8] =	wrdreg s11;
	s22 =	smov.u32 @p2 s24  }
0x14: {  	v0 =	vsel vm0, $0x3, v0;
	s24 =	simm.s32 $0x1800;
	p2 =	sne.s32 s25, $0x0;
	s25 =	simm.s32 $0x2000  }
.LBB2_1:
0x15: {  	s0 =	rddreg [dreg:$0x1];
	s1 =	simm.s32 $0x0;
	s4 =	simm.s32 $0x3880  }
0x16: {  	[tilespmem:s4], [sflag:$0x1] =	stream.linear.gather [hbm4b:s0+s1], $0x10, $0x38;
	[tilespmem:$0x1CBC8] =	vst v63  }
0x17: {  	_ =	swait.ge [sflag:s17], $0x10  }
0x18: {  	[sflag:s17] =	ssyncset.done $0x0  }
0x19: {  	s16 =	rddreg [dreg:$0x5];
	[sflag:s17] =	ssyncadd.s32 $0xFFFFFFF0  }
0x1a: {  	[spmem:s19], [sflag:s18] =	dma.local [hbm:s16], $0x30E0  }
0x1b: {  	_ =	swait.ge [sflag:s17], $0x30E0  }
0x1c: {  	[sflag:s17] =	ssyncset.done $0x0  }
0x1d: {  	s0 =	rddreg [dreg:$0x6];
	[sflag:s17] =	ssyncadd.s32 $0xFFFFCF20  }
0x1e: {  	[spmem:s20], [sflag:s18] =	dma.local @!p0 [hbm:s0], $0x1870  }
0x1f: {  	s0 =	simm.s32 @!p0 $0x1  }
0x20: {  	_ =	swait.ge @!p0 [sflag:s0], $0x1870  }
0x21: {  	[sflag:s0] =	ssyncset.done @!p0 $0x0  }
0x22: {  	[sflag:s0] =	ssyncadd.s32 @!p0 $0xFFFFE790  }
0x23: {  	[bflag:$0x0] =	sbarrier.arrive $0xFFFF  }
0x24: {  	s0 =	simm.s32 $0x0;
	v1 =	vld [tilespmem:$0x3880]  }
.LBB2_2:
0x25: {  	s1 =	sshll.u32 s0, $0xB  }
0x26: {  	s1 =	sadd.s32 s13, s1  }
0x27: {  	s4 =	sshrl.u32 s1, $0x3  }
0x28: {  	s1 =	simm.s32 $0x0;
	s10 =	sadd.s32 s8, s4  }
0x29: {  	[tilespmem:s1], [sflag:$0x1] =	stream.linear.gather [hbm4b:s10+s1], $0x800, $0x38;
	[tilespmem:$0x1CBC8] =	vst v63  }
0x2a: {  	_ =	swait.ge [sflag:s17], $0x800  }
0x2b: {  	[sflag:s17] =	ssyncset.done $0x0  }
0x2c: {  	s16 =	sadd.s32 s9, s4;
	[sflag:s17] =	ssyncadd.s32 $0xFFFFF800  }
0x2d: {  	[tilespmem:s21], [sflag:$0x1] =	stream.linear.gather [hbm4b:s16+s1], $0x800, $0x38;
	[tilespmem:$0x1CBC8] =	vst v63  }
0x2e: {  	_ =	swait.ge [sflag:s17], $0x800  }
0x2f: {  	[sflag:s17] =	ssyncset.done $0x0  }
0x30: {  	s4 =	sadd.s32 s7, s4;
	[sflag:s17] =	ssyncadd.s32 $0xFFFFF800  }
0x31: {  	[tilespmem:s23], [sflag:$0x1] =	stream.linear.gather [hbm4b:s4+s1], $0x800, $0x38;
	[tilespmem:$0x1CBC8] =	vst v63  }
0x32: {  	_ =	swait.ge [sflag:s17], $0x800  }
0x33: {  	[sflag:s17] =	ssyncset.done $0x0  }
0x34: {  	[sflag:s17] =	ssyncadd.s32 $0xFFFFF800  }
0x35: {  	[tilespmem:s24], [sflag:$0x1] =	stream.indirect.gather [hbm4b:s5+s21], $0x1, s1, s21, $0xb8;
	[tilespmem:$0x1CBC8] =	vst v63  }
0x36: {  	_ =	swait.ge [sflag:s17], $0x800  }
0x37: {  	[sflag:s17] =	ssyncset.done $0x0  }
0x38: {  	[sflag:s17] =	ssyncadd.s32 $0xFFFFF800  }
0x39: {  	[tilespmem:s25], [sflag:$0x1] =	stream.indirect.gather [hbm4b:s6+s21], $0x1, s21, s21, $0xb8;
	[tilespmem:$0x1CBC8] =	vst v63  }
0x3a: {  	_ =	swait.ge [sflag:s17], $0x800  }
0x3b: {  	[sflag:s17] =	ssyncset.done $0x0  }
0x3c: {  	[sflag:s17] =	ssyncadd.s32 $0xFFFFF800  }
.LBB2_3:
0x3d: {  	s4 =	sshll.u32 s1, $0x7  }
0x3e: {  	[tilespmem:s28], [sflag:$0x2] =	stream.indirect.gather [hbm4b:s15+s26], $0x20, s4, s26, $0xb8;
	[tilespmem:$0x1CBC8] =	vst v63  }
0x3f: {  	_ =	swait.ge [sflag:s29], $0x1000  }
0x40: {  	[sflag:s29] =	ssyncset.done $0x0  }
0x41: {  	[sflag:s29] =	ssyncadd.s32 $0xFFFFF000  }
0x42: {  	v2 =	vld [tilespmem:s4+$0x1800]  }
0x43: {  	v3 =	vld [tilespmem:s4+$0x2000];
	_ =	sdelay $0x1  }
0x44: {  	v4 =	vld [tilespmem:s4+$0x1000];
	_ =	sdelay $0x2  }
0x45: {  	v2 =	vadd.f32 v3, v2;
	_ =	sdelay $0x1  }
0x46: {  	v2 =	vadd.f32 v4, v2;
	_ =	sdelay $0x1  }
0x47: {  	v3 =	vmul.f32 $2.000000030e-01, v2;
	_ =	sdelay $0x1  }
0x48: {  	v2 =	vmax.f32 v2, v3  }
0x49: {  	v2 =	vsub.f32 v2, v1;
	_ =	sdelay $0x1  }
0x4a: {  	v2 =	vmul.f32 $1.442695020e+00, v2;
	_ =	sdelay $0x1  }
0x4b: {  	(erf) = vpow2.f32 v2;
	_ =	sdelay $0x8  }
0x4c: {  	v2 =	vpop (erf)  }
0x4d: {  	[tilespmem:$0x2800] =	vst v2  }
0x4e: {  	v2 =	vld [tilespmem:s4+$0x1810]  }
0x4f: {  	v3 =	vld [tilespmem:s4+$0x2010];
	_ =	sdelay $0x1  }
0x50: {  	v4 =	vld [tilespmem:s4+$0x1010];
	_ =	sdelay $0x2  }
0x51: {  	v2 =	vadd.f32 v3, v2;
	_ =	sdelay $0x1  }
0x52: {  	v2 =	vadd.f32 v4, v2;
	_ =	sdelay $0x1  }
0x53: {  	v3 =	vmul.f32 $2.000000030e-01, v2;
	_ =	sdelay $0x1  }
0x54: {  	v2 =	vmax.f32 v2, v3  }
0x55: {  	v2 =	vsub.f32 v2, v1;
	_ =	sdelay $0x1  }
0x56: {  	v2 =	vmul.f32 $1.442695020e+00, v2;
	_ =	sdelay $0x1  }
0x57: {  	(erf) = vpow2.f32 v2;
	_ =	sdelay $0x8  }
0x58: {  	v2 =	vpop (erf)  }
0x59: {  	[tilespmem:$0x2810] =	vst v2  }
0x5a: {  	v2 =	vld [tilespmem:s4+$0x1820]  }
0x5b: {  	v3 =	vld [tilespmem:s4+$0x2020];
	_ =	sdelay $0x1  }
0x5c: {  	v4 =	vld [tilespmem:s4+$0x1020];
	_ =	sdelay $0x2  }
0x5d: {  	v2 =	vadd.f32 v3, v2;
	_ =	sdelay $0x1  }
0x5e: {  	v2 =	vadd.f32 v4, v2;
	_ =	sdelay $0x1  }
0x5f: {  	v3 =	vmul.f32 $2.000000030e-01, v2;
	_ =	sdelay $0x1  }
0x60: {  	v2 =	vmax.f32 v2, v3  }
0x61: {  	v2 =	vsub.f32 v2, v1;
	_ =	sdelay $0x1  }
0x62: {  	v2 =	vmul.f32 $1.442695020e+00, v2;
	_ =	sdelay $0x1  }
0x63: {  	(erf) = vpow2.f32 v2;
	_ =	sdelay $0x8  }
0x64: {  	v2 =	vpop (erf)  }
0x65: {  	[tilespmem:$0x2820] =	vst v2  }
0x66: {  	v2 =	vld [tilespmem:s4+$0x1830]  }
0x67: {  	v3 =	vld [tilespmem:s4+$0x2030];
	_ =	sdelay $0x1  }
0x68: {  	v4 =	vld [tilespmem:s4+$0x1030];
	_ =	sdelay $0x2  }
0x69: {  	v2 =	vadd.f32 v3, v2;
	_ =	sdelay $0x1  }
0x6a: {  	v2 =	vadd.f32 v4, v2;
	_ =	sdelay $0x1  }
0x6b: {  	v3 =	vmul.f32 $2.000000030e-01, v2;
	_ =	sdelay $0x1  }
0x6c: {  	v2 =	vmax.f32 v2, v3  }
0x6d: {  	v2 =	vsub.f32 v2, v1;
	_ =	sdelay $0x1  }
0x6e: {  	v2 =	vmul.f32 $1.442695020e+00, v2;
	_ =	sdelay $0x1  }
0x6f: {  	(erf) = vpow2.f32 v2;
	_ =	sdelay $0x8  }
0x70: {  	v2 =	vpop (erf)  }
0x71: {  	[tilespmem:$0x2830] =	vst v2  }
0x72: {  	v2 =	vld [tilespmem:s4+$0x1840]  }
0x73: {  	v3 =	vld [tilespmem:s4+$0x2040];
	_ =	sdelay $0x1  }
0x74: {  	v4 =	vld [tilespmem:s4+$0x1040];
	_ =	sdelay $0x2  }
0x75: {  	v2 =	vadd.f32 v3, v2;
	_ =	sdelay $0x1  }
0x76: {  	v2 =	vadd.f32 v4, v2;
	_ =	sdelay $0x1  }
0x77: {  	v3 =	vmul.f32 $2.000000030e-01, v2;
	_ =	sdelay $0x1  }
0x78: {  	v2 =	vmax.f32 v2, v3  }
0x79: {  	v2 =	vsub.f32 v2, v1;
	_ =	sdelay $0x1  }
0x7a: {  	v2 =	vmul.f32 $1.442695020e+00, v2;
	_ =	sdelay $0x1  }
0x7b: {  	(erf) = vpow2.f32 v2;
	_ =	sdelay $0x8  }
0x7c: {  	v2 =	vpop (erf)  }
0x7d: {  	[tilespmem:$0x2840] =	vst v2  }
0x7e: {  	v2 =	vld [tilespmem:s4+$0x1850]  }
0x7f: {  	v3 =	vld [tilespmem:s4+$0x2050];
	_ =	sdelay $0x1  }
0x80: {  	v4 =	vld [tilespmem:s4+$0x1050];
	_ =	sdelay $0x2  }
0x81: {  	v2 =	vadd.f32 v3, v2;
	_ =	sdelay $0x1  }
0x82: {  	v2 =	vadd.f32 v4, v2;
	_ =	sdelay $0x1  }
0x83: {  	v3 =	vmul.f32 $2.000000030e-01, v2;
	_ =	sdelay $0x1  }
0x84: {  	v2 =	vmax.f32 v2, v3  }
0x85: {  	v2 =	vsub.f32 v2, v1;
	_ =	sdelay $0x1  }
0x86: {  	v2 =	vmul.f32 $1.442695020e+00, v2;
	_ =	sdelay $0x1  }
0x87: {  	(erf) = vpow2.f32 v2;
	_ =	sdelay $0x8  }
0x88: {  	v2 =	vpop (erf)  }
0x89: {  	[tilespmem:$0x2850] =	vst v2  }
0x8a: {  	v2 =	vld [tilespmem:s4+$0x1860]  }
0x8b: {  	v3 =	vld [tilespmem:s4+$0x2060];
	_ =	sdelay $0x1  }
0x8c: {  	v4 =	vld [tilespmem:s4+$0x1060];
	_ =	sdelay $0x2  }
0x8d: {  	v2 =	vadd.f32 v3, v2;
	_ =	sdelay $0x1  }
0x8e: {  	v2 =	vadd.f32 v4, v2;
	_ =	sdelay $0x1  }
0x8f: {  	v3 =	vmul.f32 $2.000000030e-01, v2;
	_ =	sdelay $0x1  }
0x90: {  	v2 =	vmax.f32 v2, v3  }
0x91: {  	v2 =	vsub.f32 v2, v1;
	_ =	sdelay $0x1  }
0x92: {  	v2 =	vmul.f32 $1.442695020e+00, v2;
	_ =	sdelay $0x1  }
0x93: {  	(erf) = vpow2.f32 v2;
	_ =	sdelay $0x8  }
0x94: {  	v2 =	vpop (erf)  }
0x95: {  	[tilespmem:$0x2860] =	vst v2  }
0x96: {  	v2 =	vld [tilespmem:s4+$0x1870]  }
0x97: {  	v3 =	vld [tilespmem:s4+$0x2070];
	_ =	sdelay $0x1  }
0x98: {  	v4 =	vld [tilespmem:s4+$0x1070];
	_ =	sdelay $0x2  }
0x99: {  	v2 =	vadd.f32 v3, v2;
	_ =	sdelay $0x1  }
0x9a: {  	v2 =	vadd.f32 v4, v2;
	_ =	sdelay $0x1  }
0x9b: {  	v3 =	vmul.f32 $2.000000030e-01, v2;
	_ =	sdelay $0x1  }
0x9c: {  	v2 =	vmax.f32 v2, v3  }
0x9d: {  	v2 =	vsub.f32 v2, v1;
	_ =	sdelay $0x1  }
0x9e: {  	v2 =	vmul.f32 $1.442695020e+00, v2;
	_ =	sdelay $0x1  }
0x9f: {  	(erf) = vpow2.f32 v2  }
0xa0: {  	s10 =	simm.s32 $0x0  }
0xa1: {  	v2 =	vmov s10  }
0xa2: {  	v2 =	vshrl.u32 v2, $0x3  }
0xa3: {  	v2 =	vshll.u32 v2, v0  }
0xa4: {  	v2 =	vbroadcast v2, $0x0;
	_ =	sdelay $0x3  }
0xa5: {  	v3 =	vpop (erf)  }
0xa6: {  	s11 =	simm.s32 $0x1;
	[tilespmem:$0x2870] =	vst v3  }
0xa7: {  	s16 =	simm.s32 $0x2980;
	v3 =	vmov s11;
	v2 =	vld.idx.msk [tilespmem:v2+s30+$0x0], $0xffff  }
0xa8: {  	v3 =	vshrl.u32 v3, $0x3;
	v4 =	vld [tilespmem:s16+$0xFFFFFF00]  }
0xa9: {  	v5 =	vld [tilespmem:s16+$0xFFFFFF10];
	v3 =	vshll.u32 v3, v0  }
0xaa: {  	v3 =	vadd.s32 $0x1, v3  }
0xab: {  	v3 =	vbroadcast v3, $0x0;
	_ =	sdelay $0x1  }
0xac: {  	v4 =	vmul.f32 v4, v2  }
0xad: {  	v2 =	vmul.f32 v5, v2  }
0xae: {  	s12 =	simm.s32 $0x2;
	[tilespmem:s16+$0xFFFFFF00] =	vst v4  }
0xaf: {  	[tilespmem:s16+$0xFFFFFF10] =	vst v2;
	v2 =	vmov s12;
	v4 =	vld [tilespmem:s16+$0xFFFFFF20]  }
0xb0: {  	v2 =	vshrl.u32 v2, $0x3;
	v3 =	vld.idx.msk [tilespmem:v3+s30+$0x0], $0xffff  }
0xb1: {  	v5 =	vld [tilespmem:s16+$0xFFFFFF30];
	v2 =	vshll.u32 v2, v0  }
0xb2: {  	v2 =	vadd.s32 $0x2, v2  }
0xb3: {  	v2 =	vbroadcast v2, $0x0;
	_ =	sdelay $0x1  }
0xb4: {  	v4 =	vmul.f32 v4, v3  }
0xb5: {  	v3 =	vmul.f32 v5, v3  }
0xb6: {  	s14 =	simm.s32 $0x3;
	[tilespmem:s16+$0xFFFFFF20] =	vst v4  }
0xb7: {  	[tilespmem:s16+$0xFFFFFF30] =	vst v3;
	v3 =	vmov s14;
	v4 =	vld [tilespmem:s16+$0xFFFFFF40]  }
0xb8: {  	v2 =	vld.idx.msk [tilespmem:v2+s30+$0x0], $0xffff;
	v3 =	vshrl.u32 v3, $0x3  }
0xb9: {  	v5 =	vld [tilespmem:s16+$0xFFFFFF50];
	v3 =	vshll.u32 v3, v0  }
0xba: {  	v3 =	vadd.s32 $0x3, v3  }
0xbb: {  	v3 =	vbroadcast v3, $0x0;
	_ =	sdelay $0x1  }
0xbc: {  	v4 =	vmul.f32 v4, v2  }
0xbd: {  	v2 =	vmul.f32 v5, v2  }
0xbe: {  	s11 =	simm.s32 $0x4;
	[tilespmem:s16+$0xFFFFFF40] =	vst v4  }
0xbf: {  	[tilespmem:s16+$0xFFFFFF50] =	vst v2;
	v2 =	vmov s11;
	v4 =	vld [tilespmem:s16+$0xFFFFFF60]  }
0xc0: {  	v2 =	vshrl.u32 v2, $0x3;
	v3 =	vld.idx.msk [tilespmem:v3+s30+$0x0], $0xffff  }
0xc1: {  	v5 =	vld [tilespmem:s16+$0xFFFFFF70];
	v2 =	vshll.u32 v2, v0  }
0xc2: {  	v2 =	vadd.s32 $0x4, v2  }
0xc3: {  	v2 =	vbroadcast v2, $0x0;
	_ =	sdelay $0x1  }
0xc4: {  	v4 =	vmul.f32 v4, v3  }
0xc5: {  	v3 =	vmul.f32 v5, v3  }
0xc6: {  	s12 =	simm.s32 $0x5;
	[tilespmem:s16+$0xFFFFFF60] =	vst v4  }
0xc7: {  	[tilespmem:s16+$0xFFFFFF70] =	vst v3;
	v3 =	vmov s12;
	v4 =	vld [tilespmem:s16+$0xFFFFFF80]  }
0xc8: {  	v2 =	vld.idx.msk [tilespmem:v2+s30+$0x0], $0xffff;
	v3 =	vshrl.u32 v3, $0x3  }
0xc9: {  	v5 =	vld [tilespmem:s16+$0xFFFFFF90];
	v3 =	vshll.u32 v3, v0  }
0xca: {  	v3 =	vadd.s32 $0x5, v3  }
0xcb: {  	v3 =	vbroadcast v3, $0x0;
	_ =	sdelay $0x1  }
0xcc: {  	v4 =	vmul.f32 v4, v2  }
0xcd: {  	v2 =	vmul.f32 v5, v2  }
0xce: {  	s14 =	simm.s32 $0x6;
	[tilespmem:s16+$0xFFFFFF80] =	vst v4  }
0xcf: {  	[tilespmem:s16+$0xFFFFFF90] =	vst v2;
	v2 =	vmov s14;
	v4 =	vld [tilespmem:s16+$0xFFFFFFA0]  }
0xd0: {  	v2 =	vshrl.u32 v2, $0x3;
	v3 =	vld.idx.msk [tilespmem:v3+s30+$0x0], $0xffff  }
0xd1: {  	v5 =	vld [tilespmem:s16+$0xFFFFFFB0];
	v2 =	vshll.u32 v2, v0  }
0xd2: {  	v2 =	vadd.s32 $0x6, v2  }
0xd3: {  	v2 =	vbroadcast v2, $0x0;
	_ =	sdelay $0x1  }
0xd4: {  	v4 =	vmul.f32 v4, v3  }
0xd5: {  	v3 =	vmul.f32 v5, v3  }
0xd6: {  	s11 =	simm.s32 $0x7;
	[tilespmem:s16+$0xFFFFFFA0] =	vst v4  }
0xd7: {  	[tilespmem:s16+$0xFFFFFFB0] =	vst v3;
	v3 =	vmov s11;
	v4 =	vld [tilespmem:s16+$0xFFFFFFC0]  }
0xd8: {  	v2 =	vld.idx.msk [tilespmem:v2+s30+$0x0], $0xffff;
	v3 =	vshrl.u32 v3, $0x3  }
0xd9: {  	v5 =	vld [tilespmem:s16+$0xFFFFFFD0];
	v3 =	vshll.u32 v3, v0  }
0xda: {  	v3 =	vadd.s32 $0x7, v3  }
0xdb: {  	v3 =	vbroadcast v3, $0x0;
	_ =	sdelay $0x1  }
0xdc: {  	v4 =	vmul.f32 v4, v2  }
0xdd: {  	v2 =	vmul.f32 v5, v2  }
0xde: {  	[tilespmem:s16+$0xFFFFFFC0] =	vst v4  }
0xdf: {  	s12 =	simm.s32 $0x8;
	[tilespmem:s16+$0xFFFFFFD0] =	vst v2;
	v4 =	vld [tilespmem:s16+$0xFFFFFFE0]  }
0xe0: {  	v2 =	vld.idx.msk [tilespmem:v3+s30+$0x0], $0xffff;
	v3 =	vmov s12  }
0xe1: {  	v6 =	vld [tilespmem:s16+$0xFFFFFFF0];
	v3 =	vshrl.u32 v3, $0x3  }
0xe2: {  	v3 =	vshll.u32 v3, v0  }
0xe3: {  	v3 =	vbroadcast v3, $0x0;
	_ =	sdelay $0x1  }
0xe4: {  	v4 =	vmul.f32 v4, v2  }
0xe5: {  	v2 =	vmul.f32 v6, v2  }
0xe6: {  	s14 =	simm.s32 $0x9;
	[tilespmem:s16+$0xFFFFFFE0] =	vst v4  }
0xe7: {  	[tilespmem:s16+$0xFFFFFFF0] =	vst v2;
	v2 =	vmov s14;
	v4 =	vld [tilespmem:s16+$0x0]  }
0xe8: {  	v2 =	vshrl.u32 v2, $0x3;
	v3 =	vld.idx.msk [tilespmem:v3+s30+$0x0], $0xffff  }
0xe9: {  	v5 =	vld [tilespmem:s16+$0x10];
	v2 =	vshll.u32 v2, v0  }
0xea: {  	v2 =	vadd.s32 $0x1, v2  }
0xeb: {  	v2 =	vbroadcast v2, $0x0;
	_ =	sdelay $0x1  }
0xec: {  	v4 =	vmul.f32 v4, v3  }
0xed: {  	v3 =	vmul.f32 v5, v3  }
0xee: {  	s11 =	simm.s32 $0xA;
	[tilespmem:s16+$0x0] =	vst v4  }
0xef: {  	[tilespmem:s16+$0x10] =	vst v3;
	v3 =	vmov s11;
	v4 =	vld [tilespmem:s16+$0x20]  }
0xf0: {  	v2 =	vld.idx.msk [tilespmem:v2+s30+$0x0], $0xffff;
	v3 =	vshrl.u32 v3, $0x3  }
0xf1: {  	v5 =	vld [tilespmem:s16+$0x30];
	v3 =	vshll.u32 v3, v0  }
0xf2: {  	v3 =	vadd.s32 $0x2, v3  }
0xf3: {  	v3 =	vbroadcast v3, $0x0;
	_ =	sdelay $0x1  }
0xf4: {  	v4 =	vmul.f32 v4, v2  }
0xf5: {  	v2 =	vmul.f32 v5, v2  }
0xf6: {  	s12 =	simm.s32 $0xB;
	[tilespmem:s16+$0x20] =	vst v4  }
0xf7: {  	[tilespmem:s16+$0x30] =	vst v2;
	v2 =	vmov s12;
	v4 =	vld [tilespmem:s16+$0x40]  }
0xf8: {  	v2 =	vshrl.u32 v2, $0x3;
	v3 =	vld.idx.msk [tilespmem:v3+s30+$0x0], $0xffff  }
0xf9: {  	v5 =	vld [tilespmem:s16+$0x50];
	v2 =	vshll.u32 v2, v0  }
0xfa: {  	v2 =	vadd.s32 $0x3, v2  }
0xfb: {  	v2 =	vbroadcast v2, $0x0;
	_ =	sdelay $0x1  }
0xfc: {  	v4 =	vmul.f32 v4, v3  }
0xfd: {  	v3 =	vmul.f32 v5, v3  }
0xfe: {  	s14 =	simm.s32 $0xC;
	[tilespmem:s16+$0x40] =	vst v4  }
0xff: {  	[tilespmem:s16+$0x50] =	vst v3;
	v3 =	vmov s14;
	v4 =	vld [tilespmem:s16+$0x60]  }
0x100: {  	v2 =	vld.idx.msk [tilespmem:v2+s30+$0x0], $0xffff;
	v3 =	vshrl.u32 v3, $0x3  }
0x101: {  	v5 =	vld [tilespmem:s16+$0x70];
	v3 =	vshll.u32 v3, v0  }
0x102: {  	v3 =	vadd.s32 $0x4, v3  }
0x103: {  	v3 =	vbroadcast v3, $0x0;
	_ =	sdelay $0x1  }
0x104: {  	v4 =	vmul.f32 v4, v2  }
0x105: {  	v2 =	vmul.f32 v5, v2  }
0x106: {  	s11 =	simm.s32 $0xD;
	[tilespmem:s16+$0x60] =	vst v4  }
0x107: {  	[tilespmem:s16+$0x70] =	vst v2;
	v2 =	vmov s11;
	v4 =	vld [tilespmem:s16+$0x80]  }
0x108: {  	v2 =	vshrl.u32 v2, $0x3;
	v3 =	vld.idx.msk [tilespmem:v3+s30+$0x0], $0xffff  }
0x109: {  	v5 =	vld [tilespmem:s16+$0x90];
	v2 =	vshll.u32 v2, v0  }
0x10a: {  	v2 =	vadd.s32 $0x5, v2  }
0x10b: {  	v2 =	vbroadcast v2, $0x0;
	_ =	sdelay $0x1  }
0x10c: {  	v4 =	vmul.f32 v4, v3  }
0x10d: {  	v3 =	vmul.f32 v5, v3  }
0x10e: {  	[tilespmem:s16+$0x80] =	vst v4  }
0x10f: {  	s12 =	simm.s32 $0xE;
	[tilespmem:s16+$0x90] =	vst v3;
	v4 =	vld [tilespmem:s16+$0xA0]  }
0x110: {  	v3 =	vmov s12;
	v2 =	vld.idx.msk [tilespmem:v2+s30+$0x0], $0xffff  }
0x111: {  	v5 =	vld [tilespmem:s16+$0xB0];
	v3 =	vshrl.u32 v3, $0x3  }
0x112: {  	v3 =	vshll.u32 v3, v0  }
0x113: {  	v3 =	vadd.s32 $0x6, v3  }
0x114: {  	v6 =	vbroadcast v3, $0x0  }
0x115: {  	s14 =	simm.s32 $0xF;
	v3 =	vmul.f32 v4, v2  }
0x116: {  	v2 =	vmul.f32 v5, v2;
	v4 =	vmov s14  }
0x117: {  	[tilespmem:s16+$0xA0] =	vst v3;
	v3 =	vshrl.u32 v4, $0x3  }
0x118: {  	v5 =	vld [tilespmem:s16+$0xD0];
	[tilespmem:s16+$0xB0] =	vst v2;
	v2 =	vshll.u32 v3, v0  }
0x119: {  	v3 =	vld [tilespmem:s16+$0xC0];
	v2 =	vadd.s32 $0x7, v2  }
0x11a: {  	s10 =	simm.s32 $0x2980;
	s11 =	simm.s32 $0x1F;
	v4 =	vld.idx.msk [tilespmem:v6+s30+$0x0], $0xffff;
	v2 =	vbroadcast v2, $0x0  }
.LBB2_4:
0x11b: {  	p3 =	sne.s32 s11, $0x7F  }
0x11c: {  	s16 =	sadd.s32 $0x200, s16;
	s12 =	smov.u32 s11;
	s11 =	sadd.s32 $0x10, s11  }
0x11d: {  	_ =	sdelay $0x1  }
0x11e: {  	v3 =	vmul.f32 v3, v4;
	v4 =	vmul.f32 v5, v4;
	_ =	sdelay $0x1  }
0x11f: {  	[tilespmem:s10+$0xC0] =	vst v3  }
0x120: {  	[tilespmem:s10+$0xD0] =	vst v4;
	v3 =	vld [tilespmem:s10+$0xE0]  }
0x121: {  	s14 =	sadd.s32 $0xFFFFFFF1, s12;
	v2 =	vld.idx.msk [tilespmem:v2+s30+$0x0], $0xffff  }
0x122: {  	v4 =	vmov s14;
	v5 =	vld [tilespmem:s10+$0xF0]  }
0x123: {  	v4 =	vshrl.u32 v4, $0x3  }
0x124: {  	v4 =	vshll.u32 v4, v0  }
0x125: {  	v4 =	vbroadcast v4, $0x0;
	_ =	sdelay $0x1  }
0x126: {  	v3 =	vmul.f32 v3, v2;
	v2 =	vmul.f32 v5, v2;
	_ =	sdelay $0x1  }
0x127: {  	s14 =	sadd.s32 $0xFFFFFFF2, s12;
	[tilespmem:s10+$0xE0] =	vst v3  }
0x128: {  	v5 =	vmov s14;
	v3 =	vld [tilespmem:s16+$0xFFFFFF10];
	[tilespmem:s10+$0xF0] =	vst v2;
	s10 =	smov.u32 s16  }
0x129: {  	v2 =	vld.idx.msk [tilespmem:v4+s30+$0x0], $0xffff;
	v4 =	vshrl.u32 v5, $0x3  }
0x12a: {  	v5 =	vld [tilespmem:s16+$0xFFFFFF00];
	v4 =	vshll.u32 v4, v0  }
0x12b: {  	v4 =	vadd.s32 $0x1, v4  }
0x12c: {  	v4 =	vbroadcast v4, $0x0;
	_ =	sdelay $0x2  }
0x12d: {  	v5 =	vmul.f32 v5, v2;
	v2 =	vmul.f32 v3, v2  }
0x12e: {  	s14 =	sadd.s32 $0xFFFFFFF3, s12  }
0x12f: {  	v3 =	vmov s14;
	[tilespmem:s16+$0xFFFFFF00] =	vst v5  }
0x130: {  	v3 =	vshrl.u32 v3, $0x3;
	[tilespmem:s16+$0xFFFFFF10] =	vst v2;
	v2 =	vld [tilespmem:s16+$0xFFFFFF30]  }
0x131: {  	v3 =	vshll.u32 v3, v0;
	v4 =	vld.idx.msk [tilespmem:v4+s30+$0x0], $0xffff  }
0x132: {  	v3 =	vadd.s32 $0x2, v3;
	v5 =	vld [tilespmem:s16+$0xFFFFFF20]  }
0x133: {  	v3 =	vbroadcast v3, $0x0;
	_ =	sdelay $0x3  }
0x134: {  	s14 =	sadd.s32 $0xFFFFFFF4, s12;
	v2 =	vmul.f32 v2, v4;
	v5 =	vmul.f32 v5, v4  }
0x135: {  	v4 =	vmov s14  }
0x136: {  	v4 =	vshrl.u32 v4, $0x3;
	[tilespmem:s16+$0xFFFFFF20] =	vst v5  }
0x137: {  	v4 =	vshll.u32 v4, v0;
	[tilespmem:s16+$0xFFFFFF30] =	vst v2;
	v2 =	vld [tilespmem:s16+$0xFFFFFF50]  }
0x138: {  	v4 =	vadd.s32 $0x3, v4;
	v3 =	vld.idx.msk [tilespmem:v3+s30+$0x0], $0xffff  }
0x139: {  	v4 =	vbroadcast v4, $0x0;
	v5 =	vld [tilespmem:s16+$0xFFFFFF40];
	_ =	sdelay $0x3  }
0x13a: {  	s14 =	sadd.s32 $0xFFFFFFF5, s12  }
0x13b: {  	v2 =	vmul.f32 v2, v3;
	v5 =	vmul.f32 v5, v3;
	v3 =	vmov s14  }
0x13c: {  	v3 =	vshrl.u32 v3, $0x3  }
0x13d: {  	[tilespmem:s16+$0xFFFFFF40] =	vst v5;
	v3 =	vshll.u32 v3, v0  }
0x13e: {  	[tilespmem:s16+$0xFFFFFF50] =	vst v2;
	v2 =	vld [tilespmem:s16+$0xFFFFFF70];
	v3 =	vadd.s32 $0x4, v3  }
0x13f: {  	v4 =	vld.idx.msk [tilespmem:v4+s30+$0x0], $0xffff;
	v3 =	vbroadcast v3, $0x0  }
0x140: {  	v5 =	vld [tilespmem:s16+$0xFFFFFF60];
	_ =	sdelay $0x2  }
0x141: {  	s14 =	sadd.s32 $0xFFFFFFF6, s12  }
0x142: {  	v6 =	vmov s14  }
0x143: {  	v2 =	vmul.f32 v2, v4;
	v5 =	vmul.f32 v5, v4;
	v4 =	vshrl.u32 v6, $0x3  }
0x144: {  	v4 =	vshll.u32 v4, v0  }
0x145: {  	[tilespmem:s16+$0xFFFFFF60] =	vst v5;
	v4 =	vadd.s32 $0x5, v4  }
0x146: {  	[tilespmem:s16+$0xFFFFFF70] =	vst v2;
	v2 =	vld [tilespmem:s16+$0xFFFFFF90];
	v4 =	vbroadcast v4, $0x0  }
0x147: {  	v3 =	vld.idx.msk [tilespmem:v3+s30+$0x0], $0xffff  }
0x148: {  	v5 =	vld [tilespmem:s16+$0xFFFFFF80];
	_ =	sdelay $0x1  }
0x149: {  	s14 =	sadd.s32 $0xFFFFFFF7, s12  }
0x14a: {  	v6 =	vmov s14  }
0x14b: {  	v6 =	vshrl.u32 v6, $0x3  }
0x14c: {  	v2 =	vmul.f32 v2, v3;
	v5 =	vmul.f32 v5, v3;
	v3 =	vshll.u32 v6, v0  }
0x14d: {  	v3 =	vadd.s32 $0x6, v3  }
0x14e: {  	[tilespmem:s16+$0xFFFFFF80] =	vst v5;
	v3 =	vbroadcast v3, $0x0  }
0x14f: {  	[tilespmem:s16+$0xFFFFFF90] =	vst v2;
	v2 =	vld [tilespmem:s16+$0xFFFFFFB0]  }
0x150: {  	v4 =	vld.idx.msk [tilespmem:v4+s30+$0x0], $0xffff  }
0x151: {  	v5 =	vld [tilespmem:s16+$0xFFFFFFA0]  }
0x152: {  	s14 =	sadd.s32 $0xFFFFFFF8, s12  }
0x153: {  	v6 =	vmov s14  }
0x154: {  	v6 =	vshrl.u32 v6, $0x3  }
0x155: {  	v6 =	vshll.u32 v6, v0  }
0x156: {  	v2 =	vmul.f32 v2, v4;
	v5 =	vmul.f32 v5, v4;
	v4 =	vadd.s32 $0x7, v6  }
0x157: {  	v4 =	vbroadcast v4, $0x0  }
0x158: {  	[tilespmem:s16+$0xFFFFFFA0] =	vst v5  }
0x159: {  	[tilespmem:s16+$0xFFFFFFB0] =	vst v2;
	v2 =	vld [tilespmem:s16+$0xFFFFFFD0]  }
0x15a: {  	v3 =	vld.idx.msk [tilespmem:v3+s30+$0x0], $0xffff  }
0x15b: {  	v5 =	vld [tilespmem:s16+$0xFFFFFFC0]  }
0x15c: {  	s14 =	sadd.s32 $0xFFFFFFF9, s12  }
0x15d: {  	v6 =	vmov s14  }
0x15e: {  	v6 =	vshrl.u32 v6, $0x3;
	v7 =	vld [tilespmem:s16+$0xFFFFFFF0]  }
0x15f: {  	v6 =	vshll.u32 v6, v0  }
0x160: {  	v6 =	vbroadcast v6, $0x0;
	v5 =	vmul.f32 v5, v3  }
0x161: {  	v2 =	vmul.f32 v2, v3  }
0x162: {  	[tilespmem:s16+$0xFFFFFFC0] =	vst v5  }
0x163: {  	[tilespmem:s16+$0xFFFFFFD0] =	vst v2  }
0x164: {  	s14 =	sadd.s32 $0xFFFFFFFA, s12;
	v2 =	vld.idx.msk [tilespmem:v4+s30+$0x0], $0xffff  }
0x165: {  	v4 =	vmov s14;
	v3 =	vld [tilespmem:s16+$0xFFFFFFE0]  }
0x166: {  	v4 =	vshrl.u32 v4, $0x3  }
0x167: {  	v4 =	vshll.u32 v4, v0  }
0x168: {  	v4 =	vadd.s32 $0x1, v4  }
0x169: {  	v4 =	vbroadcast v4, $0x0  }
0x16a: {  	v3 =	vmul.f32 v3, v2;
	v2 =	vmul.f32 v7, v2;
	_ =	sdelay $0x1  }
0x16b: {  	[tilespmem:s16+$0xFFFFFFE0] =	vst v3  }
0x16c: {  	s14 =	sadd.s32 $0xFFFFFFFB, s12;
	[tilespmem:s16+$0xFFFFFFF0] =	vst v2;
	v2 =	vld [tilespmem:s16+$0x10]  }
0x16d: {  	v5 =	vmov s14;
	v3 =	vld.idx.msk [tilespmem:v6+s30+$0x0], $0xffff  }
0x16e: {  	v5 =	vshrl.u32 v5, $0x3;
	v6 =	vld [tilespmem:s16+$0x0]  }
0x16f: {  	v5 =	vshll.u32 v5, v0  }
0x170: {  	v5 =	vadd.s32 $0x2, v5  }
0x171: {  	v5 =	vbroadcast v5, $0x0;
	_ =	sdelay $0x1  }
0x172: {  	v2 =	vmul.f32 v2, v3;
	v6 =	vmul.f32 v6, v3;
	_ =	sdelay $0x1  }
0x173: {  	s14 =	sadd.s32 $0xFFFFFFFC, s12;
	[tilespmem:s16+$0x0] =	vst v6  }
0x174: {  	v3 =	vmov s14;
	[tilespmem:s16+$0x10] =	vst v2;
	v2 =	vld [tilespmem:s16+$0x30]  }
0x175: {  	v3 =	vshrl.u32 v3, $0x3;
	v4 =	vld.idx.msk [tilespmem:v4+s30+$0x0], $0xffff  }
0x176: {  	v3 =	vshll.u32 v3, v0;
	v6 =	vld [tilespmem:s16+$0x20]  }
0x177: {  	v3 =	vadd.s32 $0x3, v3  }
0x178: {  	v3 =	vbroadcast v3, $0x0;
	_ =	sdelay $0x2  }
0x179: {  	v2 =	vmul.f32 v2, v4;
	v6 =	vmul.f32 v6, v4  }
0x17a: {  	s14 =	sadd.s32 $0xFFFFFFFD, s12  }
0x17b: {  	v4 =	vmov s14;
	[tilespmem:s16+$0x20] =	vst v6  }
0x17c: {  	v4 =	vshrl.u32 v4, $0x3;
	[tilespmem:s16+$0x30] =	vst v2;
	v2 =	vld [tilespmem:s16+$0x50]  }
0x17d: {  	v4 =	vshll.u32 v4, v0;
	v5 =	vld.idx.msk [tilespmem:v5+s30+$0x0], $0xffff  }
0x17e: {  	v4 =	vadd.s32 $0x4, v4;
	v6 =	vld [tilespmem:s16+$0x40]  }
0x17f: {  	v4 =	vbroadcast v4, $0x0;
	_ =	sdelay $0x3  }
0x180: {  	s14 =	sadd.s32 $0xFFFFFFFE, s12;
	v2 =	vmul.f32 v2, v5;
	v6 =	vmul.f32 v6, v5  }
0x181: {  	v5 =	vmov s14  }
0x182: {  	v5 =	vshrl.u32 v5, $0x3;
	[tilespmem:s16+$0x40] =	vst v6  }
0x183: {  	v5 =	vshll.u32 v5, v0;
	[tilespmem:s16+$0x50] =	vst v2;
	v2 =	vld [tilespmem:s16+$0x70]  }
0x184: {  	v5 =	vadd.s32 $0x5, v5;
	v3 =	vld.idx.msk [tilespmem:v3+s30+$0x0], $0xffff  }
0x185: {  	v5 =	vbroadcast v5, $0x0;
	v6 =	vld [tilespmem:s16+$0x60];
	_ =	sdelay $0x3  }
0x186: {  	s14 =	sadd.s32 $0xFFFFFFFF, s12  }
0x187: {  	v2 =	vmul.f32 v2, v3;
	v6 =	vmul.f32 v6, v3;
	v3 =	vmov s14  }
0x188: {  	v3 =	vshrl.u32 v3, $0x3  }
0x189: {  	[tilespmem:s16+$0x60] =	vst v6;
	v3 =	vshll.u32 v3, v0  }
0x18a: {  	[tilespmem:s16+$0x70] =	vst v2;
	v2 =	vld [tilespmem:s16+$0x90];
	v3 =	vadd.s32 $0x6, v3  }
0x18b: {  	v4 =	vld.idx.msk [tilespmem:v4+s30+$0x0], $0xffff;
	v6 =	vbroadcast v3, $0x0  }
0x18c: {  	v3 =	vld [tilespmem:s16+$0x80];
	_ =	sdelay $0x3  }
0x18d: {  	v7 =	vmov s12  }
0x18e: {  	v2 =	vmul.f32 v2, v4;
	v3 =	vmul.f32 v3, v4;
	v4 =	vshrl.u32 v7, $0x3  }
0x18f: {  	v4 =	vshll.u32 v4, v0  }
0x190: {  	[tilespmem:s16+$0x80] =	vst v3;
	v3 =	vadd.s32 $0x7, v4  }
0x191: {  	[tilespmem:s16+$0x90] =	vst v2;
	v4 =	vld [tilespmem:s16+$0xB0];
	v2 =	vbroadcast v3, $0x0  }
0x192: {  	v3 =	vld.idx.msk [tilespmem:v5+s30+$0x0], $0xffff  }
0x193: {  	v5 =	vld [tilespmem:s16+$0xA0];
	_ =	sdelay $0x4  }
0x194: {  	v5 =	vmul.f32 v5, v3;
	v3 =	vmul.f32 v4, v3  }
.Ltmp0:
0x195: {  	(pc) =	sbr.rel @p3 .LBB2_4-.Ltmp0, $4  }
0x196: {  	[tilespmem:s16+$0xA0] =	vst v5  }
0x197: {  	[tilespmem:s16+$0xB0] =	vst v3;
	v3 =	vld [tilespmem:s16+$0xC0]  }
0x198: {  	v4 =	vld.idx.msk [tilespmem:v6+s30+$0x0], $0xffff  }
0x199: {  	v5 =	vld [tilespmem:s16+$0xD0]  }
0x19a: {  	_ =	sdelay $0x2  }
0x19b: {  	v3 =	vmul.f32 v3, v4  }
0x19c: {  	v62 =	vmul.f32 v5, v4  }
0x19d: {  	[tilespmem:s10+$0xC0] =	vst v3  }
0x19e: {  	v3 =	vld [tilespmem:s10+$0xE0];
	[tilespmem:s10+$0xD0] =	vst v62  }
0x19f: {  	v2 =	vld.idx.msk [tilespmem:v2+s30+$0x0], $0xffff  }
0x1a0: {  	v63 =	vld [tilespmem:s10+$0xF0];
	_ =	sdelay $0x3  }
0x1a1: {  	v3 =	vmul.f32 v3, v2  }
0x1a2: {  	v2 =	vmul.f32 v63, v2  }
0x1a3: {  	[tilespmem:s10+$0xE0] =	vst v3  }
0x1a4: {  	s4 =	sadd.s32 $0x800, s4;
	[tilespmem:s10+$0xF0] =	vst v2  }
0x1a5: {  	[spmem:s2] =	stream.indirect.scatter.add.f32 [tilespmem:s28], [sflag:$0x2], $0x20, s4, s26, $0xb8;
	[tilespmem:$0x1CBC8] =	vst v63  }
0x1a6: {  	_ =	swait.ge [sflag:s29], $0x1000  }
0x1a7: {  	s11 =	simm.s32 @!p1 $0x2800;
	s1 =	sadd.s32 $0x1, s1;
	[sflag:s29] =	ssyncset.done $0x0  }
0x1a8: {  	p3 =	sne.s32 s1, $0x10;
	s10 =	simm.s32 @!p1 $0x80;
	[sflag:s29] =	ssyncadd.s32 $0xFFFFF000  }
0x1a9: {  	[spmem:s3] =	stream.indirect.scatter.add.f32 @!p1 [tilespmem:s11], [sflag:$0x1], $0x1, s4, s10, $0xb8;
	[tilespmem:$0x1CBC8] =	vst v63  }
.Ltmp1:
0x1aa: {  	_ = 	snop;
	(pc) =	sbr.rel @p3 .LBB2_3-.Ltmp1, $4  }
0x1ab: {  	s4 =	simm.s32 @!p1 $0x1  }
0x1ac: {  	_ =	swait.ge @!p1 [sflag:s4], $0x80  }
0x1ad: {  	[sflag:s4] =	ssyncset.done @!p1 $0x0  }
0x1ae: {  	[sflag:s4] =	ssyncadd.s32 @!p1 $0xFFFFFF80  }
0x1af: {  	s0 =	sadd.s32 $0x1, s0  }
0x1b0: {  	p3 =	sne.s32 s0, $0x1A  }
.Ltmp2:
0x1b1: {  	_ = 	snop;
	(pc) =	sbr.rel @p3 .LBB2_2-.Ltmp2, $1  }
0x1b2: {  	_ =	sdelay $0x3  }
0x1b3: {  	[bflag:$0x0] =	sbarrier.arrive $0xFFFF  }
0x1b4: {  	[hbm:s22], [sflag:s18] =	dma.local [spmem:s19], $0x30E0  }
0x1b5: {  	_ =	swait.ge [sflag:s17], $0x30E0  }
0x1b6: {  	[sflag:s17] =	ssyncset.done $0x0  }
0x1b7: {  	s0 =	sshrl.u32 @!p2 s3, $0x3;
	s1 =	rddreg [dreg:$0x7];
	[sflag:s17] =	ssyncadd.s32 $0xFFFFCF20  }
0x1b8: {  	[hbm:s1], [sflag:s18] =	dma.local @!p2 [spmem:s0], $0x1870  }
0x1b9: {  	s0 =	simm.s32 @!p2 $0x1  }
0x1ba: {  	_ =	swait.ge @!p2 [sflag:s0], $0x1870  }
0x1bb: {  	s31 =	sadd.s32 $0x1, s31;
	s16 =	rddreg [dreg:$0x8]  }
0x1bc: {  	p3 =	sne.s32 s31, s16  }
.Ltmp3:
0x1bd: {  	_ = 	snop;
	(pc) =	sbr.rel @p3 .LBB2_1-.Ltmp3, $3  }
0x1be: {  	_ =	sdelay $0x1  }
0x1bf: {  	[sflag:s0] =	ssyncset.done @!p2 $0x0  }
0x1c0: {  	[sflag:s0] =	ssyncadd.s32 @!p2 $0xFFFFE790  }
0x1c1: {  	_ =	sfence.sel $0x180000  }
0x1c2: {  	[bflag:$0x0] =	sbarrier.arrive $0xFFFF  }
0x1c3: {  	_ =	strace $0x9000004A  }
0x1c4: {  	[bflag:$0x2] =	sbarrier.arrive $0xFFFF  }
0x1c5: {  	s0 =	rddreg [dreg:$0x4]  }
0x1c6: {  	s0 =	sadd.s32 @!p0 $0x100000, s0  }
0x1c7: {  	[sflag:s0] =	ssyncadd.tile.s32 @!p0 $0x1;
	_ =	shalt  }
.Lfunc_end2:
_tile_overlayer_lowered:
.L_overlay_start_2:
0x1c8: {  	(tag) =	ssettag $0x2  }
0x1c9: {  	s0 =	rddreg [dreg:$0x0];
	s2 =	stileid.u32  }
0x1ca: {  	s1 =	rddreg [dreg:$0x1];
	p0 =	sne.s32 s2, $0x0  }
0x1cb: {  	s3 =	rddreg [dreg:$0x2];
	[bflag:$0x3] =	sbarrier.arrive $0xFFFF;
	s2 =	simm.s32 @!p0 $0x1C01  }
0x1cc: {  	[timem:s3], [sflag:s2] =	dma.local @!p0 [hbm:s0], s1  }
0x1cd: {  	s0 =	simm.s32 @!p0 $0x1  }
0x1ce: {  	_ =	swait.ge @!p0 [sflag:s0], s1  }
0x1cf: {  	s1 =	ssub.s32 @!p0 $0x0, s1;
	[sflag:s0] =	ssyncset.done @!p0 $0x0  }
0x1d0: {  	[sflag:s0] =	ssyncadd.s32 @!p0 s1  }
0x1d1: {  	[bflag:$0x3] =	sbarrier.arrive $0xFFFF  }
0x1d2: {  	_ =	shalt  }

// kernel: kernel.17.cloned.1.call-start
scs
__scs_entry_jumppad:
0x0: {  	(pc) =	sbr.rel $0x88, $3  }
0x1: {  	(tag) =	ssettag $0x0;
	lr =	simm.s32 $0x1  }
0x2: {  	[smem:$0x3F80] =	sst lr;
	_ =	strace $0xD0000000  }
0x3: {  	_ = 	snop  }
0x4: {  	_ = 	snop  }
0x5: {  	_ = 	snop  }
0x6: {  	_ = 	snop  }
0x7: {  	_ = 	snop  }
__scs_overlays_trampoline_lowered:
0x8: {  	[smem:$0x3F8F] =	sst s0  }
0x9: {  	[smem:$0x3F90] =	sst s1  }
0xa: {  	[smem:$0x3F91] =	sst s2  }
0xb: {  	[smem:$0x3F92] =	sst s3  }
0xc: {  	[smem:$0x3F93] =	sst s4  }
0xd: {  	[smem:$0x3F94] =	sst s5  }
0xe: {  	[smem:$0x3F95] =	sst s6  }
0xf: {  	[smem:$0x3F96] =	sst s7  }
0x10: {  	[smem:$0x3F97] =	sst s8  }
0x11: {  	[smem:$0x3F98] =	sst s9;
	s0 =	simm.s32 @!p0 $0x0  }
0x12: {  	s1 =	sld [smem:$0x3F7E];
	s0 =	simm.s32 @p0 $0x1  }
0x13: {  	[smem:$0x3F99] =	sst s0;
	s0 =	simm.s32 @!p1 $0x0  }
0x14: {  	s2 =	sld [smem:$0x3F7D];
	s0 =	simm.s32 @p1 $0x1  }
0x15: {  	[smem:$0x3F9A] =	sst s0;
	s0 =	simm.s32 @!p2 $0x0  }
0x16: {  	s3 =	sld [smem:$0x3FDB];
	s0 =	simm.s32 @p2 $0x1  }
0x17: {  	s4 =	simm.s32 $0x1BF5;
	[smem:$0x3F9C] =	sst s0  }
0x18: {  	s0 =	sld [smem:$0x3F7F];
	_ =	swait.ge [sflag:s4], $0x0  }
0x19: {  	s7 =	sld [smem:$0x3F80]  }
0x1a: {  	s8 =	sadd.s32 $0xFFFFE003, lr  }
0x1b: {  	s9 =	sadd.s32 $0xFFFFFEF7, lr;
	s5 =	simm.s32 $0xFFFFFFFF;
	p2 =	slt.u32 s8, $0xFFFFF086  }
0x1c: {  	p1 =	slt.u32 s9, $0xF7A;
	s5 =	simm.s32 @!p2 $0x0  }
0x1d: {  	s5 =	simm.s32 @p1 $0x1;
	p0 =	seq.s32 s7, s2  }
0x1e: {  	s7 =	smul.u32 @!p0 $0xF7A, s2;
	p2 =	seq.s32 @!p0 s5, $0x0  }
0x1f: {  	s9 =	smul.u32 $0xF7A, s1;
	s8 =	simm.s32 @!p0 $0x1BF5;
	p2 =	por !p2, p0  }
0x20: {  	[sflag:s8] =	ssyncset.s32 @!p0 $0xFFFFF086;
	s6 =	sadd.s32 @!p0 s3, s7;
	s7 =	simm.s32 @!p0 $0x108  }
0x21: {  	s3 =	sadd.s32 s3, s9;
	s6 =	sadd.s32 @!p0 $0x88, s6;
	s7 =	simm.s32 @p2 $0x1082  }
0x22: {  	[simem:s7], [sflag:s8] =	dma.local @!p0 [hbm:s6], $0xF7A  }
0x23: {  	s9 =	sor.u32 $0xD0000000, s2;
	s6 =	simm.s32 $0x108;
	_ =	swait.ge @!p0 [sflag:s8], $0x0  }
0x24: {  	s3 =	sadd.s32 $0x88, s3;
	s6 =	simm.s32 @!p1 $0x1082;
	[sflag:s4] =	ssyncset.s32 $0xFFFFF086  }
0x25: {  	[simem:s6], [sflag:s4] =	dma.local [hbm:s3], $0xF7A  }
0x26: {  	[smem:$0x3F80] =	sst s1;
	(tag) =	ssettag s2;
	_ =	strace s9  }
0x27: {  	s1 =	sld [smem:$0x3F90]  }
0x28: {  	s2 =	sld [smem:$0x3F91]  }
0x29: {  	s4 =	sld [smem:$0x3F93]  }
0x2a: {  	p0 =	seq.s32 s5, $0x0;
	s5 =	sld [smem:$0x3F94]  }
0x2b: {  	s6 =	sld [smem:$0x3F95]  }
0x2c: {  	s7 =	sld [smem:$0x3F96]  }
0x2d: {  	s3 =	simm.s32 $0x108;
	s8 =	sld [smem:$0x3F97]  }
0x2e: {  	s3 =	simm.s32 @!p0 $0x1082;
	s9 =	sld [smem:$0x3F98]  }
0x2f: {  	lr =	sadd.s32 s0, s3;
	s0 =	sld [smem:$0x3F8F]  }
0x30: {  	s3 =	sld [smem:$0x3F92]  }
0x31: {  	[smem:$0x3F9B] =	sst s10  }
0x32: {  	s10 =	sld [smem:$0x3F99];
	_ =	sdelay $0x3  }
0x33: {  	p0 =	seq.s32 s10, $0x1;
	s10 =	sld [smem:$0x3F9B];
	_ =	sdelay $0x3  }
0x34: {  	[smem:$0x3F9B] =	sst s10  }
0x35: {  	s10 =	sld [smem:$0x3F9A];
	_ =	sdelay $0x3  }
0x36: {  	p1 =	seq.s32 s10, $0x1;
	s10 =	sld [smem:$0x3F9B];
	_ =	sdelay $0x3  }
0x37: {  	[smem:$0x3F9B] =	sst s10  }
0x38: {  	s10 =	sld [smem:$0x3F9C]  }
0x39: {  	_ = 	snop;
	(pc) =	sbr.ind lr, $3  }
0x3a: {  	_ = 	snop  }
0x3b: {  	_ = 	snop  }
0x3c: {  	p2 =	seq.s32 s10, $0x1;
	s10 =	sld [smem:$0x3F9B]  }
0x3d: {  	_ =	shalt  }
0x3e: {  	_ =	shalt  }
0x3f: {  	_ =	shalt  }
0x40: {  	_ =	shalt  }
0x41: {  	_ =	shalt  }
0x42: {  	_ =	shalt  }
0x43: {  	_ =	shalt  }
0x44: {  	_ =	shalt  }
0x45: {  	_ =	shalt  }
0x46: {  	_ =	shalt  }
0x47: {  	_ =	shalt  }
0x48: {  	_ =	shalt  }
0x49: {  	_ =	shalt  }
0x4a: {  	_ =	shalt  }
0x4b: {  	_ =	shalt  }
0x4c: {  	_ =	shalt  }
0x4d: {  	_ =	shalt  }
0x4e: {  	_ =	shalt  }
0x4f: {  	_ =	shalt  }
0x50: {  	_ =	shalt  }
0x51: {  	_ =	shalt  }
0x52: {  	_ =	shalt  }
0x53: {  	_ =	shalt  }
0x54: {  	_ =	shalt  }
0x55: {  	_ =	shalt  }
0x56: {  	_ =	shalt  }
0x57: {  	_ =	shalt  }
0x58: {  	_ =	shalt  }
0x59: {  	_ =	shalt  }
0x5a: {  	_ =	shalt  }
0x5b: {  	_ =	shalt  }
0x5c: {  	_ =	shalt  }
0x5d: {  	_ =	shalt  }
0x5e: {  	_ =	shalt  }
0x5f: {  	_ =	shalt  }
0x60: {  	_ =	shalt  }
0x61: {  	_ =	shalt  }
0x62: {  	_ =	shalt  }
0x63: {  	_ =	shalt  }
0x64: {  	_ =	shalt  }
0x65: {  	_ =	shalt  }
0x66: {  	_ =	shalt  }
0x67: {  	_ =	shalt  }
0x68: {  	_ =	shalt  }
0x69: {  	_ =	shalt  }
0x6a: {  	_ =	shalt  }
0x6b: {  	_ =	shalt  }
0x6c: {  	_ =	shalt  }
0x6d: {  	_ =	shalt  }
0x6e: {  	_ =	shalt  }
0x6f: {  	_ =	shalt  }
0x70: {  	_ =	shalt  }
0x71: {  	_ =	shalt  }
0x72: {  	_ =	shalt  }
0x73: {  	_ =	shalt  }
0x74: {  	_ =	shalt  }
0x75: {  	_ =	shalt  }
0x76: {  	_ =	shalt  }
0x77: {  	_ =	shalt  }
0x78: {  	_ =	shalt  }
0x79: {  	_ =	shalt  }
0x7a: {  	_ =	shalt  }
0x7b: {  	_ =	shalt  }
0x7c: {  	_ =	shalt  }
0x7d: {  	_ =	shalt  }
0x7e: {  	_ =	shalt  }
0x7f: {  	_ =	shalt  }
0x80: {  	_ =	shalt  }
0x81: {  	_ =	shalt  }
0x82: {  	_ =	shalt  }
0x83: {  	_ =	shalt  }
0x84: {  	_ =	shalt  }
0x85: {  	_ =	shalt  }
0x86: {  	_ =	shalt  }
0x87: {  	_ =	shalt  }
.Lfunc_end0:
.L_simem_size_0:
called_computation.2_lowered:
.L_overlay_start_0:
0x88: {  	s2 =	sld [smem:$0x3FD9]  }
0x89: {  	s3 =	sld [smem:$0x3FFE];
	_ =	sdelay $0x1  }
0x8a: {  	s1 =	srdreg.scid  }
0x8b: {  	s0 =	sand.u32 $0x1, s1  }
0x8c: {  	s14 =	sshll.u32 s0, $0xA;
	s2 =	sadd.s32 s3, s2  }
0x8d: {  	s2 =	sadd.s32 s2, s14  }
0x8e: {  	[smem:$0x3FA7] =	sst s2  }
0x8f: {  	_ = 	snop  }
0x90: {  	s2 =	sld [smem:$0x3FD0];
	_ =	sdelay $0x2  }
0x91: {  	s15 =	simm.s32 $0xA;
	s4 =	simm.s32 $0x10  }
0x92: {  	[smem:s4], [sflag:s15] =	dma.local [hbm:s2], $0x1  }
0x93: {  	_ =	swait.eq [sflag:s15], $0x1  }
0x94: {  	[sflag:s15] =	ssyncset.done $0x0  }
0x95: {  	s16 =	sld [smem:$0x10];
	[sflag:s15] =	ssyncadd.s32 $0xFFFFFFFF  }
0x96: {  	s17 =	sld [smem:$0x11];
	(tm) =	ssettm $0x1  }
0x97: {  	s18 =	sld [smem:$0x3FFB];
	_ =	sdelay $0x3  }
0x98: {  	_ =	strace s18  }
0x99: {  	s4 =	sld [smem:$0x3FFC];
	_ =	sdelay $0x3  }
0x9a: {  	_ =	strace s4  }
0x9b: {  	s4 =	sld [smem:$0x3FFD];
	_ =	sdelay $0x3  }
0x9c: {  	_ =	strace s4  }
0x9d: {  	_ =	strace $0x8FFFFFFF  }
0x9e: {  	s19 =	sld [smem:$0x3FDB];
	_ =	sdelay $0x1  }
0x9f: {  	s5 =	simm.s32 $_scs_section_size  }
0xa0: {  	s6 =	simm.s32 $_size__tile_overlayer_lowered;
	s7 =	simm.s32 $_tile_overlayer_lowered  }
0xa1: {  	s22 =	simm.s32 $0x1BFF;
	s21 =	sshll.u32 s7, $0x1;
	s4 =	sadd.s32 s5, s19  }
0xa2: {  	s8 =	simm.s32 $0x0;
	s20 =	sshll.u32 s6, $0x1;
	s6 =	sadd.s32 s21, s4  }
0xa3: {  	[timem:s8], [sflag:s22] =	dma.local [hbm:s6], s20  }
0xa4: {  	_ =	swait.ge [sflag:s22], s20  }
0xa5: {  	s5 =	ssub.s32 $0x0, s20;
	[sflag:s22] =	ssyncset.done $0x0  }
0xa6: {  	[sflag:s22] =	ssyncadd.s32 s5;
	_ =	sdelay $0x1  }
0xa7: {  	s23 =	simm.s32 $0x1B8B  }
0xa8: {  	_ =	swait.ge [sflag:s23], $0x1  }
0xa9: {  	[sflag:s23] =	ssyncset.done $0x0  }
0xaa: {  	s25 =	simm.s32 $0x1B8E;
	s24 =	sld [smem:$0x3FFE];
	[sflag:s23] =	ssyncadd.s32 $0xFFFFFFFF  }
0xab: {  	s26 =	simm.s32 $execute0_lowered;
	[smem:$0x3FD2] =	sst s25  }
0xac: {  	s6 =	sshll.u32 s26, $0x1;
	_ =	strace $0x8000004C;
	[dreg:$0x1] =	wrdreg $0xFFFFFFFF  }
0xad: {  	s28 =	simm.s32 $_size_execute0_lowered;
	s4 =	sadd.s32 s4, s6;
	[dreg:$0x0] =	wrdreg $0x0  }
0xae: {  	s6 =	sshll.u32 s28, $0x1;
	[dreg:$0x2] =	wrdreg s4  }
0xaf: {  	[dreg:$0x3] =	wrdreg s6  }
0xb0: {  	[dreg:$0x4] =	wrdreg $0xC0  }
0xb1: {  	_ =	task [dreg:s8], $0x5FFFF  }
0xb2: {  	[dreg:$0x1] =	wrdreg $0xFFFFFFFF  }
0xb3: {  	[dreg:$0x0] =	wrdreg $0x60  }
0xb4: {  	[dreg:$0x2] =	wrdreg s17  }
0xb5: {  	[dreg:$0x3] =	wrdreg s24  }
0xb6: {  	[dreg:$0x4] =	wrdreg s16  }
0xb7: {  	[dreg:$0x5] =	wrdreg $0x38900  }
0xb8: {  	[dreg:$0x6] =	wrdreg $0x1BF900  }
0xb9: {  	[dreg:$0x7] =	wrdreg $0x9  }
0xba: {  	_ =	task.clear_ibuf [dreg:s8], $0x8FFFF;
	_ =	strace $0x9000004C  }
0xbb: {  	s29 =	simm.s32 $0x9;
	_ =	strace $0x8000004E  }
0xbc: {  	_ =	swait.ge [sflag:s29], $0x1  }
0xbd: {  	[sflag:s29] =	ssyncadd.s32 $0xFFFFFFFF  }
0xbe: {  	_ =	strace $0x9000004E  }
0xbf: {  	_ =	sfence  }
0xc0: {  	s30 =	sld [smem:$0x0];
	_ =	sdelay $0x2  }
0xc1: {  	s31 =	sshll.u32 s1, $0xD;
	s1 =	sshrl.u32 s1, $0x2  }
0xc2: {  	s3 =	sand.u32 $0x4000, s31;
	s1 =	sadd.s32 s1, s30  }
0xc3: {  	s0 =	sor.u32 s3, s0;
	s1 =	sshll.u32 s1, $0x11  }
0xc4: {  	s0 =	sor.u32 s1, s0  }
0xc5: {  	s0 =	sadd.s32 $0x8F2B, s0  }
0xc6: {  	[sflag:s0] =	ssyncadd.remote.s32 $0x1  }
0xc7: {  	_ =	sfence.sel $0xFFFF  }
0xc8: {  	[dreg:$0x0] =	wrdreg $0xFFFFFFFF;
	(pc) =	sbr.abs _section_cstart, $3  }
0xc9: {  	[dreg:$0x1] =	wrdreg $0xFFFFFFFF  }
0xca: {  	_ =	task.clear_ibuf [dreg:s8], $0x2FFFF;
	_ =	strace $0x9FFFFFFF  }
0xcb: {  	(tm) =	ssettm $0x7FFFFFFF  }
tec
execute0_lowered:
.L_overlay_start_1:
0x0: {  	(tag) =	ssettag $0x1  }
0x1: {  	s1 =	rddreg [dreg:$0x0]  }
0x2: {  	s0 =	rddreg [dreg:$0x1]  }
0x3: {  	s3 =	rddreg [dreg:$0x3]  }
0x4: {  	s4 =	rddreg [dreg:$0x4];
	s2 =	simm.s32 $0x0  }
0x5: {  	s23 =	stileid.u32;
	s5 =	srdreg.scid;
	s17 =	simm.s32 $0x1  }
0x6: {  	s21 =	simm.s32 $0x800;
	s28 =	simm.s32 $0x2880;
	s29 =	simm.s32 $0x2  }
0x7: {  	s30 =	simm.s32 $0x2800;
	s31 =	simm.s32 $0x0;
	[smem:$0x7FF] =	sst s2  }
0x8: {  	s6 =	sadd.s32 $0xF5000, s0;
	s7 =	sadd.s32 $0x172600, s0;
	s8 =	sadd.s32 $0x56C00, s0  }
0x9: {  	s10 =	smul.u32 $0x18700, s23;
	s5 =	sand.u32 $0x1, s5;
	s9 =	sadd.s32 $0x3CC00, s0  }
0xa: {  	s11 =	sadd.s32 $0xF1E00, s0;
	s12 =	sadd.s32 $0xF0400, s0;
	s15 =	sadd.s32 $0x158600, s0  }
0xb: {  	s16 =	sadd.s32 $0xA1A00, s0;
	_ =	strace $0x8000004D;
	[dreg:$0x6] =	wrdreg s11  }
0xc: {  	p0 =	sne.s32 s23, $0x0;
	s26 =	sshll.u32 s23, $0x6;
	[dreg:$0x7] =	wrdreg s12  }
0xd: {  	s25 =	ssub.s32 $0x2, s5;
	[dreg:$0x8] =	wrdreg s15;
	p2 =	seq.s32 s5, $0x0  }
0xe: {  	s15 =	simm.s32 $0xF6A00;
	s18 =	sor.u32 $0x1C01, s26;
	s20 =	sshrl.u32 @!p0 s4, $0x3  }
0xf: {  	p1 =	sne.s32 s5, $0x0;
	s26 =	simm.s32 $0x80;
	s12 =	sshrl.u32 s10, $0x3  }
0x10: {  	s13 =	sshrl.u32 s25, $0x1;
	s10 =	sadd.s32 s10, s3;
	s15 =	simm.s32 @!p2 $0x127800  }
0x11: {  	s14 =	sadd.s32 s12, s0;
	s11 =	ssub.s32 s25, s13;
	s13 =	smul.u32 $0xD000, s23  }
0x12: {  	s25 =	sor.u32 s23, s5;
	s15 =	sadd.s32 s15, s0;
	s19 =	sshrl.u32 s10, $0x3  }
0x13: {  	s22 =	sadd.s32 @!p2 s12, s16;
	s24 =	sadd.s32 $0x70C00, s14;
	s11 =	smax.u32 s11, $0x1  }
0x14: {  	v0 =	vimm.s32 $0x0;
	vm0 =	vcmask $0x300;
	s23 =	simm.s32 $0x1000;
	[dreg:$0x9] =	wrdreg s11;
	s22 =	smov.u32 @p2 s24  }
0x15: {  	v0 =	vsel vm0, $0x3, v0;
	s24 =	simm.s32 $0x1800;
	p2 =	sne.s32 s25, $0x0;
	s25 =	simm.s32 $0x2000  }
.LBB2_1:
0x16: {  	s0 =	rddreg [dreg:$0x2];
	s2 =	simm.s32 $0x0;
	s5 =	simm.s32 $0x3880  }
0x17: {  	[tilespmem:s5], [sflag:$0x1] =	stream.linear.gather [hbm4b:s0+s2], $0x10, $0x38;
	[tilespmem:$0x1CBC8] =	vst v63  }
0x18: {  	_ =	swait.ge [sflag:s17], $0x10  }
0x19: {  	[sflag:s17] =	ssyncset.done $0x0  }
0x1a: {  	s16 =	rddreg [dreg:$0x6];
	[sflag:s17] =	ssyncadd.s32 $0xFFFFFFF0  }
0x1b: {  	[spmem:s19], [sflag:s18] =	dma.local [hbm:s16], $0x30E0  }
0x1c: {  	_ =	swait.ge [sflag:s17], $0x30E0  }
0x1d: {  	[sflag:s17] =	ssyncset.done $0x0  }
0x1e: {  	s0 =	rddreg [dreg:$0x7];
	[sflag:s17] =	ssyncadd.s32 $0xFFFFCF20  }
0x1f: {  	[spmem:s20], [sflag:s18] =	dma.local @!p0 [hbm:s0], $0x1870  }
0x20: {  	s0 =	simm.s32 @!p0 $0x1  }
0x21: {  	_ =	swait.ge @!p0 [sflag:s0], $0x1870  }
0x22: {  	[sflag:s0] =	ssyncset.done @!p0 $0x0  }
0x23: {  	[sflag:s0] =	ssyncadd.s32 @!p0 $0xFFFFE790  }
0x24: {  	[bflag:$0x0] =	sbarrier.arrive $0xFFFF  }
0x25: {  	s0 =	simm.s32 $0x0;
	v1 =	vld [tilespmem:$0x3880]  }
.LBB2_2:
0x26: {  	s2 =	sshll.u32 s0, $0xB  }
0x27: {  	s2 =	sadd.s32 s13, s2  }
0x28: {  	s5 =	sshrl.u32 s2, $0x3  }
0x29: {  	s2 =	simm.s32 $0x0;
	s10 =	sadd.s32 s8, s5  }
0x2a: {  	[tilespmem:s2], [sflag:$0x1] =	stream.linear.gather [hbm4b:s10+s2], $0x800, $0x38;
	[tilespmem:$0x1CBC8] =	vst v63  }
0x2b: {  	_ =	swait.ge [sflag:s17], $0x800  }
0x2c: {  	[sflag:s17] =	ssyncset.done $0x0  }
0x2d: {  	s16 =	sadd.s32 s9, s5;
	[sflag:s17] =	ssyncadd.s32 $0xFFFFF800  }
0x2e: {  	[tilespmem:s21], [sflag:$0x1] =	stream.linear.gather [hbm4b:s16+s2], $0x800, $0x38;
	[tilespmem:$0x1CBC8] =	vst v63  }
0x2f: {  	_ =	swait.ge [sflag:s17], $0x800  }
0x30: {  	[sflag:s17] =	ssyncset.done $0x0  }
0x31: {  	s5 =	sadd.s32 s7, s5;
	[sflag:s17] =	ssyncadd.s32 $0xFFFFF800  }
0x32: {  	[tilespmem:s23], [sflag:$0x1] =	stream.linear.gather [hbm4b:s5+s2], $0x800, $0x38;
	[tilespmem:$0x1CBC8] =	vst v63  }
0x33: {  	_ =	swait.ge [sflag:s17], $0x800  }
0x34: {  	[sflag:s17] =	ssyncset.done $0x0  }
0x35: {  	[sflag:s17] =	ssyncadd.s32 $0xFFFFF800  }
0x36: {  	[tilespmem:s24], [sflag:$0x1] =	stream.indirect.gather [hbm4b:s1+s21], $0x1, s2, s21, $0xb8;
	[tilespmem:$0x1CBC8] =	vst v63  }
0x37: {  	_ =	swait.ge [sflag:s17], $0x800  }
0x38: {  	[sflag:s17] =	ssyncset.done $0x0  }
0x39: {  	[sflag:s17] =	ssyncadd.s32 $0xFFFFF800  }
0x3a: {  	[tilespmem:s25], [sflag:$0x1] =	stream.indirect.gather [hbm4b:s6+s21], $0x1, s21, s21, $0xb8;
	[tilespmem:$0x1CBC8] =	vst v63  }
0x3b: {  	_ =	swait.ge [sflag:s17], $0x800  }
0x3c: {  	[sflag:s17] =	ssyncset.done $0x0  }
0x3d: {  	[sflag:s17] =	ssyncadd.s32 $0xFFFFF800  }
.LBB2_3:
0x3e: {  	s5 =	sshll.u32 s2, $0x7  }
0x3f: {  	[tilespmem:s28], [sflag:$0x2] =	stream.indirect.gather [hbm4b:s15+s26], $0x20, s5, s26, $0xb8;
	[tilespmem:$0x1CBC8] =	vst v63  }
0x40: {  	_ =	swait.ge [sflag:s29], $0x1000  }
0x41: {  	[sflag:s29] =	ssyncset.done $0x0  }
0x42: {  	[sflag:s29] =	ssyncadd.s32 $0xFFFFF000  }
0x43: {  	v2 =	vld [tilespmem:s5+$0x1800]  }
0x44: {  	v3 =	vld [tilespmem:s5+$0x2000];
	_ =	sdelay $0x1  }
0x45: {  	v4 =	vld [tilespmem:s5+$0x1000];
	_ =	sdelay $0x2  }
0x46: {  	v2 =	vadd.f32 v3, v2;
	_ =	sdelay $0x1  }
0x47: {  	v2 =	vadd.f32 v4, v2;
	_ =	sdelay $0x1  }
0x48: {  	v3 =	vmul.f32 $2.000000030e-01, v2;
	_ =	sdelay $0x1  }
0x49: {  	v2 =	vmax.f32 v2, v3  }
0x4a: {  	v2 =	vsub.f32 v2, v1;
	_ =	sdelay $0x1  }
0x4b: {  	v2 =	vmul.f32 $1.442695020e+00, v2;
	_ =	sdelay $0x1  }
0x4c: {  	(erf) = vpow2.f32 v2;
	_ =	sdelay $0x8  }
0x4d: {  	v2 =	vpop (erf)  }
0x4e: {  	[tilespmem:$0x2800] =	vst v2  }
0x4f: {  	v2 =	vld [tilespmem:s5+$0x1810]  }
0x50: {  	v3 =	vld [tilespmem:s5+$0x2010];
	_ =	sdelay $0x1  }
0x51: {  	v4 =	vld [tilespmem:s5+$0x1010];
	_ =	sdelay $0x2  }
0x52: {  	v2 =	vadd.f32 v3, v2;
	_ =	sdelay $0x1  }
0x53: {  	v2 =	vadd.f32 v4, v2;
	_ =	sdelay $0x1  }
0x54: {  	v3 =	vmul.f32 $2.000000030e-01, v2;
	_ =	sdelay $0x1  }
0x55: {  	v2 =	vmax.f32 v2, v3  }
0x56: {  	v2 =	vsub.f32 v2, v1;
	_ =	sdelay $0x1  }
0x57: {  	v2 =	vmul.f32 $1.442695020e+00, v2;
	_ =	sdelay $0x1  }
0x58: {  	(erf) = vpow2.f32 v2;
	_ =	sdelay $0x8  }
0x59: {  	v2 =	vpop (erf)  }
0x5a: {  	[tilespmem:$0x2810] =	vst v2  }
0x5b: {  	v2 =	vld [tilespmem:s5+$0x1820]  }
0x5c: {  	v3 =	vld [tilespmem:s5+$0x2020];
	_ =	sdelay $0x1  }
0x5d: {  	v4 =	vld [tilespmem:s5+$0x1020];
	_ =	sdelay $0x2  }
0x5e: {  	v2 =	vadd.f32 v3, v2;
	_ =	sdelay $0x1  }
0x5f: {  	v2 =	vadd.f32 v4, v2;
	_ =	sdelay $0x1  }
0x60: {  	v3 =	vmul.f32 $2.000000030e-01, v2;
	_ =	sdelay $0x1  }
0x61: {  	v2 =	vmax.f32 v2, v3  }
0x62: {  	v2 =	vsub.f32 v2, v1;
	_ =	sdelay $0x1  }
0x63: {  	v2 =	vmul.f32 $1.442695020e+00, v2;
	_ =	sdelay $0x1  }
0x64: {  	(erf) = vpow2.f32 v2;
	_ =	sdelay $0x8  }
0x65: {  	v2 =	vpop (erf)  }
0x66: {  	[tilespmem:$0x2820] =	vst v2  }
0x67: {  	v2 =	vld [tilespmem:s5+$0x1830]  }
0x68: {  	v3 =	vld [tilespmem:s5+$0x2030];
	_ =	sdelay $0x1  }
0x69: {  	v4 =	vld [tilespmem:s5+$0x1030];
	_ =	sdelay $0x2  }
0x6a: {  	v2 =	vadd.f32 v3, v2;
	_ =	sdelay $0x1  }
0x6b: {  	v2 =	vadd.f32 v4, v2;
	_ =	sdelay $0x1  }
0x6c: {  	v3 =	vmul.f32 $2.000000030e-01, v2;
	_ =	sdelay $0x1  }
0x6d: {  	v2 =	vmax.f32 v2, v3  }
0x6e: {  	v2 =	vsub.f32 v2, v1;
	_ =	sdelay $0x1  }
0x6f: {  	v2 =	vmul.f32 $1.442695020e+00, v2;
	_ =	sdelay $0x1  }
0x70: {  	(erf) = vpow2.f32 v2;
	_ =	sdelay $0x8  }
0x71: {  	v2 =	vpop (erf)  }
0x72: {  	[tilespmem:$0x2830] =	vst v2  }
0x73: {  	v2 =	vld [tilespmem:s5+$0x1840]  }
0x74: {  	v3 =	vld [tilespmem:s5+$0x2040];
	_ =	sdelay $0x1  }
0x75: {  	v4 =	vld [tilespmem:s5+$0x1040];
	_ =	sdelay $0x2  }
0x76: {  	v2 =	vadd.f32 v3, v2;
	_ =	sdelay $0x1  }
0x77: {  	v2 =	vadd.f32 v4, v2;
	_ =	sdelay $0x1  }
0x78: {  	v3 =	vmul.f32 $2.000000030e-01, v2;
	_ =	sdelay $0x1  }
0x79: {  	v2 =	vmax.f32 v2, v3  }
0x7a: {  	v2 =	vsub.f32 v2, v1;
	_ =	sdelay $0x1  }
0x7b: {  	v2 =	vmul.f32 $1.442695020e+00, v2;
	_ =	sdelay $0x1  }
0x7c: {  	(erf) = vpow2.f32 v2;
	_ =	sdelay $0x8  }
0x7d: {  	v2 =	vpop (erf)  }
0x7e: {  	[tilespmem:$0x2840] =	vst v2  }
0x7f: {  	v2 =	vld [tilespmem:s5+$0x1850]  }
0x80: {  	v3 =	vld [tilespmem:s5+$0x2050];
	_ =	sdelay $0x1  }
0x81: {  	v4 =	vld [tilespmem:s5+$0x1050];
	_ =	sdelay $0x2  }
0x82: {  	v2 =	vadd.f32 v3, v2;
	_ =	sdelay $0x1  }
0x83: {  	v2 =	vadd.f32 v4, v2;
	_ =	sdelay $0x1  }
0x84: {  	v3 =	vmul.f32 $2.000000030e-01, v2;
	_ =	sdelay $0x1  }
0x85: {  	v2 =	vmax.f32 v2, v3  }
0x86: {  	v2 =	vsub.f32 v2, v1;
	_ =	sdelay $0x1  }
0x87: {  	v2 =	vmul.f32 $1.442695020e+00, v2;
	_ =	sdelay $0x1  }
0x88: {  	(erf) = vpow2.f32 v2;
	_ =	sdelay $0x8  }
0x89: {  	v2 =	vpop (erf)  }
0x8a: {  	[tilespmem:$0x2850] =	vst v2  }
0x8b: {  	v2 =	vld [tilespmem:s5+$0x1860]  }
0x8c: {  	v3 =	vld [tilespmem:s5+$0x2060];
	_ =	sdelay $0x1  }
0x8d: {  	v4 =	vld [tilespmem:s5+$0x1060];
	_ =	sdelay $0x2  }
0x8e: {  	v2 =	vadd.f32 v3, v2;
	_ =	sdelay $0x1  }
0x8f: {  	v2 =	vadd.f32 v4, v2;
	_ =	sdelay $0x1  }
0x90: {  	v3 =	vmul.f32 $2.000000030e-01, v2;
	_ =	sdelay $0x1  }
0x91: {  	v2 =	vmax.f32 v2, v3  }
0x92: {  	v2 =	vsub.f32 v2, v1;
	_ =	sdelay $0x1  }
0x93: {  	v2 =	vmul.f32 $1.442695020e+00, v2;
	_ =	sdelay $0x1  }
0x94: {  	(erf) = vpow2.f32 v2;
	_ =	sdelay $0x8  }
0x95: {  	v2 =	vpop (erf)  }
0x96: {  	[tilespmem:$0x2860] =	vst v2  }
0x97: {  	v2 =	vld [tilespmem:s5+$0x1870]  }
0x98: {  	v3 =	vld [tilespmem:s5+$0x2070];
	_ =	sdelay $0x1  }
0x99: {  	v4 =	vld [tilespmem:s5+$0x1070];
	_ =	sdelay $0x2  }
0x9a: {  	v2 =	vadd.f32 v3, v2;
	_ =	sdelay $0x1  }
0x9b: {  	v2 =	vadd.f32 v4, v2;
	_ =	sdelay $0x1  }
0x9c: {  	v3 =	vmul.f32 $2.000000030e-01, v2;
	_ =	sdelay $0x1  }
0x9d: {  	v2 =	vmax.f32 v2, v3  }
0x9e: {  	v2 =	vsub.f32 v2, v1;
	_ =	sdelay $0x1  }
0x9f: {  	v2 =	vmul.f32 $1.442695020e+00, v2;
	_ =	sdelay $0x1  }
0xa0: {  	(erf) = vpow2.f32 v2  }
0xa1: {  	s10 =	simm.s32 $0x0  }
0xa2: {  	v2 =	vmov s10  }
0xa3: {  	v2 =	vshrl.u32 v2, $0x3  }
0xa4: {  	v2 =	vshll.u32 v2, v0  }
0xa5: {  	v2 =	vbroadcast v2, $0x0;
	_ =	sdelay $0x3  }
0xa6: {  	v3 =	vpop (erf)  }
0xa7: {  	s11 =	simm.s32 $0x1;
	[tilespmem:$0x2870] =	vst v3  }
0xa8: {  	s16 =	simm.s32 $0x2980;
	v3 =	vmov s11;
	v2 =	vld.idx.msk [tilespmem:v2+s30+$0x0], $0xffff  }
0xa9: {  	v3 =	vshrl.u32 v3, $0x3;
	v4 =	vld [tilespmem:s16+$0xFFFFFF00]  }
0xaa: {  	v5 =	vld [tilespmem:s16+$0xFFFFFF10];
	v3 =	vshll.u32 v3, v0  }
0xab: {  	v3 =	vadd.s32 $0x1, v3  }
0xac: {  	v3 =	vbroadcast v3, $0x0;
	_ =	sdelay $0x1  }
0xad: {  	v4 =	vmul.f32 v4, v2  }
0xae: {  	v2 =	vmul.f32 v5, v2  }
0xaf: {  	s12 =	simm.s32 $0x2;
	[tilespmem:s16+$0xFFFFFF00] =	vst v4  }
0xb0: {  	[tilespmem:s16+$0xFFFFFF10] =	vst v2;
	v2 =	vmov s12;
	v4 =	vld [tilespmem:s16+$0xFFFFFF20]  }
0xb1: {  	v2 =	vshrl.u32 v2, $0x3;
	v3 =	vld.idx.msk [tilespmem:v3+s30+$0x0], $0xffff  }
0xb2: {  	v5 =	vld [tilespmem:s16+$0xFFFFFF30];
	v2 =	vshll.u32 v2, v0  }
0xb3: {  	v2 =	vadd.s32 $0x2, v2  }
0xb4: {  	v2 =	vbroadcast v2, $0x0;
	_ =	sdelay $0x1  }
0xb5: {  	v4 =	vmul.f32 v4, v3  }
0xb6: {  	v3 =	vmul.f32 v5, v3  }
0xb7: {  	s14 =	simm.s32 $0x3;
	[tilespmem:s16+$0xFFFFFF20] =	vst v4  }
0xb8: {  	[tilespmem:s16+$0xFFFFFF30] =	vst v3;
	v3 =	vmov s14;
	v4 =	vld [tilespmem:s16+$0xFFFFFF40]  }
0xb9: {  	v2 =	vld.idx.msk [tilespmem:v2+s30+$0x0], $0xffff;
	v3 =	vshrl.u32 v3, $0x3  }
0xba: {  	v5 =	vld [tilespmem:s16+$0xFFFFFF50];
	v3 =	vshll.u32 v3, v0  }
0xbb: {  	v3 =	vadd.s32 $0x3, v3  }
0xbc: {  	v3 =	vbroadcast v3, $0x0;
	_ =	sdelay $0x1  }
0xbd: {  	v4 =	vmul.f32 v4, v2  }
0xbe: {  	v2 =	vmul.f32 v5, v2  }
0xbf: {  	s11 =	simm.s32 $0x4;
	[tilespmem:s16+$0xFFFFFF40] =	vst v4  }
0xc0: {  	[tilespmem:s16+$0xFFFFFF50] =	vst v2;
	v2 =	vmov s11;
	v4 =	vld [tilespmem:s16+$0xFFFFFF60]  }
0xc1: {  	v2 =	vshrl.u32 v2, $0x3;
	v3 =	vld.idx.msk [tilespmem:v3+s30+$0x0], $0xffff  }
0xc2: {  	v5 =	vld [tilespmem:s16+$0xFFFFFF70];
	v2 =	vshll.u32 v2, v0  }
0xc3: {  	v2 =	vadd.s32 $0x4, v2  }
0xc4: {  	v2 =	vbroadcast v2, $0x0;
	_ =	sdelay $0x1  }
0xc5: {  	v4 =	vmul.f32 v4, v3  }
0xc6: {  	v3 =	vmul.f32 v5, v3  }
0xc7: {  	s12 =	simm.s32 $0x5;
	[tilespmem:s16+$0xFFFFFF60] =	vst v4  }
0xc8: {  	[tilespmem:s16+$0xFFFFFF70] =	vst v3;
	v3 =	vmov s12;
	v4 =	vld [tilespmem:s16+$0xFFFFFF80]  }
0xc9: {  	v2 =	vld.idx.msk [tilespmem:v2+s30+$0x0], $0xffff;
	v3 =	vshrl.u32 v3, $0x3  }
0xca: {  	v5 =	vld [tilespmem:s16+$0xFFFFFF90];
	v3 =	vshll.u32 v3, v0  }
0xcb: {  	v3 =	vadd.s32 $0x5, v3  }
0xcc: {  	v3 =	vbroadcast v3, $0x0;
	_ =	sdelay $0x1  }
0xcd: {  	v4 =	vmul.f32 v4, v2  }
0xce: {  	v2 =	vmul.f32 v5, v2  }
0xcf: {  	s14 =	simm.s32 $0x6;
	[tilespmem:s16+$0xFFFFFF80] =	vst v4  }
0xd0: {  	[tilespmem:s16+$0xFFFFFF90] =	vst v2;
	v2 =	vmov s14;
	v4 =	vld [tilespmem:s16+$0xFFFFFFA0]  }
0xd1: {  	v2 =	vshrl.u32 v2, $0x3;
	v3 =	vld.idx.msk [tilespmem:v3+s30+$0x0], $0xffff  }
0xd2: {  	v5 =	vld [tilespmem:s16+$0xFFFFFFB0];
	v2 =	vshll.u32 v2, v0  }
0xd3: {  	v2 =	vadd.s32 $0x6, v2  }
0xd4: {  	v2 =	vbroadcast v2, $0x0;
	_ =	sdelay $0x1  }
0xd5: {  	v4 =	vmul.f32 v4, v3  }
0xd6: {  	v3 =	vmul.f32 v5, v3  }
0xd7: {  	s11 =	simm.s32 $0x7;
	[tilespmem:s16+$0xFFFFFFA0] =	vst v4  }
0xd8: {  	[tilespmem:s16+$0xFFFFFFB0] =	vst v3;
	v3 =	vmov s11;
	v4 =	vld [tilespmem:s16+$0xFFFFFFC0]  }
0xd9: {  	v2 =	vld.idx.msk [tilespmem:v2+s30+$0x0], $0xffff;
	v3 =	vshrl.u32 v3, $0x3  }
0xda: {  	v5 =	vld [tilespmem:s16+$0xFFFFFFD0];
	v3 =	vshll.u32 v3, v0  }
0xdb: {  	v3 =	vadd.s32 $0x7, v3  }
0xdc: {  	v3 =	vbroadcast v3, $0x0;
	_ =	sdelay $0x1  }
0xdd: {  	v4 =	vmul.f32 v4, v2  }
0xde: {  	v2 =	vmul.f32 v5, v2  }
0xdf: {  	[tilespmem:s16+$0xFFFFFFC0] =	vst v4  }
0xe0: {  	s12 =	simm.s32 $0x8;
	[tilespmem:s16+$0xFFFFFFD0] =	vst v2;
	v4 =	vld [tilespmem:s16+$0xFFFFFFE0]  }
0xe1: {  	v2 =	vld.idx.msk [tilespmem:v3+s30+$0x0], $0xffff;
	v3 =	vmov s12  }
0xe2: {  	v6 =	vld [tilespmem:s16+$0xFFFFFFF0];
	v3 =	vshrl.u32 v3, $0x3  }
0xe3: {  	v3 =	vshll.u32 v3, v0  }
0xe4: {  	v3 =	vbroadcast v3, $0x0;
	_ =	sdelay $0x1  }
0xe5: {  	v4 =	vmul.f32 v4, v2  }
0xe6: {  	v2 =	vmul.f32 v6, v2  }
0xe7: {  	s14 =	simm.s32 $0x9;
	[tilespmem:s16+$0xFFFFFFE0] =	vst v4  }
0xe8: {  	[tilespmem:s16+$0xFFFFFFF0] =	vst v2;
	v2 =	vmov s14;
	v4 =	vld [tilespmem:s16+$0x0]  }
0xe9: {  	v2 =	vshrl.u32 v2, $0x3;
	v3 =	vld.idx.msk [tilespmem:v3+s30+$0x0], $0xffff  }
0xea: {  	v5 =	vld [tilespmem:s16+$0x10];
	v2 =	vshll.u32 v2, v0  }
0xeb: {  	v2 =	vadd.s32 $0x1, v2  }
0xec: {  	v2 =	vbroadcast v2, $0x0;
	_ =	sdelay $0x1  }
0xed: {  	v4 =	vmul.f32 v4, v3  }
0xee: {  	v3 =	vmul.f32 v5, v3  }
0xef: {  	s11 =	simm.s32 $0xA;
	[tilespmem:s16+$0x0] =	vst v4  }
0xf0: {  	[tilespmem:s16+$0x10] =	vst v3;
	v3 =	vmov s11;
	v4 =	vld [tilespmem:s16+$0x20]  }
0xf1: {  	v2 =	vld.idx.msk [tilespmem:v2+s30+$0x0], $0xffff;
	v3 =	vshrl.u32 v3, $0x3  }
0xf2: {  	v5 =	vld [tilespmem:s16+$0x30];
	v3 =	vshll.u32 v3, v0  }
0xf3: {  	v3 =	vadd.s32 $0x2, v3  }
0xf4: {  	v3 =	vbroadcast v3, $0x0;
	_ =	sdelay $0x1  }
0xf5: {  	v4 =	vmul.f32 v4, v2  }
0xf6: {  	v2 =	vmul.f32 v5, v2  }
0xf7: {  	s12 =	simm.s32 $0xB;
	[tilespmem:s16+$0x20] =	vst v4  }
0xf8: {  	[tilespmem:s16+$0x30] =	vst v2;
	v2 =	vmov s12;
	v4 =	vld [tilespmem:s16+$0x40]  }
0xf9: {  	v2 =	vshrl.u32 v2, $0x3;
	v3 =	vld.idx.msk [tilespmem:v3+s30+$0x0], $0xffff  }
0xfa: {  	v5 =	vld [tilespmem:s16+$0x50];
	v2 =	vshll.u32 v2, v0  }
0xfb: {  	v2 =	vadd.s32 $0x3, v2  }
0xfc: {  	v2 =	vbroadcast v2, $0x0;
	_ =	sdelay $0x1  }
0xfd: {  	v4 =	vmul.f32 v4, v3  }
0xfe: {  	v3 =	vmul.f32 v5, v3  }
0xff: {  	s14 =	simm.s32 $0xC;
	[tilespmem:s16+$0x40] =	vst v4  }
0x100: {  	[tilespmem:s16+$0x50] =	vst v3;
	v3 =	vmov s14;
	v4 =	vld [tilespmem:s16+$0x60]  }
0x101: {  	v2 =	vld.idx.msk [tilespmem:v2+s30+$0x0], $0xffff;
	v3 =	vshrl.u32 v3, $0x3  }
0x102: {  	v5 =	vld [tilespmem:s16+$0x70];
	v3 =	vshll.u32 v3, v0  }
0x103: {  	v3 =	vadd.s32 $0x4, v3  }
0x104: {  	v3 =	vbroadcast v3, $0x0;
	_ =	sdelay $0x1  }
0x105: {  	v4 =	vmul.f32 v4, v2  }
0x106: {  	v2 =	vmul.f32 v5, v2  }
0x107: {  	s11 =	simm.s32 $0xD;
	[tilespmem:s16+$0x60] =	vst v4  }
0x108: {  	[tilespmem:s16+$0x70] =	vst v2;
	v2 =	vmov s11;
	v4 =	vld [tilespmem:s16+$0x80]  }
0x109: {  	v2 =	vshrl.u32 v2, $0x3;
	v3 =	vld.idx.msk [tilespmem:v3+s30+$0x0], $0xffff  }
0x10a: {  	v5 =	vld [tilespmem:s16+$0x90];
	v2 =	vshll.u32 v2, v0  }
0x10b: {  	v2 =	vadd.s32 $0x5, v2  }
0x10c: {  	v2 =	vbroadcast v2, $0x0;
	_ =	sdelay $0x1  }
0x10d: {  	v4 =	vmul.f32 v4, v3  }
0x10e: {  	v3 =	vmul.f32 v5, v3  }
0x10f: {  	[tilespmem:s16+$0x80] =	vst v4  }
0x110: {  	s12 =	simm.s32 $0xE;
	[tilespmem:s16+$0x90] =	vst v3;
	v4 =	vld [tilespmem:s16+$0xA0]  }
0x111: {  	v3 =	vmov s12;
	v2 =	vld.idx.msk [tilespmem:v2+s30+$0x0], $0xffff  }
0x112: {  	v5 =	vld [tilespmem:s16+$0xB0];
	v3 =	vshrl.u32 v3, $0x3  }
0x113: {  	v3 =	vshll.u32 v3, v0  }
0x114: {  	v3 =	vadd.s32 $0x6, v3  }
0x115: {  	v6 =	vbroadcast v3, $0x0  }
0x116: {  	s14 =	simm.s32 $0xF;
	v3 =	vmul.f32 v4, v2  }
0x117: {  	v2 =	vmul.f32 v5, v2;
	v4 =	vmov s14  }
0x118: {  	[tilespmem:s16+$0xA0] =	vst v3;
	v3 =	vshrl.u32 v4, $0x3  }
0x119: {  	v5 =	vld [tilespmem:s16+$0xD0];
	[tilespmem:s16+$0xB0] =	vst v2;
	v2 =	vshll.u32 v3, v0  }
0x11a: {  	v3 =	vld [tilespmem:s16+$0xC0];
	v2 =	vadd.s32 $0x7, v2  }
0x11b: {  	s10 =	simm.s32 $0x2980;
	s11 =	simm.s32 $0x1F;
	v4 =	vld.idx.msk [tilespmem:v6+s30+$0x0], $0xffff;
	v2 =	vbroadcast v2, $0x0  }
.LBB2_4:
0x11c: {  	p3 =	sne.s32 s11, $0x7F  }
0x11d: {  	s16 =	sadd.s32 $0x200, s16;
	s12 =	smov.u32 s11;
	s11 =	sadd.s32 $0x10, s11  }
0x11e: {  	_ =	sdelay $0x1  }
0x11f: {  	v3 =	vmul.f32 v3, v4;
	v4 =	vmul.f32 v5, v4;
	_ =	sdelay $0x1  }
0x120: {  	[tilespmem:s10+$0xC0] =	vst v3  }
0x121: {  	[tilespmem:s10+$0xD0] =	vst v4;
	v3 =	vld [tilespmem:s10+$0xE0]  }
0x122: {  	s14 =	sadd.s32 $0xFFFFFFF1, s12;
	v2 =	vld.idx.msk [tilespmem:v2+s30+$0x0], $0xffff  }
0x123: {  	v4 =	vmov s14;
	v5 =	vld [tilespmem:s10+$0xF0]  }
0x124: {  	v4 =	vshrl.u32 v4, $0x3  }
0x125: {  	v4 =	vshll.u32 v4, v0  }
0x126: {  	v4 =	vbroadcast v4, $0x0;
	_ =	sdelay $0x1  }
0x127: {  	v3 =	vmul.f32 v3, v2;
	v2 =	vmul.f32 v5, v2;
	_ =	sdelay $0x1  }
0x128: {  	s14 =	sadd.s32 $0xFFFFFFF2, s12;
	[tilespmem:s10+$0xE0] =	vst v3  }
0x129: {  	v5 =	vmov s14;
	v3 =	vld [tilespmem:s16+$0xFFFFFF10];
	[tilespmem:s10+$0xF0] =	vst v2;
	s10 =	smov.u32 s16  }
0x12a: {  	v2 =	vld.idx.msk [tilespmem:v4+s30+$0x0], $0xffff;
	v4 =	vshrl.u32 v5, $0x3  }
0x12b: {  	v5 =	vld [tilespmem:s16+$0xFFFFFF00];
	v4 =	vshll.u32 v4, v0  }
0x12c: {  	v4 =	vadd.s32 $0x1, v4  }
0x12d: {  	v4 =	vbroadcast v4, $0x0;
	_ =	sdelay $0x2  }
0x12e: {  	v5 =	vmul.f32 v5, v2;
	v2 =	vmul.f32 v3, v2  }
0x12f: {  	s14 =	sadd.s32 $0xFFFFFFF3, s12  }
0x130: {  	v3 =	vmov s14;
	[tilespmem:s16+$0xFFFFFF00] =	vst v5  }
0x131: {  	v3 =	vshrl.u32 v3, $0x3;
	[tilespmem:s16+$0xFFFFFF10] =	vst v2;
	v2 =	vld [tilespmem:s16+$0xFFFFFF30]  }
0x132: {  	v3 =	vshll.u32 v3, v0;
	v4 =	vld.idx.msk [tilespmem:v4+s30+$0x0], $0xffff  }
0x133: {  	v3 =	vadd.s32 $0x2, v3;
	v5 =	vld [tilespmem:s16+$0xFFFFFF20]  }
0x134: {  	v3 =	vbroadcast v3, $0x0;
	_ =	sdelay $0x3  }
0x135: {  	s14 =	sadd.s32 $0xFFFFFFF4, s12;
	v2 =	vmul.f32 v2, v4;
	v5 =	vmul.f32 v5, v4  }
0x136: {  	v4 =	vmov s14  }
0x137: {  	v4 =	vshrl.u32 v4, $0x3;
	[tilespmem:s16+$0xFFFFFF20] =	vst v5  }
0x138: {  	v4 =	vshll.u32 v4, v0;
	[tilespmem:s16+$0xFFFFFF30] =	vst v2;
	v2 =	vld [tilespmem:s16+$0xFFFFFF50]  }
0x139: {  	v4 =	vadd.s32 $0x3, v4;
	v3 =	vld.idx.msk [tilespmem:v3+s30+$0x0], $0xffff  }
0x13a: {  	v4 =	vbroadcast v4, $0x0;
	v5 =	vld [tilespmem:s16+$0xFFFFFF40];
	_ =	sdelay $0x3  }
0x13b: {  	s14 =	sadd.s32 $0xFFFFFFF5, s12  }
0x13c: {  	v2 =	vmul.f32 v2, v3;
	v5 =	vmul.f32 v5, v3;
	v3 =	vmov s14  }
0x13d: {  	v3 =	vshrl.u32 v3, $0x3  }
0x13e: {  	[tilespmem:s16+$0xFFFFFF40] =	vst v5;
	v3 =	vshll.u32 v3, v0  }
0x13f: {  	[tilespmem:s16+$0xFFFFFF50] =	vst v2;
	v2 =	vld [tilespmem:s16+$0xFFFFFF70];
	v3 =	vadd.s32 $0x4, v3  }
0x140: {  	v4 =	vld.idx.msk [tilespmem:v4+s30+$0x0], $0xffff;
	v3 =	vbroadcast v3, $0x0  }
0x141: {  	v5 =	vld [tilespmem:s16+$0xFFFFFF60];
	_ =	sdelay $0x2  }
0x142: {  	s14 =	sadd.s32 $0xFFFFFFF6, s12  }
0x143: {  	v6 =	vmov s14  }
0x144: {  	v2 =	vmul.f32 v2, v4;
	v5 =	vmul.f32 v5, v4;
	v4 =	vshrl.u32 v6, $0x3  }
0x145: {  	v4 =	vshll.u32 v4, v0  }
0x146: {  	[tilespmem:s16+$0xFFFFFF60] =	vst v5;
	v4 =	vadd.s32 $0x5, v4  }
0x147: {  	[tilespmem:s16+$0xFFFFFF70] =	vst v2;
	v2 =	vld [tilespmem:s16+$0xFFFFFF90];
	v4 =	vbroadcast v4, $0x0  }
0x148: {  	v3 =	vld.idx.msk [tilespmem:v3+s30+$0x0], $0xffff  }
0x149: {  	v5 =	vld [tilespmem:s16+$0xFFFFFF80];
	_ =	sdelay $0x1  }
0x14a: {  	s14 =	sadd.s32 $0xFFFFFFF7, s12  }
0x14b: {  	v6 =	vmov s14  }
0x14c: {  	v6 =	vshrl.u32 v6, $0x3  }
0x14d: {  	v2 =	vmul.f32 v2, v3;
	v5 =	vmul.f32 v5, v3;
	v3 =	vshll.u32 v6, v0  }
0x14e: {  	v3 =	vadd.s32 $0x6, v3  }
0x14f: {  	[tilespmem:s16+$0xFFFFFF80] =	vst v5;
	v3 =	vbroadcast v3, $0x0  }
0x150: {  	[tilespmem:s16+$0xFFFFFF90] =	vst v2;
	v2 =	vld [tilespmem:s16+$0xFFFFFFB0]  }
0x151: {  	v4 =	vld.idx.msk [tilespmem:v4+s30+$0x0], $0xffff  }
0x152: {  	v5 =	vld [tilespmem:s16+$0xFFFFFFA0]  }
0x153: {  	s14 =	sadd.s32 $0xFFFFFFF8, s12  }
0x154: {  	v6 =	vmov s14  }
0x155: {  	v6 =	vshrl.u32 v6, $0x3  }
0x156: {  	v6 =	vshll.u32 v6, v0  }
0x157: {  	v2 =	vmul.f32 v2, v4;
	v5 =	vmul.f32 v5, v4;
	v4 =	vadd.s32 $0x7, v6  }
0x158: {  	v4 =	vbroadcast v4, $0x0  }
0x159: {  	[tilespmem:s16+$0xFFFFFFA0] =	vst v5  }
0x15a: {  	[tilespmem:s16+$0xFFFFFFB0] =	vst v2;
	v2 =	vld [tilespmem:s16+$0xFFFFFFD0]  }
0x15b: {  	v3 =	vld.idx.msk [tilespmem:v3+s30+$0x0], $0xffff  }
0x15c: {  	v5 =	vld [tilespmem:s16+$0xFFFFFFC0]  }
0x15d: {  	s14 =	sadd.s32 $0xFFFFFFF9, s12  }
0x15e: {  	v6 =	vmov s14  }
0x15f: {  	v6 =	vshrl.u32 v6, $0x3;
	v7 =	vld [tilespmem:s16+$0xFFFFFFF0]  }
0x160: {  	v6 =	vshll.u32 v6, v0  }
0x161: {  	v6 =	vbroadcast v6, $0x0;
	v5 =	vmul.f32 v5, v3  }
0x162: {  	v2 =	vmul.f32 v2, v3  }
0x163: {  	[tilespmem:s16+$0xFFFFFFC0] =	vst v5  }
0x164: {  	[tilespmem:s16+$0xFFFFFFD0] =	vst v2  }
0x165: {  	s14 =	sadd.s32 $0xFFFFFFFA, s12;
	v2 =	vld.idx.msk [tilespmem:v4+s30+$0x0], $0xffff  }
0x166: {  	v4 =	vmov s14;
	v3 =	vld [tilespmem:s16+$0xFFFFFFE0]  }
0x167: {  	v4 =	vshrl.u32 v4, $0x3  }
0x168: {  	v4 =	vshll.u32 v4, v0  }
0x169: {  	v4 =	vadd.s32 $0x1, v4  }
0x16a: {  	v4 =	vbroadcast v4, $0x0  }
0x16b: {  	v3 =	vmul.f32 v3, v2;
	v2 =	vmul.f32 v7, v2;
	_ =	sdelay $0x1  }
0x16c: {  	[tilespmem:s16+$0xFFFFFFE0] =	vst v3  }
0x16d: {  	s14 =	sadd.s32 $0xFFFFFFFB, s12;
	[tilespmem:s16+$0xFFFFFFF0] =	vst v2;
	v2 =	vld [tilespmem:s16+$0x10]  }
0x16e: {  	v5 =	vmov s14;
	v3 =	vld.idx.msk [tilespmem:v6+s30+$0x0], $0xffff  }
0x16f: {  	v5 =	vshrl.u32 v5, $0x3;
	v6 =	vld [tilespmem:s16+$0x0]  }
0x170: {  	v5 =	vshll.u32 v5, v0  }
0x171: {  	v5 =	vadd.s32 $0x2, v5  }
0x172: {  	v5 =	vbroadcast v5, $0x0;
	_ =	sdelay $0x1  }
0x173: {  	v2 =	vmul.f32 v2, v3;
	v6 =	vmul.f32 v6, v3;
	_ =	sdelay $0x1  }
0x174: {  	s14 =	sadd.s32 $0xFFFFFFFC, s12;
	[tilespmem:s16+$0x0] =	vst v6  }
0x175: {  	v3 =	vmov s14;
	[tilespmem:s16+$0x10] =	vst v2;
	v2 =	vld [tilespmem:s16+$0x30]  }
0x176: {  	v3 =	vshrl.u32 v3, $0x3;
	v4 =	vld.idx.msk [tilespmem:v4+s30+$0x0], $0xffff  }
0x177: {  	v3 =	vshll.u32 v3, v0;
	v6 =	vld [tilespmem:s16+$0x20]  }
0x178: {  	v3 =	vadd.s32 $0x3, v3  }
0x179: {  	v3 =	vbroadcast v3, $0x0;
	_ =	sdelay $0x2  }
0x17a: {  	v2 =	vmul.f32 v2, v4;
	v6 =	vmul.f32 v6, v4  }
0x17b: {  	s14 =	sadd.s32 $0xFFFFFFFD, s12  }
0x17c: {  	v4 =	vmov s14;
	[tilespmem:s16+$0x20] =	vst v6  }
0x17d: {  	v4 =	vshrl.u32 v4, $0x3;
	[tilespmem:s16+$0x30] =	vst v2;
	v2 =	vld [tilespmem:s16+$0x50]  }
0x17e: {  	v4 =	vshll.u32 v4, v0;
	v5 =	vld.idx.msk [tilespmem:v5+s30+$0x0], $0xffff  }
0x17f: {  	v4 =	vadd.s32 $0x4, v4;
	v6 =	vld [tilespmem:s16+$0x40]  }
0x180: {  	v4 =	vbroadcast v4, $0x0;
	_ =	sdelay $0x3  }
0x181: {  	s14 =	sadd.s32 $0xFFFFFFFE, s12;
	v2 =	vmul.f32 v2, v5;
	v6 =	vmul.f32 v6, v5  }
0x182: {  	v5 =	vmov s14  }
0x183: {  	v5 =	vshrl.u32 v5, $0x3;
	[tilespmem:s16+$0x40] =	vst v6  }
0x184: {  	v5 =	vshll.u32 v5, v0;
	[tilespmem:s16+$0x50] =	vst v2;
	v2 =	vld [tilespmem:s16+$0x70]  }
0x185: {  	v5 =	vadd.s32 $0x5, v5;
	v3 =	vld.idx.msk [tilespmem:v3+s30+$0x0], $0xffff  }
0x186: {  	v5 =	vbroadcast v5, $0x0;
	v6 =	vld [tilespmem:s16+$0x60];
	_ =	sdelay $0x3  }
0x187: {  	s14 =	sadd.s32 $0xFFFFFFFF, s12  }
0x188: {  	v2 =	vmul.f32 v2, v3;
	v6 =	vmul.f32 v6, v3;
	v3 =	vmov s14  }
0x189: {  	v3 =	vshrl.u32 v3, $0x3  }
0x18a: {  	[tilespmem:s16+$0x60] =	vst v6;
	v3 =	vshll.u32 v3, v0  }
0x18b: {  	[tilespmem:s16+$0x70] =	vst v2;
	v2 =	vld [tilespmem:s16+$0x90];
	v3 =	vadd.s32 $0x6, v3  }
0x18c: {  	v4 =	vld.idx.msk [tilespmem:v4+s30+$0x0], $0xffff;
	v6 =	vbroadcast v3, $0x0  }
0x18d: {  	v3 =	vld [tilespmem:s16+$0x80];
	_ =	sdelay $0x3  }
0x18e: {  	v7 =	vmov s12  }
0x18f: {  	v2 =	vmul.f32 v2, v4;
	v3 =	vmul.f32 v3, v4;
	v4 =	vshrl.u32 v7, $0x3  }
0x190: {  	v4 =	vshll.u32 v4, v0  }
0x191: {  	[tilespmem:s16+$0x80] =	vst v3;
	v3 =	vadd.s32 $0x7, v4  }
0x192: {  	[tilespmem:s16+$0x90] =	vst v2;
	v4 =	vld [tilespmem:s16+$0xB0];
	v2 =	vbroadcast v3, $0x0  }
0x193: {  	v3 =	vld.idx.msk [tilespmem:v5+s30+$0x0], $0xffff  }
0x194: {  	v5 =	vld [tilespmem:s16+$0xA0];
	_ =	sdelay $0x4  }
0x195: {  	v5 =	vmul.f32 v5, v3;
	v3 =	vmul.f32 v4, v3  }
.Ltmp0:
0x196: {  	(pc) =	sbr.rel @p3 .LBB2_4-.Ltmp0, $4  }
0x197: {  	[tilespmem:s16+$0xA0] =	vst v5  }
0x198: {  	[tilespmem:s16+$0xB0] =	vst v3;
	v3 =	vld [tilespmem:s16+$0xC0]  }
0x199: {  	v4 =	vld.idx.msk [tilespmem:v6+s30+$0x0], $0xffff  }
0x19a: {  	v5 =	vld [tilespmem:s16+$0xD0]  }
0x19b: {  	_ =	sdelay $0x2  }
0x19c: {  	v3 =	vmul.f32 v3, v4  }
0x19d: {  	v62 =	vmul.f32 v5, v4  }
0x19e: {  	[tilespmem:s10+$0xC0] =	vst v3  }
0x19f: {  	v3 =	vld [tilespmem:s10+$0xE0];
	[tilespmem:s10+$0xD0] =	vst v62  }
0x1a0: {  	v2 =	vld.idx.msk [tilespmem:v2+s30+$0x0], $0xffff  }
0x1a1: {  	v63 =	vld [tilespmem:s10+$0xF0];
	_ =	sdelay $0x3  }
0x1a2: {  	v3 =	vmul.f32 v3, v2  }
0x1a3: {  	v2 =	vmul.f32 v63, v2  }
0x1a4: {  	[tilespmem:s10+$0xE0] =	vst v3  }
0x1a5: {  	s5 =	sadd.s32 $0x800, s5;
	[tilespmem:s10+$0xF0] =	vst v2  }
0x1a6: {  	[spmem:s3] =	stream.indirect.scatter.add.f32 [tilespmem:s28], [sflag:$0x2], $0x20, s5, s26, $0xb8;
	[tilespmem:$0x1CBC8] =	vst v63  }
0x1a7: {  	_ =	swait.ge [sflag:s29], $0x1000  }
0x1a8: {  	s11 =	simm.s32 @!p1 $0x2800;
	s2 =	sadd.s32 $0x1, s2;
	[sflag:s29] =	ssyncset.done $0x0  }
0x1a9: {  	p3 =	sne.s32 s2, $0x10;
	s10 =	simm.s32 @!p1 $0x80;
	[sflag:s29] =	ssyncadd.s32 $0xFFFFF000  }
0x1aa: {  	[spmem:s4] =	stream.indirect.scatter.add.f32 @!p1 [tilespmem:s11], [sflag:$0x1], $0x1, s5, s10, $0xb8;
	[tilespmem:$0x1CBC8] =	vst v63  }
.Ltmp1:
0x1ab: {  	_ = 	snop;
	(pc) =	sbr.rel @p3 .LBB2_3-.Ltmp1, $4  }
0x1ac: {  	s5 =	simm.s32 @!p1 $0x1  }
0x1ad: {  	_ =	swait.ge @!p1 [sflag:s5], $0x80  }
0x1ae: {  	[sflag:s5] =	ssyncset.done @!p1 $0x0  }
0x1af: {  	[sflag:s5] =	ssyncadd.s32 @!p1 $0xFFFFFF80  }
0x1b0: {  	s0 =	sadd.s32 $0x1, s0  }
0x1b1: {  	p3 =	sne.s32 s0, $0x1A  }
.Ltmp2:
0x1b2: {  	_ = 	snop;
	(pc) =	sbr.rel @p3 .LBB2_2-.Ltmp2, $1  }
0x1b3: {  	_ =	sdelay $0x3  }
0x1b4: {  	[bflag:$0x0] =	sbarrier.arrive $0xFFFF  }
0x1b5: {  	[hbm:s22], [sflag:s18] =	dma.local [spmem:s19], $0x30E0  }
0x1b6: {  	_ =	swait.ge [sflag:s17], $0x30E0  }
0x1b7: {  	[sflag:s17] =	ssyncset.done $0x0  }
0x1b8: {  	s0 =	sshrl.u32 @!p2 s4, $0x3;
	s2 =	rddreg [dreg:$0x8];
	[sflag:s17] =	ssyncadd.s32 $0xFFFFCF20  }
0x1b9: {  	[hbm:s2], [sflag:s18] =	dma.local @!p2 [spmem:s0], $0x1870  }
0x1ba: {  	s0 =	simm.s32 @!p2 $0x1  }
0x1bb: {  	_ =	swait.ge @!p2 [sflag:s0], $0x1870  }
0x1bc: {  	s31 =	sadd.s32 $0x1, s31;
	s16 =	rddreg [dreg:$0x9]  }
0x1bd: {  	p3 =	sne.s32 s31, s16  }
.Ltmp3:
0x1be: {  	_ = 	snop;
	(pc) =	sbr.rel @p3 .LBB2_1-.Ltmp3, $3  }
0x1bf: {  	_ =	sdelay $0x1  }
0x1c0: {  	[sflag:s0] =	ssyncset.done @!p2 $0x0  }
0x1c1: {  	[sflag:s0] =	ssyncadd.s32 @!p2 $0xFFFFE790  }
0x1c2: {  	_ =	sfence.sel $0x180000  }
0x1c3: {  	[bflag:$0x0] =	sbarrier.arrive $0xFFFF  }
0x1c4: {  	_ =	strace $0x9000004D  }
0x1c5: {  	[bflag:$0x2] =	sbarrier.arrive $0xFFFF  }
0x1c6: {  	s0 =	rddreg [dreg:$0x5]  }
0x1c7: {  	s0 =	sadd.s32 @!p0 $0x100000, s0  }
0x1c8: {  	[sflag:s0] =	ssyncadd.tile.s32 @!p0 $0x1;
	_ =	shalt  }
.Lfunc_end2:
_tile_overlayer_lowered:
.L_overlay_start_2:
0x1c9: {  	(tag) =	ssettag $0x2  }
0x1ca: {  	s0 =	rddreg [dreg:$0x0];
	s2 =	stileid.u32  }
0x1cb: {  	s1 =	rddreg [dreg:$0x1];
	p0 =	sne.s32 s2, $0x0  }
0x1cc: {  	s3 =	rddreg [dreg:$0x2];
	[bflag:$0x3] =	sbarrier.arrive $0xFFFF;
	s2 =	simm.s32 @!p0 $0x1C01  }
0x1cd: {  	[timem:s3], [sflag:s2] =	dma.local @!p0 [hbm:s0], s1  }
0x1ce: {  	s0 =	simm.s32 @!p0 $0x1  }
0x1cf: {  	_ =	swait.ge @!p0 [sflag:s0], s1  }
0x1d0: {  	s1 =	ssub.s32 @!p0 $0x0, s1;
	[sflag:s0] =	ssyncset.done @!p0 $0x0  }
0x1d1: {  	[sflag:s0] =	ssyncadd.s32 @!p0 s1  }
0x1d2: {  	[bflag:$0x3] =	sbarrier.arrive $0xFFFF  }
0x1d3: {  	_ =	shalt  }

// kernel: kernel.20.cloned.1.call-start
scs
__scs_entry_jumppad:
0x0: {  	(pc) =	sbr.rel $0x88, $3  }
0x1: {  	(tag) =	ssettag $0x0;
	lr =	simm.s32 $0x1  }
0x2: {  	[smem:$0x3F80] =	sst lr;
	_ =	strace $0xD0000000  }
0x3: {  	_ = 	snop  }
0x4: {  	_ = 	snop  }
0x5: {  	_ = 	snop  }
0x6: {  	_ = 	snop  }
0x7: {  	_ = 	snop  }
__scs_overlays_trampoline_lowered:
0x8: {  	[smem:$0x3F8F] =	sst s0  }
0x9: {  	[smem:$0x3F90] =	sst s1  }
0xa: {  	[smem:$0x3F91] =	sst s2  }
0xb: {  	[smem:$0x3F92] =	sst s3  }
0xc: {  	[smem:$0x3F93] =	sst s4  }
0xd: {  	[smem:$0x3F94] =	sst s5  }
0xe: {  	[smem:$0x3F95] =	sst s6  }
0xf: {  	[smem:$0x3F96] =	sst s7  }
0x10: {  	[smem:$0x3F97] =	sst s8  }
0x11: {  	[smem:$0x3F98] =	sst s9;
	s0 =	simm.s32 @!p0 $0x0  }
0x12: {  	s1 =	sld [smem:$0x3F7E];
	s0 =	simm.s32 @p0 $0x1  }
0x13: {  	[smem:$0x3F99] =	sst s0;
	s0 =	simm.s32 @!p1 $0x0  }
0x14: {  	s2 =	sld [smem:$0x3F7D];
	s0 =	simm.s32 @p1 $0x1  }
0x15: {  	[smem:$0x3F9A] =	sst s0;
	s0 =	simm.s32 @!p2 $0x0  }
0x16: {  	s3 =	sld [smem:$0x3FDB];
	s0 =	simm.s32 @p2 $0x1  }
0x17: {  	s4 =	simm.s32 $0x1BF5;
	[smem:$0x3F9C] =	sst s0  }
0x18: {  	s0 =	sld [smem:$0x3F7F];
	_ =	swait.ge [sflag:s4], $0x0  }
0x19: {  	s7 =	sld [smem:$0x3F80]  }
0x1a: {  	s8 =	sadd.s32 $0xFFFFE003, lr  }
0x1b: {  	s9 =	sadd.s32 $0xFFFFFEF7, lr;
	s5 =	simm.s32 $0xFFFFFFFF;
	p2 =	slt.u32 s8, $0xFFFFF086  }
0x1c: {  	p1 =	slt.u32 s9, $0xF7A;
	s5 =	simm.s32 @!p2 $0x0  }
0x1d: {  	s5 =	simm.s32 @p1 $0x1;
	p0 =	seq.s32 s7, s2  }
0x1e: {  	s7 =	smul.u32 @!p0 $0xF7A, s2;
	p2 =	seq.s32 @!p0 s5, $0x0  }
0x1f: {  	s9 =	smul.u32 $0xF7A, s1;
	s8 =	simm.s32 @!p0 $0x1BF5;
	p2 =	por !p2, p0  }
0x20: {  	[sflag:s8] =	ssyncset.s32 @!p0 $0xFFFFF086;
	s6 =	sadd.s32 @!p0 s3, s7;
	s7 =	simm.s32 @!p0 $0x108  }
0x21: {  	s3 =	sadd.s32 s3, s9;
	s6 =	sadd.s32 @!p0 $0x88, s6;
	s7 =	simm.s32 @p2 $0x1082  }
0x22: {  	[simem:s7], [sflag:s8] =	dma.local @!p0 [hbm:s6], $0xF7A  }
0x23: {  	s9 =	sor.u32 $0xD0000000, s2;
	s6 =	simm.s32 $0x108;
	_ =	swait.ge @!p0 [sflag:s8], $0x0  }
0x24: {  	s3 =	sadd.s32 $0x88, s3;
	s6 =	simm.s32 @!p1 $0x1082;
	[sflag:s4] =	ssyncset.s32 $0xFFFFF086  }
0x25: {  	[simem:s6], [sflag:s4] =	dma.local [hbm:s3], $0xF7A  }
0x26: {  	[smem:$0x3F80] =	sst s1;
	(tag) =	ssettag s2;
	_ =	strace s9  }
0x27: {  	s1 =	sld [smem:$0x3F90]  }
0x28: {  	s2 =	sld [smem:$0x3F91]  }
0x29: {  	s4 =	sld [smem:$0x3F93]  }
0x2a: {  	p0 =	seq.s32 s5, $0x0;
	s5 =	sld [smem:$0x3F94]  }
0x2b: {  	s6 =	sld [smem:$0x3F95]  }
0x2c: {  	s7 =	sld [smem:$0x3F96]  }
0x2d: {  	s3 =	simm.s32 $0x108;
	s8 =	sld [smem:$0x3F97]  }
0x2e: {  	s3 =	simm.s32 @!p0 $0x1082;
	s9 =	sld [smem:$0x3F98]  }
0x2f: {  	lr =	sadd.s32 s0, s3;
	s0 =	sld [smem:$0x3F8F]  }
0x30: {  	s3 =	sld [smem:$0x3F92]  }
0x31: {  	[smem:$0x3F9B] =	sst s10  }
0x32: {  	s10 =	sld [smem:$0x3F99];
	_ =	sdelay $0x3  }
0x33: {  	p0 =	seq.s32 s10, $0x1;
	s10 =	sld [smem:$0x3F9B];
	_ =	sdelay $0x3  }
0x34: {  	[smem:$0x3F9B] =	sst s10  }
0x35: {  	s10 =	sld [smem:$0x3F9A];
	_ =	sdelay $0x3  }
0x36: {  	p1 =	seq.s32 s10, $0x1;
	s10 =	sld [smem:$0x3F9B];
	_ =	sdelay $0x3  }
0x37: {  	[smem:$0x3F9B] =	sst s10  }
0x38: {  	s10 =	sld [smem:$0x3F9C]  }
0x39: {  	_ = 	snop;
	(pc) =	sbr.ind lr, $3  }
0x3a: {  	_ = 	snop  }
0x3b: {  	_ = 	snop  }
0x3c: {  	p2 =	seq.s32 s10, $0x1;
	s10 =	sld [smem:$0x3F9B]  }
0x3d: {  	_ =	shalt  }
0x3e: {  	_ =	shalt  }
0x3f: {  	_ =	shalt  }
0x40: {  	_ =	shalt  }
0x41: {  	_ =	shalt  }
0x42: {  	_ =	shalt  }
0x43: {  	_ =	shalt  }
0x44: {  	_ =	shalt  }
0x45: {  	_ =	shalt  }
0x46: {  	_ =	shalt  }
0x47: {  	_ =	shalt  }
0x48: {  	_ =	shalt  }
0x49: {  	_ =	shalt  }
0x4a: {  	_ =	shalt  }
0x4b: {  	_ =	shalt  }
0x4c: {  	_ =	shalt  }
0x4d: {  	_ =	shalt  }
0x4e: {  	_ =	shalt  }
0x4f: {  	_ =	shalt  }
0x50: {  	_ =	shalt  }
0x51: {  	_ =	shalt  }
0x52: {  	_ =	shalt  }
0x53: {  	_ =	shalt  }
0x54: {  	_ =	shalt  }
0x55: {  	_ =	shalt  }
0x56: {  	_ =	shalt  }
0x57: {  	_ =	shalt  }
0x58: {  	_ =	shalt  }
0x59: {  	_ =	shalt  }
0x5a: {  	_ =	shalt  }
0x5b: {  	_ =	shalt  }
0x5c: {  	_ =	shalt  }
0x5d: {  	_ =	shalt  }
0x5e: {  	_ =	shalt  }
0x5f: {  	_ =	shalt  }
0x60: {  	_ =	shalt  }
0x61: {  	_ =	shalt  }
0x62: {  	_ =	shalt  }
0x63: {  	_ =	shalt  }
0x64: {  	_ =	shalt  }
0x65: {  	_ =	shalt  }
0x66: {  	_ =	shalt  }
0x67: {  	_ =	shalt  }
0x68: {  	_ =	shalt  }
0x69: {  	_ =	shalt  }
0x6a: {  	_ =	shalt  }
0x6b: {  	_ =	shalt  }
0x6c: {  	_ =	shalt  }
0x6d: {  	_ =	shalt  }
0x6e: {  	_ =	shalt  }
0x6f: {  	_ =	shalt  }
0x70: {  	_ =	shalt  }
0x71: {  	_ =	shalt  }
0x72: {  	_ =	shalt  }
0x73: {  	_ =	shalt  }
0x74: {  	_ =	shalt  }
0x75: {  	_ =	shalt  }
0x76: {  	_ =	shalt  }
0x77: {  	_ =	shalt  }
0x78: {  	_ =	shalt  }
0x79: {  	_ =	shalt  }
0x7a: {  	_ =	shalt  }
0x7b: {  	_ =	shalt  }
0x7c: {  	_ =	shalt  }
0x7d: {  	_ =	shalt  }
0x7e: {  	_ =	shalt  }
0x7f: {  	_ =	shalt  }
0x80: {  	_ =	shalt  }
0x81: {  	_ =	shalt  }
0x82: {  	_ =	shalt  }
0x83: {  	_ =	shalt  }
0x84: {  	_ =	shalt  }
0x85: {  	_ =	shalt  }
0x86: {  	_ =	shalt  }
0x87: {  	_ =	shalt  }
.Lfunc_end0:
.L_simem_size_0:
called_computation.3_lowered:
.L_overlay_start_0:
0x88: {  	s2 =	sld [smem:$0x3FD9]  }
0x89: {  	s3 =	sld [smem:$0x3FFE];
	_ =	sdelay $0x1  }
0x8a: {  	s1 =	srdreg.scid  }
0x8b: {  	s0 =	sand.u32 $0x1, s1  }
0x8c: {  	s14 =	sshll.u32 s0, $0xA;
	s2 =	sadd.s32 s3, s2  }
0x8d: {  	s2 =	sadd.s32 s2, s14  }
0x8e: {  	[smem:$0x3FA7] =	sst s2  }
0x8f: {  	_ = 	snop  }
0x90: {  	s2 =	sld [smem:$0x3FD0];
	_ =	sdelay $0x2  }
0x91: {  	s15 =	simm.s32 $0xA;
	s4 =	simm.s32 $0x10  }
0x92: {  	[smem:s4], [sflag:s15] =	dma.local [hbm:s2], $0x1  }
0x93: {  	_ =	swait.eq [sflag:s15], $0x1  }
0x94: {  	[sflag:s15] =	ssyncset.done $0x0  }
0x95: {  	[sflag:s15] =	ssyncadd.s32 $0xFFFFFFFF  }
0x96: {  	s16 =	sld [smem:$0x11];
	(tm) =	ssettm $0x1  }
0x97: {  	s17 =	sld [smem:$0x3FFB];
	_ =	sdelay $0x3  }
0x98: {  	_ =	strace s17  }
0x99: {  	s3 =	sld [smem:$0x3FFC];
	_ =	sdelay $0x3  }
0x9a: {  	_ =	strace s3  }
0x9b: {  	s3 =	sld [smem:$0x3FFD];
	_ =	sdelay $0x3  }
0x9c: {  	_ =	strace s3  }
0x9d: {  	_ =	strace $0x8FFFFFFF  }
0x9e: {  	s18 =	sld [smem:$0x3FDB];
	_ =	sdelay $0x1  }
0x9f: {  	s19 =	simm.s32 $_scs_section_size  }
0xa0: {  	s5 =	simm.s32 $_size__tile_overlayer_lowered;
	s6 =	simm.s32 $_tile_overlayer_lowered  }
0xa1: {  	s22 =	simm.s32 $0x1BFF;
	s21 =	sshll.u32 s6, $0x1;
	s3 =	sadd.s32 s19, s18  }
0xa2: {  	s7 =	simm.s32 $0x0;
	s20 =	sshll.u32 s5, $0x1;
	s5 =	sadd.s32 s21, s3  }
0xa3: {  	[timem:s7], [sflag:s22] =	dma.local [hbm:s5], s20  }
0xa4: {  	_ =	swait.ge [sflag:s22], s20  }
0xa5: {  	s4 =	ssub.s32 $0x0, s20;
	[sflag:s22] =	ssyncset.done $0x0  }
0xa6: {  	[sflag:s22] =	ssyncadd.s32 s4;
	_ =	sdelay $0x1  }
0xa7: {  	s23 =	simm.s32 $0x1B8B  }
0xa8: {  	_ =	swait.ge [sflag:s23], $0x1  }
0xa9: {  	[sflag:s23] =	ssyncset.done $0x0  }
0xaa: {  	s25 =	simm.s32 $0x1B8E;
	s24 =	sld [smem:$0x3FFE];
	[sflag:s23] =	ssyncadd.s32 $0xFFFFFFFF  }
0xab: {  	s26 =	simm.s32 $execute0_lowered;
	[smem:$0x3FD2] =	sst s25  }
0xac: {  	s5 =	sshll.u32 s26, $0x1;
	_ =	strace $0x8000004F;
	[dreg:$0x1] =	wrdreg $0xFFFFFFFF  }
0xad: {  	s28 =	simm.s32 $_size_execute0_lowered;
	s3 =	sadd.s32 s3, s5;
	[dreg:$0x0] =	wrdreg $0x0  }
0xae: {  	s5 =	sshll.u32 s28, $0x1;
	[dreg:$0x2] =	wrdreg s3  }
0xaf: {  	[dreg:$0x3] =	wrdreg s5  }
0xb0: {  	[dreg:$0x4] =	wrdreg $0xC0  }
0xb1: {  	_ =	task [dreg:s7], $0x5FFFF  }
0xb2: {  	[dreg:$0x1] =	wrdreg $0xFFFFFFFF  }
0xb3: {  	[dreg:$0x0] =	wrdreg $0x60  }
0xb4: {  	[dreg:$0x2] =	wrdreg s24  }
0xb5: {  	[dreg:$0x3] =	wrdreg s16  }
0xb6: {  	[dreg:$0x4] =	wrdreg $0x9  }
0xb7: {  	_ =	task.clear_ibuf [dreg:s7], $0x5FFFF;
	_ =	strace $0x9000004F  }
0xb8: {  	s29 =	simm.s32 $0x9;
	_ =	strace $0x80000051  }
0xb9: {  	_ =	swait.ge [sflag:s29], $0x1  }
0xba: {  	[sflag:s29] =	ssyncadd.s32 $0xFFFFFFFF  }
0xbb: {  	_ =	strace $0x90000051  }
0xbc: {  	_ =	sfence  }
0xbd: {  	s30 =	sld [smem:$0x0];
	_ =	sdelay $0x2  }
0xbe: {  	s31 =	sshll.u32 s1, $0xD;
	s1 =	sshrl.u32 s1, $0x2  }
0xbf: {  	s3 =	sand.u32 $0x4000, s31;
	s1 =	sadd.s32 s1, s30  }
0xc0: {  	s0 =	sor.u32 s3, s0;
	s1 =	sshll.u32 s1, $0x11  }
0xc1: {  	s0 =	sor.u32 s1, s0  }
0xc2: {  	s0 =	sadd.s32 $0x8F2B, s0  }
0xc3: {  	[sflag:s0] =	ssyncadd.remote.s32 $0x1  }
0xc4: {  	_ =	sfence.sel $0xFFFF  }
0xc5: {  	[dreg:$0x0] =	wrdreg $0xFFFFFFFF;
	(pc) =	sbr.abs _section_cstart, $3  }
0xc6: {  	[dreg:$0x1] =	wrdreg $0xFFFFFFFF  }
0xc7: {  	_ =	task.clear_ibuf [dreg:s7], $0x2FFFF;
	_ =	strace $0x9FFFFFFF  }
0xc8: {  	(tm) =	ssettm $0x7FFFFFFF  }
0xc9: {  	_ =	shalt  }
tec
execute0_lowered:
.L_overlay_start_1:
0x0: {  	(tag) =	ssettag $0x1  }
0x1: {  	s9 =	rddreg [dreg:$0x0]  }
0x2: {  	s1 =	rddreg [dreg:$0x1]  }
0x3: {  	s0 =	rddreg [dreg:$0x2];
	s2 =	simm.s32 $0x0  }
0x4: {  	s3 =	srdreg.scid;
	s14 =	simm.s32 $0x410;
	s15 =	simm.s32 $0x490  }
0x5: {  	s16 =	simm.s32 $0x80;
	s17 =	simm.s32 $0x510;
	s18 =	simm.s32 $0x2510  }
0x6: {  	s19 =	simm.s32 $0x4510;
	s20 =	simm.s32 $0x0;
	[smem:$0x7FF] =	sst s2  }
0x7: {  	v0 =	vlaneseq.u32;
	s4 =	sadd.s32 $0x24400, s9;
	s5 =	sadd.s32 $0xEB600, s9;
	s10 =	sand.u32 $0x1, s3  }
0x8: {  	s6 =	sadd.s32 $0xBC00, s9;
	s3 =	stileid.u32;
	s7 =	sadd.s32 $0xD2800, s9;
	v0 =	vmul.u32 $0x40, v0  }
0x9: {  	s8 =	sadd.s32 $0xEB400, s9;
	s9 =	sadd.s32 $0x86000, s9;
	s11 =	ssub.s32 $0x2, s10  }
0xa: {  	_ =	strace $0x80000050;
	s13 =	sshll.u32 s3, $0x1;
	s12 =	sshrl.u32 s11, $0x1;
	v1 =	vor.u32 $0x400, v0  }
0xb: {  	s10 =	sor.u32 s10, s13;
	s13 =	simm.s32 $0x400;
	v2 =	vor.u32 $0x800, v0;
	v3 =	vor.u32 $0xC00, v0;
	v4 =	vor.u32 $0x1000, v0;
	s11 =	ssub.s32 s11, s12  }
0xc: {  	v5 =	vor.u32 $0x1400, v0;
	v6 =	vor.u32 $0x1800, v0;
	v7 =	vor.u32 $0x1C00, v0;
	s10 =	smul.u32 $0xC4, s10;
	s12 =	simm.s32 $0x1;
	s11 =	smax.u32 s11, $0x1  }
.LBB2_1:
0xd: {  	[tilespmem:s2], [sflag:$0x1] =	stream.linear.gather [hbm4b:s8+s2], $0x400, $0x38;
	[tilespmem:$0x4590] =	vst v63  }
0xe: {  	_ =	swait.ge [sflag:s12], $0x400  }
0xf: {  	[sflag:s12] =	ssyncset.done $0x0  }
0x10: {  	[sflag:s12] =	ssyncadd.s32 $0xFFFFFC00  }
0x11: {  	[tilespmem:s13], [sflag:$0x1] =	stream.linear.gather [hbm4b:s1+s2], $0x10, $0x38;
	[tilespmem:$0x4590] =	vst v63  }
0x12: {  	_ =	swait.ge [sflag:s12], $0x10  }
0x13: {  	[sflag:s12] =	ssyncset.done $0x0  }
0x14: {  	[sflag:s12] =	ssyncadd.s32 $0xFFFFFFF0  }
0x15: {  	s21 =	simm.s32 $0x0;
	v8 =	vld [tilespmem:$0x400]  }
.LBB2_2:
0x16: {  	s22 =	sadd.s32 s10, s21  }
0x17: {  	s22 =	sshll.u32 s22, $0x4  }
0x18: {  	s23 =	simm.s32 $0x0;
	s24 =	sadd.s32 s6, s22  }
0x19: {  	[tilespmem:s14], [sflag:$0x1] =	stream.linear.gather [hbm4b:s24+s23], $0x80, $0x38;
	[tilespmem:$0x4590] =	vst v63  }
0x1a: {  	_ =	swait.ge [sflag:s12], $0x80  }
0x1b: {  	[sflag:s12] =	ssyncset.done $0x0  }
0x1c: {  	s29 =	sadd.s32 s7, s22;
	[sflag:s12] =	ssyncadd.s32 $0xFFFFFF80  }
0x1d: {  	[tilespmem:s15], [sflag:$0x1] =	stream.linear.gather [hbm4b:s29+s23], $0x80, $0x38;
	[tilespmem:$0x4590] =	vst v63  }
0x1e: {  	_ =	swait.ge [sflag:s12], $0x80  }
0x1f: {  	[sflag:s12] =	ssyncset.done $0x0  }
0x20: {  	v9 =	vmov s23;
	[sflag:s12] =	ssyncadd.s32 $0xFFFFFF80  }
0x21: {  	v9 =	vand.u32 $0x3F, v9;
	[tilespmem:s17], [sflag:$0x1] =	stream.indirect.gather [hbm4b:s4+s16], $0x40, s14, s16, $0xb8;
	[tilespmem:$0x4590] =	vst v63  }
0x22: {  	v9 =	vbroadcast v9, $0x0;
	_ =	swait.ge [sflag:s12], $0x2000  }
0x23: {  	[sflag:s12] =	ssyncset.done $0x0  }
0x24: {  	s30 =	simm.s32 $0x1;
	v9 =	vor.u32 v0, v9;
	[sflag:s12] =	ssyncadd.s32 $0xFFFFE000  }
0x25: {  	v10 =	vmov s30;
	[tilespmem:s18], [sflag:$0x1] =	stream.indirect.gather [hbm4b:s5+s16], $0x40, s15, s16, $0xb8;
	[tilespmem:$0x4590] =	vst v63  }
0x26: {  	v10 =	vand.u32 $0x3F, v10;
	_ =	swait.ge [sflag:s12], $0x2000  }
0x27: {  	v10 =	vbroadcast v10, $0x0;
	[sflag:s12] =	ssyncset.done $0x0  }
0x28: {  	[sflag:s12] =	ssyncadd.s32 $0xFFFFE000  }
0x29: {  	v12 =	vor.u32 v0, v10;
	v14 =	vld.idx.msk [tilespmem:v9+s17+$0x0], $0xffff  }
0x2a: {  	s31 =	simm.s32 $0x2;
	v15 =	vld.idx.msk [tilespmem:v9+s18+$0x0], $0xffff  }
0x2b: {  	v9 =	vmov s31  }
0x2c: {  	v9 =	vand.u32 $0x3F, v9  }
0x2d: {  	v10 =	vld [tilespmem:s23+$0x0];
	v13 =	vbroadcast v9, $0x0  }
0x2e: {  	v11 =	vld.idx.msk [tilespmem:v12+s17+$0x0], $0xffff  }
0x2f: {  	s24 =	simm.s32 $0x3;
	v12 =	vld.idx.msk [tilespmem:v12+s18+$0x0], $0xffff;
	v9 =	vimm.f32 $0.0e+00;
	v13 =	vor.u32 v0, v13;
	v14 =	vadd.f32 v15, v14  }
.LBB2_3:
0x30: {  	p0 =	sne.s32 s24, $0x3F  }
.Ltmp0:
0x31: {  	v15 =	vmov s24;
	v14 =	vmax.f32 v14, $0.0e+00;
	(pc) =	sbr.rel @p0 .LBB2_3-.Ltmp0, $4  }
0x32: {  	s24 =	sadd.s32 $0x1, s24;
	s23 =	sadd.s32 $0x10, s23;
	v15 =	vand.u32 $0x3F, v15;
	v16 =	vmul.f32 v14, v10  }
0x33: {  	v15 =	vbroadcast v15, $0x0;
	v10 =	vld [tilespmem:s23+$0x0]  }
0x34: {  	v9 =	vadd.f32 v16, v9;
	v14 =	vmov v11;
	v11 =	vld.idx.msk [tilespmem:v13+s17+$0x0], $0xffff  }
0x35: {  	v14 =	vadd.f32 v12, v14;
	v12 =	vld.idx.msk [tilespmem:v13+s18+$0x0], $0xffff;
	v13 =	vor.u32 v0, v15  }
0x36: {  	_ =	sdelay $0x3  }
0x37: {  	v15 =	vld.idx.msk [tilespmem:v13+s17+$0x0], $0xffff  }
0x38: {  	s23 =	sadd.s32 $0x10, s23;
	v13 =	vld.idx.msk [tilespmem:v13+s18+$0x0], $0xffff  }
0x39: {  	v16 =	vld [tilespmem:s23+$0x0]  }
0x3a: {  	s23 =	sadd.s32 $0x10, s23  }
0x3b: {  	v14 =	vmax.f32 v14, $0.0e+00;
	v11 =	vadd.f32 v12, v11;
	v12 =	vld [tilespmem:s23+$0x0]  }
0x3c: {  	v10 =	vmul.f32 v14, v10  }
0x3d: {  	s23 =	simm.s32 $0x0;
	v13 =	vadd.f32 v13, v15;
	v11 =	vmax.f32 v11, $0.0e+00  }
0x3e: {  	v9 =	vadd.f32 v10, v9;
	v10 =	vmul.f32 v11, v16;
	v11 =	vmov s23  }
0x3f: {  	v13 =	vmax.f32 v13, $0.0e+00;
	v11 =	vand.u32 $0x3F, v11  }
0x40: {  	v9 =	vadd.f32 v10, v9;
	v10 =	vmul.f32 v13, v12;
	v11 =	vbroadcast v11, $0x0;
	_ =	sdelay $0x1  }
0x41: {  	s24 =	simm.s32 $0x1;
	v9 =	vadd.f32 v10, v9;
	v10 =	vor.u32 v1, v11  }
0x42: {  	v11 =	vmov s24  }
0x43: {  	v11 =	vand.u32 $0x3F, v11;
	v9 =	vadd.f32 v9, v8  }
0x44: {  	v11 =	vbroadcast v11, $0x0  }
0x45: {  	[tilespmem:$0x4510] =	vst v9  }
0x46: {  	v12 =	vor.u32 v1, v11;
	v14 =	vld.idx.msk [tilespmem:v10+s17+$0x0], $0xffff  }
0x47: {  	s31 =	simm.s32 $0x2;
	v15 =	vld.idx.msk [tilespmem:v10+s18+$0x0], $0xffff  }
0x48: {  	v9 =	vmov s31  }
0x49: {  	v9 =	vand.u32 $0x3F, v9  }
0x4a: {  	v10 =	vld [tilespmem:s23+$0x0];
	v13 =	vbroadcast v9, $0x0  }
0x4b: {  	v11 =	vld.idx.msk [tilespmem:v12+s17+$0x0], $0xffff  }
0x4c: {  	s24 =	simm.s32 $0x3;
	v9 =	vimm.f32 $0.0e+00;
	v13 =	vor.u32 v1, v13;
	v12 =	vld.idx.msk [tilespmem:v12+s18+$0x0], $0xffff;
	v14 =	vadd.f32 v15, v14  }
.LBB2_5:
0x4d: {  	p0 =	sne.s32 s24, $0x3F  }
.Ltmp1:
0x4e: {  	v15 =	vmov s24;
	v14 =	vmax.f32 v14, $0.0e+00;
	(pc) =	sbr.rel @p0 .LBB2_5-.Ltmp1, $4  }
0x4f: {  	s24 =	sadd.s32 $0x1, s24;
	s23 =	sadd.s32 $0x10, s23;
	v15 =	vand.u32 $0x3F, v15;
	v16 =	vmul.f32 v14, v10  }
0x50: {  	v15 =	vbroadcast v15, $0x0;
	v10 =	vld [tilespmem:s23+$0x0]  }
0x51: {  	v9 =	vadd.f32 v16, v9;
	v14 =	vmov v11;
	v11 =	vld.idx.msk [tilespmem:v13+s17+$0x0], $0xffff  }
0x52: {  	v14 =	vadd.f32 v12, v14;
	v12 =	vld.idx.msk [tilespmem:v13+s18+$0x0], $0xffff;
	v13 =	vor.u32 v1, v15  }
0x53: {  	_ =	sdelay $0x3  }
0x54: {  	v15 =	vld.idx.msk [tilespmem:v13+s17+$0x0], $0xffff  }
0x55: {  	s23 =	sadd.s32 $0x10, s23;
	v13 =	vld.idx.msk [tilespmem:v13+s18+$0x0], $0xffff  }
0x56: {  	v16 =	vld [tilespmem:s23+$0x0]  }
0x57: {  	s23 =	sadd.s32 $0x10, s23  }
0x58: {  	v14 =	vmax.f32 v14, $0.0e+00;
	v11 =	vadd.f32 v12, v11;
	v12 =	vld [tilespmem:s23+$0x0]  }
0x59: {  	v10 =	vmul.f32 v14, v10  }
0x5a: {  	s23 =	simm.s32 $0x0;
	v13 =	vadd.f32 v13, v15;
	v11 =	vmax.f32 v11, $0.0e+00  }
0x5b: {  	v9 =	vadd.f32 v10, v9;
	v10 =	vmul.f32 v11, v16;
	v11 =	vmov s23  }
0x5c: {  	v13 =	vmax.f32 v13, $0.0e+00;
	v11 =	vand.u32 $0x3F, v11  }
0x5d: {  	v9 =	vadd.f32 v10, v9;
	v10 =	vmul.f32 v13, v12;
	v11 =	vbroadcast v11, $0x0;
	_ =	sdelay $0x1  }
0x5e: {  	s24 =	simm.s32 $0x1;
	v9 =	vadd.f32 v10, v9;
	v10 =	vor.u32 v2, v11  }
0x5f: {  	v11 =	vmov s24  }
0x60: {  	v11 =	vand.u32 $0x3F, v11;
	v9 =	vadd.f32 v9, v8  }
0x61: {  	v11 =	vbroadcast v11, $0x0  }
0x62: {  	[tilespmem:$0x4520] =	vst v9  }
0x63: {  	v12 =	vor.u32 v2, v11;
	v14 =	vld.idx.msk [tilespmem:v10+s17+$0x0], $0xffff  }
0x64: {  	s31 =	simm.s32 $0x2;
	v15 =	vld.idx.msk [tilespmem:v10+s18+$0x0], $0xffff  }
0x65: {  	v9 =	vmov s31  }
0x66: {  	v9 =	vand.u32 $0x3F, v9  }
0x67: {  	v10 =	vld [tilespmem:s23+$0x0];
	v13 =	vbroadcast v9, $0x0  }
0x68: {  	v11 =	vld.idx.msk [tilespmem:v12+s17+$0x0], $0xffff  }
0x69: {  	s24 =	simm.s32 $0x3;
	v9 =	vimm.f32 $0.0e+00;
	v13 =	vor.u32 v2, v13;
	v12 =	vld.idx.msk [tilespmem:v12+s18+$0x0], $0xffff;
	v14 =	vadd.f32 v15, v14  }
.LBB2_7:
0x6a: {  	p0 =	sne.s32 s24, $0x3F  }
.Ltmp2:
0x6b: {  	v15 =	vmov s24;
	v14 =	vmax.f32 v14, $0.0e+00;
	(pc) =	sbr.rel @p0 .LBB2_7-.Ltmp2, $4  }
0x6c: {  	s24 =	sadd.s32 $0x1, s24;
	s23 =	sadd.s32 $0x10, s23;
	v15 =	vand.u32 $0x3F, v15;
	v16 =	vmul.f32 v14, v10  }
0x6d: {  	v15 =	vbroadcast v15, $0x0;
	v10 =	vld [tilespmem:s23+$0x0]  }
0x6e: {  	v9 =	vadd.f32 v16, v9;
	v14 =	vmov v11;
	v11 =	vld.idx.msk [tilespmem:v13+s17+$0x0], $0xffff  }
0x6f: {  	v14 =	vadd.f32 v12, v14;
	v12 =	vld.idx.msk [tilespmem:v13+s18+$0x0], $0xffff;
	v13 =	vor.u32 v2, v15  }
0x70: {  	_ =	sdelay $0x3  }
0x71: {  	v15 =	vld.idx.msk [tilespmem:v13+s17+$0x0], $0xffff  }
0x72: {  	s23 =	sadd.s32 $0x10, s23;
	v13 =	vld.idx.msk [tilespmem:v13+s18+$0x0], $0xffff  }
0x73: {  	v16 =	vld [tilespmem:s23+$0x0]  }
0x74: {  	s23 =	sadd.s32 $0x10, s23  }
0x75: {  	v14 =	vmax.f32 v14, $0.0e+00;
	v11 =	vadd.f32 v12, v11;
	v12 =	vld [tilespmem:s23+$0x0]  }
0x76: {  	v10 =	vmul.f32 v14, v10  }
0x77: {  	s23 =	simm.s32 $0x0;
	v13 =	vadd.f32 v13, v15;
	v11 =	vmax.f32 v11, $0.0e+00  }
0x78: {  	v9 =	vadd.f32 v10, v9;
	v10 =	vmul.f32 v11, v16;
	v11 =	vmov s23  }
0x79: {  	v13 =	vmax.f32 v13, $0.0e+00;
	v11 =	vand.u32 $0x3F, v11  }
0x7a: {  	v9 =	vadd.f32 v10, v9;
	v10 =	vmul.f32 v13, v12;
	v11 =	vbroadcast v11, $0x0;
	_ =	sdelay $0x1  }
0x7b: {  	s24 =	simm.s32 $0x1;
	v9 =	vadd.f32 v10, v9;
	v10 =	vor.u32 v3, v11  }
0x7c: {  	v11 =	vmov s24  }
0x7d: {  	v11 =	vand.u32 $0x3F, v11;
	v9 =	vadd.f32 v9, v8  }
0x7e: {  	v11 =	vbroadcast v11, $0x0  }
0x7f: {  	[tilespmem:$0x4530] =	vst v9  }
0x80: {  	v12 =	vor.u32 v3, v11;
	v14 =	vld.idx.msk [tilespmem:v10+s17+$0x0], $0xffff  }
0x81: {  	s31 =	simm.s32 $0x2;
	v15 =	vld.idx.msk [tilespmem:v10+s18+$0x0], $0xffff  }
0x82: {  	v9 =	vmov s31  }
0x83: {  	v9 =	vand.u32 $0x3F, v9  }
0x84: {  	v10 =	vld [tilespmem:s23+$0x0];
	v13 =	vbroadcast v9, $0x0  }
0x85: {  	v11 =	vld.idx.msk [tilespmem:v12+s17+$0x0], $0xffff  }
0x86: {  	s24 =	simm.s32 $0x3;
	v9 =	vimm.f32 $0.0e+00;
	v13 =	vor.u32 v3, v13;
	v12 =	vld.idx.msk [tilespmem:v12+s18+$0x0], $0xffff;
	v14 =	vadd.f32 v15, v14  }
.LBB2_9:
0x87: {  	p0 =	sne.s32 s24, $0x3F  }
.Ltmp3:
0x88: {  	v15 =	vmov s24;
	v14 =	vmax.f32 v14, $0.0e+00;
	(pc) =	sbr.rel @p0 .LBB2_9-.Ltmp3, $4  }
0x89: {  	s24 =	sadd.s32 $0x1, s24;
	s23 =	sadd.s32 $0x10, s23;
	v15 =	vand.u32 $0x3F, v15;
	v16 =	vmul.f32 v14, v10  }
0x8a: {  	v15 =	vbroadcast v15, $0x0;
	v10 =	vld [tilespmem:s23+$0x0]  }
0x8b: {  	v9 =	vadd.f32 v16, v9;
	v14 =	vmov v11;
	v11 =	vld.idx.msk [tilespmem:v13+s17+$0x0], $0xffff  }
0x8c: {  	v14 =	vadd.f32 v12, v14;
	v12 =	vld.idx.msk [tilespmem:v13+s18+$0x0], $0xffff;
	v13 =	vor.u32 v3, v15  }
0x8d: {  	_ =	sdelay $0x3  }
0x8e: {  	v15 =	vld.idx.msk [tilespmem:v13+s17+$0x0], $0xffff  }
0x8f: {  	s23 =	sadd.s32 $0x10, s23;
	v13 =	vld.idx.msk [tilespmem:v13+s18+$0x0], $0xffff  }
0x90: {  	v16 =	vld [tilespmem:s23+$0x0]  }
0x91: {  	s23 =	sadd.s32 $0x10, s23  }
0x92: {  	v14 =	vmax.f32 v14, $0.0e+00;
	v11 =	vadd.f32 v12, v11;
	v12 =	vld [tilespmem:s23+$0x0]  }
0x93: {  	v10 =	vmul.f32 v14, v10  }
0x94: {  	s23 =	simm.s32 $0x0;
	v13 =	vadd.f32 v13, v15;
	v11 =	vmax.f32 v11, $0.0e+00  }
0x95: {  	v9 =	vadd.f32 v10, v9;
	v10 =	vmul.f32 v11, v16;
	v11 =	vmov s23  }
0x96: {  	v13 =	vmax.f32 v13, $0.0e+00;
	v11 =	vand.u32 $0x3F, v11  }
0x97: {  	v9 =	vadd.f32 v10, v9;
	v10 =	vmul.f32 v13, v12;
	v11 =	vbroadcast v11, $0x0;
	_ =	sdelay $0x1  }
0x98: {  	s24 =	simm.s32 $0x1;
	v9 =	vadd.f32 v10, v9;
	v10 =	vor.u32 v4, v11  }
0x99: {  	v11 =	vmov s24  }
0x9a: {  	v11 =	vand.u32 $0x3F, v11;
	v9 =	vadd.f32 v9, v8  }
0x9b: {  	v11 =	vbroadcast v11, $0x0  }
0x9c: {  	[tilespmem:$0x4540] =	vst v9  }
0x9d: {  	v12 =	vor.u32 v4, v11;
	v14 =	vld.idx.msk [tilespmem:v10+s17+$0x0], $0xffff  }
0x9e: {  	s31 =	simm.s32 $0x2;
	v15 =	vld.idx.msk [tilespmem:v10+s18+$0x0], $0xffff  }
0x9f: {  	v9 =	vmov s31  }
0xa0: {  	v9 =	vand.u32 $0x3F, v9  }
0xa1: {  	v10 =	vld [tilespmem:s23+$0x0];
	v13 =	vbroadcast v9, $0x0  }
0xa2: {  	v11 =	vld.idx.msk [tilespmem:v12+s17+$0x0], $0xffff  }
0xa3: {  	s24 =	simm.s32 $0x3;
	v9 =	vimm.f32 $0.0e+00;
	v13 =	vor.u32 v4, v13;
	v12 =	vld.idx.msk [tilespmem:v12+s18+$0x0], $0xffff;
	v14 =	vadd.f32 v15, v14  }
.LBB2_11:
0xa4: {  	p0 =	sne.s32 s24, $0x3F  }
.Ltmp4:
0xa5: {  	v15 =	vmov s24;
	v14 =	vmax.f32 v14, $0.0e+00;
	(pc) =	sbr.rel @p0 .LBB2_11-.Ltmp4, $4  }
0xa6: {  	s24 =	sadd.s32 $0x1, s24;
	s23 =	sadd.s32 $0x10, s23;
	v15 =	vand.u32 $0x3F, v15;
	v16 =	vmul.f32 v14, v10  }
0xa7: {  	v15 =	vbroadcast v15, $0x0;
	v10 =	vld [tilespmem:s23+$0x0]  }
0xa8: {  	v9 =	vadd.f32 v16, v9;
	v14 =	vmov v11;
	v11 =	vld.idx.msk [tilespmem:v13+s17+$0x0], $0xffff  }
0xa9: {  	v14 =	vadd.f32 v12, v14;
	v12 =	vld.idx.msk [tilespmem:v13+s18+$0x0], $0xffff;
	v13 =	vor.u32 v4, v15  }
0xaa: {  	_ =	sdelay $0x3  }
0xab: {  	v15 =	vld.idx.msk [tilespmem:v13+s17+$0x0], $0xffff  }
0xac: {  	s23 =	sadd.s32 $0x10, s23;
	v13 =	vld.idx.msk [tilespmem:v13+s18+$0x0], $0xffff  }
0xad: {  	v16 =	vld [tilespmem:s23+$0x0]  }
0xae: {  	s23 =	sadd.s32 $0x10, s23  }
0xaf: {  	v14 =	vmax.f32 v14, $0.0e+00;
	v11 =	vadd.f32 v12, v11;
	v12 =	vld [tilespmem:s23+$0x0]  }
0xb0: {  	v10 =	vmul.f32 v14, v10  }
0xb1: {  	s23 =	simm.s32 $0x0;
	v13 =	vadd.f32 v13, v15;
	v11 =	vmax.f32 v11, $0.0e+00  }
0xb2: {  	v9 =	vadd.f32 v10, v9;
	v10 =	vmul.f32 v11, v16;
	v11 =	vmov s23  }
0xb3: {  	v13 =	vmax.f32 v13, $0.0e+00;
	v11 =	vand.u32 $0x3F, v11  }
0xb4: {  	v9 =	vadd.f32 v10, v9;
	v10 =	vmul.f32 v13, v12;
	v11 =	vbroadcast v11, $0x0;
	_ =	sdelay $0x1  }
0xb5: {  	s24 =	simm.s32 $0x1;
	v9 =	vadd.f32 v10, v9;
	v10 =	vor.u32 v5, v11  }
0xb6: {  	v11 =	vmov s24  }
0xb7: {  	v11 =	vand.u32 $0x3F, v11;
	v9 =	vadd.f32 v9, v8  }
0xb8: {  	v11 =	vbroadcast v11, $0x0  }
0xb9: {  	[tilespmem:$0x4550] =	vst v9  }
0xba: {  	v12 =	vor.u32 v5, v11;
	v14 =	vld.idx.msk [tilespmem:v10+s17+$0x0], $0xffff  }
0xbb: {  	s31 =	simm.s32 $0x2;
	v15 =	vld.idx.msk [tilespmem:v10+s18+$0x0], $0xffff  }
0xbc: {  	v9 =	vmov s31  }
0xbd: {  	v9 =	vand.u32 $0x3F, v9  }
0xbe: {  	v10 =	vld [tilespmem:s23+$0x0];
	v13 =	vbroadcast v9, $0x0  }
0xbf: {  	v11 =	vld.idx.msk [tilespmem:v12+s17+$0x0], $0xffff  }
0xc0: {  	s24 =	simm.s32 $0x3;
	v9 =	vimm.f32 $0.0e+00;
	v13 =	vor.u32 v5, v13;
	v12 =	vld.idx.msk [tilespmem:v12+s18+$0x0], $0xffff;
	v14 =	vadd.f32 v15, v14  }
.LBB2_13:
0xc1: {  	p0 =	sne.s32 s24, $0x3F  }
.Ltmp5:
0xc2: {  	v15 =	vmov s24;
	v14 =	vmax.f32 v14, $0.0e+00;
	(pc) =	sbr.rel @p0 .LBB2_13-.Ltmp5, $4  }
0xc3: {  	s24 =	sadd.s32 $0x1, s24;
	s23 =	sadd.s32 $0x10, s23;
	v15 =	vand.u32 $0x3F, v15;
	v16 =	vmul.f32 v14, v10  }
0xc4: {  	v15 =	vbroadcast v15, $0x0;
	v10 =	vld [tilespmem:s23+$0x0]  }
0xc5: {  	v9 =	vadd.f32 v16, v9;
	v14 =	vmov v11;
	v11 =	vld.idx.msk [tilespmem:v13+s17+$0x0], $0xffff  }
0xc6: {  	v14 =	vadd.f32 v12, v14;
	v12 =	vld.idx.msk [tilespmem:v13+s18+$0x0], $0xffff;
	v13 =	vor.u32 v5, v15  }
0xc7: {  	_ =	sdelay $0x3  }
0xc8: {  	v15 =	vld.idx.msk [tilespmem:v13+s17+$0x0], $0xffff  }
0xc9: {  	s23 =	sadd.s32 $0x10, s23;
	v13 =	vld.idx.msk [tilespmem:v13+s18+$0x0], $0xffff  }
0xca: {  	v16 =	vld [tilespmem:s23+$0x0]  }
0xcb: {  	s23 =	sadd.s32 $0x10, s23  }
0xcc: {  	v14 =	vmax.f32 v14, $0.0e+00;
	v11 =	vadd.f32 v12, v11;
	v12 =	vld [tilespmem:s23+$0x0]  }
0xcd: {  	v10 =	vmul.f32 v14, v10  }
0xce: {  	s23 =	simm.s32 $0x0;
	v13 =	vadd.f32 v13, v15;
	v11 =	vmax.f32 v11, $0.0e+00  }
0xcf: {  	v9 =	vadd.f32 v10, v9;
	v10 =	vmul.f32 v11, v16;
	v11 =	vmov s23  }
0xd0: {  	v13 =	vmax.f32 v13, $0.0e+00;
	v11 =	vand.u32 $0x3F, v11  }
0xd1: {  	v9 =	vadd.f32 v10, v9;
	v10 =	vmul.f32 v13, v12;
	v11 =	vbroadcast v11, $0x0;
	_ =	sdelay $0x1  }
0xd2: {  	s24 =	simm.s32 $0x1;
	v9 =	vadd.f32 v10, v9;
	v10 =	vor.u32 v6, v11  }
0xd3: {  	v11 =	vmov s24  }
0xd4: {  	v11 =	vand.u32 $0x3F, v11;
	v9 =	vadd.f32 v9, v8  }
0xd5: {  	v11 =	vbroadcast v11, $0x0  }
0xd6: {  	[tilespmem:$0x4560] =	vst v9  }
0xd7: {  	v12 =	vor.u32 v6, v11;
	v14 =	vld.idx.msk [tilespmem:v10+s17+$0x0], $0xffff  }
0xd8: {  	s31 =	simm.s32 $0x2;
	v15 =	vld.idx.msk [tilespmem:v10+s18+$0x0], $0xffff  }
0xd9: {  	v9 =	vmov s31  }
0xda: {  	v9 =	vand.u32 $0x3F, v9  }
0xdb: {  	v10 =	vld [tilespmem:s23+$0x0];
	v13 =	vbroadcast v9, $0x0  }
0xdc: {  	v11 =	vld.idx.msk [tilespmem:v12+s17+$0x0], $0xffff  }
0xdd: {  	s24 =	simm.s32 $0x3;
	v9 =	vimm.f32 $0.0e+00;
	v13 =	vor.u32 v6, v13;
	v12 =	vld.idx.msk [tilespmem:v12+s18+$0x0], $0xffff;
	v14 =	vadd.f32 v15, v14  }
.LBB2_15:
0xde: {  	p0 =	sne.s32 s24, $0x3F  }
.Ltmp6:
0xdf: {  	v15 =	vmov s24;
	v14 =	vmax.f32 v14, $0.0e+00;
	(pc) =	sbr.rel @p0 .LBB2_15-.Ltmp6, $4  }
0xe0: {  	s24 =	sadd.s32 $0x1, s24;
	s23 =	sadd.s32 $0x10, s23;
	v15 =	vand.u32 $0x3F, v15;
	v16 =	vmul.f32 v14, v10  }
0xe1: {  	v15 =	vbroadcast v15, $0x0;
	v10 =	vld [tilespmem:s23+$0x0]  }
0xe2: {  	v9 =	vadd.f32 v16, v9;
	v14 =	vmov v11;
	v11 =	vld.idx.msk [tilespmem:v13+s17+$0x0], $0xffff  }
0xe3: {  	v14 =	vadd.f32 v12, v14;
	v12 =	vld.idx.msk [tilespmem:v13+s18+$0x0], $0xffff;
	v13 =	vor.u32 v6, v15  }
0xe4: {  	_ =	sdelay $0x3  }
0xe5: {  	v15 =	vld.idx.msk [tilespmem:v13+s17+$0x0], $0xffff  }
0xe6: {  	s23 =	sadd.s32 $0x10, s23;
	v13 =	vld.idx.msk [tilespmem:v13+s18+$0x0], $0xffff  }
0xe7: {  	v16 =	vld [tilespmem:s23+$0x0]  }
0xe8: {  	s23 =	sadd.s32 $0x10, s23  }
0xe9: {  	v14 =	vmax.f32 v14, $0.0e+00;
	v11 =	vadd.f32 v12, v11;
	v12 =	vld [tilespmem:s23+$0x0]  }
0xea: {  	v10 =	vmul.f32 v14, v10  }
0xeb: {  	s23 =	simm.s32 $0x0;
	v13 =	vadd.f32 v13, v15;
	v11 =	vmax.f32 v11, $0.0e+00  }
0xec: {  	v9 =	vadd.f32 v10, v9;
	v10 =	vmul.f32 v11, v16;
	v11 =	vmov s23  }
0xed: {  	v13 =	vmax.f32 v13, $0.0e+00;
	v11 =	vand.u32 $0x3F, v11  }
0xee: {  	v9 =	vadd.f32 v10, v9;
	v10 =	vmul.f32 v13, v12;
	v11 =	vbroadcast v11, $0x0;
	_ =	sdelay $0x1  }
0xef: {  	s24 =	simm.s32 $0x1;
	v9 =	vadd.f32 v10, v9;
	v10 =	vor.u32 v7, v11  }
0xf0: {  	v11 =	vmov s24  }
0xf1: {  	v11 =	vand.u32 $0x3F, v11;
	v9 =	vadd.f32 v9, v8  }
0xf2: {  	v11 =	vbroadcast v11, $0x0  }
0xf3: {  	[tilespmem:$0x4570] =	vst v9  }
0xf4: {  	v12 =	vor.u32 v7, v11;
	v14 =	vld.idx.msk [tilespmem:v10+s17+$0x0], $0xffff  }
0xf5: {  	s31 =	simm.s32 $0x2;
	v15 =	vld.idx.msk [tilespmem:v10+s18+$0x0], $0xffff  }
0xf6: {  	v9 =	vmov s31  }
0xf7: {  	v9 =	vand.u32 $0x3F, v9  }
0xf8: {  	v10 =	vld [tilespmem:s23+$0x0];
	v13 =	vbroadcast v9, $0x0  }
0xf9: {  	v11 =	vld.idx.msk [tilespmem:v12+s17+$0x0], $0xffff  }
0xfa: {  	s24 =	simm.s32 $0x3;
	v9 =	vimm.f32 $0.0e+00;
	v13 =	vor.u32 v7, v13;
	v12 =	vld.idx.msk [tilespmem:v12+s18+$0x0], $0xffff;
	v14 =	vadd.f32 v15, v14  }
.LBB2_17:
0xfb: {  	p0 =	sne.s32 s24, $0x3F  }
.Ltmp7:
0xfc: {  	v15 =	vmov s24;
	v14 =	vmax.f32 v14, $0.0e+00;
	(pc) =	sbr.rel @p0 .LBB2_17-.Ltmp7, $4  }
0xfd: {  	s24 =	sadd.s32 $0x1, s24;
	s23 =	sadd.s32 $0x10, s23;
	v15 =	vand.u32 $0x3F, v15;
	v16 =	vmul.f32 v14, v10  }
0xfe: {  	v15 =	vbroadcast v15, $0x0;
	v10 =	vld [tilespmem:s23+$0x0]  }
0xff: {  	v9 =	vadd.f32 v16, v9;
	v14 =	vmov v11;
	v11 =	vld.idx.msk [tilespmem:v13+s17+$0x0], $0xffff  }
0x100: {  	v14 =	vadd.f32 v12, v14;
	v12 =	vld.idx.msk [tilespmem:v13+s18+$0x0], $0xffff;
	v13 =	vor.u32 v7, v15  }
0x101: {  	_ =	sdelay $0x3  }
0x102: {  	v15 =	vld.idx.msk [tilespmem:v13+s17+$0x0], $0xffff  }
0x103: {  	s23 =	sadd.s32 $0x10, s23;
	v62 =	vld.idx.msk [tilespmem:v13+s18+$0x0], $0xffff  }
0x104: {  	v16 =	vld [tilespmem:s23+$0x0]  }
0x105: {  	s23 =	sadd.s32 $0x10, s23  }
0x106: {  	v14 =	vmax.f32 v14, $0.0e+00;
	v63 =	vld [tilespmem:s23+$0x0];
	v11 =	vadd.f32 v12, v11  }
0x107: {  	v10 =	vmul.f32 v14, v10  }
0x108: {  	v13 =	vadd.f32 v62, v15;
	v11 =	vmax.f32 v11, $0.0e+00  }
0x109: {  	v9 =	vadd.f32 v10, v9;
	v10 =	vmul.f32 v11, v16  }
0x10a: {  	v11 =	vmax.f32 v13, $0.0e+00  }
0x10b: {  	v9 =	vadd.f32 v10, v9;
	v10 =	vmul.f32 v11, v63;
	_ =	sdelay $0x1  }
0x10c: {  	v9 =	vadd.f32 v10, v9;
	_ =	sdelay $0x1  }
0x10d: {  	s21 =	sadd.s32 $0x1, s21;
	v9 =	vadd.f32 v9, v8  }
0x10e: {  	p0 =	sne.s32 s21, $0xC4  }
.Ltmp8:
0x10f: {  	s22 =	sadd.s32 s9, s22;
	[tilespmem:$0x4580] =	vst v9;
	(pc) =	sbr.rel @p0 .LBB2_2-.Ltmp8, $4  }
0x110: {  	[hbm4b:s22+s2] =	stream.linear.scatter [tilespmem:s19], [sflag:$0x1], $0x80, $0x38;
	[tilespmem:$0x4590] =	vst v63  }
0x111: {  	_ =	swait.ge [sflag:s12], $0x80  }
0x112: {  	[sflag:s12] =	ssyncset.done $0x0  }
0x113: {  	[sflag:s12] =	ssyncadd.s32 $0xFFFFFF80  }
0x114: {  	s20 =	sadd.s32 $0x1, s20  }
0x115: {  	p0 =	sne.s32 s20, s11  }
.Ltmp9:
0x116: {  	_ = 	snop;
	(pc) =	sbr.rel @p0 .LBB2_1-.Ltmp9, $1  }
0x117: {  	_ =	sdelay $0x3  }
0x118: {  	_ =	sfence.sel $0x180000  }
0x119: {  	[bflag:$0x0] =	sbarrier.arrive $0xFFFF  }
0x11a: {  	p0 =	sne.s32 s3, $0x0;
	_ =	strace $0x90000050  }
0x11b: {  	s0 =	sadd.s32 @!p0 $0x100000, s0;
	[bflag:$0x2] =	sbarrier.arrive $0xFFFF  }
0x11c: {  	[sflag:s0] =	ssyncadd.tile.s32 @!p0 $0x1;
	_ =	shalt  }
.Lfunc_end2:
_tile_overlayer_lowered:
.L_overlay_start_2:
0x11d: {  	(tag) =	ssettag $0x2  }
0x11e: {  	s0 =	rddreg [dreg:$0x0];
	s2 =	stileid.u32  }
0x11f: {  	s1 =	rddreg [dreg:$0x1];
	p0 =	sne.s32 s2, $0x0  }
0x120: {  	s3 =	rddreg [dreg:$0x2];
	[bflag:$0x3] =	sbarrier.arrive $0xFFFF;
	s2 =	simm.s32 @!p0 $0x1C01  }
0x121: {  	[timem:s3], [sflag:s2] =	dma.local @!p0 [hbm:s0], s1  }
0x122: {  	s0 =	simm.s32 @!p0 $0x1  }
0x123: {  	_ =	swait.ge @!p0 [sflag:s0], s1  }
0x124: {  	s1 =	ssub.s32 @!p0 $0x0, s1;
	[sflag:s0] =	ssyncset.done @!p0 $0x0  }
0x125: {  	[sflag:s0] =	ssyncadd.s32 @!p0 s1  }
0x126: {  	[bflag:$0x3] =	sbarrier.arrive $0xFFFF  }
0x127: {  	_ =	shalt  }

</sc_bundles>
